<compile_context>
chip_gen: v7x
topology: tpu7x:2x2x1
jax: 0.10.2.dev20260603
libtpu: 0.0.44.dev20260713+nightly
codegen_flags: <defaults>
</compile_context>

<pallas_src>
import functools

import jax
import jax.numpy as jnp
from jax import lax
from jax.experimental import pallas as pl
from jax.experimental.pallas import tpu as pltpu
from jax.experimental.pallas import tpu_sc as plsc

_N = 10000
_D = 128
_E = 320000
_K = 15
_H = 16

_RPAD = 10240
_CHUNK = 128
_NCH = 157
_EPG = 16 * _NCH * _CHUNK
_ROWS_PER_TILE = _RPAD // 16

_LIN_BLK = 800


def _linear_body(x_ref, w_ref, b_ref, o_ref):
    o_ref[...] = jnp.dot(x_ref[...], w_ref[...],
                         preferred_element_type=jnp.float32) + b_ref[...]


_linear = pl.pallas_call(
    _linear_body,
    grid=(2 * _N // _LIN_BLK,),
    in_specs=[
        pl.BlockSpec((_LIN_BLK, _D), lambda i: (i, 0)),
        pl.BlockSpec((_D, _D), lambda i: (0, 0)),
        pl.BlockSpec((1, _D), lambda i: (0, 0)),
    ],
    out_specs=pl.BlockSpec((_LIN_BLK, _D), lambda i: (i, 0)),
    out_shape=jax.ShapeDtypeStruct((2 * _N, _D), jnp.float32),
)


_HALF = _RPAD // 2
_GARB = 1024
_ZROWS = _HALF // 16


def _segsum_body(h_hbm, src_hbm, dst_hbm, out_hbm,
                 src_t, dst_t, buf_a, buf_b, idx_r, agg_sh, sem_a, sem_b):
    c = lax.axis_index("c")
    s = lax.axis_index("s")
    lo = c * _HALF

    zero16 = jnp.zeros((16,), jnp.float32)

    def _start(j, buf, sem):
        pltpu.async_copy(h_hbm.at[src_t.at[j]], buf, sem)

    def _wait(buf, sem):
        pltpu.make_async_copy(h_hbm.at[src_t.at[0]], buf, sem).wait()

    def _redirect(j):
        for v in range(8):
            dv = dst_t[j, pl.ds(v * 16, 16)]
            local = dv - lo
            ok = (local >= 0) & (local < _HALF)
            garb = _HALF + ((j * _CHUNK + v * 16 + lax.iota(jnp.int32, 16))
                            & (_GARB - 1))
            idx_r[pl.ds(v * 16, 16)] = jnp.where(ok, local, garb)

    def _scat(j, buf):
        _redirect(j)
        pltpu.sync_copy(buf, agg_sh.at[idx_r], add=True)

    for g in (0, 1):
        pltpu.sync_copy(src_hbm.at[g, s], src_t)
        pltpu.sync_copy(dst_hbm.at[g, s], dst_t)

        def _zb(t, carry):
            buf_a[t // (_D // 16), pl.ds((t % (_D // 16)) * 16, 16)] = zero16
            return carry

        lax.fori_loop(0, _CHUNK * (_D // 16), _zb, 0)

        zbase = s * _ZROWS
        for off in range(0, _ZROWS, _CHUNK):
            sz = min(_CHUNK, _ZROWS - off)
            pltpu.sync_copy(buf_a.at[pl.ds(0, sz)],
                            agg_sh.at[pl.ds(zbase + off, sz)])
        plsc.subcore_barrier()

        _start(0, buf_a, sem_a)

        def _body(m, carry):
            _wait(buf_a, sem_a)
            _start(2 * m + 1, buf_b, sem_b)
            _scat(2 * m, buf_a)
            _wait(buf_b, sem_b)
            _start(2 * m + 2, buf_a, sem_a)
            _scat(2 * m + 1, buf_b)
            return carry

        lax.fori_loop(0, (_NCH - 1) // 2, _body, 0)
        _wait(buf_a, sem_a)
        _scat(_NCH - 1, buf_a)

        plsc.subcore_barrier()
        pltpu.sync_copy(agg_sh.at[pl.ds(zbase, _ZROWS)],
                        out_hbm.at[g, pl.ds(lo + zbase, _ZROWS)])
        plsc.subcore_barrier()


_segsum = functools.partial(
    pl.kernel,
    out_type=jax.ShapeDtypeStruct((2, _RPAD, _D), jnp.float32),
    mesh=plsc.VectorSubcoreMesh(core_axis_name="c", subcore_axis_name="s"),
    scratch_types=[
        pltpu.VMEM((_NCH, _CHUNK), jnp.int32),
        pltpu.VMEM((_NCH, _CHUNK), jnp.int32),
        pltpu.VMEM((_CHUNK, _D), jnp.float32),
        pltpu.VMEM((_CHUNK, _D), jnp.float32),
        pltpu.VMEM((_CHUNK,), jnp.int32),
        pltpu.VMEM_SHARED((_HALF + _GARB, _D), jnp.float32),
        pltpu.SemaphoreType.DMA,
        pltpu.SemaphoreType.DMA,
    ],
)(_segsum_body)


def _final_body(agg_ref, w1_ref, b1_ref, w2_ref, b2_ref, o_ref, sim_ref):
    i = pl.program_id(0)
    a = agg_ref[...]
    h1 = jnp.maximum(a[0], 0.0)
    h2 = jnp.maximum(a[1], 0.0)
    num = jnp.sum(h1 * h2, axis=1, keepdims=True)
    n1 = jnp.sqrt(jnp.sum(h1 * h1, axis=1, keepdims=True))
    n2 = jnp.sqrt(jnp.sum(h2 * h2, axis=1, keepdims=True))
    sim = num / (jnp.maximum(n1, 1e-8) * jnp.maximum(n2, 1e-8))
    grow = i * _CHUNK + lax.broadcasted_iota(jnp.int32, (_CHUNK, 1), 0)
    sim = jnp.where(grow < _N, sim, jnp.float32(jnp.inf))
    sim_ref[pl.ds(i * _CHUNK, _CHUNK), :] = sim

    @pl.when(i == _RPAD // _CHUNK - 1)
    def _tail():
        scur = sim_ref[...]
        ridx = lax.broadcasted_iota(jnp.int32, (_RPAD, 1), 0)
        ms = []
        for _ in range(_K):
            m = jnp.min(scur)
            p = jnp.min(jnp.where(scur == m, ridx, jnp.int32(2**30)))
            scur = jnp.where(ridx == p, jnp.float32(jnp.inf), scur)
            ms.append(m)
        acc = b2_ref[0, 0]
        for j in range(_H):
            t = b1_ref[0, j]
            for k in range(_K):
                t = t + ms[k] * w1_ref[k, j]
            acc = acc + jnp.maximum(t, 0.0) * w2_ref[j, 0]
        o_ref[...] = jnp.full((1, 1), acc, jnp.float32)


_final = pl.pallas_call(
    _final_body,
    grid=(_RPAD // _CHUNK,),
    in_specs=[
        pl.BlockSpec((2, _CHUNK, _D), lambda i: (0, i, 0)),
        pl.BlockSpec(memory_space=pltpu.SMEM),
        pl.BlockSpec(memory_space=pltpu.SMEM),
        pl.BlockSpec(memory_space=pltpu.SMEM),
        pl.BlockSpec(memory_space=pltpu.SMEM),
    ],
    out_specs=pl.BlockSpec((1, 1), lambda i: (0, 0)),
    out_shape=jax.ShapeDtypeStruct((1, 1), jnp.float32),
    scratch_shapes=[pltpu.VMEM((_RPAD, 1), jnp.float32)],
)


def kernel(x1, x2, edge_index1, edge_index2, W, b, w1, b1, w2, b2):
    x_all = jnp.concatenate([x1, x2], axis=0)
    h = _linear(x_all, W, b.reshape(1, _D))

    npad = _EPG - _E
    pad_i = jnp.arange(npad, dtype=jnp.int32)
    srcs, dsts = [], []
    for g, ei in ((0, edge_index1), (1, edge_index2)):
        src = jnp.concatenate([ei[0], pad_i % _N]) + g * _N
        dst = jnp.concatenate([ei[1], _N + pad_i % (_RPAD - _N)])
        srcs.append(src.reshape(16, _NCH, _CHUNK))
        dsts.append(dst.reshape(16, _NCH, _CHUNK))

    agg = _segsum(h, jnp.stack(srcs), jnp.stack(dsts))
    return _final(agg, w1, b1.reshape(1, _H), w2, b2.reshape(1, 1))

# --- scband reference (transcript-rebuilt; emitter-appended) ---
"""Pipeline reference for scband-graph-siamese-33500744909169 (READ-ONLY COPY).

The authoritative reference and input builder live on the scoring server;
editing this copy changes nothing except your own understanding.
"""

import jax, jax.numpy as jnp
import numpy as np

N = 10000
E = 320000
D = 128
K = 15
H = 16


def setup_inputs(seed: int = 0) -> dict:
    key = jax.random.key(seed)
    ks = jax.random.split(key, 8)
    x1 = jax.random.normal(ks[0], (N, D), dtype=jnp.float32)
    x2 = jax.random.normal(ks[1], (N, D), dtype=jnp.float32)
    edge_index1 = jax.random.randint(ks[2], (2, E), 0, N, dtype=jnp.int32)
    edge_index2 = jax.random.randint(ks[3], (2, E), 0, N, dtype=jnp.int32)
    W = jax.random.normal(ks[4], (D, D), dtype=jnp.float32) * 0.05
    b = jnp.zeros((D,), dtype=jnp.float32)
    w1 = jax.random.normal(ks[5], (K, H), dtype=jnp.float32) * 0.1
    b1 = jnp.zeros((H,), dtype=jnp.float32)
    w2 = jax.random.normal(ks[6], (H, 1), dtype=jnp.float32) * 0.1
    b2 = jnp.zeros((1,), dtype=jnp.float32)
    return {"x1": x1, "x2": x2, "edge_index1": edge_index1, "edge_index2": edge_index2,
            "W": W, "b": b, "w1": w1, "b1": b1, "w2": w2, "b2": b2}


def _embed(x, ei, W, b):
    # stand-in for the GNN embedding module: one mean-aggregation GCN layer
    h = x @ W + b
    src = ei[0]
    dst = ei[1]
    agg = jax.ops.segment_sum(h[src], dst, num_segments=x.shape[0])
    deg = jax.ops.segment_sum(jnp.ones((ei.shape[1],), dtype=h.dtype), dst,
                              num_segments=x.shape[0])
    h = agg / jnp.clip(deg, 1.0)[:, None]
    return jax.nn.relu(h)


def reference(x1, x2, edge_index1, edge_index2, W, b, w1, b1, w2, b2):
    h1 = _embed(x1, edge_index1, W, b)
    h2 = _embed(x2, edge_index2, W, b)
    # nn.CosineSimilarity(dim=1, eps=1e-8) per node
    eps = 1e-8
    num = jnp.sum(h1 * h2, axis=-1)
    n1 = jnp.maximum(jnp.linalg.norm(h1, axis=-1), eps)
    n2 = jnp.maximum(jnp.linalg.norm(h2, axis=-1), eps)
    sim = num / (n1 * n2)
    # dgl.topk_nodes with descending=False (cosine branch): k smallest similarities
    neg_top, _ = jax.lax.top_k(-sim, K)
    xk = -neg_top  # shape [K], sorted ascending
    xk = xk[None, :]  # unsqueeze to [1, K] as in forward
    # MLP(nlinear=2, in=K, hidden=H, out=1); dropout inactive in eval
    hmid = jax.nn.relu(xk @ w1 + b1)
    out = hmid @ w2 + b2
    return out

if __name__ == "__main__":
    import jax
    _d = setup_inputs()
    print(jax.jit(kernel)(*tuple(_d.values())))

</pallas_src>

<mosaic_0001>
#map = affine_map<(d0, d1) -> (0, 0)>
#map1 = affine_map<(d0, d1) -> (0, 0, 0, 0)>
#map2 = affine_map<(d0, d1) -> (0, 0, 0)>
module attributes {stable_mosaic.version = 14 : i64} {
  func.func @_segsum_body(%arg0: i32, %arg1: i32, %arg2: memref<20000x128xf32, #tpu.memory_space<hbm>>, %arg3: memref<2x16x157x128xi32, #tpu.memory_space<hbm>>, %arg4: memref<2x16x157x128xi32, #tpu.memory_space<hbm>>, %arg5: memref<2x10240x128xf32, #tpu.memory_space<hbm>>, %arg6: memref<157x128xi32, #tpu.memory_space<vmem>>, %arg7: memref<157x128xi32, #tpu.memory_space<vmem>>, %arg8: memref<128x128xf32, #tpu.memory_space<vmem>>, %arg9: memref<128x128xf32, #tpu.memory_space<vmem>>, %arg10: memref<128xi32, #tpu.memory_space<vmem>>, %arg11: memref<6144x128xf32, #tpu.memory_space<vmem_shared>>, %arg12: memref<!tpu.dma_semaphore, #tpu.memory_space<semaphore_mem>>, %arg13: memref<!tpu.dma_semaphore, #tpu.memory_space<semaphore_mem>>) attributes {dimension_semantics = [#tpu.dimension_semantics<core_parallel>, #tpu.dimension_semantics<subcore_parallel>], iteration_bounds = array<i64: 2, 16>, scalar_prefetch = 0 : i64, scratch_operands = 8 : i64, tpu.core_type = #tpu.core_type<sc_vector_subcore>, window_params = [{transform_indices = #map}, {transform_indices = #map1}, {transform_indices = #map1}, {transform_indices = #map2}]} {
    %mul3A = arith.constant 5120 : i32
    %mul3A_0 = arith.muli %arg0, %mul3A : i32
    %broadcast_in_dim3A = arith.constant 0.000000e+00 : f32
    %broadcast_in_dim3A_1 = vector.broadcast %broadcast_in_dim3A : f32 to vector<16xf32>
    %run_scoped3A = arith.constant 0 : i32
    "tpu.region"() ({
      %run_scoped3A_534 = tpu.sem_alloc : memref<!tpu.dma_semaphore, #tpu.memory_space<semaphore_mem>>
      %dma_start3A_535 = arith.constant 0 : i32
      %dma_start3A_536 = arith.constant 0 : i32
      %dma_start3A_537 = tpu.memref_slice %arg3[%run_scoped3A, %arg1, %dma_start3A_535, %dma_start3A_536] : memref<2x16x157x128xi32, #tpu.memory_space<hbm>> -> memref<1x1x157x128xi32, #tpu.memory_space<hbm>>
      %dma_start3A_538 = tpu.memref_squeeze %dma_start3A_537 : memref<1x1x157x128xi32, #tpu.memory_space<hbm>> -> memref<157x128xi32, #tpu.memory_space<hbm>>
      %dma_start3A_539 = arith.constant 0 : i32
      %dma_start3A_540 = arith.constant 0 : i32
      %dma_start3A_541 = tpu.memref_slice %arg3[%run_scoped3A, %arg1, %dma_start3A_539, %dma_start3A_540] : memref<2x16x157x128xi32, #tpu.memory_space<hbm>> -> memref<1x1x157x128xi32, #tpu.memory_space<hbm>>
      %dma_start3A_542 = tpu.memref_squeeze %dma_start3A_541 : memref<1x1x157x128xi32, #tpu.memory_space<hbm>> -> memref<157x128xi32, #tpu.memory_space<hbm>>
      tpu.enqueue_dma source(%dma_start3A_542 : memref<157x128xi32, #tpu.memory_space<hbm>>) target(%arg6 : memref<157x128xi32, #tpu.memory_space<vmem>>) target_semaphore(%run_scoped3A_534 : memref<!tpu.dma_semaphore, #tpu.memory_space<semaphore_mem>>)
      %dma_wait3A_543 = arith.constant 0 : i32
      %dma_wait3A_544 = arith.constant 0 : i32
      %dma_wait3A_545 = tpu.memref_slice %arg3[%run_scoped3A, %arg1, %dma_wait3A_543, %dma_wait3A_544] : memref<2x16x157x128xi32, #tpu.memory_space<hbm>> -> memref<1x1x157x128xi32, #tpu.memory_space<hbm>>
      %dma_wait3A_546 = tpu.memref_squeeze %dma_wait3A_545 : memref<1x1x157x128xi32, #tpu.memory_space<hbm>> -> memref<157x128xi32, #tpu.memory_space<hbm>>
      %dma_wait3A_547 = arith.constant 0 : i32
      %dma_wait3A_548 = arith.constant 0 : i32
      %dma_wait3A_549 = tpu.memref_slice %arg3[%run_scoped3A, %arg1, %dma_wait3A_547, %dma_wait3A_548] : memref<2x16x157x128xi32, #tpu.memory_space<hbm>> -> memref<1x1x157x128xi32, #tpu.memory_space<hbm>>
      %dma_wait3A_550 = tpu.memref_squeeze %dma_wait3A_549 : memref<1x1x157x128xi32, #tpu.memory_space<hbm>> -> memref<157x128xi32, #tpu.memory_space<hbm>>
      tpu.wait_dma2 semaphore(%run_scoped3A_534 : memref<!tpu.dma_semaphore, #tpu.memory_space<semaphore_mem>>) src(%dma_wait3A_550 : memref<157x128xi32, #tpu.memory_space<hbm>>) dst(%arg6 : memref<157x128xi32, #tpu.memory_space<vmem>>)
      tpu.yield
    }) : () -> ()
    %run_scoped3A_2 = arith.constant 0 : i32
    "tpu.region"() ({
      %run_scoped3A_534 = tpu.sem_alloc : memref<!tpu.dma_semaphore, #tpu.memory_space<semaphore_mem>>
      %dma_start3A_535 = arith.constant 0 : i32
      %dma_start3A_536 = arith.constant 0 : i32
      %dma_start3A_537 = tpu.memref_slice %arg4[%run_scoped3A_2, %arg1, %dma_start3A_535, %dma_start3A_536] : memref<2x16x157x128xi32, #tpu.memory_space<hbm>> -> memref<1x1x157x128xi32, #tpu.memory_space<hbm>>
      %dma_start3A_538 = tpu.memref_squeeze %dma_start3A_537 : memref<1x1x157x128xi32, #tpu.memory_space<hbm>> -> memref<157x128xi32, #tpu.memory_space<hbm>>
      %dma_start3A_539 = arith.constant 0 : i32
      %dma_start3A_540 = arith.constant 0 : i32
      %dma_start3A_541 = tpu.memref_slice %arg4[%run_scoped3A_2, %arg1, %dma_start3A_539, %dma_start3A_540] : memref<2x16x157x128xi32, #tpu.memory_space<hbm>> -> memref<1x1x157x128xi32, #tpu.memory_space<hbm>>
      %dma_start3A_542 = tpu.memref_squeeze %dma_start3A_541 : memref<1x1x157x128xi32, #tpu.memory_space<hbm>> -> memref<157x128xi32, #tpu.memory_space<hbm>>
      tpu.enqueue_dma source(%dma_start3A_542 : memref<157x128xi32, #tpu.memory_space<hbm>>) target(%arg7 : memref<157x128xi32, #tpu.memory_space<vmem>>) target_semaphore(%run_scoped3A_534 : memref<!tpu.dma_semaphore, #tpu.memory_space<semaphore_mem>>)
      %dma_wait3A_543 = arith.constant 0 : i32
      %dma_wait3A_544 = arith.constant 0 : i32
      %dma_wait3A_545 = tpu.memref_slice %arg4[%run_scoped3A_2, %arg1, %dma_wait3A_543, %dma_wait3A_544] : memref<2x16x157x128xi32, #tpu.memory_space<hbm>> -> memref<1x1x157x128xi32, #tpu.memory_space<hbm>>
      %dma_wait3A_546 = tpu.memref_squeeze %dma_wait3A_545 : memref<1x1x157x128xi32, #tpu.memory_space<hbm>> -> memref<157x128xi32, #tpu.memory_space<hbm>>
      %dma_wait3A_547 = arith.constant 0 : i32
      %dma_wait3A_548 = arith.constant 0 : i32
      %dma_wait3A_549 = tpu.memref_slice %arg4[%run_scoped3A_2, %arg1, %dma_wait3A_547, %dma_wait3A_548] : memref<2x16x157x128xi32, #tpu.memory_space<hbm>> -> memref<1x1x157x128xi32, #tpu.memory_space<hbm>>
      %dma_wait3A_550 = tpu.memref_squeeze %dma_wait3A_549 : memref<1x1x157x128xi32, #tpu.memory_space<hbm>> -> memref<157x128xi32, #tpu.memory_space<hbm>>
      tpu.wait_dma2 semaphore(%run_scoped3A_534 : memref<!tpu.dma_semaphore, #tpu.memory_space<semaphore_mem>>) src(%dma_wait3A_550 : memref<157x128xi32, #tpu.memory_space<hbm>>) dst(%arg7 : memref<157x128xi32, #tpu.memory_space<vmem>>)
      tpu.yield
    }) : () -> ()
    %scan3A = arith.constant 0 : i32
    %scan3A_3 = arith.constant 0 : i32
    %scan3A_4 = arith.constant 1024 : i32
    %scan3A_5 = arith.addi %scan3A_3, %scan3A_4 : i32
    %scan3A_6 = arith.constant 1 : i32
    scf.for %scan3A_534 = %scan3A_3 to %scan3A_5 step %scan3A_6  : i32 {
      %jit3A = arith.constant 8 : i32
      %div3A = arith.divsi %scan3A_534, %jit3A : i32
      %sign3A = arith.constant 0 : i32
      %sign3A_535 = arith.cmpi sgt, %scan3A_534, %sign3A : i32
      %sign3A_536 = arith.extui %sign3A_535 : i1 to i32
      %sign3A_537 = arith.constant 0 : i32
      %sign3A_538 = arith.cmpi slt, %scan3A_534, %sign3A_537 : i32
      %sign3A_539 = arith.extui %sign3A_538 : i1 to i32
      %sign3A_540 = arith.subi %sign3A_536, %sign3A_539 : i32
      %sign3A_541 = arith.constant 0 : i32
      %sign3A_542 = arith.cmpi sgt, %jit3A, %sign3A_541 : i32
      %sign3A_543 = arith.extui %sign3A_542 : i1 to i32
      %sign3A_544 = arith.constant 0 : i32
      %sign3A_545 = arith.cmpi slt, %jit3A, %sign3A_544 : i32
      %sign3A_546 = arith.extui %sign3A_545 : i1 to i32
      %sign3A_547 = arith.subi %sign3A_543, %sign3A_546 : i32
      %ne3A = arith.cmpi ne, %sign3A_540, %sign3A_547 : i32
      %rem3A = arith.remsi %scan3A_534, %jit3A : i32
      %ne3A_548 = arith.constant 0 : i32
      %ne3A_549 = arith.cmpi ne, %rem3A, %ne3A_548 : i32
      %and3A_550 = arith.andi %ne3A, %ne3A_549 : i1
      %sub3A_551 = arith.constant 1 : i32
      %sub3A_552 = arith.subi %div3A, %sub3A_551 : i32
      %select_n3A_553 = arith.select %and3A_550, %sub3A_552, %div3A : i32
      %jit3A_554 = arith.constant 8 : i32
      %eq3A = arith.constant 0 : i32
      %eq3A_555 = arith.cmpi eq, %jit3A_554, %eq3A : i32
      %jit3A_556 = arith.constant 1 : i32
      %select_n3A_557 = arith.select %eq3A_555, %jit3A_556, %jit3A_554 : i32
      %rem3A_558 = arith.remsi %scan3A_534, %select_n3A_557 : i32
      %ne3A_559 = arith.constant 0 : i32
      %ne3A_560 = arith.cmpi ne, %rem3A_558, %ne3A_559 : i32
      %lt3A_561 = arith.constant 0 : i32
      %lt3A_562 = arith.cmpi slt, %rem3A_558, %lt3A_561 : i32
      %lt3A_563 = arith.constant 0 : i32
      %lt3A_564 = arith.cmpi slt, %select_n3A_557, %lt3A_563 : i32
      %ne3A_565 = arith.xori %lt3A_562, %lt3A_564 : i1
      %and3A_566 = arith.andi %ne3A_565, %ne3A_560 : i1
      %add3A_567 = arith.addi %rem3A_558, %select_n3A_557 : i32
      %select_n3A_568 = arith.select %and3A_566, %add3A_567, %rem3A_558 : i32
      %mul3A_569 = arith.constant 16 : i32
      %mul3A_570 = arith.muli %select_n3A_568, %mul3A_569 : i32
      %swap3A_571 = arith.index_cast %select_n3A_553 : i32 to index
      %swap3A_572 = arith.index_cast %mul3A_570 : i32 to index
      %swap3A_573 = tpu.vector_load %arg8[%swap3A_571, %swap3A_572] {strides = array<i32>} : memref<128x128xf32, #tpu.memory_space<vmem>>, vector<1x16xf32>,
      %swap3A_574 = vector.shape_cast %swap3A_573 : vector<1x16xf32> to vector<16xf32>
      %swap3A_575 = vector.shape_cast %broadcast_in_dim3A_1 : vector<16xf32> to vector<1x16xf32>
      tpu.vector_store %arg8[%swap3A_571, %swap3A_572], %swap3A_575 {strides = array<i32>} : memref<128x128xf32, #tpu.memory_space<vmem>>, vector<1x16xf32>,
    }
    %scan3A_7 = arith.constant 1024 : i32
    %mul3A_8 = arith.constant 320 : i32
    %mul3A_9 = arith.muli %arg1, %mul3A_8 : i32
    %add3A = arith.constant 0 : i32
    %add3A_10 = arith.addi %mul3A_9, %add3A : i32
    "tpu.region"() ({
      %run_scoped3A_534 = tpu.sem_alloc : memref<!tpu.dma_semaphore, #tpu.memory_space<semaphore_mem>>
      %dma_start3A_535 = arith.constant 0 : i32
      %dma_start3A_536 = arith.constant 0 : i32
      %dma_start3A_537 = tpu.memref_slice %arg8[%dma_start3A_535, %dma_start3A_536] : memref<128x128xf32, #tpu.memory_space<vmem>> -> memref<128x128xf32, #tpu.memory_space<vmem>>
      %dma_start3A_538 = arith.constant 0 : i32
      %dma_start3A_539 = tpu.memref_slice %arg11[%add3A_10, %dma_start3A_538] : memref<6144x128xf32, #tpu.memory_space<vmem_shared>> -> memref<128x128xf32, #tpu.memory_space<vmem_shared>>
      %dma_start3A_540 = arith.constant 0 : i32
      %dma_start3A_541 = tpu.memref_slice %arg11[%add3A_10, %dma_start3A_540] : memref<6144x128xf32, #tpu.memory_space<vmem_shared>> -> memref<128x128xf32, #tpu.memory_space<vmem_shared>>
      %dma_start3A_542 = arith.constant 0 : i32
      %dma_start3A_543 = arith.constant 0 : i32
      %dma_start3A_544 = tpu.memref_slice %arg8[%dma_start3A_542, %dma_start3A_543] : memref<128x128xf32, #tpu.memory_space<vmem>> -> memref<128x128xf32, #tpu.memory_space<vmem>>
      tpu.enqueue_dma source(%dma_start3A_544 : memref<128x128xf32, #tpu.memory_space<vmem>>) target(%dma_start3A_541 : memref<128x128xf32, #tpu.memory_space<vmem_shared>>) target_semaphore(%run_scoped3A_534 : memref<!tpu.dma_semaphore, #tpu.memory_space<semaphore_mem>>)
      %dma_wait3A_545 = arith.constant 0 : i32
      %dma_wait3A_546 = arith.constant 0 : i32
      %dma_wait3A_547 = tpu.memref_slice %arg8[%dma_wait3A_545, %dma_wait3A_546] : memref<128x128xf32, #tpu.memory_space<vmem>> -> memref<128x128xf32, #tpu.memory_space<vmem>>
      %dma_wait3A_548 = arith.constant 0 : i32
      %dma_wait3A_549 = tpu.memref_slice %arg11[%add3A_10, %dma_wait3A_548] : memref<6144x128xf32, #tpu.memory_space<vmem_shared>> -> memref<128x128xf32, #tpu.memory_space<vmem_shared>>
      %dma_wait3A_550 = arith.constant 0 : i32
      %dma_wait3A_551 = tpu.memref_slice %arg11[%add3A_10, %dma_wait3A_550] : memref<6144x128xf32, #tpu.memory_space<vmem_shared>> -> memref<128x128xf32, #tpu.memory_space<vmem_shared>>
      %dma_wait3A_552 = arith.constant 0 : i32
      %dma_wait3A_553 = arith.constant 0 : i32
      %dma_wait3A_554 = tpu.memref_slice %arg8[%dma_wait3A_552, %dma_wait3A_553] : memref<128x128xf32, #tpu.memory_space<vmem>> -> memref<128x128xf32, #tpu.memory_space<vmem>>
      tpu.wait_dma2 semaphore(%run_scoped3A_534 : memref<!tpu.dma_semaphore, #tpu.memory_space<semaphore_mem>>) src(%dma_wait3A_554 : memref<128x128xf32, #tpu.memory_space<vmem>>) dst(%dma_wait3A_551 : memref<128x128xf32, #tpu.memory_space<vmem_shared>>)
      tpu.yield
    }) : () -> ()
    %add3A_11 = arith.constant 128 : i32
    %add3A_12 = arith.addi %mul3A_9, %add3A_11 : i32
    "tpu.region"() ({
      %run_scoped3A_534 = tpu.sem_alloc : memref<!tpu.dma_semaphore, #tpu.memory_space<semaphore_mem>>
      %dma_start3A_535 = arith.constant 0 : i32
      %dma_start3A_536 = arith.constant 0 : i32
      %dma_start3A_537 = tpu.memref_slice %arg8[%dma_start3A_535, %dma_start3A_536] : memref<128x128xf32, #tpu.memory_space<vmem>> -> memref<128x128xf32, #tpu.memory_space<vmem>>
      %dma_start3A_538 = arith.constant 0 : i32
      %dma_start3A_539 = tpu.memref_slice %arg11[%add3A_12, %dma_start3A_538] : memref<6144x128xf32, #tpu.memory_space<vmem_shared>> -> memref<128x128xf32, #tpu.memory_space<vmem_shared>>
      %dma_start3A_540 = arith.constant 0 : i32
      %dma_start3A_541 = tpu.memref_slice %arg11[%add3A_12, %dma_start3A_540] : memref<6144x128xf32, #tpu.memory_space<vmem_shared>> -> memref<128x128xf32, #tpu.memory_space<vmem_shared>>
      %dma_start3A_542 = arith.constant 0 : i32
      %dma_start3A_543 = arith.constant 0 : i32
      %dma_start3A_544 = tpu.memref_slice %arg8[%dma_start3A_542, %dma_start3A_543] : memref<128x128xf32, #tpu.memory_space<vmem>> -> memref<128x128xf32, #tpu.memory_space<vmem>>
      tpu.enqueue_dma source(%dma_start3A_544 : memref<128x128xf32, #tpu.memory_space<vmem>>) target(%dma_start3A_541 : memref<128x128xf32, #tpu.memory_space<vmem_shared>>) target_semaphore(%run_scoped3A_534 : memref<!tpu.dma_semaphore, #tpu.memory_space<semaphore_mem>>)
      %dma_wait3A_545 = arith.constant 0 : i32
      %dma_wait3A_546 = arith.constant 0 : i32
      %dma_wait3A_547 = tpu.memref_slice %arg8[%dma_wait3A_545, %dma_wait3A_546] : memref<128x128xf32, #tpu.memory_space<vmem>> -> memref<128x128xf32, #tpu.memory_space<vmem>>
      %dma_wait3A_548 = arith.constant 0 : i32
      %dma_wait3A_549 = tpu.memref_slice %arg11[%add3A_12, %dma_wait3A_548] : memref<6144x128xf32, #tpu.memory_space<vmem_shared>> -> memref<128x128xf32, #tpu.memory_space<vmem_shared>>
      %dma_wait3A_550 = arith.constant 0 : i32
      %dma_wait3A_551 = tpu.memref_slice %arg11[%add3A_12, %dma_wait3A_550] : memref<6144x128xf32, #tpu.memory_space<vmem_shared>> -> memref<128x128xf32, #tpu.memory_space<vmem_shared>>
      %dma_wait3A_552 = arith.constant 0 : i32
      %dma_wait3A_553 = arith.constant 0 : i32
      %dma_wait3A_554 = tpu.memref_slice %arg8[%dma_wait3A_552, %dma_wait3A_553] : memref<128x128xf32, #tpu.memory_space<vmem>> -> memref<128x128xf32, #tpu.memory_space<vmem>>
      tpu.wait_dma2 semaphore(%run_scoped3A_534 : memref<!tpu.dma_semaphore, #tpu.memory_space<semaphore_mem>>) src(%dma_wait3A_554 : memref<128x128xf32, #tpu.memory_space<vmem>>) dst(%dma_wait3A_551 : memref<128x128xf32, #tpu.memory_space<vmem_shared>>)
      tpu.yield
    }) : () -> ()
    %add3A_13 = arith.constant 256 : i32
    %add3A_14 = arith.addi %mul3A_9, %add3A_13 : i32
    "tpu.region"() ({
      %run_scoped3A_534 = tpu.sem_alloc : memref<!tpu.dma_semaphore, #tpu.memory_space<semaphore_mem>>
      %dma_start3A_535 = arith.constant 0 : i32
      %dma_start3A_536 = arith.constant 0 : i32
      %dma_start3A_537 = tpu.memref_slice %arg8[%dma_start3A_535, %dma_start3A_536] : memref<128x128xf32, #tpu.memory_space<vmem>> -> memref<64x128xf32, #tpu.memory_space<vmem>>
      %dma_start3A_538 = arith.constant 0 : i32
      %dma_start3A_539 = tpu.memref_slice %arg11[%add3A_14, %dma_start3A_538] : memref<6144x128xf32, #tpu.memory_space<vmem_shared>> -> memref<64x128xf32, #tpu.memory_space<vmem_shared>>
      %dma_start3A_540 = arith.constant 0 : i32
      %dma_start3A_541 = tpu.memref_slice %arg11[%add3A_14, %dma_start3A_540] : memref<6144x128xf32, #tpu.memory_space<vmem_shared>> -> memref<64x128xf32, #tpu.memory_space<vmem_shared>>
      %dma_start3A_542 = arith.constant 0 : i32
      %dma_start3A_543 = arith.constant 0 : i32
      %dma_start3A_544 = tpu.memref_slice %arg8[%dma_start3A_542, %dma_start3A_543] : memref<128x128xf32, #tpu.memory_space<vmem>> -> memref<64x128xf32, #tpu.memory_space<vmem>>
      tpu.enqueue_dma source(%dma_start3A_544 : memref<64x128xf32, #tpu.memory_space<vmem>>) target(%dma_start3A_541 : memref<64x128xf32, #tpu.memory_space<vmem_shared>>) target_semaphore(%run_scoped3A_534 : memref<!tpu.dma_semaphore, #tpu.memory_space<semaphore_mem>>)
      %dma_wait3A_545 = arith.constant 0 : i32
      %dma_wait3A_546 = arith.constant 0 : i32
      %dma_wait3A_547 = tpu.memref_slice %arg8[%dma_wait3A_545, %dma_wait3A_546] : memref<128x128xf32, #tpu.memory_space<vmem>> -> memref<64x128xf32, #tpu.memory_space<vmem>>
      %dma_wait3A_548 = arith.constant 0 : i32
      %dma_wait3A_549 = tpu.memref_slice %arg11[%add3A_14, %dma_wait3A_548] : memref<6144x128xf32, #tpu.memory_space<vmem_shared>> -> memref<64x128xf32, #tpu.memory_space<vmem_shared>>
      %dma_wait3A_550 = arith.constant 0 : i32
      %dma_wait3A_551 = tpu.memref_slice %arg11[%add3A_14, %dma_wait3A_550] : memref<6144x128xf32, #tpu.memory_space<vmem_shared>> -> memref<64x128xf32, #tpu.memory_space<vmem_shared>>
      %dma_wait3A_552 = arith.constant 0 : i32
      %dma_wait3A_553 = arith.constant 0 : i32
      %dma_wait3A_554 = tpu.memref_slice %arg8[%dma_wait3A_552, %dma_wait3A_553] : memref<128x128xf32, #tpu.memory_space<vmem>> -> memref<64x128xf32, #tpu.memory_space<vmem>>
      tpu.wait_dma2 semaphore(%run_scoped3A_534 : memref<!tpu.dma_semaphore, #tpu.memory_space<semaphore_mem>>) src(%dma_wait3A_554 : memref<64x128xf32, #tpu.memory_space<vmem>>) dst(%dma_wait3A_551 : memref<64x128xf32, #tpu.memory_space<vmem_shared>>)
      tpu.yield
    }) : () -> ()
    %barrier3A = arith.constant 0 : index
    tpu.barrier barrier_id(%barrier3A)
    %dma_start3A = arith.constant 0 : i32
    %dma_start3A_15 = arith.constant 0 : i32
    %dma_start3A_16 = tpu.memref_slice %arg6[%dma_start3A, %dma_start3A_15] : memref<157x128xi32, #tpu.memory_space<vmem>> -> memref<1x128xi32, #tpu.memory_space<vmem>>
    %dma_start3A_17 = tpu.memref_squeeze %dma_start3A_16 : memref<1x128xi32, #tpu.memory_space<vmem>> -> memref<128xi32, #tpu.memory_space<vmem>>
    %dma_start3A_18 = arith.constant 0 : i32
    %dma_start3A_19 = arith.constant 0 : i32
    %dma_start3A_20 = tpu.memref_slice %arg2[%dma_start3A_18, %dma_start3A_19] : memref<20000x128xf32, #tpu.memory_space<hbm>> -> memref<20000x128xf32, #tpu.memory_space<hbm>>
    tpu.enqueue_indirect_dma source(%dma_start3A_20 : memref<20000x128xf32, #tpu.memory_space<hbm>>) target(%arg8 : memref<128x128xf32, #tpu.memory_space<vmem>>) offsets(%dma_start3A_17 : memref<128xi32, #tpu.memory_space<vmem>>) semaphore(%arg12 : memref<!tpu.dma_semaphore, #tpu.memory_space<semaphore_mem>>)
    %scan3A_21 = arith.constant 0 : i32
    %scan3A_22 = arith.constant 0 : i32
    %scan3A_23 = arith.constant 78 : i32
    %scan3A_24 = arith.addi %scan3A_22, %scan3A_23 : i32
    %scan3A_25 = arith.constant 1 : i32
    scf.for %scan3A_534 = %scan3A_22 to %scan3A_24 step %scan3A_25  : i32 {
      %dma_wait3A_535 = arith.constant 0 : i32
      %dma_wait3A_536 = arith.constant 0 : i32
      %dma_wait3A_537 = tpu.memref_slice %arg6[%dma_wait3A_535, %dma_wait3A_536] : memref<157x128xi32, #tpu.memory_space<vmem>> -> memref<1x128xi32, #tpu.memory_space<vmem>>
      %dma_wait3A_538 = tpu.memref_squeeze %dma_wait3A_537 : memref<1x128xi32, #tpu.memory_space<vmem>> -> memref<128xi32, #tpu.memory_space<vmem>>
      %dma_wait3A_539 = arith.constant 0 : i32
      %dma_wait3A_540 = arith.constant 0 : i32
      %dma_wait3A_541 = tpu.memref_slice %arg2[%dma_wait3A_539, %dma_wait3A_540] : memref<20000x128xf32, #tpu.memory_space<hbm>> -> memref<20000x128xf32, #tpu.memory_space<hbm>>
      tpu.wait_indirect_dma semaphore(%arg12 : memref<!tpu.dma_semaphore, #tpu.memory_space<semaphore_mem>>) src(%dma_wait3A_541 : memref<20000x128xf32, #tpu.memory_space<hbm>>) dst(%arg8 : memref<128x128xf32, #tpu.memory_space<vmem>>)
      %mul3A_542 = arith.constant 2 : i32
      %mul3A_543 = arith.muli %mul3A_542, %scan3A_534 : i32
      %add3A_544 = arith.constant 1 : i32
      %add3A_545 = arith.addi %mul3A_543, %add3A_544 : i32
      %dma_start3A_546 = arith.constant 0 : i32
      %dma_start3A_547 = tpu.memref_slice %arg6[%add3A_545, %dma_start3A_546] : memref<157x128xi32, #tpu.memory_space<vmem>> -> memref<1x128xi32, #tpu.memory_space<vmem>>
      %dma_start3A_548 = tpu.memref_squeeze %dma_start3A_547 : memref<1x128xi32, #tpu.memory_space<vmem>> -> memref<128xi32, #tpu.memory_space<vmem>>
      %dma_start3A_549 = arith.constant 0 : i32
      %dma_start3A_550 = arith.constant 0 : i32
      %dma_start3A_551 = tpu.memref_slice %arg2[%dma_start3A_549, %dma_start3A_550] : memref<20000x128xf32, #tpu.memory_space<hbm>> -> memref<20000x128xf32, #tpu.memory_space<hbm>>
      tpu.enqueue_indirect_dma source(%dma_start3A_551 : memref<20000x128xf32, #tpu.memory_space<hbm>>) target(%arg9 : memref<128x128xf32, #tpu.memory_space<vmem>>) offsets(%dma_start3A_548 : memref<128xi32, #tpu.memory_space<vmem>>) semaphore(%arg13 : memref<!tpu.dma_semaphore, #tpu.memory_space<semaphore_mem>>)
      %mul3A_552 = arith.constant 2 : i32
      %mul3A_553 = arith.muli %mul3A_552, %scan3A_534 : i32
      %get3A_554 = arith.index_cast %mul3A_553 : i32 to index
      %get3A_555 = arith.constant 0 : index
      %get3A_556 = tpu.vector_load %arg7[%get3A_554, %get3A_555] {strides = array<i32>} : memref<157x128xi32, #tpu.memory_space<vmem>>, vector<1x16xi32>,
      %get3A_557 = vector.shape_cast %get3A_556 : vector<1x16xi32> to vector<16xi32>
      %sub3A_558 = vector.broadcast %mul3A_0 : i32 to vector<16xi32>
      %sub3A_559 = arith.subi %get3A_557, %sub3A_558 : vector<16xi32>
      %ge3A_560 = arith.constant 0 : i32
      %ge3A_561 = vector.broadcast %ge3A_560 : i32 to vector<16xi32>
      %ge3A_562 = arith.cmpi sge, %sub3A_559, %ge3A_561 : vector<16xi32>
      %lt3A_563 = arith.constant 5120 : i32
      %lt3A_564 = vector.broadcast %lt3A_563 : i32 to vector<16xi32>
      %lt3A_565 = arith.cmpi slt, %sub3A_559, %lt3A_564 : vector<16xi32>
      %and3A_566 = arith.andi %ge3A_562, %lt3A_565 : vector<16xi1>
      %mul3A_567 = arith.constant 128 : i32
      %mul3A_568 = arith.muli %mul3A_553, %mul3A_567 : i32
      %add3A_569 = arith.constant 0 : i32
      %add3A_570 = arith.addi %mul3A_568, %add3A_569 : i32
      %iota3A_571 = tpu.iota {dimensions = array<i32: 0>} : vector<16xi32>
      %add3A_572 = vector.broadcast %add3A_570 : i32 to vector<16xi32>
      %add3A_573 = arith.addi %add3A_572, %iota3A_571 : vector<16xi32>
      %and3A_574 = arith.constant 1023 : i32
      %and3A_575 = vector.broadcast %and3A_574 : i32 to vector<16xi32>
      %and3A_576 = arith.andi %add3A_573, %and3A_575 : vector<16xi32>
      %add3A_577 = arith.constant 5120 : i32
      %add3A_578 = vector.broadcast %add3A_577 : i32 to vector<16xi32>
      %add3A_579 = arith.addi %add3A_578, %and3A_576 : vector<16xi32>
      %select_n3A_580 = arith.select %and3A_566, %sub3A_559, %add3A_579 : vector<16xi1>, vector<16xi32>
      %swap3A_581 = arith.constant 0 : index
      %swap3A_582 = tpu.vector_load %arg10[%swap3A_581] {strides = array<i32>} : memref<128xi32, #tpu.memory_space<vmem>>, vector<16xi32>,
      %swap3A_583 = vector.shape_cast %swap3A_582 : vector<16xi32> to vector<16xi32>
      %swap3A_584 = vector.shape_cast %select_n3A_580 : vector<16xi32> to vector<16xi32>
      tpu.vector_store %arg10[%swap3A_581], %swap3A_584 {strides = array<i32>} : memref<128xi32, #tpu.memory_space<vmem>>, vector<16xi32>,
      %get3A_585 = arith.index_cast %mul3A_553 : i32 to index
      %get3A_586 = arith.constant 16 : index
      %get3A_587 = tpu.vector_load %arg7[%get3A_585, %get3A_586] {strides = array<i32>} : memref<157x128xi32, #tpu.memory_space<vmem>>, vector<1x16xi32>,
      %get3A_588 = vector.shape_cast %get3A_587 : vector<1x16xi32> to vector<16xi32>
      %sub3A_589 = vector.broadcast %mul3A_0 : i32 to vector<16xi32>
      %sub3A_590 = arith.subi %get3A_588, %sub3A_589 : vector<16xi32>
      %ge3A_591 = arith.constant 0 : i32
      %ge3A_592 = vector.broadcast %ge3A_591 : i32 to vector<16xi32>
      %ge3A_593 = arith.cmpi sge, %sub3A_590, %ge3A_592 : vector<16xi32>
      %lt3A_594 = arith.constant 5120 : i32
      %lt3A_595 = vector.broadcast %lt3A_594 : i32 to vector<16xi32>
      %lt3A_596 = arith.cmpi slt, %sub3A_590, %lt3A_595 : vector<16xi32>
      %and3A_597 = arith.andi %ge3A_593, %lt3A_596 : vector<16xi1>
      %mul3A_598 = arith.constant 128 : i32
      %mul3A_599 = arith.muli %mul3A_553, %mul3A_598 : i32
      %add3A_600 = arith.constant 16 : i32
      %add3A_601 = arith.addi %mul3A_599, %add3A_600 : i32
      %iota3A_602 = tpu.iota {dimensions = array<i32: 0>} : vector<16xi32>
      %add3A_603 = vector.broadcast %add3A_601 : i32 to vector<16xi32>
      %add3A_604 = arith.addi %add3A_603, %iota3A_602 : vector<16xi32>
      %and3A_605 = arith.constant 1023 : i32
      %and3A_606 = vector.broadcast %and3A_605 : i32 to vector<16xi32>
      %and3A_607 = arith.andi %add3A_604, %and3A_606 : vector<16xi32>
      %add3A_608 = arith.constant 5120 : i32
      %add3A_609 = vector.broadcast %add3A_608 : i32 to vector<16xi32>
      %add3A_610 = arith.addi %add3A_609, %and3A_607 : vector<16xi32>
      %select_n3A_611 = arith.select %and3A_597, %sub3A_590, %add3A_610 : vector<16xi1>, vector<16xi32>
      %swap3A_612 = arith.constant 16 : index
      %swap3A_613 = tpu.vector_load %arg10[%swap3A_612] {strides = array<i32>} : memref<128xi32, #tpu.memory_space<vmem>>, vector<16xi32>,
      %swap3A_614 = vector.shape_cast %swap3A_613 : vector<16xi32> to vector<16xi32>
      %swap3A_615 = vector.shape_cast %select_n3A_611 : vector<16xi32> to vector<16xi32>
      tpu.vector_store %arg10[%swap3A_612], %swap3A_615 {strides = array<i32>} : memref<128xi32, #tpu.memory_space<vmem>>, vector<16xi32>,
      %get3A_616 = arith.index_cast %mul3A_553 : i32 to index
      %get3A_617 = arith.constant 32 : index
      %get3A_618 = tpu.vector_load %arg7[%get3A_616, %get3A_617] {strides = array<i32>} : memref<157x128xi32, #tpu.memory_space<vmem>>, vector<1x16xi32>,
      %get3A_619 = vector.shape_cast %get3A_618 : vector<1x16xi32> to vector<16xi32>
      %sub3A_620 = vector.broadcast %mul3A_0 : i32 to vector<16xi32>
      %sub3A_621 = arith.subi %get3A_619, %sub3A_620 : vector<16xi32>
      %ge3A_622 = arith.constant 0 : i32
      %ge3A_623 = vector.broadcast %ge3A_622 : i32 to vector<16xi32>
      %ge3A_624 = arith.cmpi sge, %sub3A_621, %ge3A_623 : vector<16xi32>
      %lt3A_625 = arith.constant 5120 : i32
      %lt3A_626 = vector.broadcast %lt3A_625 : i32 to vector<16xi32>
      %lt3A_627 = arith.cmpi slt, %sub3A_621, %lt3A_626 : vector<16xi32>
      %and3A_628 = arith.andi %ge3A_624, %lt3A_627 : vector<16xi1>
      %mul3A_629 = arith.constant 128 : i32
      %mul3A_630 = arith.muli %mul3A_553, %mul3A_629 : i32
      %add3A_631 = arith.constant 32 : i32
      %add3A_632 = arith.addi %mul3A_630, %add3A_631 : i32
      %iota3A_633 = tpu.iota {dimensions = array<i32: 0>} : vector<16xi32>
      %add3A_634 = vector.broadcast %add3A_632 : i32 to vector<16xi32>
      %add3A_635 = arith.addi %add3A_634, %iota3A_633 : vector<16xi32>
      %and3A_636 = arith.constant 1023 : i32
      %and3A_637 = vector.broadcast %and3A_636 : i32 to vector<16xi32>
      %and3A_638 = arith.andi %add3A_635, %and3A_637 : vector<16xi32>
      %add3A_639 = arith.constant 5120 : i32
      %add3A_640 = vector.broadcast %add3A_639 : i32 to vector<16xi32>
      %add3A_641 = arith.addi %add3A_640, %and3A_638 : vector<16xi32>
      %select_n3A_642 = arith.select %and3A_628, %sub3A_621, %add3A_641 : vector<16xi1>, vector<16xi32>
      %swap3A_643 = arith.constant 32 : index
      %swap3A_644 = tpu.vector_load %arg10[%swap3A_643] {strides = array<i32>} : memref<128xi32, #tpu.memory_space<vmem>>, vector<16xi32>,
      %swap3A_645 = vector.shape_cast %swap3A_644 : vector<16xi32> to vector<16xi32>
      %swap3A_646 = vector.shape_cast %select_n3A_642 : vector<16xi32> to vector<16xi32>
      tpu.vector_store %arg10[%swap3A_643], %swap3A_646 {strides = array<i32>} : memref<128xi32, #tpu.memory_space<vmem>>, vector<16xi32>,
      %get3A_647 = arith.index_cast %mul3A_553 : i32 to index
      %get3A_648 = arith.constant 48 : index
      %get3A_649 = tpu.vector_load %arg7[%get3A_647, %get3A_648] {strides = array<i32>} : memref<157x128xi32, #tpu.memory_space<vmem>>, vector<1x16xi32>,
      %get3A_650 = vector.shape_cast %get3A_649 : vector<1x16xi32> to vector<16xi32>
      %sub3A_651 = vector.broadcast %mul3A_0 : i32 to vector<16xi32>
      %sub3A_652 = arith.subi %get3A_650, %sub3A_651 : vector<16xi32>
      %ge3A_653 = arith.constant 0 : i32
      %ge3A_654 = vector.broadcast %ge3A_653 : i32 to vector<16xi32>
      %ge3A_655 = arith.cmpi sge, %sub3A_652, %ge3A_654 : vector<16xi32>
      %lt3A_656 = arith.constant 5120 : i32
      %lt3A_657 = vector.broadcast %lt3A_656 : i32 to vector<16xi32>
      %lt3A_658 = arith.cmpi slt, %sub3A_652, %lt3A_657 : vector<16xi32>
      %and3A_659 = arith.andi %ge3A_655, %lt3A_658 : vector<16xi1>
      %mul3A_660 = arith.constant 128 : i32
      %mul3A_661 = arith.muli %mul3A_553, %mul3A_660 : i32
      %add3A_662 = arith.constant 48 : i32
      %add3A_663 = arith.addi %mul3A_661, %add3A_662 : i32
      %iota3A_664 = tpu.iota {dimensions = array<i32: 0>} : vector<16xi32>
      %add3A_665 = vector.broadcast %add3A_663 : i32 to vector<16xi32>
      %add3A_666 = arith.addi %add3A_665, %iota3A_664 : vector<16xi32>
      %and3A_667 = arith.constant 1023 : i32
      %and3A_668 = vector.broadcast %and3A_667 : i32 to vector<16xi32>
      %and3A_669 = arith.andi %add3A_666, %and3A_668 : vector<16xi32>
      %add3A_670 = arith.constant 5120 : i32
      %add3A_671 = vector.broadcast %add3A_670 : i32 to vector<16xi32>
      %add3A_672 = arith.addi %add3A_671, %and3A_669 : vector<16xi32>
      %select_n3A_673 = arith.select %and3A_659, %sub3A_652, %add3A_672 : vector<16xi1>, vector<16xi32>
      %swap3A_674 = arith.constant 48 : index
      %swap3A_675 = tpu.vector_load %arg10[%swap3A_674] {strides = array<i32>} : memref<128xi32, #tpu.memory_space<vmem>>, vector<16xi32>,
      %swap3A_676 = vector.shape_cast %swap3A_675 : vector<16xi32> to vector<16xi32>
      %swap3A_677 = vector.shape_cast %select_n3A_673 : vector<16xi32> to vector<16xi32>
      tpu.vector_store %arg10[%swap3A_674], %swap3A_677 {strides = array<i32>} : memref<128xi32, #tpu.memory_space<vmem>>, vector<16xi32>,
      %get3A_678 = arith.index_cast %mul3A_553 : i32 to index
      %get3A_679 = arith.constant 64 : index
      %get3A_680 = tpu.vector_load %arg7[%get3A_678, %get3A_679] {strides = array<i32>} : memref<157x128xi32, #tpu.memory_space<vmem>>, vector<1x16xi32>,
      %get3A_681 = vector.shape_cast %get3A_680 : vector<1x16xi32> to vector<16xi32>
      %sub3A_682 = vector.broadcast %mul3A_0 : i32 to vector<16xi32>
      %sub3A_683 = arith.subi %get3A_681, %sub3A_682 : vector<16xi32>
      %ge3A_684 = arith.constant 0 : i32
      %ge3A_685 = vector.broadcast %ge3A_684 : i32 to vector<16xi32>
      %ge3A_686 = arith.cmpi sge, %sub3A_683, %ge3A_685 : vector<16xi32>
      %lt3A_687 = arith.constant 5120 : i32
      %lt3A_688 = vector.broadcast %lt3A_687 : i32 to vector<16xi32>
      %lt3A_689 = arith.cmpi slt, %sub3A_683, %lt3A_688 : vector<16xi32>
      %and3A_690 = arith.andi %ge3A_686, %lt3A_689 : vector<16xi1>
      %mul3A_691 = arith.constant 128 : i32
      %mul3A_692 = arith.muli %mul3A_553, %mul3A_691 : i32
      %add3A_693 = arith.constant 64 : i32
      %add3A_694 = arith.addi %mul3A_692, %add3A_693 : i32
      %iota3A_695 = tpu.iota {dimensions = array<i32: 0>} : vector<16xi32>
      %add3A_696 = vector.broadcast %add3A_694 : i32 to vector<16xi32>
      %add3A_697 = arith.addi %add3A_696, %iota3A_695 : vector<16xi32>
      %and3A_698 = arith.constant 1023 : i32
      %and3A_699 = vector.broadcast %and3A_698 : i32 to vector<16xi32>
      %and3A_700 = arith.andi %add3A_697, %and3A_699 : vector<16xi32>
      %add3A_701 = arith.constant 5120 : i32
      %add3A_702 = vector.broadcast %add3A_701 : i32 to vector<16xi32>
      %add3A_703 = arith.addi %add3A_702, %and3A_700 : vector<16xi32>
      %select_n3A_704 = arith.select %and3A_690, %sub3A_683, %add3A_703 : vector<16xi1>, vector<16xi32>
      %swap3A_705 = arith.constant 64 : index
      %swap3A_706 = tpu.vector_load %arg10[%swap3A_705] {strides = array<i32>} : memref<128xi32, #tpu.memory_space<vmem>>, vector<16xi32>,
      %swap3A_707 = vector.shape_cast %swap3A_706 : vector<16xi32> to vector<16xi32>
      %swap3A_708 = vector.shape_cast %select_n3A_704 : vector<16xi32> to vector<16xi32>
      tpu.vector_store %arg10[%swap3A_705], %swap3A_708 {strides = array<i32>} : memref<128xi32, #tpu.memory_space<vmem>>, vector<16xi32>,
      %get3A_709 = arith.index_cast %mul3A_553 : i32 to index
      %get3A_710 = arith.constant 80 : index
      %get3A_711 = tpu.vector_load %arg7[%get3A_709, %get3A_710] {strides = array<i32>} : memref<157x128xi32, #tpu.memory_space<vmem>>, vector<1x16xi32>,
      %get3A_712 = vector.shape_cast %get3A_711 : vector<1x16xi32> to vector<16xi32>
      %sub3A_713 = vector.broadcast %mul3A_0 : i32 to vector<16xi32>
      %sub3A_714 = arith.subi %get3A_712, %sub3A_713 : vector<16xi32>
      %ge3A_715 = arith.constant 0 : i32
      %ge3A_716 = vector.broadcast %ge3A_715 : i32 to vector<16xi32>
      %ge3A_717 = arith.cmpi sge, %sub3A_714, %ge3A_716 : vector<16xi32>
      %lt3A_718 = arith.constant 5120 : i32
      %lt3A_719 = vector.broadcast %lt3A_718 : i32 to vector<16xi32>
      %lt3A_720 = arith.cmpi slt, %sub3A_714, %lt3A_719 : vector<16xi32>
      %and3A_721 = arith.andi %ge3A_717, %lt3A_720 : vector<16xi1>
      %mul3A_722 = arith.constant 128 : i32
      %mul3A_723 = arith.muli %mul3A_553, %mul3A_722 : i32
      %add3A_724 = arith.constant 80 : i32
      %add3A_725 = arith.addi %mul3A_723, %add3A_724 : i32
      %iota3A_726 = tpu.iota {dimensions = array<i32: 0>} : vector<16xi32>
      %add3A_727 = vector.broadcast %add3A_725 : i32 to vector<16xi32>
      %add3A_728 = arith.addi %add3A_727, %iota3A_726 : vector<16xi32>
      %and3A_729 = arith.constant 1023 : i32
      %and3A_730 = vector.broadcast %and3A_729 : i32 to vector<16xi32>
      %and3A_731 = arith.andi %add3A_728, %and3A_730 : vector<16xi32>
      %add3A_732 = arith.constant 5120 : i32
      %add3A_733 = vector.broadcast %add3A_732 : i32 to vector<16xi32>
      %add3A_734 = arith.addi %add3A_733, %and3A_731 : vector<16xi32>
      %select_n3A_735 = arith.select %and3A_721, %sub3A_714, %add3A_734 : vector<16xi1>, vector<16xi32>
      %swap3A_736 = arith.constant 80 : index
      %swap3A_737 = tpu.vector_load %arg10[%swap3A_736] {strides = array<i32>} : memref<128xi32, #tpu.memory_space<vmem>>, vector<16xi32>,
      %swap3A_738 = vector.shape_cast %swap3A_737 : vector<16xi32> to vector<16xi32>
      %swap3A_739 = vector.shape_cast %select_n3A_735 : vector<16xi32> to vector<16xi32>
      tpu.vector_store %arg10[%swap3A_736], %swap3A_739 {strides = array<i32>} : memref<128xi32, #tpu.memory_space<vmem>>, vector<16xi32>,
      %get3A_740 = arith.index_cast %mul3A_553 : i32 to index
      %get3A_741 = arith.constant 96 : index
      %get3A_742 = tpu.vector_load %arg7[%get3A_740, %get3A_741] {strides = array<i32>} : memref<157x128xi32, #tpu.memory_space<vmem>>, vector<1x16xi32>,
      %get3A_743 = vector.shape_cast %get3A_742 : vector<1x16xi32> to vector<16xi32>
      %sub3A_744 = vector.broadcast %mul3A_0 : i32 to vector<16xi32>
      %sub3A_745 = arith.subi %get3A_743, %sub3A_744 : vector<16xi32>
      %ge3A_746 = arith.constant 0 : i32
      %ge3A_747 = vector.broadcast %ge3A_746 : i32 to vector<16xi32>
      %ge3A_748 = arith.cmpi sge, %sub3A_745, %ge3A_747 : vector<16xi32>
      %lt3A_749 = arith.constant 5120 : i32
      %lt3A_750 = vector.broadcast %lt3A_749 : i32 to vector<16xi32>
      %lt3A_751 = arith.cmpi slt, %sub3A_745, %lt3A_750 : vector<16xi32>
      %and3A_752 = arith.andi %ge3A_748, %lt3A_751 : vector<16xi1>
      %mul3A_753 = arith.constant 128 : i32
      %mul3A_754 = arith.muli %mul3A_553, %mul3A_753 : i32
      %add3A_755 = arith.constant 96 : i32
      %add3A_756 = arith.addi %mul3A_754, %add3A_755 : i32
      %iota3A_757 = tpu.iota {dimensions = array<i32: 0>} : vector<16xi32>
      %add3A_758 = vector.broadcast %add3A_756 : i32 to vector<16xi32>
      %add3A_759 = arith.addi %add3A_758, %iota3A_757 : vector<16xi32>
      %and3A_760 = arith.constant 1023 : i32
      %and3A_761 = vector.broadcast %and3A_760 : i32 to vector<16xi32>
      %and3A_762 = arith.andi %add3A_759, %and3A_761 : vector<16xi32>
      %add3A_763 = arith.constant 5120 : i32
      %add3A_764 = vector.broadcast %add3A_763 : i32 to vector<16xi32>
      %add3A_765 = arith.addi %add3A_764, %and3A_762 : vector<16xi32>
      %select_n3A_766 = arith.select %and3A_752, %sub3A_745, %add3A_765 : vector<16xi1>, vector<16xi32>
      %swap3A_767 = arith.constant 96 : index
      %swap3A_768 = tpu.vector_load %arg10[%swap3A_767] {strides = array<i32>} : memref<128xi32, #tpu.memory_space<vmem>>, vector<16xi32>,
      %swap3A_769 = vector.shape_cast %swap3A_768 : vector<16xi32> to vector<16xi32>
      %swap3A_770 = vector.shape_cast %select_n3A_766 : vector<16xi32> to vector<16xi32>
      tpu.vector_store %arg10[%swap3A_767], %swap3A_770 {strides = array<i32>} : memref<128xi32, #tpu.memory_space<vmem>>, vector<16xi32>,
      %get3A_771 = arith.index_cast %mul3A_553 : i32 to index
      %get3A_772 = arith.constant 112 : index
      %get3A_773 = tpu.vector_load %arg7[%get3A_771, %get3A_772] {strides = array<i32>} : memref<157x128xi32, #tpu.memory_space<vmem>>, vector<1x16xi32>,
      %get3A_774 = vector.shape_cast %get3A_773 : vector<1x16xi32> to vector<16xi32>
      %sub3A_775 = vector.broadcast %mul3A_0 : i32 to vector<16xi32>
      %sub3A_776 = arith.subi %get3A_774, %sub3A_775 : vector<16xi32>
      %ge3A_777 = arith.constant 0 : i32
      %ge3A_778 = vector.broadcast %ge3A_777 : i32 to vector<16xi32>
      %ge3A_779 = arith.cmpi sge, %sub3A_776, %ge3A_778 : vector<16xi32>
      %lt3A_780 = arith.constant 5120 : i32
      %lt3A_781 = vector.broadcast %lt3A_780 : i32 to vector<16xi32>
      %lt3A_782 = arith.cmpi slt, %sub3A_776, %lt3A_781 : vector<16xi32>
      %and3A_783 = arith.andi %ge3A_779, %lt3A_782 : vector<16xi1>
      %mul3A_784 = arith.constant 128 : i32
      %mul3A_785 = arith.muli %mul3A_553, %mul3A_784 : i32
      %add3A_786 = arith.constant 112 : i32
      %add3A_787 = arith.addi %mul3A_785, %add3A_786 : i32
      %iota3A_788 = tpu.iota {dimensions = array<i32: 0>} : vector<16xi32>
      %add3A_789 = vector.broadcast %add3A_787 : i32 to vector<16xi32>
      %add3A_790 = arith.addi %add3A_789, %iota3A_788 : vector<16xi32>
      %and3A_791 = arith.constant 1023 : i32
      %and3A_792 = vector.broadcast %and3A_791 : i32 to vector<16xi32>
      %and3A_793 = arith.andi %add3A_790, %and3A_792 : vector<16xi32>
      %add3A_794 = arith.constant 5120 : i32
      %add3A_795 = vector.broadcast %add3A_794 : i32 to vector<16xi32>
      %add3A_796 = arith.addi %add3A_795, %and3A_793 : vector<16xi32>
      %select_n3A_797 = arith.select %and3A_783, %sub3A_776, %add3A_796 : vector<16xi1>, vector<16xi32>
      %swap3A_798 = arith.constant 112 : index
      %swap3A_799 = tpu.vector_load %arg10[%swap3A_798] {strides = array<i32>} : memref<128xi32, #tpu.memory_space<vmem>>, vector<16xi32>,
      %swap3A_800 = vector.shape_cast %swap3A_799 : vector<16xi32> to vector<16xi32>
      %swap3A_801 = vector.shape_cast %select_n3A_797 : vector<16xi32> to vector<16xi32>
      tpu.vector_store %arg10[%swap3A_798], %swap3A_801 {strides = array<i32>} : memref<128xi32, #tpu.memory_space<vmem>>, vector<16xi32>,
      "tpu.region"() ({
        %run_scoped3A_1071 = tpu.sem_alloc : memref<!tpu.dma_semaphore, #tpu.memory_space<semaphore_mem>>
        %dma_start3A_1072 = arith.constant 0 : i32
        %dma_start3A_1073 = arith.constant 0 : i32
        %dma_start3A_1074 = tpu.memref_slice %arg11[%dma_start3A_1072, %dma_start3A_1073] : memref<6144x128xf32, #tpu.memory_space<vmem_shared>> -> memref<6144x128xf32, #tpu.memory_space<vmem_shared>>
        tpu.enqueue_indirect_dma source(%arg8 : memref<128x128xf32, #tpu.memory_space<vmem>>) target(%dma_start3A_1074 : memref<6144x128xf32, #tpu.memory_space<vmem_shared>>) offsets(%arg10 : memref<128xi32, #tpu.memory_space<vmem>>) semaphore(%run_scoped3A_1071 : memref<!tpu.dma_semaphore, #tpu.memory_space<semaphore_mem>>) {add = true}
        %dma_wait3A_1075 = arith.constant 0 : i32
        %dma_wait3A_1076 = arith.constant 0 : i32
        %dma_wait3A_1077 = tpu.memref_slice %arg11[%dma_wait3A_1075, %dma_wait3A_1076] : memref<6144x128xf32, #tpu.memory_space<vmem_shared>> -> memref<6144x128xf32, #tpu.memory_space<vmem_shared>>
        tpu.wait_indirect_dma semaphore(%run_scoped3A_1071 : memref<!tpu.dma_semaphore, #tpu.memory_space<semaphore_mem>>) src(%arg8 : memref<128x128xf32, #tpu.memory_space<vmem>>) dst(%dma_wait3A_1077 : memref<6144x128xf32, #tpu.memory_space<vmem_shared>>)
        tpu.yield
      }) : () -> ()
      %dma_wait3A_802 = arith.constant 0 : i32
      %dma_wait3A_803 = arith.constant 0 : i32
      %dma_wait3A_804 = tpu.memref_slice %arg6[%dma_wait3A_802, %dma_wait3A_803] : memref<157x128xi32, #tpu.memory_space<vmem>> -> memref<1x128xi32, #tpu.memory_space<vmem>>
      %dma_wait3A_805 = tpu.memref_squeeze %dma_wait3A_804 : memref<1x128xi32, #tpu.memory_space<vmem>> -> memref<128xi32, #tpu.memory_space<vmem>>
      %dma_wait3A_806 = arith.constant 0 : i32
      %dma_wait3A_807 = arith.constant 0 : i32
      %dma_wait3A_808 = tpu.memref_slice %arg2[%dma_wait3A_806, %dma_wait3A_807] : memref<20000x128xf32, #tpu.memory_space<hbm>> -> memref<20000x128xf32, #tpu.memory_space<hbm>>
      tpu.wait_indirect_dma semaphore(%arg13 : memref<!tpu.dma_semaphore, #tpu.memory_space<semaphore_mem>>) src(%dma_wait3A_808 : memref<20000x128xf32, #tpu.memory_space<hbm>>) dst(%arg9 : memref<128x128xf32, #tpu.memory_space<vmem>>)
      %mul3A_809 = arith.constant 2 : i32
      %mul3A_810 = arith.muli %mul3A_809, %scan3A_534 : i32
      %add3A_811 = arith.constant 2 : i32
      %add3A_812 = arith.addi %mul3A_810, %add3A_811 : i32
      %dma_start3A_813 = arith.constant 0 : i32
      %dma_start3A_814 = tpu.memref_slice %arg6[%add3A_812, %dma_start3A_813] : memref<157x128xi32, #tpu.memory_space<vmem>> -> memref<1x128xi32, #tpu.memory_space<vmem>>
      %dma_start3A_815 = tpu.memref_squeeze %dma_start3A_814 : memref<1x128xi32, #tpu.memory_space<vmem>> -> memref<128xi32, #tpu.memory_space<vmem>>
      %dma_start3A_816 = arith.constant 0 : i32
      %dma_start3A_817 = arith.constant 0 : i32
      %dma_start3A_818 = tpu.memref_slice %arg2[%dma_start3A_816, %dma_start3A_817] : memref<20000x128xf32, #tpu.memory_space<hbm>> -> memref<20000x128xf32, #tpu.memory_space<hbm>>
      tpu.enqueue_indirect_dma source(%dma_start3A_818 : memref<20000x128xf32, #tpu.memory_space<hbm>>) target(%arg8 : memref<128x128xf32, #tpu.memory_space<vmem>>) offsets(%dma_start3A_815 : memref<128xi32, #tpu.memory_space<vmem>>) semaphore(%arg12 : memref<!tpu.dma_semaphore, #tpu.memory_space<semaphore_mem>>)
      %mul3A_819 = arith.constant 2 : i32
      %mul3A_820 = arith.muli %mul3A_819, %scan3A_534 : i32
      %add3A_821 = arith.constant 1 : i32
      %add3A_822 = arith.addi %mul3A_820, %add3A_821 : i32
      %get3A_823 = arith.index_cast %add3A_822 : i32 to index
      %get3A_824 = arith.constant 0 : index
      %get3A_825 = tpu.vector_load %arg7[%get3A_823, %get3A_824] {strides = array<i32>} : memref<157x128xi32, #tpu.memory_space<vmem>>, vector<1x16xi32>,
      %get3A_826 = vector.shape_cast %get3A_825 : vector<1x16xi32> to vector<16xi32>
      %sub3A_827 = vector.broadcast %mul3A_0 : i32 to vector<16xi32>
      %sub3A_828 = arith.subi %get3A_826, %sub3A_827 : vector<16xi32>
      %ge3A_829 = arith.constant 0 : i32
      %ge3A_830 = vector.broadcast %ge3A_829 : i32 to vector<16xi32>
      %ge3A_831 = arith.cmpi sge, %sub3A_828, %ge3A_830 : vector<16xi32>
      %lt3A_832 = arith.constant 5120 : i32
      %lt3A_833 = vector.broadcast %lt3A_832 : i32 to vector<16xi32>
      %lt3A_834 = arith.cmpi slt, %sub3A_828, %lt3A_833 : vector<16xi32>
      %and3A_835 = arith.andi %ge3A_831, %lt3A_834 : vector<16xi1>
      %mul3A_836 = arith.constant 128 : i32
      %mul3A_837 = arith.muli %add3A_822, %mul3A_836 : i32
      %add3A_838 = arith.constant 0 : i32
      %add3A_839 = arith.addi %mul3A_837, %add3A_838 : i32
      %iota3A_840 = tpu.iota {dimensions = array<i32: 0>} : vector<16xi32>
      %add3A_841 = vector.broadcast %add3A_839 : i32 to vector<16xi32>
      %add3A_842 = arith.addi %add3A_841, %iota3A_840 : vector<16xi32>
      %and3A_843 = arith.constant 1023 : i32
      %and3A_844 = vector.broadcast %and3A_843 : i32 to vector<16xi32>
      %and3A_845 = arith.andi %add3A_842, %and3A_844 : vector<16xi32>
      %add3A_846 = arith.constant 5120 : i32
      %add3A_847 = vector.broadcast %add3A_846 : i32 to vector<16xi32>
      %add3A_848 = arith.addi %add3A_847, %and3A_845 : vector<16xi32>
      %select_n3A_849 = arith.select %and3A_835, %sub3A_828, %add3A_848 : vector<16xi1>, vector<16xi32>
      %swap3A_850 = arith.constant 0 : index
      %swap3A_851 = tpu.vector_load %arg10[%swap3A_850] {strides = array<i32>} : memref<128xi32, #tpu.memory_space<vmem>>, vector<16xi32>,
      %swap3A_852 = vector.shape_cast %swap3A_851 : vector<16xi32> to vector<16xi32>
      %swap3A_853 = vector.shape_cast %select_n3A_849 : vector<16xi32> to vector<16xi32>
      tpu.vector_store %arg10[%swap3A_850], %swap3A_853 {strides = array<i32>} : memref<128xi32, #tpu.memory_space<vmem>>, vector<16xi32>,
      %get3A_854 = arith.index_cast %add3A_822 : i32 to index
      %get3A_855 = arith.constant 16 : index
      %get3A_856 = tpu.vector_load %arg7[%get3A_854, %get3A_855] {strides = array<i32>} : memref<157x128xi32, #tpu.memory_space<vmem>>, vector<1x16xi32>,
      %get3A_857 = vector.shape_cast %get3A_856 : vector<1x16xi32> to vector<16xi32>
      %sub3A_858 = vector.broadcast %mul3A_0 : i32 to vector<16xi32>
      %sub3A_859 = arith.subi %get3A_857, %sub3A_858 : vector<16xi32>
      %ge3A_860 = arith.constant 0 : i32
      %ge3A_861 = vector.broadcast %ge3A_860 : i32 to vector<16xi32>
      %ge3A_862 = arith.cmpi sge, %sub3A_859, %ge3A_861 : vector<16xi32>
      %lt3A_863 = arith.constant 5120 : i32
      %lt3A_864 = vector.broadcast %lt3A_863 : i32 to vector<16xi32>
      %lt3A_865 = arith.cmpi slt, %sub3A_859, %lt3A_864 : vector<16xi32>
      %and3A_866 = arith.andi %ge3A_862, %lt3A_865 : vector<16xi1>
      %mul3A_867 = arith.constant 128 : i32
      %mul3A_868 = arith.muli %add3A_822, %mul3A_867 : i32
      %add3A_869 = arith.constant 16 : i32
      %add3A_870 = arith.addi %mul3A_868, %add3A_869 : i32
      %iota3A_871 = tpu.iota {dimensions = array<i32: 0>} : vector<16xi32>
      %add3A_872 = vector.broadcast %add3A_870 : i32 to vector<16xi32>
      %add3A_873 = arith.addi %add3A_872, %iota3A_871 : vector<16xi32>
      %and3A_874 = arith.constant 1023 : i32
      %and3A_875 = vector.broadcast %and3A_874 : i32 to vector<16xi32>
      %and3A_876 = arith.andi %add3A_873, %and3A_875 : vector<16xi32>
      %add3A_877 = arith.constant 5120 : i32
      %add3A_878 = vector.broadcast %add3A_877 : i32 to vector<16xi32>
      %add3A_879 = arith.addi %add3A_878, %and3A_876 : vector<16xi32>
      %select_n3A_880 = arith.select %and3A_866, %sub3A_859, %add3A_879 : vector<16xi1>, vector<16xi32>
      %swap3A_881 = arith.constant 16 : index
      %swap3A_882 = tpu.vector_load %arg10[%swap3A_881] {strides = array<i32>} : memref<128xi32, #tpu.memory_space<vmem>>, vector<16xi32>,
      %swap3A_883 = vector.shape_cast %swap3A_882 : vector<16xi32> to vector<16xi32>
      %swap3A_884 = vector.shape_cast %select_n3A_880 : vector<16xi32> to vector<16xi32>
      tpu.vector_store %arg10[%swap3A_881], %swap3A_884 {strides = array<i32>} : memref<128xi32, #tpu.memory_space<vmem>>, vector<16xi32>,
      %get3A_885 = arith.index_cast %add3A_822 : i32 to index
      %get3A_886 = arith.constant 32 : index
      %get3A_887 = tpu.vector_load %arg7[%get3A_885, %get3A_886] {strides = array<i32>} : memref<157x128xi32, #tpu.memory_space<vmem>>, vector<1x16xi32>,
      %get3A_888 = vector.shape_cast %get3A_887 : vector<1x16xi32> to vector<16xi32>
      %sub3A_889 = vector.broadcast %mul3A_0 : i32 to vector<16xi32>
      %sub3A_890 = arith.subi %get3A_888, %sub3A_889 : vector<16xi32>
      %ge3A_891 = arith.constant 0 : i32
      %ge3A_892 = vector.broadcast %ge3A_891 : i32 to vector<16xi32>
      %ge3A_893 = arith.cmpi sge, %sub3A_890, %ge3A_892 : vector<16xi32>
      %lt3A_894 = arith.constant 5120 : i32
      %lt3A_895 = vector.broadcast %lt3A_894 : i32 to vector<16xi32>
      %lt3A_896 = arith.cmpi slt, %sub3A_890, %lt3A_895 : vector<16xi32>
      %and3A_897 = arith.andi %ge3A_893, %lt3A_896 : vector<16xi1>
      %mul3A_898 = arith.constant 128 : i32
      %mul3A_899 = arith.muli %add3A_822, %mul3A_898 : i32
      %add3A_900 = arith.constant 32 : i32
      %add3A_901 = arith.addi %mul3A_899, %add3A_900 : i32
      %iota3A_902 = tpu.iota {dimensions = array<i32: 0>} : vector<16xi32>
      %add3A_903 = vector.broadcast %add3A_901 : i32 to vector<16xi32>
      %add3A_904 = arith.addi %add3A_903, %iota3A_902 : vector<16xi32>
      %and3A_905 = arith.constant 1023 : i32
      %and3A_906 = vector.broadcast %and3A_905 : i32 to vector<16xi32>
      %and3A_907 = arith.andi %add3A_904, %and3A_906 : vector<16xi32>
      %add3A_908 = arith.constant 5120 : i32
      %add3A_909 = vector.broadcast %add3A_908 : i32 to vector<16xi32>
      %add3A_910 = arith.addi %add3A_909, %and3A_907 : vector<16xi32>
      %select_n3A_911 = arith.select %and3A_897, %sub3A_890, %add3A_910 : vector<16xi1>, vector<16xi32>
      %swap3A_912 = arith.constant 32 : index
      %swap3A_913 = tpu.vector_load %arg10[%swap3A_912] {strides = array<i32>} : memref<128xi32, #tpu.memory_space<vmem>>, vector<16xi32>,
      %swap3A_914 = vector.shape_cast %swap3A_913 : vector<16xi32> to vector<16xi32>
      %swap3A_915 = vector.shape_cast %select_n3A_911 : vector<16xi32> to vector<16xi32>
      tpu.vector_store %arg10[%swap3A_912], %swap3A_915 {strides = array<i32>} : memref<128xi32, #tpu.memory_space<vmem>>, vector<16xi32>,
      %get3A_916 = arith.index_cast %add3A_822 : i32 to index
      %get3A_917 = arith.constant 48 : index
      %get3A_918 = tpu.vector_load %arg7[%get3A_916, %get3A_917] {strides = array<i32>} : memref<157x128xi32, #tpu.memory_space<vmem>>, vector<1x16xi32>,
      %get3A_919 = vector.shape_cast %get3A_918 : vector<1x16xi32> to vector<16xi32>
      %sub3A_920 = vector.broadcast %mul3A_0 : i32 to vector<16xi32>
      %sub3A_921 = arith.subi %get3A_919, %sub3A_920 : vector<16xi32>
      %ge3A_922 = arith.constant 0 : i32
      %ge3A_923 = vector.broadcast %ge3A_922 : i32 to vector<16xi32>
      %ge3A_924 = arith.cmpi sge, %sub3A_921, %ge3A_923 : vector<16xi32>
      %lt3A_925 = arith.constant 5120 : i32
      %lt3A_926 = vector.broadcast %lt3A_925 : i32 to vector<16xi32>
      %lt3A_927 = arith.cmpi slt, %sub3A_921, %lt3A_926 : vector<16xi32>
      %and3A_928 = arith.andi %ge3A_924, %lt3A_927 : vector<16xi1>
      %mul3A_929 = arith.constant 128 : i32
      %mul3A_930 = arith.muli %add3A_822, %mul3A_929 : i32
      %add3A_931 = arith.constant 48 : i32
      %add3A_932 = arith.addi %mul3A_930, %add3A_931 : i32
      %iota3A_933 = tpu.iota {dimensions = array<i32: 0>} : vector<16xi32>
      %add3A_934 = vector.broadcast %add3A_932 : i32 to vector<16xi32>
      %add3A_935 = arith.addi %add3A_934, %iota3A_933 : vector<16xi32>
      %and3A_936 = arith.constant 1023 : i32
      %and3A_937 = vector.broadcast %and3A_936 : i32 to vector<16xi32>
      %and3A_938 = arith.andi %add3A_935, %and3A_937 : vector<16xi32>
      %add3A_939 = arith.constant 5120 : i32
      %add3A_940 = vector.broadcast %add3A_939 : i32 to vector<16xi32>
      %add3A_941 = arith.addi %add3A_940, %and3A_938 : vector<16xi32>
      %select_n3A_942 = arith.select %and3A_928, %sub3A_921, %add3A_941 : vector<16xi1>, vector<16xi32>
      %swap3A_943 = arith.constant 48 : index
      %swap3A_944 = tpu.vector_load %arg10[%swap3A_943] {strides = array<i32>} : memref<128xi32, #tpu.memory_space<vmem>>, vector<16xi32>,
      %swap3A_945 = vector.shape_cast %swap3A_944 : vector<16xi32> to vector<16xi32>
      %swap3A_946 = vector.shape_cast %select_n3A_942 : vector<16xi32> to vector<16xi32>
      tpu.vector_store %arg10[%swap3A_943], %swap3A_946 {strides = array<i32>} : memref<128xi32, #tpu.memory_space<vmem>>, vector<16xi32>,
      %get3A_947 = arith.index_cast %add3A_822 : i32 to index
      %get3A_948 = arith.constant 64 : index
      %get3A_949 = tpu.vector_load %arg7[%get3A_947, %get3A_948] {strides = array<i32>} : memref<157x128xi32, #tpu.memory_space<vmem>>, vector<1x16xi32>,
      %get3A_950 = vector.shape_cast %get3A_949 : vector<1x16xi32> to vector<16xi32>
      %sub3A_951 = vector.broadcast %mul3A_0 : i32 to vector<16xi32>
      %sub3A_952 = arith.subi %get3A_950, %sub3A_951 : vector<16xi32>
      %ge3A_953 = arith.constant 0 : i32
      %ge3A_954 = vector.broadcast %ge3A_953 : i32 to vector<16xi32>
      %ge3A_955 = arith.cmpi sge, %sub3A_952, %ge3A_954 : vector<16xi32>
      %lt3A_956 = arith.constant 5120 : i32
      %lt3A_957 = vector.broadcast %lt3A_956 : i32 to vector<16xi32>
      %lt3A_958 = arith.cmpi slt, %sub3A_952, %lt3A_957 : vector<16xi32>
      %and3A_959 = arith.andi %ge3A_955, %lt3A_958 : vector<16xi1>
      %mul3A_960 = arith.constant 128 : i32
      %mul3A_961 = arith.muli %add3A_822, %mul3A_960 : i32
      %add3A_962 = arith.constant 64 : i32
      %add3A_963 = arith.addi %mul3A_961, %add3A_962 : i32
      %iota3A_964 = tpu.iota {dimensions = array<i32: 0>} : vector<16xi32>
      %add3A_965 = vector.broadcast %add3A_963 : i32 to vector<16xi32>
      %add3A_966 = arith.addi %add3A_965, %iota3A_964 : vector<16xi32>
      %and3A_967 = arith.constant 1023 : i32
      %and3A_968 = vector.broadcast %and3A_967 : i32 to vector<16xi32>
      %and3A_969 = arith.andi %add3A_966, %and3A_968 : vector<16xi32>
      %add3A_970 = arith.constant 5120 : i32
      %add3A_971 = vector.broadcast %add3A_970 : i32 to vector<16xi32>
      %add3A_972 = arith.addi %add3A_971, %and3A_969 : vector<16xi32>
      %select_n3A_973 = arith.select %and3A_959, %sub3A_952, %add3A_972 : vector<16xi1>, vector<16xi32>
      %swap3A_974 = arith.constant 64 : index
      %swap3A_975 = tpu.vector_load %arg10[%swap3A_974] {strides = array<i32>} : memref<128xi32, #tpu.memory_space<vmem>>, vector<16xi32>,
      %swap3A_976 = vector.shape_cast %swap3A_975 : vector<16xi32> to vector<16xi32>
      %swap3A_977 = vector.shape_cast %select_n3A_973 : vector<16xi32> to vector<16xi32>
      tpu.vector_store %arg10[%swap3A_974], %swap3A_977 {strides = array<i32>} : memref<128xi32, #tpu.memory_space<vmem>>, vector<16xi32>,
      %get3A_978 = arith.index_cast %add3A_822 : i32 to index
      %get3A_979 = arith.constant 80 : index
      %get3A_980 = tpu.vector_load %arg7[%get3A_978, %get3A_979] {strides = array<i32>} : memref<157x128xi32, #tpu.memory_space<vmem>>, vector<1x16xi32>,
      %get3A_981 = vector.shape_cast %get3A_980 : vector<1x16xi32> to vector<16xi32>
      %sub3A_982 = vector.broadcast %mul3A_0 : i32 to vector<16xi32>
      %sub3A_983 = arith.subi %get3A_981, %sub3A_982 : vector<16xi32>
      %ge3A_984 = arith.constant 0 : i32
      %ge3A_985 = vector.broadcast %ge3A_984 : i32 to vector<16xi32>
      %ge3A_986 = arith.cmpi sge, %sub3A_983, %ge3A_985 : vector<16xi32>
      %lt3A_987 = arith.constant 5120 : i32
      %lt3A_988 = vector.broadcast %lt3A_987 : i32 to vector<16xi32>
      %lt3A_989 = arith.cmpi slt, %sub3A_983, %lt3A_988 : vector<16xi32>
      %and3A_990 = arith.andi %ge3A_986, %lt3A_989 : vector<16xi1>
      %mul3A_991 = arith.constant 128 : i32
      %mul3A_992 = arith.muli %add3A_822, %mul3A_991 : i32
      %add3A_993 = arith.constant 80 : i32
      %add3A_994 = arith.addi %mul3A_992, %add3A_993 : i32
      %iota3A_995 = tpu.iota {dimensions = array<i32: 0>} : vector<16xi32>
      %add3A_996 = vector.broadcast %add3A_994 : i32 to vector<16xi32>
      %add3A_997 = arith.addi %add3A_996, %iota3A_995 : vector<16xi32>
      %and3A_998 = arith.constant 1023 : i32
      %and3A_999 = vector.broadcast %and3A_998 : i32 to vector<16xi32>
      %and3A_1000 = arith.andi %add3A_997, %and3A_999 : vector<16xi32>
      %add3A_1001 = arith.constant 5120 : i32
      %add3A_1002 = vector.broadcast %add3A_1001 : i32 to vector<16xi32>
      %add3A_1003 = arith.addi %add3A_1002, %and3A_1000 : vector<16xi32>
      %select_n3A_1004 = arith.select %and3A_990, %sub3A_983, %add3A_1003 : vector<16xi1>, vector<16xi32>
      %swap3A_1005 = arith.constant 80 : index
      %swap3A_1006 = tpu.vector_load %arg10[%swap3A_1005] {strides = array<i32>} : memref<128xi32, #tpu.memory_space<vmem>>, vector<16xi32>,
      %swap3A_1007 = vector.shape_cast %swap3A_1006 : vector<16xi32> to vector<16xi32>
      %swap3A_1008 = vector.shape_cast %select_n3A_1004 : vector<16xi32> to vector<16xi32>
      tpu.vector_store %arg10[%swap3A_1005], %swap3A_1008 {strides = array<i32>} : memref<128xi32, #tpu.memory_space<vmem>>, vector<16xi32>,
      %get3A_1009 = arith.index_cast %add3A_822 : i32 to index
      %get3A_1010 = arith.constant 96 : index
      %get3A_1011 = tpu.vector_load %arg7[%get3A_1009, %get3A_1010] {strides = array<i32>} : memref<157x128xi32, #tpu.memory_space<vmem>>, vector<1x16xi32>,
      %get3A_1012 = vector.shape_cast %get3A_1011 : vector<1x16xi32> to vector<16xi32>
      %sub3A_1013 = vector.broadcast %mul3A_0 : i32 to vector<16xi32>
      %sub3A_1014 = arith.subi %get3A_1012, %sub3A_1013 : vector<16xi32>
      %ge3A_1015 = arith.constant 0 : i32
      %ge3A_1016 = vector.broadcast %ge3A_1015 : i32 to vector<16xi32>
      %ge3A_1017 = arith.cmpi sge, %sub3A_1014, %ge3A_1016 : vector<16xi32>
      %lt3A_1018 = arith.constant 5120 : i32
      %lt3A_1019 = vector.broadcast %lt3A_1018 : i32 to vector<16xi32>
      %lt3A_1020 = arith.cmpi slt, %sub3A_1014, %lt3A_1019 : vector<16xi32>
      %and3A_1021 = arith.andi %ge3A_1017, %lt3A_1020 : vector<16xi1>
      %mul3A_1022 = arith.constant 128 : i32
      %mul3A_1023 = arith.muli %add3A_822, %mul3A_1022 : i32
      %add3A_1024 = arith.constant 96 : i32
      %add3A_1025 = arith.addi %mul3A_1023, %add3A_1024 : i32
      %iota3A_1026 = tpu.iota {dimensions = array<i32: 0>} : vector<16xi32>
      %add3A_1027 = vector.broadcast %add3A_1025 : i32 to vector<16xi32>
      %add3A_1028 = arith.addi %add3A_1027, %iota3A_1026 : vector<16xi32>
      %and3A_1029 = arith.constant 1023 : i32
      %and3A_1030 = vector.broadcast %and3A_1029 : i32 to vector<16xi32>
      %and3A_1031 = arith.andi %add3A_1028, %and3A_1030 : vector<16xi32>
      %add3A_1032 = arith.constant 5120 : i32
      %add3A_1033 = vector.broadcast %add3A_1032 : i32 to vector<16xi32>
      %add3A_1034 = arith.addi %add3A_1033, %and3A_1031 : vector<16xi32>
      %select_n3A_1035 = arith.select %and3A_1021, %sub3A_1014, %add3A_1034 : vector<16xi1>, vector<16xi32>
      %swap3A_1036 = arith.constant 96 : index
      %swap3A_1037 = tpu.vector_load %arg10[%swap3A_1036] {strides = array<i32>} : memref<128xi32, #tpu.memory_space<vmem>>, vector<16xi32>,
      %swap3A_1038 = vector.shape_cast %swap3A_1037 : vector<16xi32> to vector<16xi32>
      %swap3A_1039 = vector.shape_cast %select_n3A_1035 : vector<16xi32> to vector<16xi32>
      tpu.vector_store %arg10[%swap3A_1036], %swap3A_1039 {strides = array<i32>} : memref<128xi32, #tpu.memory_space<vmem>>, vector<16xi32>,
      %get3A_1040 = arith.index_cast %add3A_822 : i32 to index
      %get3A_1041 = arith.constant 112 : index
      %get3A_1042 = tpu.vector_load %arg7[%get3A_1040, %get3A_1041] {strides = array<i32>} : memref<157x128xi32, #tpu.memory_space<vmem>>, vector<1x16xi32>,
      %get3A_1043 = vector.shape_cast %get3A_1042 : vector<1x16xi32> to vector<16xi32>
      %sub3A_1044 = vector.broadcast %mul3A_0 : i32 to vector<16xi32>
      %sub3A_1045 = arith.subi %get3A_1043, %sub3A_1044 : vector<16xi32>
      %ge3A_1046 = arith.constant 0 : i32
      %ge3A_1047 = vector.broadcast %ge3A_1046 : i32 to vector<16xi32>
      %ge3A_1048 = arith.cmpi sge, %sub3A_1045, %ge3A_1047 : vector<16xi32>
      %lt3A_1049 = arith.constant 5120 : i32
      %lt3A_1050 = vector.broadcast %lt3A_1049 : i32 to vector<16xi32>
      %lt3A_1051 = arith.cmpi slt, %sub3A_1045, %lt3A_1050 : vector<16xi32>
      %and3A_1052 = arith.andi %ge3A_1048, %lt3A_1051 : vector<16xi1>
      %mul3A_1053 = arith.constant 128 : i32
      %mul3A_1054 = arith.muli %add3A_822, %mul3A_1053 : i32
      %add3A_1055 = arith.constant 112 : i32
      %add3A_1056 = arith.addi %mul3A_1054, %add3A_1055 : i32
      %iota3A_1057 = tpu.iota {dimensions = array<i32: 0>} : vector<16xi32>
      %add3A_1058 = vector.broadcast %add3A_1056 : i32 to vector<16xi32>
      %add3A_1059 = arith.addi %add3A_1058, %iota3A_1057 : vector<16xi32>
      %and3A_1060 = arith.constant 1023 : i32
      %and3A_1061 = vector.broadcast %and3A_1060 : i32 to vector<16xi32>
      %and3A_1062 = arith.andi %add3A_1059, %and3A_1061 : vector<16xi32>
      %add3A_1063 = arith.constant 5120 : i32
      %add3A_1064 = vector.broadcast %add3A_1063 : i32 to vector<16xi32>
      %add3A_1065 = arith.addi %add3A_1064, %and3A_1062 : vector<16xi32>
      %select_n3A_1066 = arith.select %and3A_1052, %sub3A_1045, %add3A_1065 : vector<16xi1>, vector<16xi32>
      %swap3A_1067 = arith.constant 112 : index
      %swap3A_1068 = tpu.vector_load %arg10[%swap3A_1067] {strides = array<i32>} : memref<128xi32, #tpu.memory_space<vmem>>, vector<16xi32>,
      %swap3A_1069 = vector.shape_cast %swap3A_1068 : vector<16xi32> to vector<16xi32>
      %swap3A_1070 = vector.shape_cast %select_n3A_1066 : vector<16xi32> to vector<16xi32>
      tpu.vector_store %arg10[%swap3A_1067], %swap3A_1070 {strides = array<i32>} : memref<128xi32, #tpu.memory_space<vmem>>, vector<16xi32>,
      "tpu.region"() ({
        %run_scoped3A_1071 = tpu.sem_alloc : memref<!tpu.dma_semaphore, #tpu.memory_space<semaphore_mem>>
        %dma_start3A_1072 = arith.constant 0 : i32
        %dma_start3A_1073 = arith.constant 0 : i32
        %dma_start3A_1074 = tpu.memref_slice %arg11[%dma_start3A_1072, %dma_start3A_1073] : memref<6144x128xf32, #tpu.memory_space<vmem_shared>> -> memref<6144x128xf32, #tpu.memory_space<vmem_shared>>
        tpu.enqueue_indirect_dma source(%arg9 : memref<128x128xf32, #tpu.memory_space<vmem>>) target(%dma_start3A_1074 : memref<6144x128xf32, #tpu.memory_space<vmem_shared>>) offsets(%arg10 : memref<128xi32, #tpu.memory_space<vmem>>) semaphore(%run_scoped3A_1071 : memref<!tpu.dma_semaphore, #tpu.memory_space<semaphore_mem>>) {add = true}
        %dma_wait3A_1075 = arith.constant 0 : i32
        %dma_wait3A_1076 = arith.constant 0 : i32
        %dma_wait3A_1077 = tpu.memref_slice %arg11[%dma_wait3A_1075, %dma_wait3A_1076] : memref<6144x128xf32, #tpu.memory_space<vmem_shared>> -> memref<6144x128xf32, #tpu.memory_space<vmem_shared>>
        tpu.wait_indirect_dma semaphore(%run_scoped3A_1071 : memref<!tpu.dma_semaphore, #tpu.memory_space<semaphore_mem>>) src(%arg9 : memref<128x128xf32, #tpu.memory_space<vmem>>) dst(%dma_wait3A_1077 : memref<6144x128xf32, #tpu.memory_space<vmem_shared>>)
        tpu.yield
      }) : () -> ()
    }
    %scan3A_26 = arith.constant 78 : i32
    %dma_wait3A = arith.constant 0 : i32
    %dma_wait3A_27 = arith.constant 0 : i32
    %dma_wait3A_28 = tpu.memref_slice %arg6[%dma_wait3A, %dma_wait3A_27] : memref<157x128xi32, #tpu.memory_space<vmem>> -> memref<1x128xi32, #tpu.memory_space<vmem>>
    %dma_wait3A_29 = tpu.memref_squeeze %dma_wait3A_28 : memref<1x128xi32, #tpu.memory_space<vmem>> -> memref<128xi32, #tpu.memory_space<vmem>>
    %dma_wait3A_30 = arith.constant 0 : i32
    %dma_wait3A_31 = arith.constant 0 : i32
    %dma_wait3A_32 = tpu.memref_slice %arg2[%dma_wait3A_30, %dma_wait3A_31] : memref<20000x128xf32, #tpu.memory_space<hbm>> -> memref<20000x128xf32, #tpu.memory_space<hbm>>
    tpu.wait_indirect_dma semaphore(%arg12 : memref<!tpu.dma_semaphore, #tpu.memory_space<semaphore_mem>>) src(%dma_wait3A_32 : memref<20000x128xf32, #tpu.memory_space<hbm>>) dst(%arg8 : memref<128x128xf32, #tpu.memory_space<vmem>>)
    %get3A = arith.constant 156 : i32
    %get3A_33 = arith.index_cast %get3A : i32 to index
    %get3A_34 = arith.constant 0 : index
    %get3A_35 = tpu.vector_load %arg7[%get3A_33, %get3A_34] {strides = array<i32>} : memref<157x128xi32, #tpu.memory_space<vmem>>, vector<1x16xi32>,
    %get3A_36 = vector.shape_cast %get3A_35 : vector<1x16xi32> to vector<16xi32>
    %sub3A = vector.broadcast %mul3A_0 : i32 to vector<16xi32>
    %sub3A_37 = arith.subi %get3A_36, %sub3A : vector<16xi32>
    %ge3A = arith.constant 0 : i32
    %ge3A_38 = vector.broadcast %ge3A : i32 to vector<16xi32>
    %ge3A_39 = arith.cmpi sge, %sub3A_37, %ge3A_38 : vector<16xi32>
    %lt3A = arith.constant 5120 : i32
    %lt3A_40 = vector.broadcast %lt3A : i32 to vector<16xi32>
    %lt3A_41 = arith.cmpi slt, %sub3A_37, %lt3A_40 : vector<16xi32>
    %and3A = arith.andi %ge3A_39, %lt3A_41 : vector<16xi1>
    %iota3A = tpu.iota {dimensions = array<i32: 0>} : vector<16xi32>
    %add3A_42 = arith.constant 19968 : i32
    %add3A_43 = vector.broadcast %add3A_42 : i32 to vector<16xi32>
    %add3A_44 = arith.addi %add3A_43, %iota3A : vector<16xi32>
    %and3A_45 = arith.constant 1023 : i32
    %and3A_46 = vector.broadcast %and3A_45 : i32 to vector<16xi32>
    %and3A_47 = arith.andi %add3A_44, %and3A_46 : vector<16xi32>
    %add3A_48 = arith.constant 5120 : i32
    %add3A_49 = vector.broadcast %add3A_48 : i32 to vector<16xi32>
    %add3A_50 = arith.addi %add3A_49, %and3A_47 : vector<16xi32>
    %select_n3A = arith.select %and3A, %sub3A_37, %add3A_50 : vector<16xi1>, vector<16xi32>
    %swap3A = arith.constant 0 : index
    %swap3A_51 = tpu.vector_load %arg10[%swap3A] {strides = array<i32>} : memref<128xi32, #tpu.memory_space<vmem>>, vector<16xi32>,
    %swap3A_52 = vector.shape_cast %swap3A_51 : vector<16xi32> to vector<16xi32>
    %swap3A_53 = vector.shape_cast %select_n3A : vector<16xi32> to vector<16xi32>
    tpu.vector_store %arg10[%swap3A], %swap3A_53 {strides = array<i32>} : memref<128xi32, #tpu.memory_space<vmem>>, vector<16xi32>,
    %get3A_54 = arith.constant 156 : i32
    %get3A_55 = arith.index_cast %get3A_54 : i32 to index
    %get3A_56 = arith.constant 16 : index
    %get3A_57 = tpu.vector_load %arg7[%get3A_55, %get3A_56] {strides = array<i32>} : memref<157x128xi32, #tpu.memory_space<vmem>>, vector<1x16xi32>,
    %get3A_58 = vector.shape_cast %get3A_57 : vector<1x16xi32> to vector<16xi32>
    %sub3A_59 = vector.broadcast %mul3A_0 : i32 to vector<16xi32>
    %sub3A_60 = arith.subi %get3A_58, %sub3A_59 : vector<16xi32>
    %ge3A_61 = arith.constant 0 : i32
    %ge3A_62 = vector.broadcast %ge3A_61 : i32 to vector<16xi32>
    %ge3A_63 = arith.cmpi sge, %sub3A_60, %ge3A_62 : vector<16xi32>
    %lt3A_64 = arith.constant 5120 : i32
    %lt3A_65 = vector.broadcast %lt3A_64 : i32 to vector<16xi32>
    %lt3A_66 = arith.cmpi slt, %sub3A_60, %lt3A_65 : vector<16xi32>
    %and3A_67 = arith.andi %ge3A_63, %lt3A_66 : vector<16xi1>
    %iota3A_68 = tpu.iota {dimensions = array<i32: 0>} : vector<16xi32>
    %add3A_69 = arith.constant 19984 : i32
    %add3A_70 = vector.broadcast %add3A_69 : i32 to vector<16xi32>
    %add3A_71 = arith.addi %add3A_70, %iota3A_68 : vector<16xi32>
    %and3A_72 = arith.constant 1023 : i32
    %and3A_73 = vector.broadcast %and3A_72 : i32 to vector<16xi32>
    %and3A_74 = arith.andi %add3A_71, %and3A_73 : vector<16xi32>
    %add3A_75 = arith.constant 5120 : i32
    %add3A_76 = vector.broadcast %add3A_75 : i32 to vector<16xi32>
    %add3A_77 = arith.addi %add3A_76, %and3A_74 : vector<16xi32>
    %select_n3A_78 = arith.select %and3A_67, %sub3A_60, %add3A_77 : vector<16xi1>, vector<16xi32>
    %swap3A_79 = arith.constant 16 : index
    %swap3A_80 = tpu.vector_load %arg10[%swap3A_79] {strides = array<i32>} : memref<128xi32, #tpu.memory_space<vmem>>, vector<16xi32>,
    %swap3A_81 = vector.shape_cast %swap3A_80 : vector<16xi32> to vector<16xi32>
    %swap3A_82 = vector.shape_cast %select_n3A_78 : vector<16xi32> to vector<16xi32>
    tpu.vector_store %arg10[%swap3A_79], %swap3A_82 {strides = array<i32>} : memref<128xi32, #tpu.memory_space<vmem>>, vector<16xi32>,
    %get3A_83 = arith.constant 156 : i32
    %get3A_84 = arith.index_cast %get3A_83 : i32 to index
    %get3A_85 = arith.constant 32 : index
    %get3A_86 = tpu.vector_load %arg7[%get3A_84, %get3A_85] {strides = array<i32>} : memref<157x128xi32, #tpu.memory_space<vmem>>, vector<1x16xi32>,
    %get3A_87 = vector.shape_cast %get3A_86 : vector<1x16xi32> to vector<16xi32>
    %sub3A_88 = vector.broadcast %mul3A_0 : i32 to vector<16xi32>
    %sub3A_89 = arith.subi %get3A_87, %sub3A_88 : vector<16xi32>
    %ge3A_90 = arith.constant 0 : i32
    %ge3A_91 = vector.broadcast %ge3A_90 : i32 to vector<16xi32>
    %ge3A_92 = arith.cmpi sge, %sub3A_89, %ge3A_91 : vector<16xi32>
    %lt3A_93 = arith.constant 5120 : i32
    %lt3A_94 = vector.broadcast %lt3A_93 : i32 to vector<16xi32>
    %lt3A_95 = arith.cmpi slt, %sub3A_89, %lt3A_94 : vector<16xi32>
    %and3A_96 = arith.andi %ge3A_92, %lt3A_95 : vector<16xi1>
    %iota3A_97 = tpu.iota {dimensions = array<i32: 0>} : vector<16xi32>
    %add3A_98 = arith.constant 20000 : i32
    %add3A_99 = vector.broadcast %add3A_98 : i32 to vector<16xi32>
    %add3A_100 = arith.addi %add3A_99, %iota3A_97 : vector<16xi32>
    %and3A_101 = arith.constant 1023 : i32
    %and3A_102 = vector.broadcast %and3A_101 : i32 to vector<16xi32>
    %and3A_103 = arith.andi %add3A_100, %and3A_102 : vector<16xi32>
    %add3A_104 = arith.constant 5120 : i32
    %add3A_105 = vector.broadcast %add3A_104 : i32 to vector<16xi32>
    %add3A_106 = arith.addi %add3A_105, %and3A_103 : vector<16xi32>
    %select_n3A_107 = arith.select %and3A_96, %sub3A_89, %add3A_106 : vector<16xi1>, vector<16xi32>
    %swap3A_108 = arith.constant 32 : index
    %swap3A_109 = tpu.vector_load %arg10[%swap3A_108] {strides = array<i32>} : memref<128xi32, #tpu.memory_space<vmem>>, vector<16xi32>,
    %swap3A_110 = vector.shape_cast %swap3A_109 : vector<16xi32> to vector<16xi32>
    %swap3A_111 = vector.shape_cast %select_n3A_107 : vector<16xi32> to vector<16xi32>
    tpu.vector_store %arg10[%swap3A_108], %swap3A_111 {strides = array<i32>} : memref<128xi32, #tpu.memory_space<vmem>>, vector<16xi32>,
    %get3A_112 = arith.constant 156 : i32
    %get3A_113 = arith.index_cast %get3A_112 : i32 to index
    %get3A_114 = arith.constant 48 : index
    %get3A_115 = tpu.vector_load %arg7[%get3A_113, %get3A_114] {strides = array<i32>} : memref<157x128xi32, #tpu.memory_space<vmem>>, vector<1x16xi32>,
    %get3A_116 = vector.shape_cast %get3A_115 : vector<1x16xi32> to vector<16xi32>
    %sub3A_117 = vector.broadcast %mul3A_0 : i32 to vector<16xi32>
    %sub3A_118 = arith.subi %get3A_116, %sub3A_117 : vector<16xi32>
    %ge3A_119 = arith.constant 0 : i32
    %ge3A_120 = vector.broadcast %ge3A_119 : i32 to vector<16xi32>
    %ge3A_121 = arith.cmpi sge, %sub3A_118, %ge3A_120 : vector<16xi32>
    %lt3A_122 = arith.constant 5120 : i32
    %lt3A_123 = vector.broadcast %lt3A_122 : i32 to vector<16xi32>
    %lt3A_124 = arith.cmpi slt, %sub3A_118, %lt3A_123 : vector<16xi32>
    %and3A_125 = arith.andi %ge3A_121, %lt3A_124 : vector<16xi1>
    %iota3A_126 = tpu.iota {dimensions = array<i32: 0>} : vector<16xi32>
    %add3A_127 = arith.constant 20016 : i32
    %add3A_128 = vector.broadcast %add3A_127 : i32 to vector<16xi32>
    %add3A_129 = arith.addi %add3A_128, %iota3A_126 : vector<16xi32>
    %and3A_130 = arith.constant 1023 : i32
    %and3A_131 = vector.broadcast %and3A_130 : i32 to vector<16xi32>
    %and3A_132 = arith.andi %add3A_129, %and3A_131 : vector<16xi32>
    %add3A_133 = arith.constant 5120 : i32
    %add3A_134 = vector.broadcast %add3A_133 : i32 to vector<16xi32>
    %add3A_135 = arith.addi %add3A_134, %and3A_132 : vector<16xi32>
    %select_n3A_136 = arith.select %and3A_125, %sub3A_118, %add3A_135 : vector<16xi1>, vector<16xi32>
    %swap3A_137 = arith.constant 48 : index
    %swap3A_138 = tpu.vector_load %arg10[%swap3A_137] {strides = array<i32>} : memref<128xi32, #tpu.memory_space<vmem>>, vector<16xi32>,
    %swap3A_139 = vector.shape_cast %swap3A_138 : vector<16xi32> to vector<16xi32>
    %swap3A_140 = vector.shape_cast %select_n3A_136 : vector<16xi32> to vector<16xi32>
    tpu.vector_store %arg10[%swap3A_137], %swap3A_140 {strides = array<i32>} : memref<128xi32, #tpu.memory_space<vmem>>, vector<16xi32>,
    %get3A_141 = arith.constant 156 : i32
    %get3A_142 = arith.index_cast %get3A_141 : i32 to index
    %get3A_143 = arith.constant 64 : index
    %get3A_144 = tpu.vector_load %arg7[%get3A_142, %get3A_143] {strides = array<i32>} : memref<157x128xi32, #tpu.memory_space<vmem>>, vector<1x16xi32>,
    %get3A_145 = vector.shape_cast %get3A_144 : vector<1x16xi32> to vector<16xi32>
    %sub3A_146 = vector.broadcast %mul3A_0 : i32 to vector<16xi32>
    %sub3A_147 = arith.subi %get3A_145, %sub3A_146 : vector<16xi32>
    %ge3A_148 = arith.constant 0 : i32
    %ge3A_149 = vector.broadcast %ge3A_148 : i32 to vector<16xi32>
    %ge3A_150 = arith.cmpi sge, %sub3A_147, %ge3A_149 : vector<16xi32>
    %lt3A_151 = arith.constant 5120 : i32
    %lt3A_152 = vector.broadcast %lt3A_151 : i32 to vector<16xi32>
    %lt3A_153 = arith.cmpi slt, %sub3A_147, %lt3A_152 : vector<16xi32>
    %and3A_154 = arith.andi %ge3A_150, %lt3A_153 : vector<16xi1>
    %iota3A_155 = tpu.iota {dimensions = array<i32: 0>} : vector<16xi32>
    %add3A_156 = arith.constant 20032 : i32
    %add3A_157 = vector.broadcast %add3A_156 : i32 to vector<16xi32>
    %add3A_158 = arith.addi %add3A_157, %iota3A_155 : vector<16xi32>
    %and3A_159 = arith.constant 1023 : i32
    %and3A_160 = vector.broadcast %and3A_159 : i32 to vector<16xi32>
    %and3A_161 = arith.andi %add3A_158, %and3A_160 : vector<16xi32>
    %add3A_162 = arith.constant 5120 : i32
    %add3A_163 = vector.broadcast %add3A_162 : i32 to vector<16xi32>
    %add3A_164 = arith.addi %add3A_163, %and3A_161 : vector<16xi32>
    %select_n3A_165 = arith.select %and3A_154, %sub3A_147, %add3A_164 : vector<16xi1>, vector<16xi32>
    %swap3A_166 = arith.constant 64 : index
    %swap3A_167 = tpu.vector_load %arg10[%swap3A_166] {strides = array<i32>} : memref<128xi32, #tpu.memory_space<vmem>>, vector<16xi32>,
    %swap3A_168 = vector.shape_cast %swap3A_167 : vector<16xi32> to vector<16xi32>
    %swap3A_169 = vector.shape_cast %select_n3A_165 : vector<16xi32> to vector<16xi32>
    tpu.vector_store %arg10[%swap3A_166], %swap3A_169 {strides = array<i32>} : memref<128xi32, #tpu.memory_space<vmem>>, vector<16xi32>,
    %get3A_170 = arith.constant 156 : i32
    %get3A_171 = arith.index_cast %get3A_170 : i32 to index
    %get3A_172 = arith.constant 80 : index
    %get3A_173 = tpu.vector_load %arg7[%get3A_171, %get3A_172] {strides = array<i32>} : memref<157x128xi32, #tpu.memory_space<vmem>>, vector<1x16xi32>,
    %get3A_174 = vector.shape_cast %get3A_173 : vector<1x16xi32> to vector<16xi32>
    %sub3A_175 = vector.broadcast %mul3A_0 : i32 to vector<16xi32>
    %sub3A_176 = arith.subi %get3A_174, %sub3A_175 : vector<16xi32>
    %ge3A_177 = arith.constant 0 : i32
    %ge3A_178 = vector.broadcast %ge3A_177 : i32 to vector<16xi32>
    %ge3A_179 = arith.cmpi sge, %sub3A_176, %ge3A_178 : vector<16xi32>
    %lt3A_180 = arith.constant 5120 : i32
    %lt3A_181 = vector.broadcast %lt3A_180 : i32 to vector<16xi32>
    %lt3A_182 = arith.cmpi slt, %sub3A_176, %lt3A_181 : vector<16xi32>
    %and3A_183 = arith.andi %ge3A_179, %lt3A_182 : vector<16xi1>
    %iota3A_184 = tpu.iota {dimensions = array<i32: 0>} : vector<16xi32>
    %add3A_185 = arith.constant 20048 : i32
    %add3A_186 = vector.broadcast %add3A_185 : i32 to vector<16xi32>
    %add3A_187 = arith.addi %add3A_186, %iota3A_184 : vector<16xi32>
    %and3A_188 = arith.constant 1023 : i32
    %and3A_189 = vector.broadcast %and3A_188 : i32 to vector<16xi32>
    %and3A_190 = arith.andi %add3A_187, %and3A_189 : vector<16xi32>
    %add3A_191 = arith.constant 5120 : i32
    %add3A_192 = vector.broadcast %add3A_191 : i32 to vector<16xi32>
    %add3A_193 = arith.addi %add3A_192, %and3A_190 : vector<16xi32>
    %select_n3A_194 = arith.select %and3A_183, %sub3A_176, %add3A_193 : vector<16xi1>, vector<16xi32>
    %swap3A_195 = arith.constant 80 : index
    %swap3A_196 = tpu.vector_load %arg10[%swap3A_195] {strides = array<i32>} : memref<128xi32, #tpu.memory_space<vmem>>, vector<16xi32>,
    %swap3A_197 = vector.shape_cast %swap3A_196 : vector<16xi32> to vector<16xi32>
    %swap3A_198 = vector.shape_cast %select_n3A_194 : vector<16xi32> to vector<16xi32>
    tpu.vector_store %arg10[%swap3A_195], %swap3A_198 {strides = array<i32>} : memref<128xi32, #tpu.memory_space<vmem>>, vector<16xi32>,
    %get3A_199 = arith.constant 156 : i32
    %get3A_200 = arith.index_cast %get3A_199 : i32 to index
    %get3A_201 = arith.constant 96 : index
    %get3A_202 = tpu.vector_load %arg7[%get3A_200, %get3A_201] {strides = array<i32>} : memref<157x128xi32, #tpu.memory_space<vmem>>, vector<1x16xi32>,
    %get3A_203 = vector.shape_cast %get3A_202 : vector<1x16xi32> to vector<16xi32>
    %sub3A_204 = vector.broadcast %mul3A_0 : i32 to vector<16xi32>
    %sub3A_205 = arith.subi %get3A_203, %sub3A_204 : vector<16xi32>
    %ge3A_206 = arith.constant 0 : i32
    %ge3A_207 = vector.broadcast %ge3A_206 : i32 to vector<16xi32>
    %ge3A_208 = arith.cmpi sge, %sub3A_205, %ge3A_207 : vector<16xi32>
    %lt3A_209 = arith.constant 5120 : i32
    %lt3A_210 = vector.broadcast %lt3A_209 : i32 to vector<16xi32>
    %lt3A_211 = arith.cmpi slt, %sub3A_205, %lt3A_210 : vector<16xi32>
    %and3A_212 = arith.andi %ge3A_208, %lt3A_211 : vector<16xi1>
    %iota3A_213 = tpu.iota {dimensions = array<i32: 0>} : vector<16xi32>
    %add3A_214 = arith.constant 20064 : i32
    %add3A_215 = vector.broadcast %add3A_214 : i32 to vector<16xi32>
    %add3A_216 = arith.addi %add3A_215, %iota3A_213 : vector<16xi32>
    %and3A_217 = arith.constant 1023 : i32
    %and3A_218 = vector.broadcast %and3A_217 : i32 to vector<16xi32>
    %and3A_219 = arith.andi %add3A_216, %and3A_218 : vector<16xi32>
    %add3A_220 = arith.constant 5120 : i32
    %add3A_221 = vector.broadcast %add3A_220 : i32 to vector<16xi32>
    %add3A_222 = arith.addi %add3A_221, %and3A_219 : vector<16xi32>
    %select_n3A_223 = arith.select %and3A_212, %sub3A_205, %add3A_222 : vector<16xi1>, vector<16xi32>
    %swap3A_224 = arith.constant 96 : index
    %swap3A_225 = tpu.vector_load %arg10[%swap3A_224] {strides = array<i32>} : memref<128xi32, #tpu.memory_space<vmem>>, vector<16xi32>,
    %swap3A_226 = vector.shape_cast %swap3A_225 : vector<16xi32> to vector<16xi32>
    %swap3A_227 = vector.shape_cast %select_n3A_223 : vector<16xi32> to vector<16xi32>
    tpu.vector_store %arg10[%swap3A_224], %swap3A_227 {strides = array<i32>} : memref<128xi32, #tpu.memory_space<vmem>>, vector<16xi32>,
    %get3A_228 = arith.constant 156 : i32
    %get3A_229 = arith.index_cast %get3A_228 : i32 to index
    %get3A_230 = arith.constant 112 : index
    %get3A_231 = tpu.vector_load %arg7[%get3A_229, %get3A_230] {strides = array<i32>} : memref<157x128xi32, #tpu.memory_space<vmem>>, vector<1x16xi32>,
    %get3A_232 = vector.shape_cast %get3A_231 : vector<1x16xi32> to vector<16xi32>
    %sub3A_233 = vector.broadcast %mul3A_0 : i32 to vector<16xi32>
    %sub3A_234 = arith.subi %get3A_232, %sub3A_233 : vector<16xi32>
    %ge3A_235 = arith.constant 0 : i32
    %ge3A_236 = vector.broadcast %ge3A_235 : i32 to vector<16xi32>
    %ge3A_237 = arith.cmpi sge, %sub3A_234, %ge3A_236 : vector<16xi32>
    %lt3A_238 = arith.constant 5120 : i32
    %lt3A_239 = vector.broadcast %lt3A_238 : i32 to vector<16xi32>
    %lt3A_240 = arith.cmpi slt, %sub3A_234, %lt3A_239 : vector<16xi32>
    %and3A_241 = arith.andi %ge3A_237, %lt3A_240 : vector<16xi1>
    %iota3A_242 = tpu.iota {dimensions = array<i32: 0>} : vector<16xi32>
    %add3A_243 = arith.constant 20080 : i32
    %add3A_244 = vector.broadcast %add3A_243 : i32 to vector<16xi32>
    %add3A_245 = arith.addi %add3A_244, %iota3A_242 : vector<16xi32>
    %and3A_246 = arith.constant 1023 : i32
    %and3A_247 = vector.broadcast %and3A_246 : i32 to vector<16xi32>
    %and3A_248 = arith.andi %add3A_245, %and3A_247 : vector<16xi32>
    %add3A_249 = arith.constant 5120 : i32
    %add3A_250 = vector.broadcast %add3A_249 : i32 to vector<16xi32>
    %add3A_251 = arith.addi %add3A_250, %and3A_248 : vector<16xi32>
    %select_n3A_252 = arith.select %and3A_241, %sub3A_234, %add3A_251 : vector<16xi1>, vector<16xi32>
    %swap3A_253 = arith.constant 112 : index
    %swap3A_254 = tpu.vector_load %arg10[%swap3A_253] {strides = array<i32>} : memref<128xi32, #tpu.memory_space<vmem>>, vector<16xi32>,
    %swap3A_255 = vector.shape_cast %swap3A_254 : vector<16xi32> to vector<16xi32>
    %swap3A_256 = vector.shape_cast %select_n3A_252 : vector<16xi32> to vector<16xi32>
    tpu.vector_store %arg10[%swap3A_253], %swap3A_256 {strides = array<i32>} : memref<128xi32, #tpu.memory_space<vmem>>, vector<16xi32>,
    "tpu.region"() ({
      %run_scoped3A_534 = tpu.sem_alloc : memref<!tpu.dma_semaphore, #tpu.memory_space<semaphore_mem>>
      %dma_start3A_535 = arith.constant 0 : i32
      %dma_start3A_536 = arith.constant 0 : i32
      %dma_start3A_537 = tpu.memref_slice %arg11[%dma_start3A_535, %dma_start3A_536] : memref<6144x128xf32, #tpu.memory_space<vmem_shared>> -> memref<6144x128xf32, #tpu.memory_space<vmem_shared>>
      tpu.enqueue_indirect_dma source(%arg8 : memref<128x128xf32, #tpu.memory_space<vmem>>) target(%dma_start3A_537 : memref<6144x128xf32, #tpu.memory_space<vmem_shared>>) offsets(%arg10 : memref<128xi32, #tpu.memory_space<vmem>>) semaphore(%run_scoped3A_534 : memref<!tpu.dma_semaphore, #tpu.memory_space<semaphore_mem>>) {add = true}
      %dma_wait3A_538 = arith.constant 0 : i32
      %dma_wait3A_539 = arith.constant 0 : i32
      %dma_wait3A_540 = tpu.memref_slice %arg11[%dma_wait3A_538, %dma_wait3A_539] : memref<6144x128xf32, #tpu.memory_space<vmem_shared>> -> memref<6144x128xf32, #tpu.memory_space<vmem_shared>>
      tpu.wait_indirect_dma semaphore(%run_scoped3A_534 : memref<!tpu.dma_semaphore, #tpu.memory_space<semaphore_mem>>) src(%arg8 : memref<128x128xf32, #tpu.memory_space<vmem>>) dst(%dma_wait3A_540 : memref<6144x128xf32, #tpu.memory_space<vmem_shared>>)
      tpu.yield
    }) : () -> ()
    %barrier3A_257 = arith.constant 0 : index
    tpu.barrier barrier_id(%barrier3A_257)
    %add3A_258 = arith.addi %mul3A_0, %mul3A_9 : i32
    %run_scoped3A_259 = arith.constant 0 : i32
    "tpu.region"() ({
      %run_scoped3A_534 = tpu.sem_alloc : memref<!tpu.dma_semaphore, #tpu.memory_space<semaphore_mem>>
      %dma_start3A_535 = arith.constant 0 : i32
      %dma_start3A_536 = tpu.memref_slice %arg5[%run_scoped3A_259, %add3A_258, %dma_start3A_535] : memref<2x10240x128xf32, #tpu.memory_space<hbm>> -> memref<1x320x128xf32, #tpu.memory_space<hbm>>
      %dma_start3A_537 = tpu.memref_squeeze %dma_start3A_536 : memref<1x320x128xf32, #tpu.memory_space<hbm>> -> memref<320x128xf32, #tpu.memory_space<hbm>>
      %dma_start3A_538 = arith.constant 0 : i32
      %dma_start3A_539 = tpu.memref_slice %arg11[%mul3A_9, %dma_start3A_538] : memref<6144x128xf32, #tpu.memory_space<vmem_shared>> -> memref<320x128xf32, #tpu.memory_space<vmem_shared>>
      tpu.enqueue_dma source(%dma_start3A_539 : memref<320x128xf32, #tpu.memory_space<vmem_shared>>) target(%dma_start3A_537 : memref<320x128xf32, #tpu.memory_space<hbm>>) target_semaphore(%run_scoped3A_534 : memref<!tpu.dma_semaphore, #tpu.memory_space<semaphore_mem>>)
      %dma_wait3A_540 = arith.constant 0 : i32
      %dma_wait3A_541 = tpu.memref_slice %arg5[%run_scoped3A_259, %add3A_258, %dma_wait3A_540] : memref<2x10240x128xf32, #tpu.memory_space<hbm>> -> memref<1x320x128xf32, #tpu.memory_space<hbm>>
      %dma_wait3A_542 = tpu.memref_squeeze %dma_wait3A_541 : memref<1x320x128xf32, #tpu.memory_space<hbm>> -> memref<320x128xf32, #tpu.memory_space<hbm>>
      %dma_wait3A_543 = arith.constant 0 : i32
      %dma_wait3A_544 = tpu.memref_slice %arg11[%mul3A_9, %dma_wait3A_543] : memref<6144x128xf32, #tpu.memory_space<vmem_shared>> -> memref<320x128xf32, #tpu.memory_space<vmem_shared>>
      tpu.wait_dma2 semaphore(%run_scoped3A_534 : memref<!tpu.dma_semaphore, #tpu.memory_space<semaphore_mem>>) src(%dma_wait3A_544 : memref<320x128xf32, #tpu.memory_space<vmem_shared>>) dst(%dma_wait3A_542 : memref<320x128xf32, #tpu.memory_space<hbm>>)
      tpu.yield
    }) : () -> ()
    %barrier3A_260 = arith.constant 0 : index
    tpu.barrier barrier_id(%barrier3A_260)
    %run_scoped3A_261 = arith.constant 1 : i32
    "tpu.region"() ({
      %run_scoped3A_534 = tpu.sem_alloc : memref<!tpu.dma_semaphore, #tpu.memory_space<semaphore_mem>>
      %dma_start3A_535 = arith.constant 0 : i32
      %dma_start3A_536 = arith.constant 0 : i32
      %dma_start3A_537 = tpu.memref_slice %arg3[%run_scoped3A_261, %arg1, %dma_start3A_535, %dma_start3A_536] : memref<2x16x157x128xi32, #tpu.memory_space<hbm>> -> memref<1x1x157x128xi32, #tpu.memory_space<hbm>>
      %dma_start3A_538 = tpu.memref_squeeze %dma_start3A_537 : memref<1x1x157x128xi32, #tpu.memory_space<hbm>> -> memref<157x128xi32, #tpu.memory_space<hbm>>
      %dma_start3A_539 = arith.constant 0 : i32
      %dma_start3A_540 = arith.constant 0 : i32
      %dma_start3A_541 = tpu.memref_slice %arg3[%run_scoped3A_261, %arg1, %dma_start3A_539, %dma_start3A_540] : memref<2x16x157x128xi32, #tpu.memory_space<hbm>> -> memref<1x1x157x128xi32, #tpu.memory_space<hbm>>
      %dma_start3A_542 = tpu.memref_squeeze %dma_start3A_541 : memref<1x1x157x128xi32, #tpu.memory_space<hbm>> -> memref<157x128xi32, #tpu.memory_space<hbm>>
      tpu.enqueue_dma source(%dma_start3A_542 : memref<157x128xi32, #tpu.memory_space<hbm>>) target(%arg6 : memref<157x128xi32, #tpu.memory_space<vmem>>) target_semaphore(%run_scoped3A_534 : memref<!tpu.dma_semaphore, #tpu.memory_space<semaphore_mem>>)
      %dma_wait3A_543 = arith.constant 0 : i32
      %dma_wait3A_544 = arith.constant 0 : i32
      %dma_wait3A_545 = tpu.memref_slice %arg3[%run_scoped3A_261, %arg1, %dma_wait3A_543, %dma_wait3A_544] : memref<2x16x157x128xi32, #tpu.memory_space<hbm>> -> memref<1x1x157x128xi32, #tpu.memory_space<hbm>>
      %dma_wait3A_546 = tpu.memref_squeeze %dma_wait3A_545 : memref<1x1x157x128xi32, #tpu.memory_space<hbm>> -> memref<157x128xi32, #tpu.memory_space<hbm>>
      %dma_wait3A_547 = arith.constant 0 : i32
      %dma_wait3A_548 = arith.constant 0 : i32
      %dma_wait3A_549 = tpu.memref_slice %arg3[%run_scoped3A_261, %arg1, %dma_wait3A_547, %dma_wait3A_548] : memref<2x16x157x128xi32, #tpu.memory_space<hbm>> -> memref<1x1x157x128xi32, #tpu.memory_space<hbm>>
      %dma_wait3A_550 = tpu.memref_squeeze %dma_wait3A_549 : memref<1x1x157x128xi32, #tpu.memory_space<hbm>> -> memref<157x128xi32, #tpu.memory_space<hbm>>
      tpu.wait_dma2 semaphore(%run_scoped3A_534 : memref<!tpu.dma_semaphore, #tpu.memory_space<semaphore_mem>>) src(%dma_wait3A_550 : memref<157x128xi32, #tpu.memory_space<hbm>>) dst(%arg6 : memref<157x128xi32, #tpu.memory_space<vmem>>)
      tpu.yield
    }) : () -> ()
    %run_scoped3A_262 = arith.constant 1 : i32
    "tpu.region"() ({
      %run_scoped3A_534 = tpu.sem_alloc : memref<!tpu.dma_semaphore, #tpu.memory_space<semaphore_mem>>
      %dma_start3A_535 = arith.constant 0 : i32
      %dma_start3A_536 = arith.constant 0 : i32
      %dma_start3A_537 = tpu.memref_slice %arg4[%run_scoped3A_262, %arg1, %dma_start3A_535, %dma_start3A_536] : memref<2x16x157x128xi32, #tpu.memory_space<hbm>> -> memref<1x1x157x128xi32, #tpu.memory_space<hbm>>
      %dma_start3A_538 = tpu.memref_squeeze %dma_start3A_537 : memref<1x1x157x128xi32, #tpu.memory_space<hbm>> -> memref<157x128xi32, #tpu.memory_space<hbm>>
      %dma_start3A_539 = arith.constant 0 : i32
      %dma_start3A_540 = arith.constant 0 : i32
      %dma_start3A_541 = tpu.memref_slice %arg4[%run_scoped3A_262, %arg1, %dma_start3A_539, %dma_start3A_540] : memref<2x16x157x128xi32, #tpu.memory_space<hbm>> -> memref<1x1x157x128xi32, #tpu.memory_space<hbm>>
      %dma_start3A_542 = tpu.memref_squeeze %dma_start3A_541 : memref<1x1x157x128xi32, #tpu.memory_space<hbm>> -> memref<157x128xi32, #tpu.memory_space<hbm>>
      tpu.enqueue_dma source(%dma_start3A_542 : memref<157x128xi32, #tpu.memory_space<hbm>>) target(%arg7 : memref<157x128xi32, #tpu.memory_space<vmem>>) target_semaphore(%run_scoped3A_534 : memref<!tpu.dma_semaphore, #tpu.memory_space<semaphore_mem>>)
      %dma_wait3A_543 = arith.constant 0 : i32
      %dma_wait3A_544 = arith.constant 0 : i32
      %dma_wait3A_545 = tpu.memref_slice %arg4[%run_scoped3A_262, %arg1, %dma_wait3A_543, %dma_wait3A_544] : memref<2x16x157x128xi32, #tpu.memory_space<hbm>> -> memref<1x1x157x128xi32, #tpu.memory_space<hbm>>
      %dma_wait3A_546 = tpu.memref_squeeze %dma_wait3A_545 : memref<1x1x157x128xi32, #tpu.memory_space<hbm>> -> memref<157x128xi32, #tpu.memory_space<hbm>>
      %dma_wait3A_547 = arith.constant 0 : i32
      %dma_wait3A_548 = arith.constant 0 : i32
      %dma_wait3A_549 = tpu.memref_slice %arg4[%run_scoped3A_262, %arg1, %dma_wait3A_547, %dma_wait3A_548] : memref<2x16x157x128xi32, #tpu.memory_space<hbm>> -> memref<1x1x157x128xi32, #tpu.memory_space<hbm>>
      %dma_wait3A_550 = tpu.memref_squeeze %dma_wait3A_549 : memref<1x1x157x128xi32, #tpu.memory_space<hbm>> -> memref<157x128xi32, #tpu.memory_space<hbm>>
      tpu.wait_dma2 semaphore(%run_scoped3A_534 : memref<!tpu.dma_semaphore, #tpu.memory_space<semaphore_mem>>) src(%dma_wait3A_550 : memref<157x128xi32, #tpu.memory_space<hbm>>) dst(%arg7 : memref<157x128xi32, #tpu.memory_space<vmem>>)
      tpu.yield
    }) : () -> ()
    %scan3A_263 = arith.constant 0 : i32
    %scan3A_264 = arith.constant 0 : i32
    %scan3A_265 = arith.constant 1024 : i32
    %scan3A_266 = arith.addi %scan3A_264, %scan3A_265 : i32
    %scan3A_267 = arith.constant 1 : i32
    scf.for %scan3A_534 = %scan3A_264 to %scan3A_266 step %scan3A_267  : i32 {
      %jit3A = arith.constant 8 : i32
      %div3A = arith.divsi %scan3A_534, %jit3A : i32
      %sign3A = arith.constant 0 : i32
      %sign3A_535 = arith.cmpi sgt, %scan3A_534, %sign3A : i32
      %sign3A_536 = arith.extui %sign3A_535 : i1 to i32
      %sign3A_537 = arith.constant 0 : i32
      %sign3A_538 = arith.cmpi slt, %scan3A_534, %sign3A_537 : i32
      %sign3A_539 = arith.extui %sign3A_538 : i1 to i32
      %sign3A_540 = arith.subi %sign3A_536, %sign3A_539 : i32
      %sign3A_541 = arith.constant 0 : i32
      %sign3A_542 = arith.cmpi sgt, %jit3A, %sign3A_541 : i32
      %sign3A_543 = arith.extui %sign3A_542 : i1 to i32
      %sign3A_544 = arith.constant 0 : i32
      %sign3A_545 = arith.cmpi slt, %jit3A, %sign3A_544 : i32
      %sign3A_546 = arith.extui %sign3A_545 : i1 to i32
      %sign3A_547 = arith.subi %sign3A_543, %sign3A_546 : i32
      %ne3A = arith.cmpi ne, %sign3A_540, %sign3A_547 : i32
      %rem3A = arith.remsi %scan3A_534, %jit3A : i32
      %ne3A_548 = arith.constant 0 : i32
      %ne3A_549 = arith.cmpi ne, %rem3A, %ne3A_548 : i32
      %and3A_550 = arith.andi %ne3A, %ne3A_549 : i1
      %sub3A_551 = arith.constant 1 : i32
      %sub3A_552 = arith.subi %div3A, %sub3A_551 : i32
      %select_n3A_553 = arith.select %and3A_550, %sub3A_552, %div3A : i32
      %jit3A_554 = arith.constant 8 : i32
      %eq3A = arith.constant 0 : i32
      %eq3A_555 = arith.cmpi eq, %jit3A_554, %eq3A : i32
      %jit3A_556 = arith.constant 1 : i32
      %select_n3A_557 = arith.select %eq3A_555, %jit3A_556, %jit3A_554 : i32
      %rem3A_558 = arith.remsi %scan3A_534, %select_n3A_557 : i32
      %ne3A_559 = arith.constant 0 : i32
      %ne3A_560 = arith.cmpi ne, %rem3A_558, %ne3A_559 : i32
      %lt3A_561 = arith.constant 0 : i32
      %lt3A_562 = arith.cmpi slt, %rem3A_558, %lt3A_561 : i32
      %lt3A_563 = arith.constant 0 : i32
      %lt3A_564 = arith.cmpi slt, %select_n3A_557, %lt3A_563 : i32
      %ne3A_565 = arith.xori %lt3A_562, %lt3A_564 : i1
      %and3A_566 = arith.andi %ne3A_565, %ne3A_560 : i1
      %add3A_567 = arith.addi %rem3A_558, %select_n3A_557 : i32
      %select_n3A_568 = arith.select %and3A_566, %add3A_567, %rem3A_558 : i32
      %mul3A_569 = arith.constant 16 : i32
      %mul3A_570 = arith.muli %select_n3A_568, %mul3A_569 : i32
      %swap3A_571 = arith.index_cast %select_n3A_553 : i32 to index
      %swap3A_572 = arith.index_cast %mul3A_570 : i32 to index
      %swap3A_573 = tpu.vector_load %arg8[%swap3A_571, %swap3A_572] {strides = array<i32>} : memref<128x128xf32, #tpu.memory_space<vmem>>, vector<1x16xf32>,
      %swap3A_574 = vector.shape_cast %swap3A_573 : vector<1x16xf32> to vector<16xf32>
      %swap3A_575 = vector.shape_cast %broadcast_in_dim3A_1 : vector<16xf32> to vector<1x16xf32>
      tpu.vector_store %arg8[%swap3A_571, %swap3A_572], %swap3A_575 {strides = array<i32>} : memref<128x128xf32, #tpu.memory_space<vmem>>, vector<1x16xf32>,
    }
    %scan3A_268 = arith.constant 1024 : i32
    %mul3A_269 = arith.constant 320 : i32
    %mul3A_270 = arith.muli %arg1, %mul3A_269 : i32
    %add3A_271 = arith.constant 0 : i32
    %add3A_272 = arith.addi %mul3A_270, %add3A_271 : i32
    "tpu.region"() ({
      %run_scoped3A_534 = tpu.sem_alloc : memref<!tpu.dma_semaphore, #tpu.memory_space<semaphore_mem>>
      %dma_start3A_535 = arith.constant 0 : i32
      %dma_start3A_536 = arith.constant 0 : i32
      %dma_start3A_537 = tpu.memref_slice %arg8[%dma_start3A_535, %dma_start3A_536] : memref<128x128xf32, #tpu.memory_space<vmem>> -> memref<128x128xf32, #tpu.memory_space<vmem>>
      %dma_start3A_538 = arith.constant 0 : i32
      %dma_start3A_539 = tpu.memref_slice %arg11[%add3A_272, %dma_start3A_538] : memref<6144x128xf32, #tpu.memory_space<vmem_shared>> -> memref<128x128xf32, #tpu.memory_space<vmem_shared>>
      %dma_start3A_540 = arith.constant 0 : i32
      %dma_start3A_541 = tpu.memref_slice %arg11[%add3A_272, %dma_start3A_540] : memref<6144x128xf32, #tpu.memory_space<vmem_shared>> -> memref<128x128xf32, #tpu.memory_space<vmem_shared>>
      %dma_start3A_542 = arith.constant 0 : i32
      %dma_start3A_543 = arith.constant 0 : i32
      %dma_start3A_544 = tpu.memref_slice %arg8[%dma_start3A_542, %dma_start3A_543] : memref<128x128xf32, #tpu.memory_space<vmem>> -> memref<128x128xf32, #tpu.memory_space<vmem>>
      tpu.enqueue_dma source(%dma_start3A_544 : memref<128x128xf32, #tpu.memory_space<vmem>>) target(%dma_start3A_541 : memref<128x128xf32, #tpu.memory_space<vmem_shared>>) target_semaphore(%run_scoped3A_534 : memref<!tpu.dma_semaphore, #tpu.memory_space<semaphore_mem>>)
      %dma_wait3A_545 = arith.constant 0 : i32
      %dma_wait3A_546 = arith.constant 0 : i32
      %dma_wait3A_547 = tpu.memref_slice %arg8[%dma_wait3A_545, %dma_wait3A_546] : memref<128x128xf32, #tpu.memory_space<vmem>> -> memref<128x128xf32, #tpu.memory_space<vmem>>
      %dma_wait3A_548 = arith.constant 0 : i32
      %dma_wait3A_549 = tpu.memref_slice %arg11[%add3A_272, %dma_wait3A_548] : memref<6144x128xf32, #tpu.memory_space<vmem_shared>> -> memref<128x128xf32, #tpu.memory_space<vmem_shared>>
      %dma_wait3A_550 = arith.constant 0 : i32
      %dma_wait3A_551 = tpu.memref_slice %arg11[%add3A_272, %dma_wait3A_550] : memref<6144x128xf32, #tpu.memory_space<vmem_shared>> -> memref<128x128xf32, #tpu.memory_space<vmem_shared>>
      %dma_wait3A_552 = arith.constant 0 : i32
      %dma_wait3A_553 = arith.constant 0 : i32
      %dma_wait3A_554 = tpu.memref_slice %arg8[%dma_wait3A_552, %dma_wait3A_553] : memref<128x128xf32, #tpu.memory_space<vmem>> -> memref<128x128xf32, #tpu.memory_space<vmem>>
      tpu.wait_dma2 semaphore(%run_scoped3A_534 : memref<!tpu.dma_semaphore, #tpu.memory_space<semaphore_mem>>) src(%dma_wait3A_554 : memref<128x128xf32, #tpu.memory_space<vmem>>) dst(%dma_wait3A_551 : memref<128x128xf32, #tpu.memory_space<vmem_shared>>)
      tpu.yield
    }) : () -> ()
    %add3A_273 = arith.constant 128 : i32
    %add3A_274 = arith.addi %mul3A_270, %add3A_273 : i32
    "tpu.region"() ({
      %run_scoped3A_534 = tpu.sem_alloc : memref<!tpu.dma_semaphore, #tpu.memory_space<semaphore_mem>>
      %dma_start3A_535 = arith.constant 0 : i32
      %dma_start3A_536 = arith.constant 0 : i32
      %dma_start3A_537 = tpu.memref_slice %arg8[%dma_start3A_535, %dma_start3A_536] : memref<128x128xf32, #tpu.memory_space<vmem>> -> memref<128x128xf32, #tpu.memory_space<vmem>>
      %dma_start3A_538 = arith.constant 0 : i32
      %dma_start3A_539 = tpu.memref_slice %arg11[%add3A_274, %dma_start3A_538] : memref<6144x128xf32, #tpu.memory_space<vmem_shared>> -> memref<128x128xf32, #tpu.memory_space<vmem_shared>>
      %dma_start3A_540 = arith.constant 0 : i32
      %dma_start3A_541 = tpu.memref_slice %arg11[%add3A_274, %dma_start3A_540] : memref<6144x128xf32, #tpu.memory_space<vmem_shared>> -> memref<128x128xf32, #tpu.memory_space<vmem_shared>>
      %dma_start3A_542 = arith.constant 0 : i32
      %dma_start3A_543 = arith.constant 0 : i32
      %dma_start3A_544 = tpu.memref_slice %arg8[%dma_start3A_542, %dma_start3A_543] : memref<128x128xf32, #tpu.memory_space<vmem>> -> memref<128x128xf32, #tpu.memory_space<vmem>>
      tpu.enqueue_dma source(%dma_start3A_544 : memref<128x128xf32, #tpu.memory_space<vmem>>) target(%dma_start3A_541 : memref<128x128xf32, #tpu.memory_space<vmem_shared>>) target_semaphore(%run_scoped3A_534 : memref<!tpu.dma_semaphore, #tpu.memory_space<semaphore_mem>>)
      %dma_wait3A_545 = arith.constant 0 : i32
      %dma_wait3A_546 = arith.constant 0 : i32
      %dma_wait3A_547 = tpu.memref_slice %arg8[%dma_wait3A_545, %dma_wait3A_546] : memref<128x128xf32, #tpu.memory_space<vmem>> -> memref<128x128xf32, #tpu.memory_space<vmem>>
      %dma_wait3A_548 = arith.constant 0 : i32
      %dma_wait3A_549 = tpu.memref_slice %arg11[%add3A_274, %dma_wait3A_548] : memref<6144x128xf32, #tpu.memory_space<vmem_shared>> -> memref<128x128xf32, #tpu.memory_space<vmem_shared>>
      %dma_wait3A_550 = arith.constant 0 : i32
      %dma_wait3A_551 = tpu.memref_slice %arg11[%add3A_274, %dma_wait3A_550] : memref<6144x128xf32, #tpu.memory_space<vmem_shared>> -> memref<128x128xf32, #tpu.memory_space<vmem_shared>>
      %dma_wait3A_552 = arith.constant 0 : i32
      %dma_wait3A_553 = arith.constant 0 : i32
      %dma_wait3A_554 = tpu.memref_slice %arg8[%dma_wait3A_552, %dma_wait3A_553] : memref<128x128xf32, #tpu.memory_space<vmem>> -> memref<128x128xf32, #tpu.memory_space<vmem>>
      tpu.wait_dma2 semaphore(%run_scoped3A_534 : memref<!tpu.dma_semaphore, #tpu.memory_space<semaphore_mem>>) src(%dma_wait3A_554 : memref<128x128xf32, #tpu.memory_space<vmem>>) dst(%dma_wait3A_551 : memref<128x128xf32, #tpu.memory_space<vmem_shared>>)
      tpu.yield
    }) : () -> ()
    %add3A_275 = arith.constant 256 : i32
    %add3A_276 = arith.addi %mul3A_270, %add3A_275 : i32
    "tpu.region"() ({
      %run_scoped3A_534 = tpu.sem_alloc : memref<!tpu.dma_semaphore, #tpu.memory_space<semaphore_mem>>
      %dma_start3A_535 = arith.constant 0 : i32
      %dma_start3A_536 = arith.constant 0 : i32
      %dma_start3A_537 = tpu.memref_slice %arg8[%dma_start3A_535, %dma_start3A_536] : memref<128x128xf32, #tpu.memory_space<vmem>> -> memref<64x128xf32, #tpu.memory_space<vmem>>
      %dma_start3A_538 = arith.constant 0 : i32
      %dma_start3A_539 = tpu.memref_slice %arg11[%add3A_276, %dma_start3A_538] : memref<6144x128xf32, #tpu.memory_space<vmem_shared>> -> memref<64x128xf32, #tpu.memory_space<vmem_shared>>
      %dma_start3A_540 = arith.constant 0 : i32
      %dma_start3A_541 = tpu.memref_slice %arg11[%add3A_276, %dma_start3A_540] : memref<6144x128xf32, #tpu.memory_space<vmem_shared>> -> memref<64x128xf32, #tpu.memory_space<vmem_shared>>
      %dma_start3A_542 = arith.constant 0 : i32
      %dma_start3A_543 = arith.constant 0 : i32
      %dma_start3A_544 = tpu.memref_slice %arg8[%dma_start3A_542, %dma_start3A_543] : memref<128x128xf32, #tpu.memory_space<vmem>> -> memref<64x128xf32, #tpu.memory_space<vmem>>
      tpu.enqueue_dma source(%dma_start3A_544 : memref<64x128xf32, #tpu.memory_space<vmem>>) target(%dma_start3A_541 : memref<64x128xf32, #tpu.memory_space<vmem_shared>>) target_semaphore(%run_scoped3A_534 : memref<!tpu.dma_semaphore, #tpu.memory_space<semaphore_mem>>)
      %dma_wait3A_545 = arith.constant 0 : i32
      %dma_wait3A_546 = arith.constant 0 : i32
      %dma_wait3A_547 = tpu.memref_slice %arg8[%dma_wait3A_545, %dma_wait3A_546] : memref<128x128xf32, #tpu.memory_space<vmem>> -> memref<64x128xf32, #tpu.memory_space<vmem>>
      %dma_wait3A_548 = arith.constant 0 : i32
      %dma_wait3A_549 = tpu.memref_slice %arg11[%add3A_276, %dma_wait3A_548] : memref<6144x128xf32, #tpu.memory_space<vmem_shared>> -> memref<64x128xf32, #tpu.memory_space<vmem_shared>>
      %dma_wait3A_550 = arith.constant 0 : i32
      %dma_wait3A_551 = tpu.memref_slice %arg11[%add3A_276, %dma_wait3A_550] : memref<6144x128xf32, #tpu.memory_space<vmem_shared>> -> memref<64x128xf32, #tpu.memory_space<vmem_shared>>
      %dma_wait3A_552 = arith.constant 0 : i32
      %dma_wait3A_553 = arith.constant 0 : i32
      %dma_wait3A_554 = tpu.memref_slice %arg8[%dma_wait3A_552, %dma_wait3A_553] : memref<128x128xf32, #tpu.memory_space<vmem>> -> memref<64x128xf32, #tpu.memory_space<vmem>>
      tpu.wait_dma2 semaphore(%run_scoped3A_534 : memref<!tpu.dma_semaphore, #tpu.memory_space<semaphore_mem>>) src(%dma_wait3A_554 : memref<64x128xf32, #tpu.memory_space<vmem>>) dst(%dma_wait3A_551 : memref<64x128xf32, #tpu.memory_space<vmem_shared>>)
      tpu.yield
    }) : () -> ()
    %barrier3A_277 = arith.constant 0 : index
    tpu.barrier barrier_id(%barrier3A_277)
    %dma_start3A_278 = arith.constant 0 : i32
    %dma_start3A_279 = arith.constant 0 : i32
    %dma_start3A_280 = tpu.memref_slice %arg6[%dma_start3A_278, %dma_start3A_279] : memref<157x128xi32, #tpu.memory_space<vmem>> -> memref<1x128xi32, #tpu.memory_space<vmem>>
    %dma_start3A_281 = tpu.memref_squeeze %dma_start3A_280 : memref<1x128xi32, #tpu.memory_space<vmem>> -> memref<128xi32, #tpu.memory_space<vmem>>
    %dma_start3A_282 = arith.constant 0 : i32
    %dma_start3A_283 = arith.constant 0 : i32
    %dma_start3A_284 = tpu.memref_slice %arg2[%dma_start3A_282, %dma_start3A_283] : memref<20000x128xf32, #tpu.memory_space<hbm>> -> memref<20000x128xf32, #tpu.memory_space<hbm>>
    tpu.enqueue_indirect_dma source(%dma_start3A_284 : memref<20000x128xf32, #tpu.memory_space<hbm>>) target(%arg8 : memref<128x128xf32, #tpu.memory_space<vmem>>) offsets(%dma_start3A_281 : memref<128xi32, #tpu.memory_space<vmem>>) semaphore(%arg12 : memref<!tpu.dma_semaphore, #tpu.memory_space<semaphore_mem>>)
    %scan3A_285 = arith.constant 0 : i32
    %scan3A_286 = arith.constant 0 : i32
    %scan3A_287 = arith.constant 78 : i32
    %scan3A_288 = arith.addi %scan3A_286, %scan3A_287 : i32
    %scan3A_289 = arith.constant 1 : i32
    scf.for %scan3A_534 = %scan3A_286 to %scan3A_288 step %scan3A_289  : i32 {
      %dma_wait3A_535 = arith.constant 0 : i32
      %dma_wait3A_536 = arith.constant 0 : i32
      %dma_wait3A_537 = tpu.memref_slice %arg6[%dma_wait3A_535, %dma_wait3A_536] : memref<157x128xi32, #tpu.memory_space<vmem>> -> memref<1x128xi32, #tpu.memory_space<vmem>>
      %dma_wait3A_538 = tpu.memref_squeeze %dma_wait3A_537 : memref<1x128xi32, #tpu.memory_space<vmem>> -> memref<128xi32, #tpu.memory_space<vmem>>
      %dma_wait3A_539 = arith.constant 0 : i32
      %dma_wait3A_540 = arith.constant 0 : i32
      %dma_wait3A_541 = tpu.memref_slice %arg2[%dma_wait3A_539, %dma_wait3A_540] : memref<20000x128xf32, #tpu.memory_space<hbm>> -> memref<20000x128xf32, #tpu.memory_space<hbm>>
      tpu.wait_indirect_dma semaphore(%arg12 : memref<!tpu.dma_semaphore, #tpu.memory_space<semaphore_mem>>) src(%dma_wait3A_541 : memref<20000x128xf32, #tpu.memory_space<hbm>>) dst(%arg8 : memref<128x128xf32, #tpu.memory_space<vmem>>)
      %mul3A_542 = arith.constant 2 : i32
      %mul3A_543 = arith.muli %mul3A_542, %scan3A_534 : i32
      %add3A_544 = arith.constant 1 : i32
      %add3A_545 = arith.addi %mul3A_543, %add3A_544 : i32
      %dma_start3A_546 = arith.constant 0 : i32
      %dma_start3A_547 = tpu.memref_slice %arg6[%add3A_545, %dma_start3A_546] : memref<157x128xi32, #tpu.memory_space<vmem>> -> memref<1x128xi32, #tpu.memory_space<vmem>>
      %dma_start3A_548 = tpu.memref_squeeze %dma_start3A_547 : memref<1x128xi32, #tpu.memory_space<vmem>> -> memref<128xi32, #tpu.memory_space<vmem>>
      %dma_start3A_549 = arith.constant 0 : i32
      %dma_start3A_550 = arith.constant 0 : i32
      %dma_start3A_551 = tpu.memref_slice %arg2[%dma_start3A_549, %dma_start3A_550] : memref<20000x128xf32, #tpu.memory_space<hbm>> -> memref<20000x128xf32, #tpu.memory_space<hbm>>
      tpu.enqueue_indirect_dma source(%dma_start3A_551 : memref<20000x128xf32, #tpu.memory_space<hbm>>) target(%arg9 : memref<128x128xf32, #tpu.memory_space<vmem>>) offsets(%dma_start3A_548 : memref<128xi32, #tpu.memory_space<vmem>>) semaphore(%arg13 : memref<!tpu.dma_semaphore, #tpu.memory_space<semaphore_mem>>)
      %mul3A_552 = arith.constant 2 : i32
      %mul3A_553 = arith.muli %mul3A_552, %scan3A_534 : i32
      %get3A_554 = arith.index_cast %mul3A_553 : i32 to index
      %get3A_555 = arith.constant 0 : index
      %get3A_556 = tpu.vector_load %arg7[%get3A_554, %get3A_555] {strides = array<i32>} : memref<157x128xi32, #tpu.memory_space<vmem>>, vector<1x16xi32>,
      %get3A_557 = vector.shape_cast %get3A_556 : vector<1x16xi32> to vector<16xi32>
      %sub3A_558 = vector.broadcast %mul3A_0 : i32 to vector<16xi32>
      %sub3A_559 = arith.subi %get3A_557, %sub3A_558 : vector<16xi32>
      %ge3A_560 = arith.constant 0 : i32
      %ge3A_561 = vector.broadcast %ge3A_560 : i32 to vector<16xi32>
      %ge3A_562 = arith.cmpi sge, %sub3A_559, %ge3A_561 : vector<16xi32>
      %lt3A_563 = arith.constant 5120 : i32
      %lt3A_564 = vector.broadcast %lt3A_563 : i32 to vector<16xi32>
      %lt3A_565 = arith.cmpi slt, %sub3A_559, %lt3A_564 : vector<16xi32>
      %and3A_566 = arith.andi %ge3A_562, %lt3A_565 : vector<16xi1>
      %mul3A_567 = arith.constant 128 : i32
      %mul3A_568 = arith.muli %mul3A_553, %mul3A_567 : i32
      %add3A_569 = arith.constant 0 : i32
      %add3A_570 = arith.addi %mul3A_568, %add3A_569 : i32
      %iota3A_571 = tpu.iota {dimensions = array<i32: 0>} : vector<16xi32>
      %add3A_572 = vector.broadcast %add3A_570 : i32 to vector<16xi32>
      %add3A_573 = arith.addi %add3A_572, %iota3A_571 : vector<16xi32>
      %and3A_574 = arith.constant 1023 : i32
      %and3A_575 = vector.broadcast %and3A_574 : i32 to vector<16xi32>
      %and3A_576 = arith.andi %add3A_573, %and3A_575 : vector<16xi32>
      %add3A_577 = arith.constant 5120 : i32
      %add3A_578 = vector.broadcast %add3A_577 : i32 to vector<16xi32>
      %add3A_579 = arith.addi %add3A_578, %and3A_576 : vector<16xi32>
      %select_n3A_580 = arith.select %and3A_566, %sub3A_559, %add3A_579 : vector<16xi1>, vector<16xi32>
      %swap3A_581 = arith.constant 0 : index
      %swap3A_582 = tpu.vector_load %arg10[%swap3A_581] {strides = array<i32>} : memref<128xi32, #tpu.memory_space<vmem>>, vector<16xi32>,
      %swap3A_583 = vector.shape_cast %swap3A_582 : vector<16xi32> to vector<16xi32>
      %swap3A_584 = vector.shape_cast %select_n3A_580 : vector<16xi32> to vector<16xi32>
      tpu.vector_store %arg10[%swap3A_581], %swap3A_584 {strides = array<i32>} : memref<128xi32, #tpu.memory_space<vmem>>, vector<16xi32>,
      %get3A_585 = arith.index_cast %mul3A_553 : i32 to index
      %get3A_586 = arith.constant 16 : index
      %get3A_587 = tpu.vector_load %arg7[%get3A_585, %get3A_586] {strides = array<i32>} : memref<157x128xi32, #tpu.memory_space<vmem>>, vector<1x16xi32>,
      %get3A_588 = vector.shape_cast %get3A_587 : vector<1x16xi32> to vector<16xi32>
      %sub3A_589 = vector.broadcast %mul3A_0 : i32 to vector<16xi32>
      %sub3A_590 = arith.subi %get3A_588, %sub3A_589 : vector<16xi32>
      %ge3A_591 = arith.constant 0 : i32
      %ge3A_592 = vector.broadcast %ge3A_591 : i32 to vector<16xi32>
      %ge3A_593 = arith.cmpi sge, %sub3A_590, %ge3A_592 : vector<16xi32>
      %lt3A_594 = arith.constant 5120 : i32
      %lt3A_595 = vector.broadcast %lt3A_594 : i32 to vector<16xi32>
      %lt3A_596 = arith.cmpi slt, %sub3A_590, %lt3A_595 : vector<16xi32>
      %and3A_597 = arith.andi %ge3A_593, %lt3A_596 : vector<16xi1>
      %mul3A_598 = arith.constant 128 : i32
      %mul3A_599 = arith.muli %mul3A_553, %mul3A_598 : i32
      %add3A_600 = arith.constant 16 : i32
      %add3A_601 = arith.addi %mul3A_599, %add3A_600 : i32
      %iota3A_602 = tpu.iota {dimensions = array<i32: 0>} : vector<16xi32>
      %add3A_603 = vector.broadcast %add3A_601 : i32 to vector<16xi32>
      %add3A_604 = arith.addi %add3A_603, %iota3A_602 : vector<16xi32>
      %and3A_605 = arith.constant 1023 : i32
      %and3A_606 = vector.broadcast %and3A_605 : i32 to vector<16xi32>
      %and3A_607 = arith.andi %add3A_604, %and3A_606 : vector<16xi32>
      %add3A_608 = arith.constant 5120 : i32
      %add3A_609 = vector.broadcast %add3A_608 : i32 to vector<16xi32>
      %add3A_610 = arith.addi %add3A_609, %and3A_607 : vector<16xi32>
      %select_n3A_611 = arith.select %and3A_597, %sub3A_590, %add3A_610 : vector<16xi1>, vector<16xi32>
      %swap3A_612 = arith.constant 16 : index
      %swap3A_613 = tpu.vector_load %arg10[%swap3A_612] {strides = array<i32>} : memref<128xi32, #tpu.memory_space<vmem>>, vector<16xi32>,
      %swap3A_614 = vector.shape_cast %swap3A_613 : vector<16xi32> to vector<16xi32>
      %swap3A_615 = vector.shape_cast %select_n3A_611 : vector<16xi32> to vector<16xi32>
      tpu.vector_store %arg10[%swap3A_612], %swap3A_615 {strides = array<i32>} : memref<128xi32, #tpu.memory_space<vmem>>, vector<16xi32>,
      %get3A_616 = arith.index_cast %mul3A_553 : i32 to index
      %get3A_617 = arith.constant 32 : index
      %get3A_618 = tpu.vector_load %arg7[%get3A_616, %get3A_617] {strides = array<i32>} : memref<157x128xi32, #tpu.memory_space<vmem>>, vector<1x16xi32>,
      %get3A_619 = vector.shape_cast %get3A_618 : vector<1x16xi32> to vector<16xi32>
      %sub3A_620 = vector.broadcast %mul3A_0 : i32 to vector<16xi32>
      %sub3A_621 = arith.subi %get3A_619, %sub3A_620 : vector<16xi32>
      %ge3A_622 = arith.constant 0 : i32
      %ge3A_623 = vector.broadcast %ge3A_622 : i32 to vector<16xi32>
      %ge3A_624 = arith.cmpi sge, %sub3A_621, %ge3A_623 : vector<16xi32>
      %lt3A_625 = arith.constant 5120 : i32
      %lt3A_626 = vector.broadcast %lt3A_625 : i32 to vector<16xi32>
      %lt3A_627 = arith.cmpi slt, %sub3A_621, %lt3A_626 : vector<16xi32>
      %and3A_628 = arith.andi %ge3A_624, %lt3A_627 : vector<16xi1>
      %mul3A_629 = arith.constant 128 : i32
      %mul3A_630 = arith.muli %mul3A_553, %mul3A_629 : i32
      %add3A_631 = arith.constant 32 : i32
      %add3A_632 = arith.addi %mul3A_630, %add3A_631 : i32
      %iota3A_633 = tpu.iota {dimensions = array<i32: 0>} : vector<16xi32>
      %add3A_634 = vector.broadcast %add3A_632 : i32 to vector<16xi32>
      %add3A_635 = arith.addi %add3A_634, %iota3A_633 : vector<16xi32>
      %and3A_636 = arith.constant 1023 : i32
      %and3A_637 = vector.broadcast %and3A_636 : i32 to vector<16xi32>
      %and3A_638 = arith.andi %add3A_635, %and3A_637 : vector<16xi32>
      %add3A_639 = arith.constant 5120 : i32
      %add3A_640 = vector.broadcast %add3A_639 : i32 to vector<16xi32>
      %add3A_641 = arith.addi %add3A_640, %and3A_638 : vector<16xi32>
      %select_n3A_642 = arith.select %and3A_628, %sub3A_621, %add3A_641 : vector<16xi1>, vector<16xi32>
      %swap3A_643 = arith.constant 32 : index
      %swap3A_644 = tpu.vector_load %arg10[%swap3A_643] {strides = array<i32>} : memref<128xi32, #tpu.memory_space<vmem>>, vector<16xi32>,
      %swap3A_645 = vector.shape_cast %swap3A_644 : vector<16xi32> to vector<16xi32>
      %swap3A_646 = vector.shape_cast %select_n3A_642 : vector<16xi32> to vector<16xi32>
      tpu.vector_store %arg10[%swap3A_643], %swap3A_646 {strides = array<i32>} : memref<128xi32, #tpu.memory_space<vmem>>, vector<16xi32>,
      %get3A_647 = arith.index_cast %mul3A_553 : i32 to index
      %get3A_648 = arith.constant 48 : index
      %get3A_649 = tpu.vector_load %arg7[%get3A_647, %get3A_648] {strides = array<i32>} : memref<157x128xi32, #tpu.memory_space<vmem>>, vector<1x16xi32>,
      %get3A_650 = vector.shape_cast %get3A_649 : vector<1x16xi32> to vector<16xi32>
      %sub3A_651 = vector.broadcast %mul3A_0 : i32 to vector<16xi32>
      %sub3A_652 = arith.subi %get3A_650, %sub3A_651 : vector<16xi32>
      %ge3A_653 = arith.constant 0 : i32
      %ge3A_654 = vector.broadcast %ge3A_653 : i32 to vector<16xi32>
      %ge3A_655 = arith.cmpi sge, %sub3A_652, %ge3A_654 : vector<16xi32>
      %lt3A_656 = arith.constant 5120 : i32
      %lt3A_657 = vector.broadcast %lt3A_656 : i32 to vector<16xi32>
      %lt3A_658 = arith.cmpi slt, %sub3A_652, %lt3A_657 : vector<16xi32>
      %and3A_659 = arith.andi %ge3A_655, %lt3A_658 : vector<16xi1>
      %mul3A_660 = arith.constant 128 : i32
      %mul3A_661 = arith.muli %mul3A_553, %mul3A_660 : i32
      %add3A_662 = arith.constant 48 : i32
      %add3A_663 = arith.addi %mul3A_661, %add3A_662 : i32
      %iota3A_664 = tpu.iota {dimensions = array<i32: 0>} : vector<16xi32>
      %add3A_665 = vector.broadcast %add3A_663 : i32 to vector<16xi32>
      %add3A_666 = arith.addi %add3A_665, %iota3A_664 : vector<16xi32>
      %and3A_667 = arith.constant 1023 : i32
      %and3A_668 = vector.broadcast %and3A_667 : i32 to vector<16xi32>
      %and3A_669 = arith.andi %add3A_666, %and3A_668 : vector<16xi32>
      %add3A_670 = arith.constant 5120 : i32
      %add3A_671 = vector.broadcast %add3A_670 : i32 to vector<16xi32>
      %add3A_672 = arith.addi %add3A_671, %and3A_669 : vector<16xi32>
      %select_n3A_673 = arith.select %and3A_659, %sub3A_652, %add3A_672 : vector<16xi1>, vector<16xi32>
      %swap3A_674 = arith.constant 48 : index
      %swap3A_675 = tpu.vector_load %arg10[%swap3A_674] {strides = array<i32>} : memref<128xi32, #tpu.memory_space<vmem>>, vector<16xi32>,
      %swap3A_676 = vector.shape_cast %swap3A_675 : vector<16xi32> to vector<16xi32>
      %swap3A_677 = vector.shape_cast %select_n3A_673 : vector<16xi32> to vector<16xi32>
      tpu.vector_store %arg10[%swap3A_674], %swap3A_677 {strides = array<i32>} : memref<128xi32, #tpu.memory_space<vmem>>, vector<16xi32>,
      %get3A_678 = arith.index_cast %mul3A_553 : i32 to index
      %get3A_679 = arith.constant 64 : index
      %get3A_680 = tpu.vector_load %arg7[%get3A_678, %get3A_679] {strides = array<i32>} : memref<157x128xi32, #tpu.memory_space<vmem>>, vector<1x16xi32>,
      %get3A_681 = vector.shape_cast %get3A_680 : vector<1x16xi32> to vector<16xi32>
      %sub3A_682 = vector.broadcast %mul3A_0 : i32 to vector<16xi32>
      %sub3A_683 = arith.subi %get3A_681, %sub3A_682 : vector<16xi32>
      %ge3A_684 = arith.constant 0 : i32
      %ge3A_685 = vector.broadcast %ge3A_684 : i32 to vector<16xi32>
      %ge3A_686 = arith.cmpi sge, %sub3A_683, %ge3A_685 : vector<16xi32>
      %lt3A_687 = arith.constant 5120 : i32
      %lt3A_688 = vector.broadcast %lt3A_687 : i32 to vector<16xi32>
      %lt3A_689 = arith.cmpi slt, %sub3A_683, %lt3A_688 : vector<16xi32>
      %and3A_690 = arith.andi %ge3A_686, %lt3A_689 : vector<16xi1>
      %mul3A_691 = arith.constant 128 : i32
      %mul3A_692 = arith.muli %mul3A_553, %mul3A_691 : i32
      %add3A_693 = arith.constant 64 : i32
      %add3A_694 = arith.addi %mul3A_692, %add3A_693 : i32
      %iota3A_695 = tpu.iota {dimensions = array<i32: 0>} : vector<16xi32>
      %add3A_696 = vector.broadcast %add3A_694 : i32 to vector<16xi32>
      %add3A_697 = arith.addi %add3A_696, %iota3A_695 : vector<16xi32>
      %and3A_698 = arith.constant 1023 : i32
      %and3A_699 = vector.broadcast %and3A_698 : i32 to vector<16xi32>
      %and3A_700 = arith.andi %add3A_697, %and3A_699 : vector<16xi32>
      %add3A_701 = arith.constant 5120 : i32
      %add3A_702 = vector.broadcast %add3A_701 : i32 to vector<16xi32>
      %add3A_703 = arith.addi %add3A_702, %and3A_700 : vector<16xi32>
      %select_n3A_704 = arith.select %and3A_690, %sub3A_683, %add3A_703 : vector<16xi1>, vector<16xi32>
      %swap3A_705 = arith.constant 64 : index
      %swap3A_706 = tpu.vector_load %arg10[%swap3A_705] {strides = array<i32>} : memref<128xi32, #tpu.memory_space<vmem>>, vector<16xi32>,
      %swap3A_707 = vector.shape_cast %swap3A_706 : vector<16xi32> to vector<16xi32>
      %swap3A_708 = vector.shape_cast %select_n3A_704 : vector<16xi32> to vector<16xi32>
      tpu.vector_store %arg10[%swap3A_705], %swap3A_708 {strides = array<i32>} : memref<128xi32, #tpu.memory_space<vmem>>, vector<16xi32>,
      %get3A_709 = arith.index_cast %mul3A_553 : i32 to index
      %get3A_710 = arith.constant 80 : index
      %get3A_711 = tpu.vector_load %arg7[%get3A_709, %get3A_710] {strides = array<i32>} : memref<157x128xi32, #tpu.memory_space<vmem>>, vector<1x16xi32>,
      %get3A_712 = vector.shape_cast %get3A_711 : vector<1x16xi32> to vector<16xi32>
      %sub3A_713 = vector.broadcast %mul3A_0 : i32 to vector<16xi32>
      %sub3A_714 = arith.subi %get3A_712, %sub3A_713 : vector<16xi32>
      %ge3A_715 = arith.constant 0 : i32
      %ge3A_716 = vector.broadcast %ge3A_715 : i32 to vector<16xi32>
      %ge3A_717 = arith.cmpi sge, %sub3A_714, %ge3A_716 : vector<16xi32>
      %lt3A_718 = arith.constant 5120 : i32
      %lt3A_719 = vector.broadcast %lt3A_718 : i32 to vector<16xi32>
      %lt3A_720 = arith.cmpi slt, %sub3A_714, %lt3A_719 : vector<16xi32>
      %and3A_721 = arith.andi %ge3A_717, %lt3A_720 : vector<16xi1>
      %mul3A_722 = arith.constant 128 : i32
      %mul3A_723 = arith.muli %mul3A_553, %mul3A_722 : i32
      %add3A_724 = arith.constant 80 : i32
      %add3A_725 = arith.addi %mul3A_723, %add3A_724 : i32
      %iota3A_726 = tpu.iota {dimensions = array<i32: 0>} : vector<16xi32>
      %add3A_727 = vector.broadcast %add3A_725 : i32 to vector<16xi32>
      %add3A_728 = arith.addi %add3A_727, %iota3A_726 : vector<16xi32>
      %and3A_729 = arith.constant 1023 : i32
      %and3A_730 = vector.broadcast %and3A_729 : i32 to vector<16xi32>
      %and3A_731 = arith.andi %add3A_728, %and3A_730 : vector<16xi32>
      %add3A_732 = arith.constant 5120 : i32
      %add3A_733 = vector.broadcast %add3A_732 : i32 to vector<16xi32>
      %add3A_734 = arith.addi %add3A_733, %and3A_731 : vector<16xi32>
      %select_n3A_735 = arith.select %and3A_721, %sub3A_714, %add3A_734 : vector<16xi1>, vector<16xi32>
      %swap3A_736 = arith.constant 80 : index
      %swap3A_737 = tpu.vector_load %arg10[%swap3A_736] {strides = array<i32>} : memref<128xi32, #tpu.memory_space<vmem>>, vector<16xi32>,
      %swap3A_738 = vector.shape_cast %swap3A_737 : vector<16xi32> to vector<16xi32>
      %swap3A_739 = vector.shape_cast %select_n3A_735 : vector<16xi32> to vector<16xi32>
      tpu.vector_store %arg10[%swap3A_736], %swap3A_739 {strides = array<i32>} : memref<128xi32, #tpu.memory_space<vmem>>, vector<16xi32>,
      %get3A_740 = arith.index_cast %mul3A_553 : i32 to index
      %get3A_741 = arith.constant 96 : index
      %get3A_742 = tpu.vector_load %arg7[%get3A_740, %get3A_741] {strides = array<i32>} : memref<157x128xi32, #tpu.memory_space<vmem>>, vector<1x16xi32>,
      %get3A_743 = vector.shape_cast %get3A_742 : vector<1x16xi32> to vector<16xi32>
      %sub3A_744 = vector.broadcast %mul3A_0 : i32 to vector<16xi32>
      %sub3A_745 = arith.subi %get3A_743, %sub3A_744 : vector<16xi32>
      %ge3A_746 = arith.constant 0 : i32
      %ge3A_747 = vector.broadcast %ge3A_746 : i32 to vector<16xi32>
      %ge3A_748 = arith.cmpi sge, %sub3A_745, %ge3A_747 : vector<16xi32>
      %lt3A_749 = arith.constant 5120 : i32
      %lt3A_750 = vector.broadcast %lt3A_749 : i32 to vector<16xi32>
      %lt3A_751 = arith.cmpi slt, %sub3A_745, %lt3A_750 : vector<16xi32>
      %and3A_752 = arith.andi %ge3A_748, %lt3A_751 : vector<16xi1>
      %mul3A_753 = arith.constant 128 : i32
      %mul3A_754 = arith.muli %mul3A_553, %mul3A_753 : i32
      %add3A_755 = arith.constant 96 : i32
      %add3A_756 = arith.addi %mul3A_754, %add3A_755 : i32
      %iota3A_757 = tpu.iota {dimensions = array<i32: 0>} : vector<16xi32>
      %add3A_758 = vector.broadcast %add3A_756 : i32 to vector<16xi32>
      %add3A_759 = arith.addi %add3A_758, %iota3A_757 : vector<16xi32>
      %and3A_760 = arith.constant 1023 : i32
      %and3A_761 = vector.broadcast %and3A_760 : i32 to vector<16xi32>
      %and3A_762 = arith.andi %add3A_759, %and3A_761 : vector<16xi32>
      %add3A_763 = arith.constant 5120 : i32
      %add3A_764 = vector.broadcast %add3A_763 : i32 to vector<16xi32>
      %add3A_765 = arith.addi %add3A_764, %and3A_762 : vector<16xi32>
      %select_n3A_766 = arith.select %and3A_752, %sub3A_745, %add3A_765 : vector<16xi1>, vector<16xi32>
      %swap3A_767 = arith.constant 96 : index
      %swap3A_768 = tpu.vector_load %arg10[%swap3A_767] {strides = array<i32>} : memref<128xi32, #tpu.memory_space<vmem>>, vector<16xi32>,
      %swap3A_769 = vector.shape_cast %swap3A_768 : vector<16xi32> to vector<16xi32>
      %swap3A_770 = vector.shape_cast %select_n3A_766 : vector<16xi32> to vector<16xi32>
      tpu.vector_store %arg10[%swap3A_767], %swap3A_770 {strides = array<i32>} : memref<128xi32, #tpu.memory_space<vmem>>, vector<16xi32>,
      %get3A_771 = arith.index_cast %mul3A_553 : i32 to index
      %get3A_772 = arith.constant 112 : index
      %get3A_773 = tpu.vector_load %arg7[%get3A_771, %get3A_772] {strides = array<i32>} : memref<157x128xi32, #tpu.memory_space<vmem>>, vector<1x16xi32>,
      %get3A_774 = vector.shape_cast %get3A_773 : vector<1x16xi32> to vector<16xi32>
      %sub3A_775 = vector.broadcast %mul3A_0 : i32 to vector<16xi32>
      %sub3A_776 = arith.subi %get3A_774, %sub3A_775 : vector<16xi32>
      %ge3A_777 = arith.constant 0 : i32
      %ge3A_778 = vector.broadcast %ge3A_777 : i32 to vector<16xi32>
      %ge3A_779 = arith.cmpi sge, %sub3A_776, %ge3A_778 : vector<16xi32>
      %lt3A_780 = arith.constant 5120 : i32
      %lt3A_781 = vector.broadcast %lt3A_780 : i32 to vector<16xi32>
      %lt3A_782 = arith.cmpi slt, %sub3A_776, %lt3A_781 : vector<16xi32>
      %and3A_783 = arith.andi %ge3A_779, %lt3A_782 : vector<16xi1>
      %mul3A_784 = arith.constant 128 : i32
      %mul3A_785 = arith.muli %mul3A_553, %mul3A_784 : i32
      %add3A_786 = arith.constant 112 : i32
      %add3A_787 = arith.addi %mul3A_785, %add3A_786 : i32
      %iota3A_788 = tpu.iota {dimensions = array<i32: 0>} : vector<16xi32>
      %add3A_789 = vector.broadcast %add3A_787 : i32 to vector<16xi32>
      %add3A_790 = arith.addi %add3A_789, %iota3A_788 : vector<16xi32>
      %and3A_791 = arith.constant 1023 : i32
      %and3A_792 = vector.broadcast %and3A_791 : i32 to vector<16xi32>
      %and3A_793 = arith.andi %add3A_790, %and3A_792 : vector<16xi32>
      %add3A_794 = arith.constant 5120 : i32
      %add3A_795 = vector.broadcast %add3A_794 : i32 to vector<16xi32>
      %add3A_796 = arith.addi %add3A_795, %and3A_793 : vector<16xi32>
      %select_n3A_797 = arith.select %and3A_783, %sub3A_776, %add3A_796 : vector<16xi1>, vector<16xi32>
      %swap3A_798 = arith.constant 112 : index
      %swap3A_799 = tpu.vector_load %arg10[%swap3A_798] {strides = array<i32>} : memref<128xi32, #tpu.memory_space<vmem>>, vector<16xi32>,
      %swap3A_800 = vector.shape_cast %swap3A_799 : vector<16xi32> to vector<16xi32>
      %swap3A_801 = vector.shape_cast %select_n3A_797 : vector<16xi32> to vector<16xi32>
      tpu.vector_store %arg10[%swap3A_798], %swap3A_801 {strides = array<i32>} : memref<128xi32, #tpu.memory_space<vmem>>, vector<16xi32>,
      "tpu.region"() ({
        %run_scoped3A_1071 = tpu.sem_alloc : memref<!tpu.dma_semaphore, #tpu.memory_space<semaphore_mem>>
        %dma_start3A_1072 = arith.constant 0 : i32
        %dma_start3A_1073 = arith.constant 0 : i32
        %dma_start3A_1074 = tpu.memref_slice %arg11[%dma_start3A_1072, %dma_start3A_1073] : memref<6144x128xf32, #tpu.memory_space<vmem_shared>> -> memref<6144x128xf32, #tpu.memory_space<vmem_shared>>
        tpu.enqueue_indirect_dma source(%arg8 : memref<128x128xf32, #tpu.memory_space<vmem>>) target(%dma_start3A_1074 : memref<6144x128xf32, #tpu.memory_space<vmem_shared>>) offsets(%arg10 : memref<128xi32, #tpu.memory_space<vmem>>) semaphore(%run_scoped3A_1071 : memref<!tpu.dma_semaphore, #tpu.memory_space<semaphore_mem>>) {add = true}
        %dma_wait3A_1075 = arith.constant 0 : i32
        %dma_wait3A_1076 = arith.constant 0 : i32
        %dma_wait3A_1077 = tpu.memref_slice %arg11[%dma_wait3A_1075, %dma_wait3A_1076] : memref<6144x128xf32, #tpu.memory_space<vmem_shared>> -> memref<6144x128xf32, #tpu.memory_space<vmem_shared>>
        tpu.wait_indirect_dma semaphore(%run_scoped3A_1071 : memref<!tpu.dma_semaphore, #tpu.memory_space<semaphore_mem>>) src(%arg8 : memref<128x128xf32, #tpu.memory_space<vmem>>) dst(%dma_wait3A_1077 : memref<6144x128xf32, #tpu.memory_space<vmem_shared>>)
        tpu.yield
      }) : () -> ()
      %dma_wait3A_802 = arith.constant 0 : i32
      %dma_wait3A_803 = arith.constant 0 : i32
      %dma_wait3A_804 = tpu.memref_slice %arg6[%dma_wait3A_802, %dma_wait3A_803] : memref<157x128xi32, #tpu.memory_space<vmem>> -> memref<1x128xi32, #tpu.memory_space<vmem>>
      %dma_wait3A_805 = tpu.memref_squeeze %dma_wait3A_804 : memref<1x128xi32, #tpu.memory_space<vmem>> -> memref<128xi32, #tpu.memory_space<vmem>>
      %dma_wait3A_806 = arith.constant 0 : i32
      %dma_wait3A_807 = arith.constant 0 : i32
      %dma_wait3A_808 = tpu.memref_slice %arg2[%dma_wait3A_806, %dma_wait3A_807] : memref<20000x128xf32, #tpu.memory_space<hbm>> -> memref<20000x128xf32, #tpu.memory_space<hbm>>
      tpu.wait_indirect_dma semaphore(%arg13 : memref<!tpu.dma_semaphore, #tpu.memory_space<semaphore_mem>>) src(%dma_wait3A_808 : memref<20000x128xf32, #tpu.memory_space<hbm>>) dst(%arg9 : memref<128x128xf32, #tpu.memory_space<vmem>>)
      %mul3A_809 = arith.constant 2 : i32
      %mul3A_810 = arith.muli %mul3A_809, %scan3A_534 : i32
      %add3A_811 = arith.constant 2 : i32
      %add3A_812 = arith.addi %mul3A_810, %add3A_811 : i32
      %dma_start3A_813 = arith.constant 0 : i32
      %dma_start3A_814 = tpu.memref_slice %arg6[%add3A_812, %dma_start3A_813] : memref<157x128xi32, #tpu.memory_space<vmem>> -> memref<1x128xi32, #tpu.memory_space<vmem>>
      %dma_start3A_815 = tpu.memref_squeeze %dma_start3A_814 : memref<1x128xi32, #tpu.memory_space<vmem>> -> memref<128xi32, #tpu.memory_space<vmem>>
      %dma_start3A_816 = arith.constant 0 : i32
      %dma_start3A_817 = arith.constant 0 : i32
      %dma_start3A_818 = tpu.memref_slice %arg2[%dma_start3A_816, %dma_start3A_817] : memref<20000x128xf32, #tpu.memory_space<hbm>> -> memref<20000x128xf32, #tpu.memory_space<hbm>>
      tpu.enqueue_indirect_dma source(%dma_start3A_818 : memref<20000x128xf32, #tpu.memory_space<hbm>>) target(%arg8 : memref<128x128xf32, #tpu.memory_space<vmem>>) offsets(%dma_start3A_815 : memref<128xi32, #tpu.memory_space<vmem>>) semaphore(%arg12 : memref<!tpu.dma_semaphore, #tpu.memory_space<semaphore_mem>>)
      %mul3A_819 = arith.constant 2 : i32
      %mul3A_820 = arith.muli %mul3A_819, %scan3A_534 : i32
      %add3A_821 = arith.constant 1 : i32
      %add3A_822 = arith.addi %mul3A_820, %add3A_821 : i32
      %get3A_823 = arith.index_cast %add3A_822 : i32 to index
      %get3A_824 = arith.constant 0 : index
      %get3A_825 = tpu.vector_load %arg7[%get3A_823, %get3A_824] {strides = array<i32>} : memref<157x128xi32, #tpu.memory_space<vmem>>, vector<1x16xi32>,
      %get3A_826 = vector.shape_cast %get3A_825 : vector<1x16xi32> to vector<16xi32>
      %sub3A_827 = vector.broadcast %mul3A_0 : i32 to vector<16xi32>
      %sub3A_828 = arith.subi %get3A_826, %sub3A_827 : vector<16xi32>
      %ge3A_829 = arith.constant 0 : i32
      %ge3A_830 = vector.broadcast %ge3A_829 : i32 to vector<16xi32>
      %ge3A_831 = arith.cmpi sge, %sub3A_828, %ge3A_830 : vector<16xi32>
      %lt3A_832 = arith.constant 5120 : i32
      %lt3A_833 = vector.broadcast %lt3A_832 : i32 to vector<16xi32>
      %lt3A_834 = arith.cmpi slt, %sub3A_828, %lt3A_833 : vector<16xi32>
      %and3A_835 = arith.andi %ge3A_831, %lt3A_834 : vector<16xi1>
      %mul3A_836 = arith.constant 128 : i32
      %mul3A_837 = arith.muli %add3A_822, %mul3A_836 : i32
      %add3A_838 = arith.constant 0 : i32
      %add3A_839 = arith.addi %mul3A_837, %add3A_838 : i32
      %iota3A_840 = tpu.iota {dimensions = array<i32: 0>} : vector<16xi32>
      %add3A_841 = vector.broadcast %add3A_839 : i32 to vector<16xi32>
      %add3A_842 = arith.addi %add3A_841, %iota3A_840 : vector<16xi32>
      %and3A_843 = arith.constant 1023 : i32
      %and3A_844 = vector.broadcast %and3A_843 : i32 to vector<16xi32>
      %and3A_845 = arith.andi %add3A_842, %and3A_844 : vector<16xi32>
      %add3A_846 = arith.constant 5120 : i32
      %add3A_847 = vector.broadcast %add3A_846 : i32 to vector<16xi32>
      %add3A_848 = arith.addi %add3A_847, %and3A_845 : vector<16xi32>
      %select_n3A_849 = arith.select %and3A_835, %sub3A_828, %add3A_848 : vector<16xi1>, vector<16xi32>
      %swap3A_850 = arith.constant 0 : index
      %swap3A_851 = tpu.vector_load %arg10[%swap3A_850] {strides = array<i32>} : memref<128xi32, #tpu.memory_space<vmem>>, vector<16xi32>,
      %swap3A_852 = vector.shape_cast %swap3A_851 : vector<16xi32> to vector<16xi32>
      %swap3A_853 = vector.shape_cast %select_n3A_849 : vector<16xi32> to vector<16xi32>
      tpu.vector_store %arg10[%swap3A_850], %swap3A_853 {strides = array<i32>} : memref<128xi32, #tpu.memory_space<vmem>>, vector<16xi32>,
      %get3A_854 = arith.index_cast %add3A_822 : i32 to index
      %get3A_855 = arith.constant 16 : index
      %get3A_856 = tpu.vector_load %arg7[%get3A_854, %get3A_855] {strides = array<i32>} : memref<157x128xi32, #tpu.memory_space<vmem>>, vector<1x16xi32>,
      %get3A_857 = vector.shape_cast %get3A_856 : vector<1x16xi32> to vector<16xi32>
      %sub3A_858 = vector.broadcast %mul3A_0 : i32 to vector<16xi32>
      %sub3A_859 = arith.subi %get3A_857, %sub3A_858 : vector<16xi32>
      %ge3A_860 = arith.constant 0 : i32
      %ge3A_861 = vector.broadcast %ge3A_860 : i32 to vector<16xi32>
      %ge3A_862 = arith.cmpi sge, %sub3A_859, %ge3A_861 : vector<16xi32>
      %lt3A_863 = arith.constant 5120 : i32
      %lt3A_864 = vector.broadcast %lt3A_863 : i32 to vector<16xi32>
      %lt3A_865 = arith.cmpi slt, %sub3A_859, %lt3A_864 : vector<16xi32>
      %and3A_866 = arith.andi %ge3A_862, %lt3A_865 : vector<16xi1>
      %mul3A_867 = arith.constant 128 : i32
      %mul3A_868 = arith.muli %add3A_822, %mul3A_867 : i32
      %add3A_869 = arith.constant 16 : i32
      %add3A_870 = arith.addi %mul3A_868, %add3A_869 : i32
      %iota3A_871 = tpu.iota {dimensions = array<i32: 0>} : vector<16xi32>
      %add3A_872 = vector.broadcast %add3A_870 : i32 to vector<16xi32>
      %add3A_873 = arith.addi %add3A_872, %iota3A_871 : vector<16xi32>
      %and3A_874 = arith.constant 1023 : i32
      %and3A_875 = vector.broadcast %and3A_874 : i32 to vector<16xi32>
      %and3A_876 = arith.andi %add3A_873, %and3A_875 : vector<16xi32>
      %add3A_877 = arith.constant 5120 : i32
      %add3A_878 = vector.broadcast %add3A_877 : i32 to vector<16xi32>
      %add3A_879 = arith.addi %add3A_878, %and3A_876 : vector<16xi32>
      %select_n3A_880 = arith.select %and3A_866, %sub3A_859, %add3A_879 : vector<16xi1>, vector<16xi32>
      %swap3A_881 = arith.constant 16 : index
      %swap3A_882 = tpu.vector_load %arg10[%swap3A_881] {strides = array<i32>} : memref<128xi32, #tpu.memory_space<vmem>>, vector<16xi32>,
      %swap3A_883 = vector.shape_cast %swap3A_882 : vector<16xi32> to vector<16xi32>
      %swap3A_884 = vector.shape_cast %select_n3A_880 : vector<16xi32> to vector<16xi32>
      tpu.vector_store %arg10[%swap3A_881], %swap3A_884 {strides = array<i32>} : memref<128xi32, #tpu.memory_space<vmem>>, vector<16xi32>,
      %get3A_885 = arith.index_cast %add3A_822 : i32 to index
      %get3A_886 = arith.constant 32 : index
      %get3A_887 = tpu.vector_load %arg7[%get3A_885, %get3A_886] {strides = array<i32>} : memref<157x128xi32, #tpu.memory_space<vmem>>, vector<1x16xi32>,
      %get3A_888 = vector.shape_cast %get3A_887 : vector<1x16xi32> to vector<16xi32>
      %sub3A_889 = vector.broadcast %mul3A_0 : i32 to vector<16xi32>
      %sub3A_890 = arith.subi %get3A_888, %sub3A_889 : vector<16xi32>
      %ge3A_891 = arith.constant 0 : i32
      %ge3A_892 = vector.broadcast %ge3A_891 : i32 to vector<16xi32>
      %ge3A_893 = arith.cmpi sge, %sub3A_890, %ge3A_892 : vector<16xi32>
      %lt3A_894 = arith.constant 5120 : i32
      %lt3A_895 = vector.broadcast %lt3A_894 : i32 to vector<16xi32>
      %lt3A_896 = arith.cmpi slt, %sub3A_890, %lt3A_895 : vector<16xi32>
      %and3A_897 = arith.andi %ge3A_893, %lt3A_896 : vector<16xi1>
      %mul3A_898 = arith.constant 128 : i32
      %mul3A_899 = arith.muli %add3A_822, %mul3A_898 : i32
      %add3A_900 = arith.constant 32 : i32
      %add3A_901 = arith.addi %mul3A_899, %add3A_900 : i32
      %iota3A_902 = tpu.iota {dimensions = array<i32: 0>} : vector<16xi32>
      %add3A_903 = vector.broadcast %add3A_901 : i32 to vector<16xi32>
      %add3A_904 = arith.addi %add3A_903, %iota3A_902 : vector<16xi32>
      %and3A_905 = arith.constant 1023 : i32
      %and3A_906 = vector.broadcast %and3A_905 : i32 to vector<16xi32>
      %and3A_907 = arith.andi %add3A_904, %and3A_906 : vector<16xi32>
      %add3A_908 = arith.constant 5120 : i32
      %add3A_909 = vector.broadcast %add3A_908 : i32 to vector<16xi32>
      %add3A_910 = arith.addi %add3A_909, %and3A_907 : vector<16xi32>
      %select_n3A_911 = arith.select %and3A_897, %sub3A_890, %add3A_910 : vector<16xi1>, vector<16xi32>
      %swap3A_912 = arith.constant 32 : index
      %swap3A_913 = tpu.vector_load %arg10[%swap3A_912] {strides = array<i32>} : memref<128xi32, #tpu.memory_space<vmem>>, vector<16xi32>,
      %swap3A_914 = vector.shape_cast %swap3A_913 : vector<16xi32> to vector<16xi32>
      %swap3A_915 = vector.shape_cast %select_n3A_911 : vector<16xi32> to vector<16xi32>
      tpu.vector_store %arg10[%swap3A_912], %swap3A_915 {strides = array<i32>} : memref<128xi32, #tpu.memory_space<vmem>>, vector<16xi32>,
      %get3A_916 = arith.index_cast %add3A_822 : i32 to index
      %get3A_917 = arith.constant 48 : index
      %get3A_918 = tpu.vector_load %arg7[%get3A_916, %get3A_917] {strides = array<i32>} : memref<157x128xi32, #tpu.memory_space<vmem>>, vector<1x16xi32>,
      %get3A_919 = vector.shape_cast %get3A_918 : vector<1x16xi32> to vector<16xi32>
      %sub3A_920 = vector.broadcast %mul3A_0 : i32 to vector<16xi32>
      %sub3A_921 = arith.subi %get3A_919, %sub3A_920 : vector<16xi32>
      %ge3A_922 = arith.constant 0 : i32
      %ge3A_923 = vector.broadcast %ge3A_922 : i32 to vector<16xi32>
      %ge3A_924 = arith.cmpi sge, %sub3A_921, %ge3A_923 : vector<16xi32>
      %lt3A_925 = arith.constant 5120 : i32
      %lt3A_926 = vector.broadcast %lt3A_925 : i32 to vector<16xi32>
      %lt3A_927 = arith.cmpi slt, %sub3A_921, %lt3A_926 : vector<16xi32>
      %and3A_928 = arith.andi %ge3A_924, %lt3A_927 : vector<16xi1>
      %mul3A_929 = arith.constant 128 : i32
      %mul3A_930 = arith.muli %add3A_822, %mul3A_929 : i32
      %add3A_931 = arith.constant 48 : i32
      %add3A_932 = arith.addi %mul3A_930, %add3A_931 : i32
      %iota3A_933 = tpu.iota {dimensions = array<i32: 0>} : vector<16xi32>
      %add3A_934 = vector.broadcast %add3A_932 : i32 to vector<16xi32>
      %add3A_935 = arith.addi %add3A_934, %iota3A_933 : vector<16xi32>
      %and3A_936 = arith.constant 1023 : i32
      %and3A_937 = vector.broadcast %and3A_936 : i32 to vector<16xi32>
      %and3A_938 = arith.andi %add3A_935, %and3A_937 : vector<16xi32>
      %add3A_939 = arith.constant 5120 : i32
      %add3A_940 = vector.broadcast %add3A_939 : i32 to vector<16xi32>
      %add3A_941 = arith.addi %add3A_940, %and3A_938 : vector<16xi32>
      %select_n3A_942 = arith.select %and3A_928, %sub3A_921, %add3A_941 : vector<16xi1>, vector<16xi32>
      %swap3A_943 = arith.constant 48 : index
      %swap3A_944 = tpu.vector_load %arg10[%swap3A_943] {strides = array<i32>} : memref<128xi32, #tpu.memory_space<vmem>>, vector<16xi32>,
      %swap3A_945 = vector.shape_cast %swap3A_944 : vector<16xi32> to vector<16xi32>
      %swap3A_946 = vector.shape_cast %select_n3A_942 : vector<16xi32> to vector<16xi32>
      tpu.vector_store %arg10[%swap3A_943], %swap3A_946 {strides = array<i32>} : memref<128xi32, #tpu.memory_space<vmem>>, vector<16xi32>,
      %get3A_947 = arith.index_cast %add3A_822 : i32 to index
      %get3A_948 = arith.constant 64 : index
      %get3A_949 = tpu.vector_load %arg7[%get3A_947, %get3A_948] {strides = array<i32>} : memref<157x128xi32, #tpu.memory_space<vmem>>, vector<1x16xi32>,
      %get3A_950 = vector.shape_cast %get3A_949 : vector<1x16xi32> to vector<16xi32>
      %sub3A_951 = vector.broadcast %mul3A_0 : i32 to vector<16xi32>
      %sub3A_952 = arith.subi %get3A_950, %sub3A_951 : vector<16xi32>
      %ge3A_953 = arith.constant 0 : i32
      %ge3A_954 = vector.broadcast %ge3A_953 : i32 to vector<16xi32>
      %ge3A_955 = arith.cmpi sge, %sub3A_952, %ge3A_954 : vector<16xi32>
      %lt3A_956 = arith.constant 5120 : i32
      %lt3A_957 = vector.broadcast %lt3A_956 : i32 to vector<16xi32>
      %lt3A_958 = arith.cmpi slt, %sub3A_952, %lt3A_957 : vector<16xi32>
      %and3A_959 = arith.andi %ge3A_955, %lt3A_958 : vector<16xi1>
      %mul3A_960 = arith.constant 128 : i32
      %mul3A_961 = arith.muli %add3A_822, %mul3A_960 : i32
      %add3A_962 = arith.constant 64 : i32
      %add3A_963 = arith.addi %mul3A_961, %add3A_962 : i32
      %iota3A_964 = tpu.iota {dimensions = array<i32: 0>} : vector<16xi32>
      %add3A_965 = vector.broadcast %add3A_963 : i32 to vector<16xi32>
      %add3A_966 = arith.addi %add3A_965, %iota3A_964 : vector<16xi32>
      %and3A_967 = arith.constant 1023 : i32
      %and3A_968 = vector.broadcast %and3A_967 : i32 to vector<16xi32>
      %and3A_969 = arith.andi %add3A_966, %and3A_968 : vector<16xi32>
      %add3A_970 = arith.constant 5120 : i32
      %add3A_971 = vector.broadcast %add3A_970 : i32 to vector<16xi32>
      %add3A_972 = arith.addi %add3A_971, %and3A_969 : vector<16xi32>
      %select_n3A_973 = arith.select %and3A_959, %sub3A_952, %add3A_972 : vector<16xi1>, vector<16xi32>
      %swap3A_974 = arith.constant 64 : index
      %swap3A_975 = tpu.vector_load %arg10[%swap3A_974] {strides = array<i32>} : memref<128xi32, #tpu.memory_space<vmem>>, vector<16xi32>,
      %swap3A_976 = vector.shape_cast %swap3A_975 : vector<16xi32> to vector<16xi32>
      %swap3A_977 = vector.shape_cast %select_n3A_973 : vector<16xi32> to vector<16xi32>
      tpu.vector_store %arg10[%swap3A_974], %swap3A_977 {strides = array<i32>} : memref<128xi32, #tpu.memory_space<vmem>>, vector<16xi32>,
      %get3A_978 = arith.index_cast %add3A_822 : i32 to index
      %get3A_979 = arith.constant 80 : index
      %get3A_980 = tpu.vector_load %arg7[%get3A_978, %get3A_979] {strides = array<i32>} : memref<157x128xi32, #tpu.memory_space<vmem>>, vector<1x16xi32>,
      %get3A_981 = vector.shape_cast %get3A_980 : vector<1x16xi32> to vector<16xi32>
      %sub3A_982 = vector.broadcast %mul3A_0 : i32 to vector<16xi32>
      %sub3A_983 = arith.subi %get3A_981, %sub3A_982 : vector<16xi32>
      %ge3A_984 = arith.constant 0 : i32
      %ge3A_985 = vector.broadcast %ge3A_984 : i32 to vector<16xi32>
      %ge3A_986 = arith.cmpi sge, %sub3A_983, %ge3A_985 : vector<16xi32>
      %lt3A_987 = arith.constant 5120 : i32
      %lt3A_988 = vector.broadcast %lt3A_987 : i32 to vector<16xi32>
      %lt3A_989 = arith.cmpi slt, %sub3A_983, %lt3A_988 : vector<16xi32>
      %and3A_990 = arith.andi %ge3A_986, %lt3A_989 : vector<16xi1>
      %mul3A_991 = arith.constant 128 : i32
      %mul3A_992 = arith.muli %add3A_822, %mul3A_991 : i32
      %add3A_993 = arith.constant 80 : i32
      %add3A_994 = arith.addi %mul3A_992, %add3A_993 : i32
      %iota3A_995 = tpu.iota {dimensions = array<i32: 0>} : vector<16xi32>
      %add3A_996 = vector.broadcast %add3A_994 : i32 to vector<16xi32>
      %add3A_997 = arith.addi %add3A_996, %iota3A_995 : vector<16xi32>
      %and3A_998 = arith.constant 1023 : i32
      %and3A_999 = vector.broadcast %and3A_998 : i32 to vector<16xi32>
      %and3A_1000 = arith.andi %add3A_997, %and3A_999 : vector<16xi32>
      %add3A_1001 = arith.constant 5120 : i32
      %add3A_1002 = vector.broadcast %add3A_1001 : i32 to vector<16xi32>
      %add3A_1003 = arith.addi %add3A_1002, %and3A_1000 : vector<16xi32>
      %select_n3A_1004 = arith.select %and3A_990, %sub3A_983, %add3A_1003 : vector<16xi1>, vector<16xi32>
      %swap3A_1005 = arith.constant 80 : index
      %swap3A_1006 = tpu.vector_load %arg10[%swap3A_1005] {strides = array<i32>} : memref<128xi32, #tpu.memory_space<vmem>>, vector<16xi32>,
      %swap3A_1007 = vector.shape_cast %swap3A_1006 : vector<16xi32> to vector<16xi32>
      %swap3A_1008 = vector.shape_cast %select_n3A_1004 : vector<16xi32> to vector<16xi32>
      tpu.vector_store %arg10[%swap3A_1005], %swap3A_1008 {strides = array<i32>} : memref<128xi32, #tpu.memory_space<vmem>>, vector<16xi32>,
      %get3A_1009 = arith.index_cast %add3A_822 : i32 to index
      %get3A_1010 = arith.constant 96 : index
      %get3A_1011 = tpu.vector_load %arg7[%get3A_1009, %get3A_1010] {strides = array<i32>} : memref<157x128xi32, #tpu.memory_space<vmem>>, vector<1x16xi32>,
      %get3A_1012 = vector.shape_cast %get3A_1011 : vector<1x16xi32> to vector<16xi32>
      %sub3A_1013 = vector.broadcast %mul3A_0 : i32 to vector<16xi32>
      %sub3A_1014 = arith.subi %get3A_1012, %sub3A_1013 : vector<16xi32>
      %ge3A_1015 = arith.constant 0 : i32
      %ge3A_1016 = vector.broadcast %ge3A_1015 : i32 to vector<16xi32>
      %ge3A_1017 = arith.cmpi sge, %sub3A_1014, %ge3A_1016 : vector<16xi32>
      %lt3A_1018 = arith.constant 5120 : i32
      %lt3A_1019 = vector.broadcast %lt3A_1018 : i32 to vector<16xi32>
      %lt3A_1020 = arith.cmpi slt, %sub3A_1014, %lt3A_1019 : vector<16xi32>
      %and3A_1021 = arith.andi %ge3A_1017, %lt3A_1020 : vector<16xi1>
      %mul3A_1022 = arith.constant 128 : i32
      %mul3A_1023 = arith.muli %add3A_822, %mul3A_1022 : i32
      %add3A_1024 = arith.constant 96 : i32
      %add3A_1025 = arith.addi %mul3A_1023, %add3A_1024 : i32
      %iota3A_1026 = tpu.iota {dimensions = array<i32: 0>} : vector<16xi32>
      %add3A_1027 = vector.broadcast %add3A_1025 : i32 to vector<16xi32>
      %add3A_1028 = arith.addi %add3A_1027, %iota3A_1026 : vector<16xi32>
      %and3A_1029 = arith.constant 1023 : i32
      %and3A_1030 = vector.broadcast %and3A_1029 : i32 to vector<16xi32>
      %and3A_1031 = arith.andi %add3A_1028, %and3A_1030 : vector<16xi32>
      %add3A_1032 = arith.constant 5120 : i32
      %add3A_1033 = vector.broadcast %add3A_1032 : i32 to vector<16xi32>
      %add3A_1034 = arith.addi %add3A_1033, %and3A_1031 : vector<16xi32>
      %select_n3A_1035 = arith.select %and3A_1021, %sub3A_1014, %add3A_1034 : vector<16xi1>, vector<16xi32>
      %swap3A_1036 = arith.constant 96 : index
      %swap3A_1037 = tpu.vector_load %arg10[%swap3A_1036] {strides = array<i32>} : memref<128xi32, #tpu.memory_space<vmem>>, vector<16xi32>,
      %swap3A_1038 = vector.shape_cast %swap3A_1037 : vector<16xi32> to vector<16xi32>
      %swap3A_1039 = vector.shape_cast %select_n3A_1035 : vector<16xi32> to vector<16xi32>
      tpu.vector_store %arg10[%swap3A_1036], %swap3A_1039 {strides = array<i32>} : memref<128xi32, #tpu.memory_space<vmem>>, vector<16xi32>,
      %get3A_1040 = arith.index_cast %add3A_822 : i32 to index
      %get3A_1041 = arith.constant 112 : index
      %get3A_1042 = tpu.vector_load %arg7[%get3A_1040, %get3A_1041] {strides = array<i32>} : memref<157x128xi32, #tpu.memory_space<vmem>>, vector<1x16xi32>,
      %get3A_1043 = vector.shape_cast %get3A_1042 : vector<1x16xi32> to vector<16xi32>
      %sub3A_1044 = vector.broadcast %mul3A_0 : i32 to vector<16xi32>
      %sub3A_1045 = arith.subi %get3A_1043, %sub3A_1044 : vector<16xi32>
      %ge3A_1046 = arith.constant 0 : i32
      %ge3A_1047 = vector.broadcast %ge3A_1046 : i32 to vector<16xi32>
      %ge3A_1048 = arith.cmpi sge, %sub3A_1045, %ge3A_1047 : vector<16xi32>
      %lt3A_1049 = arith.constant 5120 : i32
      %lt3A_1050 = vector.broadcast %lt3A_1049 : i32 to vector<16xi32>
      %lt3A_1051 = arith.cmpi slt, %sub3A_1045, %lt3A_1050 : vector<16xi32>
      %and3A_1052 = arith.andi %ge3A_1048, %lt3A_1051 : vector<16xi1>
      %mul3A_1053 = arith.constant 128 : i32
      %mul3A_1054 = arith.muli %add3A_822, %mul3A_1053 : i32
      %add3A_1055 = arith.constant 112 : i32
      %add3A_1056 = arith.addi %mul3A_1054, %add3A_1055 : i32
      %iota3A_1057 = tpu.iota {dimensions = array<i32: 0>} : vector<16xi32>
      %add3A_1058 = vector.broadcast %add3A_1056 : i32 to vector<16xi32>
      %add3A_1059 = arith.addi %add3A_1058, %iota3A_1057 : vector<16xi32>
      %and3A_1060 = arith.constant 1023 : i32
      %and3A_1061 = vector.broadcast %and3A_1060 : i32 to vector<16xi32>
      %and3A_1062 = arith.andi %add3A_1059, %and3A_1061 : vector<16xi32>
      %add3A_1063 = arith.constant 5120 : i32
      %add3A_1064 = vector.broadcast %add3A_1063 : i32 to vector<16xi32>
      %add3A_1065 = arith.addi %add3A_1064, %and3A_1062 : vector<16xi32>
      %select_n3A_1066 = arith.select %and3A_1052, %sub3A_1045, %add3A_1065 : vector<16xi1>, vector<16xi32>
      %swap3A_1067 = arith.constant 112 : index
      %swap3A_1068 = tpu.vector_load %arg10[%swap3A_1067] {strides = array<i32>} : memref<128xi32, #tpu.memory_space<vmem>>, vector<16xi32>,
      %swap3A_1069 = vector.shape_cast %swap3A_1068 : vector<16xi32> to vector<16xi32>
      %swap3A_1070 = vector.shape_cast %select_n3A_1066 : vector<16xi32> to vector<16xi32>
      tpu.vector_store %arg10[%swap3A_1067], %swap3A_1070 {strides = array<i32>} : memref<128xi32, #tpu.memory_space<vmem>>, vector<16xi32>,
      "tpu.region"() ({
        %run_scoped3A_1071 = tpu.sem_alloc : memref<!tpu.dma_semaphore, #tpu.memory_space<semaphore_mem>>
        %dma_start3A_1072 = arith.constant 0 : i32
        %dma_start3A_1073 = arith.constant 0 : i32
        %dma_start3A_1074 = tpu.memref_slice %arg11[%dma_start3A_1072, %dma_start3A_1073] : memref<6144x128xf32, #tpu.memory_space<vmem_shared>> -> memref<6144x128xf32, #tpu.memory_space<vmem_shared>>
        tpu.enqueue_indirect_dma source(%arg9 : memref<128x128xf32, #tpu.memory_space<vmem>>) target(%dma_start3A_1074 : memref<6144x128xf32, #tpu.memory_space<vmem_shared>>) offsets(%arg10 : memref<128xi32, #tpu.memory_space<vmem>>) semaphore(%run_scoped3A_1071 : memref<!tpu.dma_semaphore, #tpu.memory_space<semaphore_mem>>) {add = true}
        %dma_wait3A_1075 = arith.constant 0 : i32
        %dma_wait3A_1076 = arith.constant 0 : i32
        %dma_wait3A_1077 = tpu.memref_slice %arg11[%dma_wait3A_1075, %dma_wait3A_1076] : memref<6144x128xf32, #tpu.memory_space<vmem_shared>> -> memref<6144x128xf32, #tpu.memory_space<vmem_shared>>
        tpu.wait_indirect_dma semaphore(%run_scoped3A_1071 : memref<!tpu.dma_semaphore, #tpu.memory_space<semaphore_mem>>) src(%arg9 : memref<128x128xf32, #tpu.memory_space<vmem>>) dst(%dma_wait3A_1077 : memref<6144x128xf32, #tpu.memory_space<vmem_shared>>)
        tpu.yield
      }) : () -> ()
    }
    %scan3A_290 = arith.constant 78 : i32
    %dma_wait3A_291 = arith.constant 0 : i32
    %dma_wait3A_292 = arith.constant 0 : i32
    %dma_wait3A_293 = tpu.memref_slice %arg6[%dma_wait3A_291, %dma_wait3A_292] : memref<157x128xi32, #tpu.memory_space<vmem>> -> memref<1x128xi32, #tpu.memory_space<vmem>>
    %dma_wait3A_294 = tpu.memref_squeeze %dma_wait3A_293 : memref<1x128xi32, #tpu.memory_space<vmem>> -> memref<128xi32, #tpu.memory_space<vmem>>
    %dma_wait3A_295 = arith.constant 0 : i32
    %dma_wait3A_296 = arith.constant 0 : i32
    %dma_wait3A_297 = tpu.memref_slice %arg2[%dma_wait3A_295, %dma_wait3A_296] : memref<20000x128xf32, #tpu.memory_space<hbm>> -> memref<20000x128xf32, #tpu.memory_space<hbm>>
    tpu.wait_indirect_dma semaphore(%arg12 : memref<!tpu.dma_semaphore, #tpu.memory_space<semaphore_mem>>) src(%dma_wait3A_297 : memref<20000x128xf32, #tpu.memory_space<hbm>>) dst(%arg8 : memref<128x128xf32, #tpu.memory_space<vmem>>)
    %get3A_298 = arith.constant 156 : i32
    %get3A_299 = arith.index_cast %get3A_298 : i32 to index
    %get3A_300 = arith.constant 0 : index
    %get3A_301 = tpu.vector_load %arg7[%get3A_299, %get3A_300] {strides = array<i32>} : memref<157x128xi32, #tpu.memory_space<vmem>>, vector<1x16xi32>,
    %get3A_302 = vector.shape_cast %get3A_301 : vector<1x16xi32> to vector<16xi32>
    %sub3A_303 = vector.broadcast %mul3A_0 : i32 to vector<16xi32>
    %sub3A_304 = arith.subi %get3A_302, %sub3A_303 : vector<16xi32>
    %ge3A_305 = arith.constant 0 : i32
    %ge3A_306 = vector.broadcast %ge3A_305 : i32 to vector<16xi32>
    %ge3A_307 = arith.cmpi sge, %sub3A_304, %ge3A_306 : vector<16xi32>
    %lt3A_308 = arith.constant 5120 : i32
    %lt3A_309 = vector.broadcast %lt3A_308 : i32 to vector<16xi32>
    %lt3A_310 = arith.cmpi slt, %sub3A_304, %lt3A_309 : vector<16xi32>
    %and3A_311 = arith.andi %ge3A_307, %lt3A_310 : vector<16xi1>
    %iota3A_312 = tpu.iota {dimensions = array<i32: 0>} : vector<16xi32>
    %add3A_313 = arith.constant 19968 : i32
    %add3A_314 = vector.broadcast %add3A_313 : i32 to vector<16xi32>
    %add3A_315 = arith.addi %add3A_314, %iota3A_312 : vector<16xi32>
    %and3A_316 = arith.constant 1023 : i32
    %and3A_317 = vector.broadcast %and3A_316 : i32 to vector<16xi32>
    %and3A_318 = arith.andi %add3A_315, %and3A_317 : vector<16xi32>
    %add3A_319 = arith.constant 5120 : i32
    %add3A_320 = vector.broadcast %add3A_319 : i32 to vector<16xi32>
    %add3A_321 = arith.addi %add3A_320, %and3A_318 : vector<16xi32>
    %select_n3A_322 = arith.select %and3A_311, %sub3A_304, %add3A_321 : vector<16xi1>, vector<16xi32>
    %swap3A_323 = arith.constant 0 : index
    %swap3A_324 = tpu.vector_load %arg10[%swap3A_323] {strides = array<i32>} : memref<128xi32, #tpu.memory_space<vmem>>, vector<16xi32>,
    %swap3A_325 = vector.shape_cast %swap3A_324 : vector<16xi32> to vector<16xi32>
    %swap3A_326 = vector.shape_cast %select_n3A_322 : vector<16xi32> to vector<16xi32>
    tpu.vector_store %arg10[%swap3A_323], %swap3A_326 {strides = array<i32>} : memref<128xi32, #tpu.memory_space<vmem>>, vector<16xi32>,
    %get3A_327 = arith.constant 156 : i32
    %get3A_328 = arith.index_cast %get3A_327 : i32 to index
    %get3A_329 = arith.constant 16 : index
    %get3A_330 = tpu.vector_load %arg7[%get3A_328, %get3A_329] {strides = array<i32>} : memref<157x128xi32, #tpu.memory_space<vmem>>, vector<1x16xi32>,
    %get3A_331 = vector.shape_cast %get3A_330 : vector<1x16xi32> to vector<16xi32>
    %sub3A_332 = vector.broadcast %mul3A_0 : i32 to vector<16xi32>
    %sub3A_333 = arith.subi %get3A_331, %sub3A_332 : vector<16xi32>
    %ge3A_334 = arith.constant 0 : i32
    %ge3A_335 = vector.broadcast %ge3A_334 : i32 to vector<16xi32>
    %ge3A_336 = arith.cmpi sge, %sub3A_333, %ge3A_335 : vector<16xi32>
    %lt3A_337 = arith.constant 5120 : i32
    %lt3A_338 = vector.broadcast %lt3A_337 : i32 to vector<16xi32>
    %lt3A_339 = arith.cmpi slt, %sub3A_333, %lt3A_338 : vector<16xi32>
    %and3A_340 = arith.andi %ge3A_336, %lt3A_339 : vector<16xi1>
    %iota3A_341 = tpu.iota {dimensions = array<i32: 0>} : vector<16xi32>
    %add3A_342 = arith.constant 19984 : i32
    %add3A_343 = vector.broadcast %add3A_342 : i32 to vector<16xi32>
    %add3A_344 = arith.addi %add3A_343, %iota3A_341 : vector<16xi32>
    %and3A_345 = arith.constant 1023 : i32
    %and3A_346 = vector.broadcast %and3A_345 : i32 to vector<16xi32>
    %and3A_347 = arith.andi %add3A_344, %and3A_346 : vector<16xi32>
    %add3A_348 = arith.constant 5120 : i32
    %add3A_349 = vector.broadcast %add3A_348 : i32 to vector<16xi32>
    %add3A_350 = arith.addi %add3A_349, %and3A_347 : vector<16xi32>
    %select_n3A_351 = arith.select %and3A_340, %sub3A_333, %add3A_350 : vector<16xi1>, vector<16xi32>
    %swap3A_352 = arith.constant 16 : index
    %swap3A_353 = tpu.vector_load %arg10[%swap3A_352] {strides = array<i32>} : memref<128xi32, #tpu.memory_space<vmem>>, vector<16xi32>,
    %swap3A_354 = vector.shape_cast %swap3A_353 : vector<16xi32> to vector<16xi32>
    %swap3A_355 = vector.shape_cast %select_n3A_351 : vector<16xi32> to vector<16xi32>
    tpu.vector_store %arg10[%swap3A_352], %swap3A_355 {strides = array<i32>} : memref<128xi32, #tpu.memory_space<vmem>>, vector<16xi32>,
    %get3A_356 = arith.constant 156 : i32
    %get3A_357 = arith.index_cast %get3A_356 : i32 to index
    %get3A_358 = arith.constant 32 : index
    %get3A_359 = tpu.vector_load %arg7[%get3A_357, %get3A_358] {strides = array<i32>} : memref<157x128xi32, #tpu.memory_space<vmem>>, vector<1x16xi32>,
    %get3A_360 = vector.shape_cast %get3A_359 : vector<1x16xi32> to vector<16xi32>
    %sub3A_361 = vector.broadcast %mul3A_0 : i32 to vector<16xi32>
    %sub3A_362 = arith.subi %get3A_360, %sub3A_361 : vector<16xi32>
    %ge3A_363 = arith.constant 0 : i32
    %ge3A_364 = vector.broadcast %ge3A_363 : i32 to vector<16xi32>
    %ge3A_365 = arith.cmpi sge, %sub3A_362, %ge3A_364 : vector<16xi32>
    %lt3A_366 = arith.constant 5120 : i32
    %lt3A_367 = vector.broadcast %lt3A_366 : i32 to vector<16xi32>
    %lt3A_368 = arith.cmpi slt, %sub3A_362, %lt3A_367 : vector<16xi32>
    %and3A_369 = arith.andi %ge3A_365, %lt3A_368 : vector<16xi1>
    %iota3A_370 = tpu.iota {dimensions = array<i32: 0>} : vector<16xi32>
    %add3A_371 = arith.constant 20000 : i32
    %add3A_372 = vector.broadcast %add3A_371 : i32 to vector<16xi32>
    %add3A_373 = arith.addi %add3A_372, %iota3A_370 : vector<16xi32>
    %and3A_374 = arith.constant 1023 : i32
    %and3A_375 = vector.broadcast %and3A_374 : i32 to vector<16xi32>
    %and3A_376 = arith.andi %add3A_373, %and3A_375 : vector<16xi32>
    %add3A_377 = arith.constant 5120 : i32
    %add3A_378 = vector.broadcast %add3A_377 : i32 to vector<16xi32>
    %add3A_379 = arith.addi %add3A_378, %and3A_376 : vector<16xi32>
    %select_n3A_380 = arith.select %and3A_369, %sub3A_362, %add3A_379 : vector<16xi1>, vector<16xi32>
    %swap3A_381 = arith.constant 32 : index
    %swap3A_382 = tpu.vector_load %arg10[%swap3A_381] {strides = array<i32>} : memref<128xi32, #tpu.memory_space<vmem>>, vector<16xi32>,
    %swap3A_383 = vector.shape_cast %swap3A_382 : vector<16xi32> to vector<16xi32>
    %swap3A_384 = vector.shape_cast %select_n3A_380 : vector<16xi32> to vector<16xi32>
    tpu.vector_store %arg10[%swap3A_381], %swap3A_384 {strides = array<i32>} : memref<128xi32, #tpu.memory_space<vmem>>, vector<16xi32>,
    %get3A_385 = arith.constant 156 : i32
    %get3A_386 = arith.index_cast %get3A_385 : i32 to index
    %get3A_387 = arith.constant 48 : index
    %get3A_388 = tpu.vector_load %arg7[%get3A_386, %get3A_387] {strides = array<i32>} : memref<157x128xi32, #tpu.memory_space<vmem>>, vector<1x16xi32>,
    %get3A_389 = vector.shape_cast %get3A_388 : vector<1x16xi32> to vector<16xi32>
    %sub3A_390 = vector.broadcast %mul3A_0 : i32 to vector<16xi32>
    %sub3A_391 = arith.subi %get3A_389, %sub3A_390 : vector<16xi32>
    %ge3A_392 = arith.constant 0 : i32
    %ge3A_393 = vector.broadcast %ge3A_392 : i32 to vector<16xi32>
    %ge3A_394 = arith.cmpi sge, %sub3A_391, %ge3A_393 : vector<16xi32>
    %lt3A_395 = arith.constant 5120 : i32
    %lt3A_396 = vector.broadcast %lt3A_395 : i32 to vector<16xi32>
    %lt3A_397 = arith.cmpi slt, %sub3A_391, %lt3A_396 : vector<16xi32>
    %and3A_398 = arith.andi %ge3A_394, %lt3A_397 : vector<16xi1>
    %iota3A_399 = tpu.iota {dimensions = array<i32: 0>} : vector<16xi32>
    %add3A_400 = arith.constant 20016 : i32
    %add3A_401 = vector.broadcast %add3A_400 : i32 to vector<16xi32>
    %add3A_402 = arith.addi %add3A_401, %iota3A_399 : vector<16xi32>
    %and3A_403 = arith.constant 1023 : i32
    %and3A_404 = vector.broadcast %and3A_403 : i32 to vector<16xi32>
    %and3A_405 = arith.andi %add3A_402, %and3A_404 : vector<16xi32>
    %add3A_406 = arith.constant 5120 : i32
    %add3A_407 = vector.broadcast %add3A_406 : i32 to vector<16xi32>
    %add3A_408 = arith.addi %add3A_407, %and3A_405 : vector<16xi32>
    %select_n3A_409 = arith.select %and3A_398, %sub3A_391, %add3A_408 : vector<16xi1>, vector<16xi32>
    %swap3A_410 = arith.constant 48 : index
    %swap3A_411 = tpu.vector_load %arg10[%swap3A_410] {strides = array<i32>} : memref<128xi32, #tpu.memory_space<vmem>>, vector<16xi32>,
    %swap3A_412 = vector.shape_cast %swap3A_411 : vector<16xi32> to vector<16xi32>
    %swap3A_413 = vector.shape_cast %select_n3A_409 : vector<16xi32> to vector<16xi32>
    tpu.vector_store %arg10[%swap3A_410], %swap3A_413 {strides = array<i32>} : memref<128xi32, #tpu.memory_space<vmem>>, vector<16xi32>,
    %get3A_414 = arith.constant 156 : i32
    %get3A_415 = arith.index_cast %get3A_414 : i32 to index
    %get3A_416 = arith.constant 64 : index
    %get3A_417 = tpu.vector_load %arg7[%get3A_415, %get3A_416] {strides = array<i32>} : memref<157x128xi32, #tpu.memory_space<vmem>>, vector<1x16xi32>,
    %get3A_418 = vector.shape_cast %get3A_417 : vector<1x16xi32> to vector<16xi32>
    %sub3A_419 = vector.broadcast %mul3A_0 : i32 to vector<16xi32>
    %sub3A_420 = arith.subi %get3A_418, %sub3A_419 : vector<16xi32>
    %ge3A_421 = arith.constant 0 : i32
    %ge3A_422 = vector.broadcast %ge3A_421 : i32 to vector<16xi32>
    %ge3A_423 = arith.cmpi sge, %sub3A_420, %ge3A_422 : vector<16xi32>
    %lt3A_424 = arith.constant 5120 : i32
    %lt3A_425 = vector.broadcast %lt3A_424 : i32 to vector<16xi32>
    %lt3A_426 = arith.cmpi slt, %sub3A_420, %lt3A_425 : vector<16xi32>
    %and3A_427 = arith.andi %ge3A_423, %lt3A_426 : vector<16xi1>
    %iota3A_428 = tpu.iota {dimensions = array<i32: 0>} : vector<16xi32>
    %add3A_429 = arith.constant 20032 : i32
    %add3A_430 = vector.broadcast %add3A_429 : i32 to vector<16xi32>
    %add3A_431 = arith.addi %add3A_430, %iota3A_428 : vector<16xi32>
    %and3A_432 = arith.constant 1023 : i32
    %and3A_433 = vector.broadcast %and3A_432 : i32 to vector<16xi32>
    %and3A_434 = arith.andi %add3A_431, %and3A_433 : vector<16xi32>
    %add3A_435 = arith.constant 5120 : i32
    %add3A_436 = vector.broadcast %add3A_435 : i32 to vector<16xi32>
    %add3A_437 = arith.addi %add3A_436, %and3A_434 : vector<16xi32>
    %select_n3A_438 = arith.select %and3A_427, %sub3A_420, %add3A_437 : vector<16xi1>, vector<16xi32>
    %swap3A_439 = arith.constant 64 : index
    %swap3A_440 = tpu.vector_load %arg10[%swap3A_439] {strides = array<i32>} : memref<128xi32, #tpu.memory_space<vmem>>, vector<16xi32>,
    %swap3A_441 = vector.shape_cast %swap3A_440 : vector<16xi32> to vector<16xi32>
    %swap3A_442 = vector.shape_cast %select_n3A_438 : vector<16xi32> to vector<16xi32>
    tpu.vector_store %arg10[%swap3A_439], %swap3A_442 {strides = array<i32>} : memref<128xi32, #tpu.memory_space<vmem>>, vector<16xi32>,
    %get3A_443 = arith.constant 156 : i32
    %get3A_444 = arith.index_cast %get3A_443 : i32 to index
    %get3A_445 = arith.constant 80 : index
    %get3A_446 = tpu.vector_load %arg7[%get3A_444, %get3A_445] {strides = array<i32>} : memref<157x128xi32, #tpu.memory_space<vmem>>, vector<1x16xi32>,
    %get3A_447 = vector.shape_cast %get3A_446 : vector<1x16xi32> to vector<16xi32>
    %sub3A_448 = vector.broadcast %mul3A_0 : i32 to vector<16xi32>
    %sub3A_449 = arith.subi %get3A_447, %sub3A_448 : vector<16xi32>
    %ge3A_450 = arith.constant 0 : i32
    %ge3A_451 = vector.broadcast %ge3A_450 : i32 to vector<16xi32>
    %ge3A_452 = arith.cmpi sge, %sub3A_449, %ge3A_451 : vector<16xi32>
    %lt3A_453 = arith.constant 5120 : i32
    %lt3A_454 = vector.broadcast %lt3A_453 : i32 to vector<16xi32>
    %lt3A_455 = arith.cmpi slt, %sub3A_449, %lt3A_454 : vector<16xi32>
    %and3A_456 = arith.andi %ge3A_452, %lt3A_455 : vector<16xi1>
    %iota3A_457 = tpu.iota {dimensions = array<i32: 0>} : vector<16xi32>
    %add3A_458 = arith.constant 20048 : i32
    %add3A_459 = vector.broadcast %add3A_458 : i32 to vector<16xi32>
    %add3A_460 = arith.addi %add3A_459, %iota3A_457 : vector<16xi32>
    %and3A_461 = arith.constant 1023 : i32
    %and3A_462 = vector.broadcast %and3A_461 : i32 to vector<16xi32>
    %and3A_463 = arith.andi %add3A_460, %and3A_462 : vector<16xi32>
    %add3A_464 = arith.constant 5120 : i32
    %add3A_465 = vector.broadcast %add3A_464 : i32 to vector<16xi32>
    %add3A_466 = arith.addi %add3A_465, %and3A_463 : vector<16xi32>
    %select_n3A_467 = arith.select %and3A_456, %sub3A_449, %add3A_466 : vector<16xi1>, vector<16xi32>
    %swap3A_468 = arith.constant 80 : index
    %swap3A_469 = tpu.vector_load %arg10[%swap3A_468] {strides = array<i32>} : memref<128xi32, #tpu.memory_space<vmem>>, vector<16xi32>,
    %swap3A_470 = vector.shape_cast %swap3A_469 : vector<16xi32> to vector<16xi32>
    %swap3A_471 = vector.shape_cast %select_n3A_467 : vector<16xi32> to vector<16xi32>
    tpu.vector_store %arg10[%swap3A_468], %swap3A_471 {strides = array<i32>} : memref<128xi32, #tpu.memory_space<vmem>>, vector<16xi32>,
    %get3A_472 = arith.constant 156 : i32
    %get3A_473 = arith.index_cast %get3A_472 : i32 to index
    %get3A_474 = arith.constant 96 : index
    %get3A_475 = tpu.vector_load %arg7[%get3A_473, %get3A_474] {strides = array<i32>} : memref<157x128xi32, #tpu.memory_space<vmem>>, vector<1x16xi32>,
    %get3A_476 = vector.shape_cast %get3A_475 : vector<1x16xi32> to vector<16xi32>
    %sub3A_477 = vector.broadcast %mul3A_0 : i32 to vector<16xi32>
    %sub3A_478 = arith.subi %get3A_476, %sub3A_477 : vector<16xi32>
    %ge3A_479 = arith.constant 0 : i32
    %ge3A_480 = vector.broadcast %ge3A_479 : i32 to vector<16xi32>
    %ge3A_481 = arith.cmpi sge, %sub3A_478, %ge3A_480 : vector<16xi32>
    %lt3A_482 = arith.constant 5120 : i32
    %lt3A_483 = vector.broadcast %lt3A_482 : i32 to vector<16xi32>
    %lt3A_484 = arith.cmpi slt, %sub3A_478, %lt3A_483 : vector<16xi32>
    %and3A_485 = arith.andi %ge3A_481, %lt3A_484 : vector<16xi1>
    %iota3A_486 = tpu.iota {dimensions = array<i32: 0>} : vector<16xi32>
    %add3A_487 = arith.constant 20064 : i32
    %add3A_488 = vector.broadcast %add3A_487 : i32 to vector<16xi32>
    %add3A_489 = arith.addi %add3A_488, %iota3A_486 : vector<16xi32>
    %and3A_490 = arith.constant 1023 : i32
    %and3A_491 = vector.broadcast %and3A_490 : i32 to vector<16xi32>
    %and3A_492 = arith.andi %add3A_489, %and3A_491 : vector<16xi32>
    %add3A_493 = arith.constant 5120 : i32
    %add3A_494 = vector.broadcast %add3A_493 : i32 to vector<16xi32>
    %add3A_495 = arith.addi %add3A_494, %and3A_492 : vector<16xi32>
    %select_n3A_496 = arith.select %and3A_485, %sub3A_478, %add3A_495 : vector<16xi1>, vector<16xi32>
    %swap3A_497 = arith.constant 96 : index
    %swap3A_498 = tpu.vector_load %arg10[%swap3A_497] {strides = array<i32>} : memref<128xi32, #tpu.memory_space<vmem>>, vector<16xi32>,
    %swap3A_499 = vector.shape_cast %swap3A_498 : vector<16xi32> to vector<16xi32>
    %swap3A_500 = vector.shape_cast %select_n3A_496 : vector<16xi32> to vector<16xi32>
    tpu.vector_store %arg10[%swap3A_497], %swap3A_500 {strides = array<i32>} : memref<128xi32, #tpu.memory_space<vmem>>, vector<16xi32>,
    %get3A_501 = arith.constant 156 : i32
    %get3A_502 = arith.index_cast %get3A_501 : i32 to index
    %get3A_503 = arith.constant 112 : index
    %get3A_504 = tpu.vector_load %arg7[%get3A_502, %get3A_503] {strides = array<i32>} : memref<157x128xi32, #tpu.memory_space<vmem>>, vector<1x16xi32>,
    %get3A_505 = vector.shape_cast %get3A_504 : vector<1x16xi32> to vector<16xi32>
    %sub3A_506 = vector.broadcast %mul3A_0 : i32 to vector<16xi32>
    %sub3A_507 = arith.subi %get3A_505, %sub3A_506 : vector<16xi32>
    %ge3A_508 = arith.constant 0 : i32
    %ge3A_509 = vector.broadcast %ge3A_508 : i32 to vector<16xi32>
    %ge3A_510 = arith.cmpi sge, %sub3A_507, %ge3A_509 : vector<16xi32>
    %lt3A_511 = arith.constant 5120 : i32
    %lt3A_512 = vector.broadcast %lt3A_511 : i32 to vector<16xi32>
    %lt3A_513 = arith.cmpi slt, %sub3A_507, %lt3A_512 : vector<16xi32>
    %and3A_514 = arith.andi %ge3A_510, %lt3A_513 : vector<16xi1>
    %iota3A_515 = tpu.iota {dimensions = array<i32: 0>} : vector<16xi32>
    %add3A_516 = arith.constant 20080 : i32
    %add3A_517 = vector.broadcast %add3A_516 : i32 to vector<16xi32>
    %add3A_518 = arith.addi %add3A_517, %iota3A_515 : vector<16xi32>
    %and3A_519 = arith.constant 1023 : i32
    %and3A_520 = vector.broadcast %and3A_519 : i32 to vector<16xi32>
    %and3A_521 = arith.andi %add3A_518, %and3A_520 : vector<16xi32>
    %add3A_522 = arith.constant 5120 : i32
    %add3A_523 = vector.broadcast %add3A_522 : i32 to vector<16xi32>
    %add3A_524 = arith.addi %add3A_523, %and3A_521 : vector<16xi32>
    %select_n3A_525 = arith.select %and3A_514, %sub3A_507, %add3A_524 : vector<16xi1>, vector<16xi32>
    %swap3A_526 = arith.constant 112 : index
    %swap3A_527 = tpu.vector_load %arg10[%swap3A_526] {strides = array<i32>} : memref<128xi32, #tpu.memory_space<vmem>>, vector<16xi32>,
    %swap3A_528 = vector.shape_cast %swap3A_527 : vector<16xi32> to vector<16xi32>
    %swap3A_529 = vector.shape_cast %select_n3A_525 : vector<16xi32> to vector<16xi32>
    tpu.vector_store %arg10[%swap3A_526], %swap3A_529 {strides = array<i32>} : memref<128xi32, #tpu.memory_space<vmem>>, vector<16xi32>,
    "tpu.region"() ({
      %run_scoped3A_534 = tpu.sem_alloc : memref<!tpu.dma_semaphore, #tpu.memory_space<semaphore_mem>>
      %dma_start3A_535 = arith.constant 0 : i32
      %dma_start3A_536 = arith.constant 0 : i32
      %dma_start3A_537 = tpu.memref_slice %arg11[%dma_start3A_535, %dma_start3A_536] : memref<6144x128xf32, #tpu.memory_space<vmem_shared>> -> memref<6144x128xf32, #tpu.memory_space<vmem_shared>>
      tpu.enqueue_indirect_dma source(%arg8 : memref<128x128xf32, #tpu.memory_space<vmem>>) target(%dma_start3A_537 : memref<6144x128xf32, #tpu.memory_space<vmem_shared>>) offsets(%arg10 : memref<128xi32, #tpu.memory_space<vmem>>) semaphore(%run_scoped3A_534 : memref<!tpu.dma_semaphore, #tpu.memory_space<semaphore_mem>>) {add = true}
      %dma_wait3A_538 = arith.constant 0 : i32
      %dma_wait3A_539 = arith.constant 0 : i32
      %dma_wait3A_540 = tpu.memref_slice %arg11[%dma_wait3A_538, %dma_wait3A_539] : memref<6144x128xf32, #tpu.memory_space<vmem_shared>> -> memref<6144x128xf32, #tpu.memory_space<vmem_shared>>
      tpu.wait_indirect_dma semaphore(%run_scoped3A_534 : memref<!tpu.dma_semaphore, #tpu.memory_space<semaphore_mem>>) src(%arg8 : memref<128x128xf32, #tpu.memory_space<vmem>>) dst(%dma_wait3A_540 : memref<6144x128xf32, #tpu.memory_space<vmem_shared>>)
      tpu.yield
    }) : () -> ()
    %barrier3A_530 = arith.constant 0 : index
    tpu.barrier barrier_id(%barrier3A_530)
    %add3A_531 = arith.addi %mul3A_0, %mul3A_270 : i32
    %run_scoped3A_532 = arith.constant 1 : i32
    "tpu.region"() ({
      %run_scoped3A_534 = tpu.sem_alloc : memref<!tpu.dma_semaphore, #tpu.memory_space<semaphore_mem>>
      %dma_start3A_535 = arith.constant 0 : i32
      %dma_start3A_536 = tpu.memref_slice %arg5[%run_scoped3A_532, %add3A_531, %dma_start3A_535] : memref<2x10240x128xf32, #tpu.memory_space<hbm>> -> memref<1x320x128xf32, #tpu.memory_space<hbm>>
      %dma_start3A_537 = tpu.memref_squeeze %dma_start3A_536 : memref<1x320x128xf32, #tpu.memory_space<hbm>> -> memref<320x128xf32, #tpu.memory_space<hbm>>
      %dma_start3A_538 = arith.constant 0 : i32
      %dma_start3A_539 = tpu.memref_slice %arg11[%mul3A_270, %dma_start3A_538] : memref<6144x128xf32, #tpu.memory_space<vmem_shared>> -> memref<320x128xf32, #tpu.memory_space<vmem_shared>>
      tpu.enqueue_dma source(%dma_start3A_539 : memref<320x128xf32, #tpu.memory_space<vmem_shared>>) target(%dma_start3A_537 : memref<320x128xf32, #tpu.memory_space<hbm>>) target_semaphore(%run_scoped3A_534 : memref<!tpu.dma_semaphore, #tpu.memory_space<semaphore_mem>>)
      %dma_wait3A_540 = arith.constant 0 : i32
      %dma_wait3A_541 = tpu.memref_slice %arg5[%run_scoped3A_532, %add3A_531, %dma_wait3A_540] : memref<2x10240x128xf32, #tpu.memory_space<hbm>> -> memref<1x320x128xf32, #tpu.memory_space<hbm>>
      %dma_wait3A_542 = tpu.memref_squeeze %dma_wait3A_541 : memref<1x320x128xf32, #tpu.memory_space<hbm>> -> memref<320x128xf32, #tpu.memory_space<hbm>>
      %dma_wait3A_543 = arith.constant 0 : i32
      %dma_wait3A_544 = tpu.memref_slice %arg11[%mul3A_270, %dma_wait3A_543] : memref<6144x128xf32, #tpu.memory_space<vmem_shared>> -> memref<320x128xf32, #tpu.memory_space<vmem_shared>>
      tpu.wait_dma2 semaphore(%run_scoped3A_534 : memref<!tpu.dma_semaphore, #tpu.memory_space<semaphore_mem>>) src(%dma_wait3A_544 : memref<320x128xf32, #tpu.memory_space<vmem_shared>>) dst(%dma_wait3A_542 : memref<320x128xf32, #tpu.memory_space<hbm>>)
      tpu.yield
    }) : () -> ()
    %barrier3A_533 = arith.constant 0 : index
    tpu.barrier barrier_id(%barrier3A_533)
    return
  }
}

module attributes {stable_mosaic.version = 14 : i64} {
  func.func @_linear_body(%arg0: i32, %arg1: memref<800x128xf32, #tpu.memory_space<vmem>>, %arg2: memref<128x128xf32, #tpu.memory_space<vmem>>, %arg3: memref<1x128xf32, #tpu.memory_space<vmem>>, %arg4: memref<800x128xf32, #tpu.memory_space<vmem>>) attributes {dimension_semantics = [#tpu.dimension_semantics<arbitrary>], iteration_bounds = array<i64: 25>, scalar_prefetch = 0 : i64, scratch_operands = 0 : i64, tpu.core_type = #tpu.core_type<tc>, window_params = [{transform_indices = @transform_0, window_bounds = array<i64: 800, 128>}, {pipeline_mode = #tpu.pipeline_mode<synchronous>, transform_indices = @transform_1, window_bounds = array<i64: 128, 128>}, {pipeline_mode = #tpu.pipeline_mode<synchronous>, transform_indices = @transform_2, window_bounds = array<i64: 1, 128>}, {transform_indices = @transform_3, window_bounds = array<i64: 800, 128>}]} {
    %get3A = arith.constant 0 : index
    %get3A_0 = arith.constant 0 : index
    %get3A_1 = vector.load %arg1[%get3A, %get3A_0] : memref<800x128xf32, #tpu.memory_space<vmem>>, vector<800x128xf32>
    %get3A_2 = arith.constant 0 : index
    %get3A_3 = arith.constant 0 : index
    %get3A_4 = vector.load %arg2[%get3A_2, %get3A_3] : memref<128x128xf32, #tpu.memory_space<vmem>>, vector<128x128xf32>
    %dot_general3A = arith.constant dense<0.000000e+00> : vector<800x128xf32>
    %dot_general3A_5 = tpu.matmul %get3A_1, %get3A_4, %dot_general3A {dimension_numbers = #tpu.dot_dimension_numbers<[1], [0], [0], [1], [0, 0, 1, 1], [], []>, transpose_lhs_hint = false} : vector<800x128xf32>, vector<128x128xf32>, vector<800x128xf32> -> vector<800x128xf32>
    %get3A_6 = arith.constant 0 : index
    %get3A_7 = arith.constant 0 : index
    %get3A_8 = vector.load %arg3[%get3A_6, %get3A_7] : memref<1x128xf32, #tpu.memory_space<vmem>>, vector<1x128xf32>
    %add3A = vector.broadcast %get3A_8 : vector<1x128xf32> to vector<800x128xf32>
    %add3A_9 = arith.addf %dot_general3A_5, %add3A : vector<800x128xf32>
    %swap3A = arith.constant 0 : index
    %swap3A_10 = arith.constant 0 : index
    %swap3A_11 = vector.load %arg4[%swap3A, %swap3A_10] : memref<800x128xf32, #tpu.memory_space<vmem>>, vector<800x128xf32>
    tpu.vector_store %arg4[%swap3A, %swap3A_10], %add3A_9 {strides = array<i32>} : memref<800x128xf32, #tpu.memory_space<vmem>>, vector<800x128xf32>,
    return
  }
  func.func @transform_0(%arg0: i32) -> (i32, i32) {
    %c0_i32 = arith.constant 0 : i32
    %c0_i32_0 = arith.constant 0 : i32
    return %arg0, %c0_i32 : i32, i32
  }
  func.func @transform_1(%arg0: i32) -> (i32, i32) {
    %c0_i32 = arith.constant 0 : i32
    %c0_i32_0 = arith.constant 0 : i32
    %c0_i32_1 = arith.constant 0 : i32
    return %c0_i32, %c0_i32_0 : i32, i32
  }
  func.func @transform_2(%arg0: i32) -> (i32, i32) {
    %c0_i32 = arith.constant 0 : i32
    %c0_i32_0 = arith.constant 0 : i32
    %c0_i32_1 = arith.constant 0 : i32
    return %c0_i32, %c0_i32_0 : i32, i32
  }
  func.func @transform_3(%arg0: i32) -> (i32, i32) {
    %c0_i32 = arith.constant 0 : i32
    %c0_i32_0 = arith.constant 0 : i32
    return %arg0, %c0_i32 : i32, i32
  }
}

module attributes {stable_mosaic.version = 14 : i64} {
  func.func @_final_body(%arg0: i32, %arg1: memref<2x128x128xf32, #tpu.memory_space<vmem>>, %arg2: memref<15x16xf32, #tpu.memory_space<smem>>, %arg3: memref<1x16xf32, #tpu.memory_space<smem>>, %arg4: memref<16x1xf32, #tpu.memory_space<smem>>, %arg5: memref<1x1xf32, #tpu.memory_space<smem>>, %arg6: memref<1x1xf32, #tpu.memory_space<vmem>>, %arg7: memref<10240x1xf32, #tpu.memory_space<vmem>>) attributes {dimension_semantics = [#tpu.dimension_semantics<arbitrary>], iteration_bounds = array<i64: 80>, scalar_prefetch = 0 : i64, scratch_operands = 1 : i64, tpu.core_type = #tpu.core_type<tc>, window_params = [{transform_indices = @transform_0, window_bounds = array<i64: 2, 128, 128>}, {transform_indices = @transform_1, window_bounds = array<i64: 15, 16>}, {transform_indices = @transform_2, window_bounds = array<i64: 1, 16>}, {transform_indices = @transform_3, window_bounds = array<i64: 16, 1>}, {transform_indices = @transform_4, window_bounds = array<i64: 1, 1>}, {pipeline_mode = #tpu.pipeline_mode<synchronous>, transform_indices = @transform_5, window_bounds = array<i64: 1, 1>}]} {
    %get3A = arith.constant 0 : index
    %get3A_0 = arith.constant 0 : index
    %get3A_1 = arith.constant 0 : index
    %get3A_2 = vector.load %arg1[%get3A, %get3A_0, %get3A_1] : memref<2x128x128xf32, #tpu.memory_space<vmem>>, vector<2x128x128xf32>
    %slice3A = vector.extract_strided_slice %get3A_2 {offsets = [0, 0, 0], sizes = [1, 128, 128], strides = [1, 1, 1]} : vector<2x128x128xf32> to vector<1x128x128xf32>
    %squeeze3A = vector.shape_cast %slice3A : vector<1x128x128xf32> to vector<128x128xf32>
    %max3A = arith.constant 0.000000e+00 : f32
    %max3A_3 = vector.broadcast %max3A : f32 to vector<128x128xf32>
    %max3A_4 = arith.maximumf %squeeze3A, %max3A_3 : vector<128x128xf32>
    %slice3A_5 = vector.extract_strided_slice %get3A_2 {offsets = [1, 0, 0], sizes = [1, 128, 128], strides = [1, 1, 1]} : vector<2x128x128xf32> to vector<1x128x128xf32>
    %squeeze3A_6 = vector.shape_cast %slice3A_5 : vector<1x128x128xf32> to vector<128x128xf32>
    %max3A_7 = arith.constant 0.000000e+00 : f32
    %max3A_8 = vector.broadcast %max3A_7 : f32 to vector<128x128xf32>
    %max3A_9 = arith.maximumf %squeeze3A_6, %max3A_8 : vector<128x128xf32>
    %mul3A = arith.mulf %max3A_4, %max3A_9 : vector<128x128xf32>
    %reduce_sum3A = arith.constant dense<0.000000e+00> : vector<128xf32>
    %reduce_sum3A_10 = vector.multi_reduction <add>, %mul3A, %reduce_sum3A [1] : vector<128x128xf32> to vector<128xf32>
    %broadcast_in_dim3A = vector.shape_cast %reduce_sum3A_10 : vector<128xf32> to vector<128x1xf32>
    %mul3A_11 = arith.mulf %max3A_4, %max3A_4 : vector<128x128xf32>
    %reduce_sum3A_12 = arith.constant dense<0.000000e+00> : vector<128xf32>
    %reduce_sum3A_13 = vector.multi_reduction <add>, %mul3A_11, %reduce_sum3A_12 [1] : vector<128x128xf32> to vector<128xf32>
    %broadcast_in_dim3A_14 = vector.shape_cast %reduce_sum3A_13 : vector<128xf32> to vector<128x1xf32>
    %sqrt3A = math.sqrt %broadcast_in_dim3A_14 : vector<128x1xf32>
    %mul3A_15 = arith.mulf %max3A_9, %max3A_9 : vector<128x128xf32>
    %reduce_sum3A_16 = arith.constant dense<0.000000e+00> : vector<128xf32>
    %reduce_sum3A_17 = vector.multi_reduction <add>, %mul3A_15, %reduce_sum3A_16 [1] : vector<128x128xf32> to vector<128xf32>
    %broadcast_in_dim3A_18 = vector.shape_cast %reduce_sum3A_17 : vector<128xf32> to vector<128x1xf32>
    %sqrt3A_19 = math.sqrt %broadcast_in_dim3A_18 : vector<128x1xf32>
    %max3A_20 = arith.constant 9.99999993E-9 : f32
    %max3A_21 = vector.broadcast %max3A_20 : f32 to vector<128x1xf32>
    %max3A_22 = arith.maximumf %sqrt3A, %max3A_21 : vector<128x1xf32>
    %max3A_23 = arith.constant 9.99999993E-9 : f32
    %max3A_24 = vector.broadcast %max3A_23 : f32 to vector<128x1xf32>
    %max3A_25 = arith.maximumf %sqrt3A_19, %max3A_24 : vector<128x1xf32>
    %mul3A_26 = arith.mulf %max3A_22, %max3A_25 : vector<128x1xf32>
    %div3A = arith.divf %broadcast_in_dim3A, %mul3A_26 : vector<128x1xf32>
    %mul3A_27 = arith.constant 128 : i32
    %mul3A_28 = arith.muli %arg0, %mul3A_27 : i32
    %iota3A = tpu.iota {dimensions = array<i32: 0>} : vector<128x1xi32>
    %add3A = vector.broadcast %mul3A_28 : i32 to vector<128x1xi32>
    %add3A_29 = arith.addi %add3A, %iota3A : vector<128x1xi32>
    %lt3A = arith.constant 10000 : i32
    %lt3A_30 = vector.broadcast %lt3A : i32 to vector<128x1xi32>
    %lt3A_31 = arith.cmpi slt, %add3A_29, %lt3A_30 : vector<128x1xi32>
    %jit3A = arith.constant 0x7F800000 : f32
    %broadcast_in_dim3A_32 = vector.broadcast %jit3A : f32 to vector<128x1xf32>
    %select_n3A = arith.select %lt3A_31, %div3A, %broadcast_in_dim3A_32 : vector<128x1xi1>, vector<128x1xf32>
    %mul3A_33 = arith.constant 128 : i32
    %mul3A_34 = arith.muli %arg0, %mul3A_33 : i32
    %swap3A = arith.index_cast %mul3A_34 : i32 to index
    %swap3A_35 = arith.constant 0 : index
    %swap3A_36 = vector.load %arg7[%swap3A, %swap3A_35] : memref<10240x1xf32, #tpu.memory_space<vmem>>, vector<128x1xf32>
    tpu.vector_store %arg7[%swap3A, %swap3A_35], %select_n3A {strides = array<i32>} : memref<10240x1xf32, #tpu.memory_space<vmem>>, vector<128x1xf32>,
    %eq3A = arith.constant 79 : i32
    %eq3A_37 = arith.cmpi eq, %arg0, %eq3A : i32
    %convert_element_type3A = arith.extui %eq3A_37 : i1 to i32
    %cond3A = arith.constant 0 : i32
    %cond3A_38 = arith.cmpi ne, %convert_element_type3A, %cond3A : i32
    scf.if %cond3A_38 {
      %get3A_39 = arith.constant 0 : index
      %get3A_40 = arith.constant 0 : index
      %get3A_41 = vector.load %arg7[%get3A_39, %get3A_40] : memref<10240x1xf32, #tpu.memory_space<vmem>>, vector<10240x1xf32>
      %iota3A_42 = tpu.iota {dimensions = array<i32: 0>} : vector<10240x1xi32>
      %reduce_min3A = vector.shape_cast %get3A_41 : vector<10240x1xf32> to vector<1x10240x1xf32>
      %reduce_min3A_43 = arith.constant dense<0x7F800000> : vector<1xf32>
      %reduce_min3A_44 = vector.multi_reduction <minimumf>, %reduce_min3A, %reduce_min3A_43 [1, 2] : vector<1x10240x1xf32> to vector<1xf32>
      %reduce_min3A_45 = vector.shape_cast %reduce_min3A_44 : vector<1xf32> to vector<1x1x1xf32>
      %reduce_min3A_46 = vector.extract %reduce_min3A_45[0, 0, 0] : f32 from vector<1x1x1xf32>
      %eq3A_47 = vector.broadcast %reduce_min3A_46 : f32 to vector<10240x1xf32>
      %eq3A_48 = arith.cmpf oeq, %get3A_41, %eq3A_47 : vector<10240x1xf32>
      %jit3A_49 = arith.constant 1073741824 : i32
      %broadcast_in_dim3A_50 = vector.broadcast %jit3A_49 : i32 to vector<10240x1xi32>
      %select_n3A_51 = arith.select %eq3A_48, %iota3A_42, %broadcast_in_dim3A_50 : vector<10240x1xi1>, vector<10240x1xi32>
      %reduce_min3A_52 = vector.shape_cast %select_n3A_51 : vector<10240x1xi32> to vector<1x10240x1xi32>
      %reduce_min3A_53 = arith.constant dense<2147483647> : vector<1xi32>
      %reduce_min3A_54 = vector.multi_reduction <minsi>, %reduce_min3A_52, %reduce_min3A_53 [1, 2] : vector<1x10240x1xi32> to vector<1xi32>
      %reduce_min3A_55 = vector.shape_cast %reduce_min3A_54 : vector<1xi32> to vector<1x1x1xi32>
      %reduce_min3A_56 = vector.extract %reduce_min3A_55[0, 0, 0] : i32 from vector<1x1x1xi32>
      %eq3A_57 = vector.broadcast %reduce_min3A_56 : i32 to vector<10240x1xi32>
      %eq3A_58 = arith.cmpi eq, %iota3A_42, %eq3A_57 : vector<10240x1xi32>
      %jit3A_59 = arith.constant 0x7F800000 : f32
      %broadcast_in_dim3A_60 = vector.broadcast %jit3A_59 : f32 to vector<10240x1xf32>
      %select_n3A_61 = arith.select %eq3A_58, %broadcast_in_dim3A_60, %get3A_41 : vector<10240x1xi1>, vector<10240x1xf32>
      %reduce_min3A_62 = vector.shape_cast %select_n3A_61 : vector<10240x1xf32> to vector<1x10240x1xf32>
      %reduce_min3A_63 = arith.constant dense<0x7F800000> : vector<1xf32>
      %reduce_min3A_64 = vector.multi_reduction <minimumf>, %reduce_min3A_62, %reduce_min3A_63 [1, 2] : vector<1x10240x1xf32> to vector<1xf32>
      %reduce_min3A_65 = vector.shape_cast %reduce_min3A_64 : vector<1xf32> to vector<1x1x1xf32>
      %reduce_min3A_66 = vector.extract %reduce_min3A_65[0, 0, 0] : f32 from vector<1x1x1xf32>
      %eq3A_67 = vector.broadcast %reduce_min3A_66 : f32 to vector<10240x1xf32>
      %eq3A_68 = arith.cmpf oeq, %select_n3A_61, %eq3A_67 : vector<10240x1xf32>
      %jit3A_69 = arith.constant 1073741824 : i32
      %broadcast_in_dim3A_70 = vector.broadcast %jit3A_69 : i32 to vector<10240x1xi32>
      %select_n3A_71 = arith.select %eq3A_68, %iota3A_42, %broadcast_in_dim3A_70 : vector<10240x1xi1>, vector<10240x1xi32>
      %reduce_min3A_72 = vector.shape_cast %select_n3A_71 : vector<10240x1xi32> to vector<1x10240x1xi32>
      %reduce_min3A_73 = arith.constant dense<2147483647> : vector<1xi32>
      %reduce_min3A_74 = vector.multi_reduction <minsi>, %reduce_min3A_72, %reduce_min3A_73 [1, 2] : vector<1x10240x1xi32> to vector<1xi32>
      %reduce_min3A_75 = vector.shape_cast %reduce_min3A_74 : vector<1xi32> to vector<1x1x1xi32>
      %reduce_min3A_76 = vector.extract %reduce_min3A_75[0, 0, 0] : i32 from vector<1x1x1xi32>
      %eq3A_77 = vector.broadcast %reduce_min3A_76 : i32 to vector<10240x1xi32>
      %eq3A_78 = arith.cmpi eq, %iota3A_42, %eq3A_77 : vector<10240x1xi32>
      %jit3A_79 = arith.constant 0x7F800000 : f32
      %broadcast_in_dim3A_80 = vector.broadcast %jit3A_79 : f32 to vector<10240x1xf32>
      %select_n3A_81 = arith.select %eq3A_78, %broadcast_in_dim3A_80, %select_n3A_61 : vector<10240x1xi1>, vector<10240x1xf32>
      %reduce_min3A_82 = vector.shape_cast %select_n3A_81 : vector<10240x1xf32> to vector<1x10240x1xf32>
      %reduce_min3A_83 = arith.constant dense<0x7F800000> : vector<1xf32>
      %reduce_min3A_84 = vector.multi_reduction <minimumf>, %reduce_min3A_82, %reduce_min3A_83 [1, 2] : vector<1x10240x1xf32> to vector<1xf32>
      %reduce_min3A_85 = vector.shape_cast %reduce_min3A_84 : vector<1xf32> to vector<1x1x1xf32>
      %reduce_min3A_86 = vector.extract %reduce_min3A_85[0, 0, 0] : f32 from vector<1x1x1xf32>
      %eq3A_87 = vector.broadcast %reduce_min3A_86 : f32 to vector<10240x1xf32>
      %eq3A_88 = arith.cmpf oeq, %select_n3A_81, %eq3A_87 : vector<10240x1xf32>
      %jit3A_89 = arith.constant 1073741824 : i32
      %broadcast_in_dim3A_90 = vector.broadcast %jit3A_89 : i32 to vector<10240x1xi32>
      %select_n3A_91 = arith.select %eq3A_88, %iota3A_42, %broadcast_in_dim3A_90 : vector<10240x1xi1>, vector<10240x1xi32>
      %reduce_min3A_92 = vector.shape_cast %select_n3A_91 : vector<10240x1xi32> to vector<1x10240x1xi32>
      %reduce_min3A_93 = arith.constant dense<2147483647> : vector<1xi32>
      %reduce_min3A_94 = vector.multi_reduction <minsi>, %reduce_min3A_92, %reduce_min3A_93 [1, 2] : vector<1x10240x1xi32> to vector<1xi32>
      %reduce_min3A_95 = vector.shape_cast %reduce_min3A_94 : vector<1xi32> to vector<1x1x1xi32>
      %reduce_min3A_96 = vector.extract %reduce_min3A_95[0, 0, 0] : i32 from vector<1x1x1xi32>
      %eq3A_97 = vector.broadcast %reduce_min3A_96 : i32 to vector<10240x1xi32>
      %eq3A_98 = arith.cmpi eq, %iota3A_42, %eq3A_97 : vector<10240x1xi32>
      %jit3A_99 = arith.constant 0x7F800000 : f32
      %broadcast_in_dim3A_100 = vector.broadcast %jit3A_99 : f32 to vector<10240x1xf32>
      %select_n3A_101 = arith.select %eq3A_98, %broadcast_in_dim3A_100, %select_n3A_81 : vector<10240x1xi1>, vector<10240x1xf32>
      %reduce_min3A_102 = vector.shape_cast %select_n3A_101 : vector<10240x1xf32> to vector<1x10240x1xf32>
      %reduce_min3A_103 = arith.constant dense<0x7F800000> : vector<1xf32>
      %reduce_min3A_104 = vector.multi_reduction <minimumf>, %reduce_min3A_102, %reduce_min3A_103 [1, 2] : vector<1x10240x1xf32> to vector<1xf32>
      %reduce_min3A_105 = vector.shape_cast %reduce_min3A_104 : vector<1xf32> to vector<1x1x1xf32>
      %reduce_min3A_106 = vector.extract %reduce_min3A_105[0, 0, 0] : f32 from vector<1x1x1xf32>
      %eq3A_107 = vector.broadcast %reduce_min3A_106 : f32 to vector<10240x1xf32>
      %eq3A_108 = arith.cmpf oeq, %select_n3A_101, %eq3A_107 : vector<10240x1xf32>
      %jit3A_109 = arith.constant 1073741824 : i32
      %broadcast_in_dim3A_110 = vector.broadcast %jit3A_109 : i32 to vector<10240x1xi32>
      %select_n3A_111 = arith.select %eq3A_108, %iota3A_42, %broadcast_in_dim3A_110 : vector<10240x1xi1>, vector<10240x1xi32>
      %reduce_min3A_112 = vector.shape_cast %select_n3A_111 : vector<10240x1xi32> to vector<1x10240x1xi32>
      %reduce_min3A_113 = arith.constant dense<2147483647> : vector<1xi32>
      %reduce_min3A_114 = vector.multi_reduction <minsi>, %reduce_min3A_112, %reduce_min3A_113 [1, 2] : vector<1x10240x1xi32> to vector<1xi32>
      %reduce_min3A_115 = vector.shape_cast %reduce_min3A_114 : vector<1xi32> to vector<1x1x1xi32>
      %reduce_min3A_116 = vector.extract %reduce_min3A_115[0, 0, 0] : i32 from vector<1x1x1xi32>
      %eq3A_117 = vector.broadcast %reduce_min3A_116 : i32 to vector<10240x1xi32>
      %eq3A_118 = arith.cmpi eq, %iota3A_42, %eq3A_117 : vector<10240x1xi32>
      %jit3A_119 = arith.constant 0x7F800000 : f32
      %broadcast_in_dim3A_120 = vector.broadcast %jit3A_119 : f32 to vector<10240x1xf32>
      %select_n3A_121 = arith.select %eq3A_118, %broadcast_in_dim3A_120, %select_n3A_101 : vector<10240x1xi1>, vector<10240x1xf32>
      %reduce_min3A_122 = vector.shape_cast %select_n3A_121 : vector<10240x1xf32> to vector<1x10240x1xf32>
      %reduce_min3A_123 = arith.constant dense<0x7F800000> : vector<1xf32>
      %reduce_min3A_124 = vector.multi_reduction <minimumf>, %reduce_min3A_122, %reduce_min3A_123 [1, 2] : vector<1x10240x1xf32> to vector<1xf32>
      %reduce_min3A_125 = vector.shape_cast %reduce_min3A_124 : vector<1xf32> to vector<1x1x1xf32>
      %reduce_min3A_126 = vector.extract %reduce_min3A_125[0, 0, 0] : f32 from vector<1x1x1xf32>
      %eq3A_127 = vector.broadcast %reduce_min3A_126 : f32 to vector<10240x1xf32>
      %eq3A_128 = arith.cmpf oeq, %select_n3A_121, %eq3A_127 : vector<10240x1xf32>
      %jit3A_129 = arith.constant 1073741824 : i32
      %broadcast_in_dim3A_130 = vector.broadcast %jit3A_129 : i32 to vector<10240x1xi32>
      %select_n3A_131 = arith.select %eq3A_128, %iota3A_42, %broadcast_in_dim3A_130 : vector<10240x1xi1>, vector<10240x1xi32>
      %reduce_min3A_132 = vector.shape_cast %select_n3A_131 : vector<10240x1xi32> to vector<1x10240x1xi32>
      %reduce_min3A_133 = arith.constant dense<2147483647> : vector<1xi32>
      %reduce_min3A_134 = vector.multi_reduction <minsi>, %reduce_min3A_132, %reduce_min3A_133 [1, 2] : vector<1x10240x1xi32> to vector<1xi32>
      %reduce_min3A_135 = vector.shape_cast %reduce_min3A_134 : vector<1xi32> to vector<1x1x1xi32>
      %reduce_min3A_136 = vector.extract %reduce_min3A_135[0, 0, 0] : i32 from vector<1x1x1xi32>
      %eq3A_137 = vector.broadcast %reduce_min3A_136 : i32 to vector<10240x1xi32>
      %eq3A_138 = arith.cmpi eq, %iota3A_42, %eq3A_137 : vector<10240x1xi32>
      %jit3A_139 = arith.constant 0x7F800000 : f32
      %broadcast_in_dim3A_140 = vector.broadcast %jit3A_139 : f32 to vector<10240x1xf32>
      %select_n3A_141 = arith.select %eq3A_138, %broadcast_in_dim3A_140, %select_n3A_121 : vector<10240x1xi1>, vector<10240x1xf32>
      %reduce_min3A_142 = vector.shape_cast %select_n3A_141 : vector<10240x1xf32> to vector<1x10240x1xf32>
      %reduce_min3A_143 = arith.constant dense<0x7F800000> : vector<1xf32>
      %reduce_min3A_144 = vector.multi_reduction <minimumf>, %reduce_min3A_142, %reduce_min3A_143 [1, 2] : vector<1x10240x1xf32> to vector<1xf32>
      %reduce_min3A_145 = vector.shape_cast %reduce_min3A_144 : vector<1xf32> to vector<1x1x1xf32>
      %reduce_min3A_146 = vector.extract %reduce_min3A_145[0, 0, 0] : f32 from vector<1x1x1xf32>
      %eq3A_147 = vector.broadcast %reduce_min3A_146 : f32 to vector<10240x1xf32>
      %eq3A_148 = arith.cmpf oeq, %select_n3A_141, %eq3A_147 : vector<10240x1xf32>
      %jit3A_149 = arith.constant 1073741824 : i32
      %broadcast_in_dim3A_150 = vector.broadcast %jit3A_149 : i32 to vector<10240x1xi32>
      %select_n3A_151 = arith.select %eq3A_148, %iota3A_42, %broadcast_in_dim3A_150 : vector<10240x1xi1>, vector<10240x1xi32>
      %reduce_min3A_152 = vector.shape_cast %select_n3A_151 : vector<10240x1xi32> to vector<1x10240x1xi32>
      %reduce_min3A_153 = arith.constant dense<2147483647> : vector<1xi32>
      %reduce_min3A_154 = vector.multi_reduction <minsi>, %reduce_min3A_152, %reduce_min3A_153 [1, 2] : vector<1x10240x1xi32> to vector<1xi32>
      %reduce_min3A_155 = vector.shape_cast %reduce_min3A_154 : vector<1xi32> to vector<1x1x1xi32>
      %reduce_min3A_156 = vector.extract %reduce_min3A_155[0, 0, 0] : i32 from vector<1x1x1xi32>
      %eq3A_157 = vector.broadcast %reduce_min3A_156 : i32 to vector<10240x1xi32>
      %eq3A_158 = arith.cmpi eq, %iota3A_42, %eq3A_157 : vector<10240x1xi32>
      %jit3A_159 = arith.constant 0x7F800000 : f32
      %broadcast_in_dim3A_160 = vector.broadcast %jit3A_159 : f32 to vector<10240x1xf32>
      %select_n3A_161 = arith.select %eq3A_158, %broadcast_in_dim3A_160, %select_n3A_141 : vector<10240x1xi1>, vector<10240x1xf32>
      %reduce_min3A_162 = vector.shape_cast %select_n3A_161 : vector<10240x1xf32> to vector<1x10240x1xf32>
      %reduce_min3A_163 = arith.constant dense<0x7F800000> : vector<1xf32>
      %reduce_min3A_164 = vector.multi_reduction <minimumf>, %reduce_min3A_162, %reduce_min3A_163 [1, 2] : vector<1x10240x1xf32> to vector<1xf32>
      %reduce_min3A_165 = vector.shape_cast %reduce_min3A_164 : vector<1xf32> to vector<1x1x1xf32>
      %reduce_min3A_166 = vector.extract %reduce_min3A_165[0, 0, 0] : f32 from vector<1x1x1xf32>
      %eq3A_167 = vector.broadcast %reduce_min3A_166 : f32 to vector<10240x1xf32>
      %eq3A_168 = arith.cmpf oeq, %select_n3A_161, %eq3A_167 : vector<10240x1xf32>
      %jit3A_169 = arith.constant 1073741824 : i32
      %broadcast_in_dim3A_170 = vector.broadcast %jit3A_169 : i32 to vector<10240x1xi32>
      %select_n3A_171 = arith.select %eq3A_168, %iota3A_42, %broadcast_in_dim3A_170 : vector<10240x1xi1>, vector<10240x1xi32>
      %reduce_min3A_172 = vector.shape_cast %select_n3A_171 : vector<10240x1xi32> to vector<1x10240x1xi32>
      %reduce_min3A_173 = arith.constant dense<2147483647> : vector<1xi32>
      %reduce_min3A_174 = vector.multi_reduction <minsi>, %reduce_min3A_172, %reduce_min3A_173 [1, 2] : vector<1x10240x1xi32> to vector<1xi32>
      %reduce_min3A_175 = vector.shape_cast %reduce_min3A_174 : vector<1xi32> to vector<1x1x1xi32>
      %reduce_min3A_176 = vector.extract %reduce_min3A_175[0, 0, 0] : i32 from vector<1x1x1xi32>
      %eq3A_177 = vector.broadcast %reduce_min3A_176 : i32 to vector<10240x1xi32>
      %eq3A_178 = arith.cmpi eq, %iota3A_42, %eq3A_177 : vector<10240x1xi32>
      %jit3A_179 = arith.constant 0x7F800000 : f32
      %broadcast_in_dim3A_180 = vector.broadcast %jit3A_179 : f32 to vector<10240x1xf32>
      %select_n3A_181 = arith.select %eq3A_178, %broadcast_in_dim3A_180, %select_n3A_161 : vector<10240x1xi1>, vector<10240x1xf32>
      %reduce_min3A_182 = vector.shape_cast %select_n3A_181 : vector<10240x1xf32> to vector<1x10240x1xf32>
      %reduce_min3A_183 = arith.constant dense<0x7F800000> : vector<1xf32>
      %reduce_min3A_184 = vector.multi_reduction <minimumf>, %reduce_min3A_182, %reduce_min3A_183 [1, 2] : vector<1x10240x1xf32> to vector<1xf32>
      %reduce_min3A_185 = vector.shape_cast %reduce_min3A_184 : vector<1xf32> to vector<1x1x1xf32>
      %reduce_min3A_186 = vector.extract %reduce_min3A_185[0, 0, 0] : f32 from vector<1x1x1xf32>
      %eq3A_187 = vector.broadcast %reduce_min3A_186 : f32 to vector<10240x1xf32>
      %eq3A_188 = arith.cmpf oeq, %select_n3A_181, %eq3A_187 : vector<10240x1xf32>
      %jit3A_189 = arith.constant 1073741824 : i32
      %broadcast_in_dim3A_190 = vector.broadcast %jit3A_189 : i32 to vector<10240x1xi32>
      %select_n3A_191 = arith.select %eq3A_188, %iota3A_42, %broadcast_in_dim3A_190 : vector<10240x1xi1>, vector<10240x1xi32>
      %reduce_min3A_192 = vector.shape_cast %select_n3A_191 : vector<10240x1xi32> to vector<1x10240x1xi32>
      %reduce_min3A_193 = arith.constant dense<2147483647> : vector<1xi32>
      %reduce_min3A_194 = vector.multi_reduction <minsi>, %reduce_min3A_192, %reduce_min3A_193 [1, 2] : vector<1x10240x1xi32> to vector<1xi32>
      %reduce_min3A_195 = vector.shape_cast %reduce_min3A_194 : vector<1xi32> to vector<1x1x1xi32>
      %reduce_min3A_196 = vector.extract %reduce_min3A_195[0, 0, 0] : i32 from vector<1x1x1xi32>
      %eq3A_197 = vector.broadcast %reduce_min3A_196 : i32 to vector<10240x1xi32>
      %eq3A_198 = arith.cmpi eq, %iota3A_42, %eq3A_197 : vector<10240x1xi32>
      %jit3A_199 = arith.constant 0x7F800000 : f32
      %broadcast_in_dim3A_200 = vector.broadcast %jit3A_199 : f32 to vector<10240x1xf32>
      %select_n3A_201 = arith.select %eq3A_198, %broadcast_in_dim3A_200, %select_n3A_181 : vector<10240x1xi1>, vector<10240x1xf32>
      %reduce_min3A_202 = vector.shape_cast %select_n3A_201 : vector<10240x1xf32> to vector<1x10240x1xf32>
      %reduce_min3A_203 = arith.constant dense<0x7F800000> : vector<1xf32>
      %reduce_min3A_204 = vector.multi_reduction <minimumf>, %reduce_min3A_202, %reduce_min3A_203 [1, 2] : vector<1x10240x1xf32> to vector<1xf32>
      %reduce_min3A_205 = vector.shape_cast %reduce_min3A_204 : vector<1xf32> to vector<1x1x1xf32>
      %reduce_min3A_206 = vector.extract %reduce_min3A_205[0, 0, 0] : f32 from vector<1x1x1xf32>
      %eq3A_207 = vector.broadcast %reduce_min3A_206 : f32 to vector<10240x1xf32>
      %eq3A_208 = arith.cmpf oeq, %select_n3A_201, %eq3A_207 : vector<10240x1xf32>
      %jit3A_209 = arith.constant 1073741824 : i32
      %broadcast_in_dim3A_210 = vector.broadcast %jit3A_209 : i32 to vector<10240x1xi32>
      %select_n3A_211 = arith.select %eq3A_208, %iota3A_42, %broadcast_in_dim3A_210 : vector<10240x1xi1>, vector<10240x1xi32>
      %reduce_min3A_212 = vector.shape_cast %select_n3A_211 : vector<10240x1xi32> to vector<1x10240x1xi32>
      %reduce_min3A_213 = arith.constant dense<2147483647> : vector<1xi32>
      %reduce_min3A_214 = vector.multi_reduction <minsi>, %reduce_min3A_212, %reduce_min3A_213 [1, 2] : vector<1x10240x1xi32> to vector<1xi32>
      %reduce_min3A_215 = vector.shape_cast %reduce_min3A_214 : vector<1xi32> to vector<1x1x1xi32>
      %reduce_min3A_216 = vector.extract %reduce_min3A_215[0, 0, 0] : i32 from vector<1x1x1xi32>
      %eq3A_217 = vector.broadcast %reduce_min3A_216 : i32 to vector<10240x1xi32>
      %eq3A_218 = arith.cmpi eq, %iota3A_42, %eq3A_217 : vector<10240x1xi32>
      %jit3A_219 = arith.constant 0x7F800000 : f32
      %broadcast_in_dim3A_220 = vector.broadcast %jit3A_219 : f32 to vector<10240x1xf32>
      %select_n3A_221 = arith.select %eq3A_218, %broadcast_in_dim3A_220, %select_n3A_201 : vector<10240x1xi1>, vector<10240x1xf32>
      %reduce_min3A_222 = vector.shape_cast %select_n3A_221 : vector<10240x1xf32> to vector<1x10240x1xf32>
      %reduce_min3A_223 = arith.constant dense<0x7F800000> : vector<1xf32>
      %reduce_min3A_224 = vector.multi_reduction <minimumf>, %reduce_min3A_222, %reduce_min3A_223 [1, 2] : vector<1x10240x1xf32> to vector<1xf32>
      %reduce_min3A_225 = vector.shape_cast %reduce_min3A_224 : vector<1xf32> to vector<1x1x1xf32>
      %reduce_min3A_226 = vector.extract %reduce_min3A_225[0, 0, 0] : f32 from vector<1x1x1xf32>
      %eq3A_227 = vector.broadcast %reduce_min3A_226 : f32 to vector<10240x1xf32>
      %eq3A_228 = arith.cmpf oeq, %select_n3A_221, %eq3A_227 : vector<10240x1xf32>
      %jit3A_229 = arith.constant 1073741824 : i32
      %broadcast_in_dim3A_230 = vector.broadcast %jit3A_229 : i32 to vector<10240x1xi32>
      %select_n3A_231 = arith.select %eq3A_228, %iota3A_42, %broadcast_in_dim3A_230 : vector<10240x1xi1>, vector<10240x1xi32>
      %reduce_min3A_232 = vector.shape_cast %select_n3A_231 : vector<10240x1xi32> to vector<1x10240x1xi32>
      %reduce_min3A_233 = arith.constant dense<2147483647> : vector<1xi32>
      %reduce_min3A_234 = vector.multi_reduction <minsi>, %reduce_min3A_232, %reduce_min3A_233 [1, 2] : vector<1x10240x1xi32> to vector<1xi32>
      %reduce_min3A_235 = vector.shape_cast %reduce_min3A_234 : vector<1xi32> to vector<1x1x1xi32>
      %reduce_min3A_236 = vector.extract %reduce_min3A_235[0, 0, 0] : i32 from vector<1x1x1xi32>
      %eq3A_237 = vector.broadcast %reduce_min3A_236 : i32 to vector<10240x1xi32>
      %eq3A_238 = arith.cmpi eq, %iota3A_42, %eq3A_237 : vector<10240x1xi32>
      %jit3A_239 = arith.constant 0x7F800000 : f32
      %broadcast_in_dim3A_240 = vector.broadcast %jit3A_239 : f32 to vector<10240x1xf32>
      %select_n3A_241 = arith.select %eq3A_238, %broadcast_in_dim3A_240, %select_n3A_221 : vector<10240x1xi1>, vector<10240x1xf32>
      %reduce_min3A_242 = vector.shape_cast %select_n3A_241 : vector<10240x1xf32> to vector<1x10240x1xf32>
      %reduce_min3A_243 = arith.constant dense<0x7F800000> : vector<1xf32>
      %reduce_min3A_244 = vector.multi_reduction <minimumf>, %reduce_min3A_242, %reduce_min3A_243 [1, 2] : vector<1x10240x1xf32> to vector<1xf32>
      %reduce_min3A_245 = vector.shape_cast %reduce_min3A_244 : vector<1xf32> to vector<1x1x1xf32>
      %reduce_min3A_246 = vector.extract %reduce_min3A_245[0, 0, 0] : f32 from vector<1x1x1xf32>
      %eq3A_247 = vector.broadcast %reduce_min3A_246 : f32 to vector<10240x1xf32>
      %eq3A_248 = arith.cmpf oeq, %select_n3A_241, %eq3A_247 : vector<10240x1xf32>
      %jit3A_249 = arith.constant 1073741824 : i32
      %broadcast_in_dim3A_250 = vector.broadcast %jit3A_249 : i32 to vector<10240x1xi32>
      %select_n3A_251 = arith.select %eq3A_248, %iota3A_42, %broadcast_in_dim3A_250 : vector<10240x1xi1>, vector<10240x1xi32>
      %reduce_min3A_252 = vector.shape_cast %select_n3A_251 : vector<10240x1xi32> to vector<1x10240x1xi32>
      %reduce_min3A_253 = arith.constant dense<2147483647> : vector<1xi32>
      %reduce_min3A_254 = vector.multi_reduction <minsi>, %reduce_min3A_252, %reduce_min3A_253 [1, 2] : vector<1x10240x1xi32> to vector<1xi32>
      %reduce_min3A_255 = vector.shape_cast %reduce_min3A_254 : vector<1xi32> to vector<1x1x1xi32>
      %reduce_min3A_256 = vector.extract %reduce_min3A_255[0, 0, 0] : i32 from vector<1x1x1xi32>
      %eq3A_257 = vector.broadcast %reduce_min3A_256 : i32 to vector<10240x1xi32>
      %eq3A_258 = arith.cmpi eq, %iota3A_42, %eq3A_257 : vector<10240x1xi32>
      %jit3A_259 = arith.constant 0x7F800000 : f32
      %broadcast_in_dim3A_260 = vector.broadcast %jit3A_259 : f32 to vector<10240x1xf32>
      %select_n3A_261 = arith.select %eq3A_258, %broadcast_in_dim3A_260, %select_n3A_241 : vector<10240x1xi1>, vector<10240x1xf32>
      %reduce_min3A_262 = vector.shape_cast %select_n3A_261 : vector<10240x1xf32> to vector<1x10240x1xf32>
      %reduce_min3A_263 = arith.constant dense<0x7F800000> : vector<1xf32>
      %reduce_min3A_264 = vector.multi_reduction <minimumf>, %reduce_min3A_262, %reduce_min3A_263 [1, 2] : vector<1x10240x1xf32> to vector<1xf32>
      %reduce_min3A_265 = vector.shape_cast %reduce_min3A_264 : vector<1xf32> to vector<1x1x1xf32>
      %reduce_min3A_266 = vector.extract %reduce_min3A_265[0, 0, 0] : f32 from vector<1x1x1xf32>
      %eq3A_267 = vector.broadcast %reduce_min3A_266 : f32 to vector<10240x1xf32>
      %eq3A_268 = arith.cmpf oeq, %select_n3A_261, %eq3A_267 : vector<10240x1xf32>
      %jit3A_269 = arith.constant 1073741824 : i32
      %broadcast_in_dim3A_270 = vector.broadcast %jit3A_269 : i32 to vector<10240x1xi32>
      %select_n3A_271 = arith.select %eq3A_268, %iota3A_42, %broadcast_in_dim3A_270 : vector<10240x1xi1>, vector<10240x1xi32>
      %reduce_min3A_272 = vector.shape_cast %select_n3A_271 : vector<10240x1xi32> to vector<1x10240x1xi32>
      %reduce_min3A_273 = arith.constant dense<2147483647> : vector<1xi32>
      %reduce_min3A_274 = vector.multi_reduction <minsi>, %reduce_min3A_272, %reduce_min3A_273 [1, 2] : vector<1x10240x1xi32> to vector<1xi32>
      %reduce_min3A_275 = vector.shape_cast %reduce_min3A_274 : vector<1xi32> to vector<1x1x1xi32>
      %reduce_min3A_276 = vector.extract %reduce_min3A_275[0, 0, 0] : i32 from vector<1x1x1xi32>
      %eq3A_277 = vector.broadcast %reduce_min3A_276 : i32 to vector<10240x1xi32>
      %eq3A_278 = arith.cmpi eq, %iota3A_42, %eq3A_277 : vector<10240x1xi32>
      %jit3A_279 = arith.constant 0x7F800000 : f32
      %broadcast_in_dim3A_280 = vector.broadcast %jit3A_279 : f32 to vector<10240x1xf32>
      %select_n3A_281 = arith.select %eq3A_278, %broadcast_in_dim3A_280, %select_n3A_261 : vector<10240x1xi1>, vector<10240x1xf32>
      %reduce_min3A_282 = vector.shape_cast %select_n3A_281 : vector<10240x1xf32> to vector<1x10240x1xf32>
      %reduce_min3A_283 = arith.constant dense<0x7F800000> : vector<1xf32>
      %reduce_min3A_284 = vector.multi_reduction <minimumf>, %reduce_min3A_282, %reduce_min3A_283 [1, 2] : vector<1x10240x1xf32> to vector<1xf32>
      %reduce_min3A_285 = vector.shape_cast %reduce_min3A_284 : vector<1xf32> to vector<1x1x1xf32>
      %reduce_min3A_286 = vector.extract %reduce_min3A_285[0, 0, 0] : f32 from vector<1x1x1xf32>
      %eq3A_287 = vector.broadcast %reduce_min3A_286 : f32 to vector<10240x1xf32>
      %eq3A_288 = arith.cmpf oeq, %select_n3A_281, %eq3A_287 : vector<10240x1xf32>
      %jit3A_289 = arith.constant 1073741824 : i32
      %broadcast_in_dim3A_290 = vector.broadcast %jit3A_289 : i32 to vector<10240x1xi32>
      %select_n3A_291 = arith.select %eq3A_288, %iota3A_42, %broadcast_in_dim3A_290 : vector<10240x1xi1>, vector<10240x1xi32>
      %reduce_min3A_292 = vector.shape_cast %select_n3A_291 : vector<10240x1xi32> to vector<1x10240x1xi32>
      %reduce_min3A_293 = arith.constant dense<2147483647> : vector<1xi32>
      %reduce_min3A_294 = vector.multi_reduction <minsi>, %reduce_min3A_292, %reduce_min3A_293 [1, 2] : vector<1x10240x1xi32> to vector<1xi32>
      %reduce_min3A_295 = vector.shape_cast %reduce_min3A_294 : vector<1xi32> to vector<1x1x1xi32>
      %reduce_min3A_296 = vector.extract %reduce_min3A_295[0, 0, 0] : i32 from vector<1x1x1xi32>
      %eq3A_297 = vector.broadcast %reduce_min3A_296 : i32 to vector<10240x1xi32>
      %eq3A_298 = arith.cmpi eq, %iota3A_42, %eq3A_297 : vector<10240x1xi32>
      %jit3A_299 = arith.constant 0x7F800000 : f32
      %broadcast_in_dim3A_300 = vector.broadcast %jit3A_299 : f32 to vector<10240x1xf32>
      %select_n3A_301 = arith.select %eq3A_298, %broadcast_in_dim3A_300, %select_n3A_281 : vector<10240x1xi1>, vector<10240x1xf32>
      %reduce_min3A_302 = vector.shape_cast %select_n3A_301 : vector<10240x1xf32> to vector<1x10240x1xf32>
      %reduce_min3A_303 = arith.constant dense<0x7F800000> : vector<1xf32>
      %reduce_min3A_304 = vector.multi_reduction <minimumf>, %reduce_min3A_302, %reduce_min3A_303 [1, 2] : vector<1x10240x1xf32> to vector<1xf32>
      %reduce_min3A_305 = vector.shape_cast %reduce_min3A_304 : vector<1xf32> to vector<1x1x1xf32>
      %reduce_min3A_306 = vector.extract %reduce_min3A_305[0, 0, 0] : f32 from vector<1x1x1xf32>
      %eq3A_307 = vector.broadcast %reduce_min3A_306 : f32 to vector<10240x1xf32>
      %eq3A_308 = arith.cmpf oeq, %select_n3A_301, %eq3A_307 : vector<10240x1xf32>
      %jit3A_309 = arith.constant 1073741824 : i32
      %broadcast_in_dim3A_310 = vector.broadcast %jit3A_309 : i32 to vector<10240x1xi32>
      %select_n3A_311 = arith.select %eq3A_308, %iota3A_42, %broadcast_in_dim3A_310 : vector<10240x1xi1>, vector<10240x1xi32>
      %reduce_min3A_312 = vector.shape_cast %select_n3A_311 : vector<10240x1xi32> to vector<1x10240x1xi32>
      %reduce_min3A_313 = arith.constant dense<2147483647> : vector<1xi32>
      %reduce_min3A_314 = vector.multi_reduction <minsi>, %reduce_min3A_312, %reduce_min3A_313 [1, 2] : vector<1x10240x1xi32> to vector<1xi32>
      %reduce_min3A_315 = vector.shape_cast %reduce_min3A_314 : vector<1xi32> to vector<1x1x1xi32>
      %reduce_min3A_316 = vector.extract %reduce_min3A_315[0, 0, 0] : i32 from vector<1x1x1xi32>
      %eq3A_317 = vector.broadcast %reduce_min3A_316 : i32 to vector<10240x1xi32>
      %eq3A_318 = arith.cmpi eq, %iota3A_42, %eq3A_317 : vector<10240x1xi32>
      %jit3A_319 = arith.constant 0x7F800000 : f32
      %broadcast_in_dim3A_320 = vector.broadcast %jit3A_319 : f32 to vector<10240x1xf32>
      %select_n3A_321 = arith.select %eq3A_318, %broadcast_in_dim3A_320, %select_n3A_301 : vector<10240x1xi1>, vector<10240x1xf32>
      %reduce_min3A_322 = vector.shape_cast %select_n3A_321 : vector<10240x1xf32> to vector<1x10240x1xf32>
      %reduce_min3A_323 = arith.constant dense<0x7F800000> : vector<1xf32>
      %reduce_min3A_324 = vector.multi_reduction <minimumf>, %reduce_min3A_322, %reduce_min3A_323 [1, 2] : vector<1x10240x1xf32> to vector<1xf32>
      %reduce_min3A_325 = vector.shape_cast %reduce_min3A_324 : vector<1xf32> to vector<1x1x1xf32>
      %reduce_min3A_326 = vector.extract %reduce_min3A_325[0, 0, 0] : f32 from vector<1x1x1xf32>
      %get3A_327 = arith.constant 0 : index
      %get3A_328 = arith.constant 0 : index
      %get3A_329 = memref.load %arg5[%get3A_327, %get3A_328] : memref<1x1xf32, #tpu.memory_space<smem>>
      %get3A_330 = arith.constant 0 : index
      %get3A_331 = arith.constant 0 : index
      %get3A_332 = memref.load %arg3[%get3A_330, %get3A_331] : memref<1x16xf32, #tpu.memory_space<smem>>
      %get3A_333 = arith.constant 0 : index
      %get3A_334 = arith.constant 0 : index
      %get3A_335 = memref.load %arg2[%get3A_333, %get3A_334] : memref<15x16xf32, #tpu.memory_space<smem>>
      %mul3A_336 = arith.mulf %reduce_min3A_46, %get3A_335 : f32
      %add3A_337 = arith.addf %get3A_332, %mul3A_336 : f32
      %get3A_338 = arith.constant 1 : index
      %get3A_339 = arith.constant 0 : index
      %get3A_340 = memref.load %arg2[%get3A_338, %get3A_339] : memref<15x16xf32, #tpu.memory_space<smem>>
      %mul3A_341 = arith.mulf %reduce_min3A_66, %get3A_340 : f32
      %add3A_342 = arith.addf %add3A_337, %mul3A_341 : f32
      %get3A_343 = arith.constant 2 : index
      %get3A_344 = arith.constant 0 : index
      %get3A_345 = memref.load %arg2[%get3A_343, %get3A_344] : memref<15x16xf32, #tpu.memory_space<smem>>
      %mul3A_346 = arith.mulf %reduce_min3A_86, %get3A_345 : f32
      %add3A_347 = arith.addf %add3A_342, %mul3A_346 : f32
      %get3A_348 = arith.constant 3 : index
      %get3A_349 = arith.constant 0 : index
      %get3A_350 = memref.load %arg2[%get3A_348, %get3A_349] : memref<15x16xf32, #tpu.memory_space<smem>>
      %mul3A_351 = arith.mulf %reduce_min3A_106, %get3A_350 : f32
      %add3A_352 = arith.addf %add3A_347, %mul3A_351 : f32
      %get3A_353 = arith.constant 4 : index
      %get3A_354 = arith.constant 0 : index
      %get3A_355 = memref.load %arg2[%get3A_353, %get3A_354] : memref<15x16xf32, #tpu.memory_space<smem>>
      %mul3A_356 = arith.mulf %reduce_min3A_126, %get3A_355 : f32
      %add3A_357 = arith.addf %add3A_352, %mul3A_356 : f32
      %get3A_358 = arith.constant 5 : index
      %get3A_359 = arith.constant 0 : index
      %get3A_360 = memref.load %arg2[%get3A_358, %get3A_359] : memref<15x16xf32, #tpu.memory_space<smem>>
      %mul3A_361 = arith.mulf %reduce_min3A_146, %get3A_360 : f32
      %add3A_362 = arith.addf %add3A_357, %mul3A_361 : f32
      %get3A_363 = arith.constant 6 : index
      %get3A_364 = arith.constant 0 : index
      %get3A_365 = memref.load %arg2[%get3A_363, %get3A_364] : memref<15x16xf32, #tpu.memory_space<smem>>
      %mul3A_366 = arith.mulf %reduce_min3A_166, %get3A_365 : f32
      %add3A_367 = arith.addf %add3A_362, %mul3A_366 : f32
      %get3A_368 = arith.constant 7 : index
      %get3A_369 = arith.constant 0 : index
      %get3A_370 = memref.load %arg2[%get3A_368, %get3A_369] : memref<15x16xf32, #tpu.memory_space<smem>>
      %mul3A_371 = arith.mulf %reduce_min3A_186, %get3A_370 : f32
      %add3A_372 = arith.addf %add3A_367, %mul3A_371 : f32
      %get3A_373 = arith.constant 8 : index
      %get3A_374 = arith.constant 0 : index
      %get3A_375 = memref.load %arg2[%get3A_373, %get3A_374] : memref<15x16xf32, #tpu.memory_space<smem>>
      %mul3A_376 = arith.mulf %reduce_min3A_206, %get3A_375 : f32
      %add3A_377 = arith.addf %add3A_372, %mul3A_376 : f32
      %get3A_378 = arith.constant 9 : index
      %get3A_379 = arith.constant 0 : index
      %get3A_380 = memref.load %arg2[%get3A_378, %get3A_379] : memref<15x16xf32, #tpu.memory_space<smem>>
      %mul3A_381 = arith.mulf %reduce_min3A_226, %get3A_380 : f32
      %add3A_382 = arith.addf %add3A_377, %mul3A_381 : f32
      %get3A_383 = arith.constant 10 : index
      %get3A_384 = arith.constant 0 : index
      %get3A_385 = memref.load %arg2[%get3A_383, %get3A_384] : memref<15x16xf32, #tpu.memory_space<smem>>
      %mul3A_386 = arith.mulf %reduce_min3A_246, %get3A_385 : f32
      %add3A_387 = arith.addf %add3A_382, %mul3A_386 : f32
      %get3A_388 = arith.constant 11 : index
      %get3A_389 = arith.constant 0 : index
      %get3A_390 = memref.load %arg2[%get3A_388, %get3A_389] : memref<15x16xf32, #tpu.memory_space<smem>>
      %mul3A_391 = arith.mulf %reduce_min3A_266, %get3A_390 : f32
      %add3A_392 = arith.addf %add3A_387, %mul3A_391 : f32
      %get3A_393 = arith.constant 12 : index
      %get3A_394 = arith.constant 0 : index
      %get3A_395 = memref.load %arg2[%get3A_393, %get3A_394] : memref<15x16xf32, #tpu.memory_space<smem>>
      %mul3A_396 = arith.mulf %reduce_min3A_286, %get3A_395 : f32
      %add3A_397 = arith.addf %add3A_392, %mul3A_396 : f32
      %get3A_398 = arith.constant 13 : index
      %get3A_399 = arith.constant 0 : index
      %get3A_400 = memref.load %arg2[%get3A_398, %get3A_399] : memref<15x16xf32, #tpu.memory_space<smem>>
      %mul3A_401 = arith.mulf %reduce_min3A_306, %get3A_400 : f32
      %add3A_402 = arith.addf %add3A_397, %mul3A_401 : f32
      %get3A_403 = arith.constant 14 : index
      %get3A_404 = arith.constant 0 : index
      %get3A_405 = memref.load %arg2[%get3A_403, %get3A_404] : memref<15x16xf32, #tpu.memory_space<smem>>
      %mul3A_406 = arith.mulf %reduce_min3A_326, %get3A_405 : f32
      %add3A_407 = arith.addf %add3A_402, %mul3A_406 : f32
      %max3A_408 = arith.constant 0.000000e+00 : f32
      %max3A_409 = arith.maximumf %add3A_407, %max3A_408 : f32
      %get3A_410 = arith.constant 0 : index
      %get3A_411 = arith.constant 0 : index
      %get3A_412 = memref.load %arg4[%get3A_410, %get3A_411] : memref<16x1xf32, #tpu.memory_space<smem>>
      %mul3A_413 = arith.mulf %max3A_409, %get3A_412 : f32
      %add3A_414 = arith.addf %get3A_329, %mul3A_413 : f32
      %get3A_415 = arith.constant 0 : index
      %get3A_416 = arith.constant 1 : index
      %get3A_417 = memref.load %arg3[%get3A_415, %get3A_416] : memref<1x16xf32, #tpu.memory_space<smem>>
      %get3A_418 = arith.constant 0 : index
      %get3A_419 = arith.constant 1 : index
      %get3A_420 = memref.load %arg2[%get3A_418, %get3A_419] : memref<15x16xf32, #tpu.memory_space<smem>>
      %mul3A_421 = arith.mulf %reduce_min3A_46, %get3A_420 : f32
      %add3A_422 = arith.addf %get3A_417, %mul3A_421 : f32
      %get3A_423 = arith.constant 1 : index
      %get3A_424 = arith.constant 1 : index
      %get3A_425 = memref.load %arg2[%get3A_423, %get3A_424] : memref<15x16xf32, #tpu.memory_space<smem>>
      %mul3A_426 = arith.mulf %reduce_min3A_66, %get3A_425 : f32
      %add3A_427 = arith.addf %add3A_422, %mul3A_426 : f32
      %get3A_428 = arith.constant 2 : index
      %get3A_429 = arith.constant 1 : index
      %get3A_430 = memref.load %arg2[%get3A_428, %get3A_429] : memref<15x16xf32, #tpu.memory_space<smem>>
      %mul3A_431 = arith.mulf %reduce_min3A_86, %get3A_430 : f32
      %add3A_432 = arith.addf %add3A_427, %mul3A_431 : f32
      %get3A_433 = arith.constant 3 : index
      %get3A_434 = arith.constant 1 : index
      %get3A_435 = memref.load %arg2[%get3A_433, %get3A_434] : memref<15x16xf32, #tpu.memory_space<smem>>
      %mul3A_436 = arith.mulf %reduce_min3A_106, %get3A_435 : f32
      %add3A_437 = arith.addf %add3A_432, %mul3A_436 : f32
      %get3A_438 = arith.constant 4 : index
      %get3A_439 = arith.constant 1 : index
      %get3A_440 = memref.load %arg2[%get3A_438, %get3A_439] : memref<15x16xf32, #tpu.memory_space<smem>>
      %mul3A_441 = arith.mulf %reduce_min3A_126, %get3A_440 : f32
      %add3A_442 = arith.addf %add3A_437, %mul3A_441 : f32
      %get3A_443 = arith.constant 5 : index
      %get3A_444 = arith.constant 1 : index
      %get3A_445 = memref.load %arg2[%get3A_443, %get3A_444] : memref<15x16xf32, #tpu.memory_space<smem>>
      %mul3A_446 = arith.mulf %reduce_min3A_146, %get3A_445 : f32
      %add3A_447 = arith.addf %add3A_442, %mul3A_446 : f32
      %get3A_448 = arith.constant 6 : index
      %get3A_449 = arith.constant 1 : index
      %get3A_450 = memref.load %arg2[%get3A_448, %get3A_449] : memref<15x16xf32, #tpu.memory_space<smem>>
      %mul3A_451 = arith.mulf %reduce_min3A_166, %get3A_450 : f32
      %add3A_452 = arith.addf %add3A_447, %mul3A_451 : f32
      %get3A_453 = arith.constant 7 : index
      %get3A_454 = arith.constant 1 : index
      %get3A_455 = memref.load %arg2[%get3A_453, %get3A_454] : memref<15x16xf32, #tpu.memory_space<smem>>
      %mul3A_456 = arith.mulf %reduce_min3A_186, %get3A_455 : f32
      %add3A_457 = arith.addf %add3A_452, %mul3A_456 : f32
      %get3A_458 = arith.constant 8 : index
      %get3A_459 = arith.constant 1 : index
      %get3A_460 = memref.load %arg2[%get3A_458, %get3A_459] : memref<15x16xf32, #tpu.memory_space<smem>>
      %mul3A_461 = arith.mulf %reduce_min3A_206, %get3A_460 : f32
      %add3A_462 = arith.addf %add3A_457, %mul3A_461 : f32
      %get3A_463 = arith.constant 9 : index
      %get3A_464 = arith.constant 1 : index
      %get3A_465 = memref.load %arg2[%get3A_463, %get3A_464] : memref<15x16xf32, #tpu.memory_space<smem>>
      %mul3A_466 = arith.mulf %reduce_min3A_226, %get3A_465 : f32
      %add3A_467 = arith.addf %add3A_462, %mul3A_466 : f32
      %get3A_468 = arith.constant 10 : index
      %get3A_469 = arith.constant 1 : index
      %get3A_470 = memref.load %arg2[%get3A_468, %get3A_469] : memref<15x16xf32, #tpu.memory_space<smem>>
      %mul3A_471 = arith.mulf %reduce_min3A_246, %get3A_470 : f32
      %add3A_472 = arith.addf %add3A_467, %mul3A_471 : f32
      %get3A_473 = arith.constant 11 : index
      %get3A_474 = arith.constant 1 : index
      %get3A_475 = memref.load %arg2[%get3A_473, %get3A_474] : memref<15x16xf32, #tpu.memory_space<smem>>
      %mul3A_476 = arith.mulf %reduce_min3A_266, %get3A_475 : f32
      %add3A_477 = arith.addf %add3A_472, %mul3A_476 : f32
      %get3A_478 = arith.constant 12 : index
      %get3A_479 = arith.constant 1 : index
      %get3A_480 = memref.load %arg2[%get3A_478, %get3A_479] : memref<15x16xf32, #tpu.memory_space<smem>>
      %mul3A_481 = arith.mulf %reduce_min3A_286, %get3A_480 : f32
      %add3A_482 = arith.addf %add3A_477, %mul3A_481 : f32
      %get3A_483 = arith.constant 13 : index
      %get3A_484 = arith.constant 1 : index
      %get3A_485 = memref.load %arg2[%get3A_483, %get3A_484] : memref<15x16xf32, #tpu.memory_space<smem>>
      %mul3A_486 = arith.mulf %reduce_min3A_306, %get3A_485 : f32
      %add3A_487 = arith.addf %add3A_482, %mul3A_486 : f32
      %get3A_488 = arith.constant 14 : index
      %get3A_489 = arith.constant 1 : index
      %get3A_490 = memref.load %arg2[%get3A_488, %get3A_489] : memref<15x16xf32, #tpu.memory_space<smem>>
      %mul3A_491 = arith.mulf %reduce_min3A_326, %get3A_490 : f32
      %add3A_492 = arith.addf %add3A_487, %mul3A_491 : f32
      %max3A_493 = arith.constant 0.000000e+00 : f32
      %max3A_494 = arith.maximumf %add3A_492, %max3A_493 : f32
      %get3A_495 = arith.constant 1 : index
      %get3A_496 = arith.constant 0 : index
      %get3A_497 = memref.load %arg4[%get3A_495, %get3A_496] : memref<16x1xf32, #tpu.memory_space<smem>>
      %mul3A_498 = arith.mulf %max3A_494, %get3A_497 : f32
      %add3A_499 = arith.addf %add3A_414, %mul3A_498 : f32
      %get3A_500 = arith.constant 0 : index
      %get3A_501 = arith.constant 2 : index
      %get3A_502 = memref.load %arg3[%get3A_500, %get3A_501] : memref<1x16xf32, #tpu.memory_space<smem>>
      %get3A_503 = arith.constant 0 : index
      %get3A_504 = arith.constant 2 : index
      %get3A_505 = memref.load %arg2[%get3A_503, %get3A_504] : memref<15x16xf32, #tpu.memory_space<smem>>
      %mul3A_506 = arith.mulf %reduce_min3A_46, %get3A_505 : f32
      %add3A_507 = arith.addf %get3A_502, %mul3A_506 : f32
      %get3A_508 = arith.constant 1 : index
      %get3A_509 = arith.constant 2 : index
      %get3A_510 = memref.load %arg2[%get3A_508, %get3A_509] : memref<15x16xf32, #tpu.memory_space<smem>>
      %mul3A_511 = arith.mulf %reduce_min3A_66, %get3A_510 : f32
      %add3A_512 = arith.addf %add3A_507, %mul3A_511 : f32
      %get3A_513 = arith.constant 2 : index
      %get3A_514 = arith.constant 2 : index
      %get3A_515 = memref.load %arg2[%get3A_513, %get3A_514] : memref<15x16xf32, #tpu.memory_space<smem>>
      %mul3A_516 = arith.mulf %reduce_min3A_86, %get3A_515 : f32
      %add3A_517 = arith.addf %add3A_512, %mul3A_516 : f32
      %get3A_518 = arith.constant 3 : index
      %get3A_519 = arith.constant 2 : index
      %get3A_520 = memref.load %arg2[%get3A_518, %get3A_519] : memref<15x16xf32, #tpu.memory_space<smem>>
      %mul3A_521 = arith.mulf %reduce_min3A_106, %get3A_520 : f32
      %add3A_522 = arith.addf %add3A_517, %mul3A_521 : f32
      %get3A_523 = arith.constant 4 : index
      %get3A_524 = arith.constant 2 : index
      %get3A_525 = memref.load %arg2[%get3A_523, %get3A_524] : memref<15x16xf32, #tpu.memory_space<smem>>
      %mul3A_526 = arith.mulf %reduce_min3A_126, %get3A_525 : f32
      %add3A_527 = arith.addf %add3A_522, %mul3A_526 : f32
      %get3A_528 = arith.constant 5 : index
      %get3A_529 = arith.constant 2 : index
      %get3A_530 = memref.load %arg2[%get3A_528, %get3A_529] : memref<15x16xf32, #tpu.memory_space<smem>>
      %mul3A_531 = arith.mulf %reduce_min3A_146, %get3A_530 : f32
      %add3A_532 = arith.addf %add3A_527, %mul3A_531 : f32
      %get3A_533 = arith.constant 6 : index
      %get3A_534 = arith.constant 2 : index
      %get3A_535 = memref.load %arg2[%get3A_533, %get3A_534] : memref<15x16xf32, #tpu.memory_space<smem>>
      %mul3A_536 = arith.mulf %reduce_min3A_166, %get3A_535 : f32
      %add3A_537 = arith.addf %add3A_532, %mul3A_536 : f32
      %get3A_538 = arith.constant 7 : index
      %get3A_539 = arith.constant 2 : index
      %get3A_540 = memref.load %arg2[%get3A_538, %get3A_539] : memref<15x16xf32, #tpu.memory_space<smem>>
      %mul3A_541 = arith.mulf %reduce_min3A_186, %get3A_540 : f32
      %add3A_542 = arith.addf %add3A_537, %mul3A_541 : f32
      %get3A_543 = arith.constant 8 : index
      %get3A_544 = arith.constant 2 : index
      %get3A_545 = memref.load %arg2[%get3A_543, %get3A_544] : memref<15x16xf32, #tpu.memory_space<smem>>
      %mul3A_546 = arith.mulf %reduce_min3A_206, %get3A_545 : f32
      %add3A_547 = arith.addf %add3A_542, %mul3A_546 : f32
      %get3A_548 = arith.constant 9 : index
      %get3A_549 = arith.constant 2 : index
      %get3A_550 = memref.load %arg2[%get3A_548, %get3A_549] : memref<15x16xf32, #tpu.memory_space<smem>>
      %mul3A_551 = arith.mulf %reduce_min3A_226, %get3A_550 : f32
      %add3A_552 = arith.addf %add3A_547, %mul3A_551 : f32
      %get3A_553 = arith.constant 10 : index
      %get3A_554 = arith.constant 2 : index
      %get3A_555 = memref.load %arg2[%get3A_553, %get3A_554] : memref<15x16xf32, #tpu.memory_space<smem>>
      %mul3A_556 = arith.mulf %reduce_min3A_246, %get3A_555 : f32
      %add3A_557 = arith.addf %add3A_552, %mul3A_556 : f32
      %get3A_558 = arith.constant 11 : index
      %get3A_559 = arith.constant 2 : index
      %get3A_560 = memref.load %arg2[%get3A_558, %get3A_559] : memref<15x16xf32, #tpu.memory_space<smem>>
      %mul3A_561 = arith.mulf %reduce_min3A_266, %get3A_560 : f32
      %add3A_562 = arith.addf %add3A_557, %mul3A_561 : f32
      %get3A_563 = arith.constant 12 : index
      %get3A_564 = arith.constant 2 : index
      %get3A_565 = memref.load %arg2[%get3A_563, %get3A_564] : memref<15x16xf32, #tpu.memory_space<smem>>
      %mul3A_566 = arith.mulf %reduce_min3A_286, %get3A_565 : f32
      %add3A_567 = arith.addf %add3A_562, %mul3A_566 : f32
      %get3A_568 = arith.constant 13 : index
      %get3A_569 = arith.constant 2 : index
      %get3A_570 = memref.load %arg2[%get3A_568, %get3A_569] : memref<15x16xf32, #tpu.memory_space<smem>>
      %mul3A_571 = arith.mulf %reduce_min3A_306, %get3A_570 : f32
      %add3A_572 = arith.addf %add3A_567, %mul3A_571 : f32
      %get3A_573 = arith.constant 14 : index
      %get3A_574 = arith.constant 2 : index
      %get3A_575 = memref.load %arg2[%get3A_573, %get3A_574] : memref<15x16xf32, #tpu.memory_space<smem>>
      %mul3A_576 = arith.mulf %reduce_min3A_326, %get3A_575 : f32
      %add3A_577 = arith.addf %add3A_572, %mul3A_576 : f32
      %max3A_578 = arith.constant 0.000000e+00 : f32
      %max3A_579 = arith.maximumf %add3A_577, %max3A_578 : f32
      %get3A_580 = arith.constant 2 : index
      %get3A_581 = arith.constant 0 : index
      %get3A_582 = memref.load %arg4[%get3A_580, %get3A_581] : memref<16x1xf32, #tpu.memory_space<smem>>
      %mul3A_583 = arith.mulf %max3A_579, %get3A_582 : f32
      %add3A_584 = arith.addf %add3A_499, %mul3A_583 : f32
      %get3A_585 = arith.constant 0 : index
      %get3A_586 = arith.constant 3 : index
      %get3A_587 = memref.load %arg3[%get3A_585, %get3A_586] : memref<1x16xf32, #tpu.memory_space<smem>>
      %get3A_588 = arith.constant 0 : index
      %get3A_589 = arith.constant 3 : index
      %get3A_590 = memref.load %arg2[%get3A_588, %get3A_589] : memref<15x16xf32, #tpu.memory_space<smem>>
      %mul3A_591 = arith.mulf %reduce_min3A_46, %get3A_590 : f32
      %add3A_592 = arith.addf %get3A_587, %mul3A_591 : f32
      %get3A_593 = arith.constant 1 : index
      %get3A_594 = arith.constant 3 : index
      %get3A_595 = memref.load %arg2[%get3A_593, %get3A_594] : memref<15x16xf32, #tpu.memory_space<smem>>
      %mul3A_596 = arith.mulf %reduce_min3A_66, %get3A_595 : f32
      %add3A_597 = arith.addf %add3A_592, %mul3A_596 : f32
      %get3A_598 = arith.constant 2 : index
      %get3A_599 = arith.constant 3 : index
      %get3A_600 = memref.load %arg2[%get3A_598, %get3A_599] : memref<15x16xf32, #tpu.memory_space<smem>>
      %mul3A_601 = arith.mulf %reduce_min3A_86, %get3A_600 : f32
      %add3A_602 = arith.addf %add3A_597, %mul3A_601 : f32
      %get3A_603 = arith.constant 3 : index
      %get3A_604 = arith.constant 3 : index
      %get3A_605 = memref.load %arg2[%get3A_603, %get3A_604] : memref<15x16xf32, #tpu.memory_space<smem>>
      %mul3A_606 = arith.mulf %reduce_min3A_106, %get3A_605 : f32
      %add3A_607 = arith.addf %add3A_602, %mul3A_606 : f32
      %get3A_608 = arith.constant 4 : index
      %get3A_609 = arith.constant 3 : index
      %get3A_610 = memref.load %arg2[%get3A_608, %get3A_609] : memref<15x16xf32, #tpu.memory_space<smem>>
      %mul3A_611 = arith.mulf %reduce_min3A_126, %get3A_610 : f32
      %add3A_612 = arith.addf %add3A_607, %mul3A_611 : f32
      %get3A_613 = arith.constant 5 : index
      %get3A_614 = arith.constant 3 : index
      %get3A_615 = memref.load %arg2[%get3A_613, %get3A_614] : memref<15x16xf32, #tpu.memory_space<smem>>
      %mul3A_616 = arith.mulf %reduce_min3A_146, %get3A_615 : f32
      %add3A_617 = arith.addf %add3A_612, %mul3A_616 : f32
      %get3A_618 = arith.constant 6 : index
      %get3A_619 = arith.constant 3 : index
      %get3A_620 = memref.load %arg2[%get3A_618, %get3A_619] : memref<15x16xf32, #tpu.memory_space<smem>>
      %mul3A_621 = arith.mulf %reduce_min3A_166, %get3A_620 : f32
      %add3A_622 = arith.addf %add3A_617, %mul3A_621 : f32
      %get3A_623 = arith.constant 7 : index
      %get3A_624 = arith.constant 3 : index
      %get3A_625 = memref.load %arg2[%get3A_623, %get3A_624] : memref<15x16xf32, #tpu.memory_space<smem>>
      %mul3A_626 = arith.mulf %reduce_min3A_186, %get3A_625 : f32
      %add3A_627 = arith.addf %add3A_622, %mul3A_626 : f32
      %get3A_628 = arith.constant 8 : index
      %get3A_629 = arith.constant 3 : index
      %get3A_630 = memref.load %arg2[%get3A_628, %get3A_629] : memref<15x16xf32, #tpu.memory_space<smem>>
      %mul3A_631 = arith.mulf %reduce_min3A_206, %get3A_630 : f32
      %add3A_632 = arith.addf %add3A_627, %mul3A_631 : f32
      %get3A_633 = arith.constant 9 : index
      %get3A_634 = arith.constant 3 : index
      %get3A_635 = memref.load %arg2[%get3A_633, %get3A_634] : memref<15x16xf32, #tpu.memory_space<smem>>
      %mul3A_636 = arith.mulf %reduce_min3A_226, %get3A_635 : f32
      %add3A_637 = arith.addf %add3A_632, %mul3A_636 : f32
      %get3A_638 = arith.constant 10 : index
      %get3A_639 = arith.constant 3 : index
      %get3A_640 = memref.load %arg2[%get3A_638, %get3A_639] : memref<15x16xf32, #tpu.memory_space<smem>>
      %mul3A_641 = arith.mulf %reduce_min3A_246, %get3A_640 : f32
      %add3A_642 = arith.addf %add3A_637, %mul3A_641 : f32
      %get3A_643 = arith.constant 11 : index
      %get3A_644 = arith.constant 3 : index
      %get3A_645 = memref.load %arg2[%get3A_643, %get3A_644] : memref<15x16xf32, #tpu.memory_space<smem>>
      %mul3A_646 = arith.mulf %reduce_min3A_266, %get3A_645 : f32
      %add3A_647 = arith.addf %add3A_642, %mul3A_646 : f32
      %get3A_648 = arith.constant 12 : index
      %get3A_649 = arith.constant 3 : index
      %get3A_650 = memref.load %arg2[%get3A_648, %get3A_649] : memref<15x16xf32, #tpu.memory_space<smem>>
      %mul3A_651 = arith.mulf %reduce_min3A_286, %get3A_650 : f32
      %add3A_652 = arith.addf %add3A_647, %mul3A_651 : f32
      %get3A_653 = arith.constant 13 : index
      %get3A_654 = arith.constant 3 : index
      %get3A_655 = memref.load %arg2[%get3A_653, %get3A_654] : memref<15x16xf32, #tpu.memory_space<smem>>
      %mul3A_656 = arith.mulf %reduce_min3A_306, %get3A_655 : f32
      %add3A_657 = arith.addf %add3A_652, %mul3A_656 : f32
      %get3A_658 = arith.constant 14 : index
      %get3A_659 = arith.constant 3 : index
      %get3A_660 = memref.load %arg2[%get3A_658, %get3A_659] : memref<15x16xf32, #tpu.memory_space<smem>>
      %mul3A_661 = arith.mulf %reduce_min3A_326, %get3A_660 : f32
      %add3A_662 = arith.addf %add3A_657, %mul3A_661 : f32
      %max3A_663 = arith.constant 0.000000e+00 : f32
      %max3A_664 = arith.maximumf %add3A_662, %max3A_663 : f32
      %get3A_665 = arith.constant 3 : index
      %get3A_666 = arith.constant 0 : index
      %get3A_667 = memref.load %arg4[%get3A_665, %get3A_666] : memref<16x1xf32, #tpu.memory_space<smem>>
      %mul3A_668 = arith.mulf %max3A_664, %get3A_667 : f32
      %add3A_669 = arith.addf %add3A_584, %mul3A_668 : f32
      %get3A_670 = arith.constant 0 : index
      %get3A_671 = arith.constant 4 : index
      %get3A_672 = memref.load %arg3[%get3A_670, %get3A_671] : memref<1x16xf32, #tpu.memory_space<smem>>
      %get3A_673 = arith.constant 0 : index
      %get3A_674 = arith.constant 4 : index
      %get3A_675 = memref.load %arg2[%get3A_673, %get3A_674] : memref<15x16xf32, #tpu.memory_space<smem>>
      %mul3A_676 = arith.mulf %reduce_min3A_46, %get3A_675 : f32
      %add3A_677 = arith.addf %get3A_672, %mul3A_676 : f32
      %get3A_678 = arith.constant 1 : index
      %get3A_679 = arith.constant 4 : index
      %get3A_680 = memref.load %arg2[%get3A_678, %get3A_679] : memref<15x16xf32, #tpu.memory_space<smem>>
      %mul3A_681 = arith.mulf %reduce_min3A_66, %get3A_680 : f32
      %add3A_682 = arith.addf %add3A_677, %mul3A_681 : f32
      %get3A_683 = arith.constant 2 : index
      %get3A_684 = arith.constant 4 : index
      %get3A_685 = memref.load %arg2[%get3A_683, %get3A_684] : memref<15x16xf32, #tpu.memory_space<smem>>
      %mul3A_686 = arith.mulf %reduce_min3A_86, %get3A_685 : f32
      %add3A_687 = arith.addf %add3A_682, %mul3A_686 : f32
      %get3A_688 = arith.constant 3 : index
      %get3A_689 = arith.constant 4 : index
      %get3A_690 = memref.load %arg2[%get3A_688, %get3A_689] : memref<15x16xf32, #tpu.memory_space<smem>>
      %mul3A_691 = arith.mulf %reduce_min3A_106, %get3A_690 : f32
      %add3A_692 = arith.addf %add3A_687, %mul3A_691 : f32
      %get3A_693 = arith.constant 4 : index
      %get3A_694 = arith.constant 4 : index
      %get3A_695 = memref.load %arg2[%get3A_693, %get3A_694] : memref<15x16xf32, #tpu.memory_space<smem>>
      %mul3A_696 = arith.mulf %reduce_min3A_126, %get3A_695 : f32
      %add3A_697 = arith.addf %add3A_692, %mul3A_696 : f32
      %get3A_698 = arith.constant 5 : index
      %get3A_699 = arith.constant 4 : index
      %get3A_700 = memref.load %arg2[%get3A_698, %get3A_699] : memref<15x16xf32, #tpu.memory_space<smem>>
      %mul3A_701 = arith.mulf %reduce_min3A_146, %get3A_700 : f32
      %add3A_702 = arith.addf %add3A_697, %mul3A_701 : f32
      %get3A_703 = arith.constant 6 : index
      %get3A_704 = arith.constant 4 : index
      %get3A_705 = memref.load %arg2[%get3A_703, %get3A_704] : memref<15x16xf32, #tpu.memory_space<smem>>
      %mul3A_706 = arith.mulf %reduce_min3A_166, %get3A_705 : f32
      %add3A_707 = arith.addf %add3A_702, %mul3A_706 : f32
      %get3A_708 = arith.constant 7 : index
      %get3A_709 = arith.constant 4 : index
      %get3A_710 = memref.load %arg2[%get3A_708, %get3A_709] : memref<15x16xf32, #tpu.memory_space<smem>>
      %mul3A_711 = arith.mulf %reduce_min3A_186, %get3A_710 : f32
      %add3A_712 = arith.addf %add3A_707, %mul3A_711 : f32
      %get3A_713 = arith.constant 8 : index
      %get3A_714 = arith.constant 4 : index
      %get3A_715 = memref.load %arg2[%get3A_713, %get3A_714] : memref<15x16xf32, #tpu.memory_space<smem>>
      %mul3A_716 = arith.mulf %reduce_min3A_206, %get3A_715 : f32
      %add3A_717 = arith.addf %add3A_712, %mul3A_716 : f32
      %get3A_718 = arith.constant 9 : index
      %get3A_719 = arith.constant 4 : index
      %get3A_720 = memref.load %arg2[%get3A_718, %get3A_719] : memref<15x16xf32, #tpu.memory_space<smem>>
      %mul3A_721 = arith.mulf %reduce_min3A_226, %get3A_720 : f32
      %add3A_722 = arith.addf %add3A_717, %mul3A_721 : f32
      %get3A_723 = arith.constant 10 : index
      %get3A_724 = arith.constant 4 : index
      %get3A_725 = memref.load %arg2[%get3A_723, %get3A_724] : memref<15x16xf32, #tpu.memory_space<smem>>
      %mul3A_726 = arith.mulf %reduce_min3A_246, %get3A_725 : f32
      %add3A_727 = arith.addf %add3A_722, %mul3A_726 : f32
      %get3A_728 = arith.constant 11 : index
      %get3A_729 = arith.constant 4 : index
      %get3A_730 = memref.load %arg2[%get3A_728, %get3A_729] : memref<15x16xf32, #tpu.memory_space<smem>>
      %mul3A_731 = arith.mulf %reduce_min3A_266, %get3A_730 : f32
      %add3A_732 = arith.addf %add3A_727, %mul3A_731 : f32
      %get3A_733 = arith.constant 12 : index
      %get3A_734 = arith.constant 4 : index
      %get3A_735 = memref.load %arg2[%get3A_733, %get3A_734] : memref<15x16xf32, #tpu.memory_space<smem>>
      %mul3A_736 = arith.mulf %reduce_min3A_286, %get3A_735 : f32
      %add3A_737 = arith.addf %add3A_732, %mul3A_736 : f32
      %get3A_738 = arith.constant 13 : index
      %get3A_739 = arith.constant 4 : index
      %get3A_740 = memref.load %arg2[%get3A_738, %get3A_739] : memref<15x16xf32, #tpu.memory_space<smem>>
      %mul3A_741 = arith.mulf %reduce_min3A_306, %get3A_740 : f32
      %add3A_742 = arith.addf %add3A_737, %mul3A_741 : f32
      %get3A_743 = arith.constant 14 : index
      %get3A_744 = arith.constant 4 : index
      %get3A_745 = memref.load %arg2[%get3A_743, %get3A_744] : memref<15x16xf32, #tpu.memory_space<smem>>
      %mul3A_746 = arith.mulf %reduce_min3A_326, %get3A_745 : f32
      %add3A_747 = arith.addf %add3A_742, %mul3A_746 : f32
      %max3A_748 = arith.constant 0.000000e+00 : f32
      %max3A_749 = arith.maximumf %add3A_747, %max3A_748 : f32
      %get3A_750 = arith.constant 4 : index
      %get3A_751 = arith.constant 0 : index
      %get3A_752 = memref.load %arg4[%get3A_750, %get3A_751] : memref<16x1xf32, #tpu.memory_space<smem>>
      %mul3A_753 = arith.mulf %max3A_749, %get3A_752 : f32
      %add3A_754 = arith.addf %add3A_669, %mul3A_753 : f32
      %get3A_755 = arith.constant 0 : index
      %get3A_756 = arith.constant 5 : index
      %get3A_757 = memref.load %arg3[%get3A_755, %get3A_756] : memref<1x16xf32, #tpu.memory_space<smem>>
      %get3A_758 = arith.constant 0 : index
      %get3A_759 = arith.constant 5 : index
      %get3A_760 = memref.load %arg2[%get3A_758, %get3A_759] : memref<15x16xf32, #tpu.memory_space<smem>>
      %mul3A_761 = arith.mulf %reduce_min3A_46, %get3A_760 : f32
      %add3A_762 = arith.addf %get3A_757, %mul3A_761 : f32
      %get3A_763 = arith.constant 1 : index
      %get3A_764 = arith.constant 5 : index
      %get3A_765 = memref.load %arg2[%get3A_763, %get3A_764] : memref<15x16xf32, #tpu.memory_space<smem>>
      %mul3A_766 = arith.mulf %reduce_min3A_66, %get3A_765 : f32
      %add3A_767 = arith.addf %add3A_762, %mul3A_766 : f32
      %get3A_768 = arith.constant 2 : index
      %get3A_769 = arith.constant 5 : index
      %get3A_770 = memref.load %arg2[%get3A_768, %get3A_769] : memref<15x16xf32, #tpu.memory_space<smem>>
      %mul3A_771 = arith.mulf %reduce_min3A_86, %get3A_770 : f32
      %add3A_772 = arith.addf %add3A_767, %mul3A_771 : f32
      %get3A_773 = arith.constant 3 : index
      %get3A_774 = arith.constant 5 : index
      %get3A_775 = memref.load %arg2[%get3A_773, %get3A_774] : memref<15x16xf32, #tpu.memory_space<smem>>
      %mul3A_776 = arith.mulf %reduce_min3A_106, %get3A_775 : f32
      %add3A_777 = arith.addf %add3A_772, %mul3A_776 : f32
      %get3A_778 = arith.constant 4 : index
      %get3A_779 = arith.constant 5 : index
      %get3A_780 = memref.load %arg2[%get3A_778, %get3A_779] : memref<15x16xf32, #tpu.memory_space<smem>>
      %mul3A_781 = arith.mulf %reduce_min3A_126, %get3A_780 : f32
      %add3A_782 = arith.addf %add3A_777, %mul3A_781 : f32
      %get3A_783 = arith.constant 5 : index
      %get3A_784 = arith.constant 5 : index
      %get3A_785 = memref.load %arg2[%get3A_783, %get3A_784] : memref<15x16xf32, #tpu.memory_space<smem>>
      %mul3A_786 = arith.mulf %reduce_min3A_146, %get3A_785 : f32
      %add3A_787 = arith.addf %add3A_782, %mul3A_786 : f32
      %get3A_788 = arith.constant 6 : index
      %get3A_789 = arith.constant 5 : index
      %get3A_790 = memref.load %arg2[%get3A_788, %get3A_789] : memref<15x16xf32, #tpu.memory_space<smem>>
      %mul3A_791 = arith.mulf %reduce_min3A_166, %get3A_790 : f32
      %add3A_792 = arith.addf %add3A_787, %mul3A_791 : f32
      %get3A_793 = arith.constant 7 : index
      %get3A_794 = arith.constant 5 : index
      %get3A_795 = memref.load %arg2[%get3A_793, %get3A_794] : memref<15x16xf32, #tpu.memory_space<smem>>
      %mul3A_796 = arith.mulf %reduce_min3A_186, %get3A_795 : f32
      %add3A_797 = arith.addf %add3A_792, %mul3A_796 : f32
      %get3A_798 = arith.constant 8 : index
      %get3A_799 = arith.constant 5 : index
      %get3A_800 = memref.load %arg2[%get3A_798, %get3A_799] : memref<15x16xf32, #tpu.memory_space<smem>>
      %mul3A_801 = arith.mulf %reduce_min3A_206, %get3A_800 : f32
      %add3A_802 = arith.addf %add3A_797, %mul3A_801 : f32
      %get3A_803 = arith.constant 9 : index
      %get3A_804 = arith.constant 5 : index
      %get3A_805 = memref.load %arg2[%get3A_803, %get3A_804] : memref<15x16xf32, #tpu.memory_space<smem>>
      %mul3A_806 = arith.mulf %reduce_min3A_226, %get3A_805 : f32
      %add3A_807 = arith.addf %add3A_802, %mul3A_806 : f32
      %get3A_808 = arith.constant 10 : index
      %get3A_809 = arith.constant 5 : index
      %get3A_810 = memref.load %arg2[%get3A_808, %get3A_809] : memref<15x16xf32, #tpu.memory_space<smem>>
      %mul3A_811 = arith.mulf %reduce_min3A_246, %get3A_810 : f32
      %add3A_812 = arith.addf %add3A_807, %mul3A_811 : f32
      %get3A_813 = arith.constant 11 : index
      %get3A_814 = arith.constant 5 : index
      %get3A_815 = memref.load %arg2[%get3A_813, %get3A_814] : memref<15x16xf32, #tpu.memory_space<smem>>
      %mul3A_816 = arith.mulf %reduce_min3A_266, %get3A_815 : f32
      %add3A_817 = arith.addf %add3A_812, %mul3A_816 : f32
      %get3A_818 = arith.constant 12 : index
      %get3A_819 = arith.constant 5 : index
      %get3A_820 = memref.load %arg2[%get3A_818, %get3A_819] : memref<15x16xf32, #tpu.memory_space<smem>>
      %mul3A_821 = arith.mulf %reduce_min3A_286, %get3A_820 : f32
      %add3A_822 = arith.addf %add3A_817, %mul3A_821 : f32
      %get3A_823 = arith.constant 13 : index
      %get3A_824 = arith.constant 5 : index
      %get3A_825 = memref.load %arg2[%get3A_823, %get3A_824] : memref<15x16xf32, #tpu.memory_space<smem>>
      %mul3A_826 = arith.mulf %reduce_min3A_306, %get3A_825 : f32
      %add3A_827 = arith.addf %add3A_822, %mul3A_826 : f32
      %get3A_828 = arith.constant 14 : index
      %get3A_829 = arith.constant 5 : index
      %get3A_830 = memref.load %arg2[%get3A_828, %get3A_829] : memref<15x16xf32, #tpu.memory_space<smem>>
      %mul3A_831 = arith.mulf %reduce_min3A_326, %get3A_830 : f32
      %add3A_832 = arith.addf %add3A_827, %mul3A_831 : f32
      %max3A_833 = arith.constant 0.000000e+00 : f32
      %max3A_834 = arith.maximumf %add3A_832, %max3A_833 : f32
      %get3A_835 = arith.constant 5 : index
      %get3A_836 = arith.constant 0 : index
      %get3A_837 = memref.load %arg4[%get3A_835, %get3A_836] : memref<16x1xf32, #tpu.memory_space<smem>>
      %mul3A_838 = arith.mulf %max3A_834, %get3A_837 : f32
      %add3A_839 = arith.addf %add3A_754, %mul3A_838 : f32
      %get3A_840 = arith.constant 0 : index
      %get3A_841 = arith.constant 6 : index
      %get3A_842 = memref.load %arg3[%get3A_840, %get3A_841] : memref<1x16xf32, #tpu.memory_space<smem>>
      %get3A_843 = arith.constant 0 : index
      %get3A_844 = arith.constant 6 : index
      %get3A_845 = memref.load %arg2[%get3A_843, %get3A_844] : memref<15x16xf32, #tpu.memory_space<smem>>
      %mul3A_846 = arith.mulf %reduce_min3A_46, %get3A_845 : f32
      %add3A_847 = arith.addf %get3A_842, %mul3A_846 : f32
      %get3A_848 = arith.constant 1 : index
      %get3A_849 = arith.constant 6 : index
      %get3A_850 = memref.load %arg2[%get3A_848, %get3A_849] : memref<15x16xf32, #tpu.memory_space<smem>>
      %mul3A_851 = arith.mulf %reduce_min3A_66, %get3A_850 : f32
      %add3A_852 = arith.addf %add3A_847, %mul3A_851 : f32
      %get3A_853 = arith.constant 2 : index
      %get3A_854 = arith.constant 6 : index
      %get3A_855 = memref.load %arg2[%get3A_853, %get3A_854] : memref<15x16xf32, #tpu.memory_space<smem>>
      %mul3A_856 = arith.mulf %reduce_min3A_86, %get3A_855 : f32
      %add3A_857 = arith.addf %add3A_852, %mul3A_856 : f32
      %get3A_858 = arith.constant 3 : index
      %get3A_859 = arith.constant 6 : index
      %get3A_860 = memref.load %arg2[%get3A_858, %get3A_859] : memref<15x16xf32, #tpu.memory_space<smem>>
      %mul3A_861 = arith.mulf %reduce_min3A_106, %get3A_860 : f32
      %add3A_862 = arith.addf %add3A_857, %mul3A_861 : f32
      %get3A_863 = arith.constant 4 : index
      %get3A_864 = arith.constant 6 : index
      %get3A_865 = memref.load %arg2[%get3A_863, %get3A_864] : memref<15x16xf32, #tpu.memory_space<smem>>
      %mul3A_866 = arith.mulf %reduce_min3A_126, %get3A_865 : f32
      %add3A_867 = arith.addf %add3A_862, %mul3A_866 : f32
      %get3A_868 = arith.constant 5 : index
      %get3A_869 = arith.constant 6 : index
      %get3A_870 = memref.load %arg2[%get3A_868, %get3A_869] : memref<15x16xf32, #tpu.memory_space<smem>>
      %mul3A_871 = arith.mulf %reduce_min3A_146, %get3A_870 : f32
      %add3A_872 = arith.addf %add3A_867, %mul3A_871 : f32
      %get3A_873 = arith.constant 6 : index
      %get3A_874 = arith.constant 6 : index
      %get3A_875 = memref.load %arg2[%get3A_873, %get3A_874] : memref<15x16xf32, #tpu.memory_space<smem>>
      %mul3A_876 = arith.mulf %reduce_min3A_166, %get3A_875 : f32
      %add3A_877 = arith.addf %add3A_872, %mul3A_876 : f32
      %get3A_878 = arith.constant 7 : index
      %get3A_879 = arith.constant 6 : index
      %get3A_880 = memref.load %arg2[%get3A_878, %get3A_879] : memref<15x16xf32, #tpu.memory_space<smem>>
      %mul3A_881 = arith.mulf %reduce_min3A_186, %get3A_880 : f32
      %add3A_882 = arith.addf %add3A_877, %mul3A_881 : f32
      %get3A_883 = arith.constant 8 : index
      %get3A_884 = arith.constant 6 : index
      %get3A_885 = memref.load %arg2[%get3A_883, %get3A_884] : memref<15x16xf32, #tpu.memory_space<smem>>
      %mul3A_886 = arith.mulf %reduce_min3A_206, %get3A_885 : f32
      %add3A_887 = arith.addf %add3A_882, %mul3A_886 : f32
      %get3A_888 = arith.constant 9 : index
      %get3A_889 = arith.constant 6 : index
      %get3A_890 = memref.load %arg2[%get3A_888, %get3A_889] : memref<15x16xf32, #tpu.memory_space<smem>>
      %mul3A_891 = arith.mulf %reduce_min3A_226, %get3A_890 : f32
      %add3A_892 = arith.addf %add3A_887, %mul3A_891 : f32
      %get3A_893 = arith.constant 10 : index
      %get3A_894 = arith.constant 6 : index
      %get3A_895 = memref.load %arg2[%get3A_893, %get3A_894] : memref<15x16xf32, #tpu.memory_space<smem>>
      %mul3A_896 = arith.mulf %reduce_min3A_246, %get3A_895 : f32
      %add3A_897 = arith.addf %add3A_892, %mul3A_896 : f32
      %get3A_898 = arith.constant 11 : index
      %get3A_899 = arith.constant 6 : index
      %get3A_900 = memref.load %arg2[%get3A_898, %get3A_899] : memref<15x16xf32, #tpu.memory_space<smem>>
      %mul3A_901 = arith.mulf %reduce_min3A_266, %get3A_900 : f32
      %add3A_902 = arith.addf %add3A_897, %mul3A_901 : f32
      %get3A_903 = arith.constant 12 : index
      %get3A_904 = arith.constant 6 : index
      %get3A_905 = memref.load %arg2[%get3A_903, %get3A_904] : memref<15x16xf32, #tpu.memory_space<smem>>
      %mul3A_906 = arith.mulf %reduce_min3A_286, %get3A_905 : f32
      %add3A_907 = arith.addf %add3A_902, %mul3A_906 : f32
      %get3A_908 = arith.constant 13 : index
      %get3A_909 = arith.constant 6 : index
      %get3A_910 = memref.load %arg2[%get3A_908, %get3A_909] : memref<15x16xf32, #tpu.memory_space<smem>>
      %mul3A_911 = arith.mulf %reduce_min3A_306, %get3A_910 : f32
      %add3A_912 = arith.addf %add3A_907, %mul3A_911 : f32
      %get3A_913 = arith.constant 14 : index
      %get3A_914 = arith.constant 6 : index
      %get3A_915 = memref.load %arg2[%get3A_913, %get3A_914] : memref<15x16xf32, #tpu.memory_space<smem>>
      %mul3A_916 = arith.mulf %reduce_min3A_326, %get3A_915 : f32
      %add3A_917 = arith.addf %add3A_912, %mul3A_916 : f32
      %max3A_918 = arith.constant 0.000000e+00 : f32
      %max3A_919 = arith.maximumf %add3A_917, %max3A_918 : f32
      %get3A_920 = arith.constant 6 : index
      %get3A_921 = arith.constant 0 : index
      %get3A_922 = memref.load %arg4[%get3A_920, %get3A_921] : memref<16x1xf32, #tpu.memory_space<smem>>
      %mul3A_923 = arith.mulf %max3A_919, %get3A_922 : f32
      %add3A_924 = arith.addf %add3A_839, %mul3A_923 : f32
      %get3A_925 = arith.constant 0 : index
      %get3A_926 = arith.constant 7 : index
      %get3A_927 = memref.load %arg3[%get3A_925, %get3A_926] : memref<1x16xf32, #tpu.memory_space<smem>>
      %get3A_928 = arith.constant 0 : index
      %get3A_929 = arith.constant 7 : index
      %get3A_930 = memref.load %arg2[%get3A_928, %get3A_929] : memref<15x16xf32, #tpu.memory_space<smem>>
      %mul3A_931 = arith.mulf %reduce_min3A_46, %get3A_930 : f32
      %add3A_932 = arith.addf %get3A_927, %mul3A_931 : f32
      %get3A_933 = arith.constant 1 : index
      %get3A_934 = arith.constant 7 : index
      %get3A_935 = memref.load %arg2[%get3A_933, %get3A_934] : memref<15x16xf32, #tpu.memory_space<smem>>
      %mul3A_936 = arith.mulf %reduce_min3A_66, %get3A_935 : f32
      %add3A_937 = arith.addf %add3A_932, %mul3A_936 : f32
      %get3A_938 = arith.constant 2 : index
      %get3A_939 = arith.constant 7 : index
      %get3A_940 = memref.load %arg2[%get3A_938, %get3A_939] : memref<15x16xf32, #tpu.memory_space<smem>>
      %mul3A_941 = arith.mulf %reduce_min3A_86, %get3A_940 : f32
      %add3A_942 = arith.addf %add3A_937, %mul3A_941 : f32
      %get3A_943 = arith.constant 3 : index
      %get3A_944 = arith.constant 7 : index
      %get3A_945 = memref.load %arg2[%get3A_943, %get3A_944] : memref<15x16xf32, #tpu.memory_space<smem>>
      %mul3A_946 = arith.mulf %reduce_min3A_106, %get3A_945 : f32
      %add3A_947 = arith.addf %add3A_942, %mul3A_946 : f32
      %get3A_948 = arith.constant 4 : index
      %get3A_949 = arith.constant 7 : index
      %get3A_950 = memref.load %arg2[%get3A_948, %get3A_949] : memref<15x16xf32, #tpu.memory_space<smem>>
      %mul3A_951 = arith.mulf %reduce_min3A_126, %get3A_950 : f32
      %add3A_952 = arith.addf %add3A_947, %mul3A_951 : f32
      %get3A_953 = arith.constant 5 : index
      %get3A_954 = arith.constant 7 : index
      %get3A_955 = memref.load %arg2[%get3A_953, %get3A_954] : memref<15x16xf32, #tpu.memory_space<smem>>
      %mul3A_956 = arith.mulf %reduce_min3A_146, %get3A_955 : f32
      %add3A_957 = arith.addf %add3A_952, %mul3A_956 : f32
      %get3A_958 = arith.constant 6 : index
      %get3A_959 = arith.constant 7 : index
      %get3A_960 = memref.load %arg2[%get3A_958, %get3A_959] : memref<15x16xf32, #tpu.memory_space<smem>>
      %mul3A_961 = arith.mulf %reduce_min3A_166, %get3A_960 : f32
      %add3A_962 = arith.addf %add3A_957, %mul3A_961 : f32
      %get3A_963 = arith.constant 7 : index
      %get3A_964 = arith.constant 7 : index
      %get3A_965 = memref.load %arg2[%get3A_963, %get3A_964] : memref<15x16xf32, #tpu.memory_space<smem>>
      %mul3A_966 = arith.mulf %reduce_min3A_186, %get3A_965 : f32
      %add3A_967 = arith.addf %add3A_962, %mul3A_966 : f32
      %get3A_968 = arith.constant 8 : index
      %get3A_969 = arith.constant 7 : index
      %get3A_970 = memref.load %arg2[%get3A_968, %get3A_969] : memref<15x16xf32, #tpu.memory_space<smem>>
      %mul3A_971 = arith.mulf %reduce_min3A_206, %get3A_970 : f32
      %add3A_972 = arith.addf %add3A_967, %mul3A_971 : f32
      %get3A_973 = arith.constant 9 : index
      %get3A_974 = arith.constant 7 : index
      %get3A_975 = memref.load %arg2[%get3A_973, %get3A_974] : memref<15x16xf32, #tpu.memory_space<smem>>
      %mul3A_976 = arith.mulf %reduce_min3A_226, %get3A_975 : f32
      %add3A_977 = arith.addf %add3A_972, %mul3A_976 : f32
      %get3A_978 = arith.constant 10 : index
      %get3A_979 = arith.constant 7 : index
      %get3A_980 = memref.load %arg2[%get3A_978, %get3A_979] : memref<15x16xf32, #tpu.memory_space<smem>>
      %mul3A_981 = arith.mulf %reduce_min3A_246, %get3A_980 : f32
      %add3A_982 = arith.addf %add3A_977, %mul3A_981 : f32
      %get3A_983 = arith.constant 11 : index
      %get3A_984 = arith.constant 7 : index
      %get3A_985 = memref.load %arg2[%get3A_983, %get3A_984] : memref<15x16xf32, #tpu.memory_space<smem>>
      %mul3A_986 = arith.mulf %reduce_min3A_266, %get3A_985 : f32
      %add3A_987 = arith.addf %add3A_982, %mul3A_986 : f32
      %get3A_988 = arith.constant 12 : index
      %get3A_989 = arith.constant 7 : index
      %get3A_990 = memref.load %arg2[%get3A_988, %get3A_989] : memref<15x16xf32, #tpu.memory_space<smem>>
      %mul3A_991 = arith.mulf %reduce_min3A_286, %get3A_990 : f32
      %add3A_992 = arith.addf %add3A_987, %mul3A_991 : f32
      %get3A_993 = arith.constant 13 : index
      %get3A_994 = arith.constant 7 : index
      %get3A_995 = memref.load %arg2[%get3A_993, %get3A_994] : memref<15x16xf32, #tpu.memory_space<smem>>
      %mul3A_996 = arith.mulf %reduce_min3A_306, %get3A_995 : f32
      %add3A_997 = arith.addf %add3A_992, %mul3A_996 : f32
      %get3A_998 = arith.constant 14 : index
      %get3A_999 = arith.constant 7 : index
      %get3A_1000 = memref.load %arg2[%get3A_998, %get3A_999] : memref<15x16xf32, #tpu.memory_space<smem>>
      %mul3A_1001 = arith.mulf %reduce_min3A_326, %get3A_1000 : f32
      %add3A_1002 = arith.addf %add3A_997, %mul3A_1001 : f32
      %max3A_1003 = arith.constant 0.000000e+00 : f32
      %max3A_1004 = arith.maximumf %add3A_1002, %max3A_1003 : f32
      %get3A_1005 = arith.constant 7 : index
      %get3A_1006 = arith.constant 0 : index
      %get3A_1007 = memref.load %arg4[%get3A_1005, %get3A_1006] : memref<16x1xf32, #tpu.memory_space<smem>>
      %mul3A_1008 = arith.mulf %max3A_1004, %get3A_1007 : f32
      %add3A_1009 = arith.addf %add3A_924, %mul3A_1008 : f32
      %get3A_1010 = arith.constant 0 : index
      %get3A_1011 = arith.constant 8 : index
      %get3A_1012 = memref.load %arg3[%get3A_1010, %get3A_1011] : memref<1x16xf32, #tpu.memory_space<smem>>
      %get3A_1013 = arith.constant 0 : index
      %get3A_1014 = arith.constant 8 : index
      %get3A_1015 = memref.load %arg2[%get3A_1013, %get3A_1014] : memref<15x16xf32, #tpu.memory_space<smem>>
      %mul3A_1016 = arith.mulf %reduce_min3A_46, %get3A_1015 : f32
      %add3A_1017 = arith.addf %get3A_1012, %mul3A_1016 : f32
      %get3A_1018 = arith.constant 1 : index
      %get3A_1019 = arith.constant 8 : index
      %get3A_1020 = memref.load %arg2[%get3A_1018, %get3A_1019] : memref<15x16xf32, #tpu.memory_space<smem>>
      %mul3A_1021 = arith.mulf %reduce_min3A_66, %get3A_1020 : f32
      %add3A_1022 = arith.addf %add3A_1017, %mul3A_1021 : f32
      %get3A_1023 = arith.constant 2 : index
      %get3A_1024 = arith.constant 8 : index
      %get3A_1025 = memref.load %arg2[%get3A_1023, %get3A_1024] : memref<15x16xf32, #tpu.memory_space<smem>>
      %mul3A_1026 = arith.mulf %reduce_min3A_86, %get3A_1025 : f32
      %add3A_1027 = arith.addf %add3A_1022, %mul3A_1026 : f32
      %get3A_1028 = arith.constant 3 : index
      %get3A_1029 = arith.constant 8 : index
      %get3A_1030 = memref.load %arg2[%get3A_1028, %get3A_1029] : memref<15x16xf32, #tpu.memory_space<smem>>
      %mul3A_1031 = arith.mulf %reduce_min3A_106, %get3A_1030 : f32
      %add3A_1032 = arith.addf %add3A_1027, %mul3A_1031 : f32
      %get3A_1033 = arith.constant 4 : index
      %get3A_1034 = arith.constant 8 : index
      %get3A_1035 = memref.load %arg2[%get3A_1033, %get3A_1034] : memref<15x16xf32, #tpu.memory_space<smem>>
      %mul3A_1036 = arith.mulf %reduce_min3A_126, %get3A_1035 : f32
      %add3A_1037 = arith.addf %add3A_1032, %mul3A_1036 : f32
      %get3A_1038 = arith.constant 5 : index
      %get3A_1039 = arith.constant 8 : index
      %get3A_1040 = memref.load %arg2[%get3A_1038, %get3A_1039] : memref<15x16xf32, #tpu.memory_space<smem>>
      %mul3A_1041 = arith.mulf %reduce_min3A_146, %get3A_1040 : f32
      %add3A_1042 = arith.addf %add3A_1037, %mul3A_1041 : f32
      %get3A_1043 = arith.constant 6 : index
      %get3A_1044 = arith.constant 8 : index
      %get3A_1045 = memref.load %arg2[%get3A_1043, %get3A_1044] : memref<15x16xf32, #tpu.memory_space<smem>>
      %mul3A_1046 = arith.mulf %reduce_min3A_166, %get3A_1045 : f32
      %add3A_1047 = arith.addf %add3A_1042, %mul3A_1046 : f32
      %get3A_1048 = arith.constant 7 : index
      %get3A_1049 = arith.constant 8 : index
      %get3A_1050 = memref.load %arg2[%get3A_1048, %get3A_1049] : memref<15x16xf32, #tpu.memory_space<smem>>
      %mul3A_1051 = arith.mulf %reduce_min3A_186, %get3A_1050 : f32
      %add3A_1052 = arith.addf %add3A_1047, %mul3A_1051 : f32
      %get3A_1053 = arith.constant 8 : index
      %get3A_1054 = arith.constant 8 : index
      %get3A_1055 = memref.load %arg2[%get3A_1053, %get3A_1054] : memref<15x16xf32, #tpu.memory_space<smem>>
      %mul3A_1056 = arith.mulf %reduce_min3A_206, %get3A_1055 : f32
      %add3A_1057 = arith.addf %add3A_1052, %mul3A_1056 : f32
      %get3A_1058 = arith.constant 9 : index
      %get3A_1059 = arith.constant 8 : index
      %get3A_1060 = memref.load %arg2[%get3A_1058, %get3A_1059] : memref<15x16xf32, #tpu.memory_space<smem>>
      %mul3A_1061 = arith.mulf %reduce_min3A_226, %get3A_1060 : f32
      %add3A_1062 = arith.addf %add3A_1057, %mul3A_1061 : f32
      %get3A_1063 = arith.constant 10 : index
      %get3A_1064 = arith.constant 8 : index
      %get3A_1065 = memref.load %arg2[%get3A_1063, %get3A_1064] : memref<15x16xf32, #tpu.memory_space<smem>>
      %mul3A_1066 = arith.mulf %reduce_min3A_246, %get3A_1065 : f32
      %add3A_1067 = arith.addf %add3A_1062, %mul3A_1066 : f32
      %get3A_1068 = arith.constant 11 : index
      %get3A_1069 = arith.constant 8 : index
      %get3A_1070 = memref.load %arg2[%get3A_1068, %get3A_1069] : memref<15x16xf32, #tpu.memory_space<smem>>
      %mul3A_1071 = arith.mulf %reduce_min3A_266, %get3A_1070 : f32
      %add3A_1072 = arith.addf %add3A_1067, %mul3A_1071 : f32
      %get3A_1073 = arith.constant 12 : index
      %get3A_1074 = arith.constant 8 : index
      %get3A_1075 = memref.load %arg2[%get3A_1073, %get3A_1074] : memref<15x16xf32, #tpu.memory_space<smem>>
      %mul3A_1076 = arith.mulf %reduce_min3A_286, %get3A_1075 : f32
      %add3A_1077 = arith.addf %add3A_1072, %mul3A_1076 : f32
      %get3A_1078 = arith.constant 13 : index
      %get3A_1079 = arith.constant 8 : index
      %get3A_1080 = memref.load %arg2[%get3A_1078, %get3A_1079] : memref<15x16xf32, #tpu.memory_space<smem>>
      %mul3A_1081 = arith.mulf %reduce_min3A_306, %get3A_1080 : f32
      %add3A_1082 = arith.addf %add3A_1077, %mul3A_1081 : f32
      %get3A_1083 = arith.constant 14 : index
      %get3A_1084 = arith.constant 8 : index
      %get3A_1085 = memref.load %arg2[%get3A_1083, %get3A_1084] : memref<15x16xf32, #tpu.memory_space<smem>>
      %mul3A_1086 = arith.mulf %reduce_min3A_326, %get3A_1085 : f32
      %add3A_1087 = arith.addf %add3A_1082, %mul3A_1086 : f32
      %max3A_1088 = arith.constant 0.000000e+00 : f32
      %max3A_1089 = arith.maximumf %add3A_1087, %max3A_1088 : f32
      %get3A_1090 = arith.constant 8 : index
      %get3A_1091 = arith.constant 0 : index
      %get3A_1092 = memref.load %arg4[%get3A_1090, %get3A_1091] : memref<16x1xf32, #tpu.memory_space<smem>>
      %mul3A_1093 = arith.mulf %max3A_1089, %get3A_1092 : f32
      %add3A_1094 = arith.addf %add3A_1009, %mul3A_1093 : f32
      %get3A_1095 = arith.constant 0 : index
      %get3A_1096 = arith.constant 9 : index
      %get3A_1097 = memref.load %arg3[%get3A_1095, %get3A_1096] : memref<1x16xf32, #tpu.memory_space<smem>>
      %get3A_1098 = arith.constant 0 : index
      %get3A_1099 = arith.constant 9 : index
      %get3A_1100 = memref.load %arg2[%get3A_1098, %get3A_1099] : memref<15x16xf32, #tpu.memory_space<smem>>
      %mul3A_1101 = arith.mulf %reduce_min3A_46, %get3A_1100 : f32
      %add3A_1102 = arith.addf %get3A_1097, %mul3A_1101 : f32
      %get3A_1103 = arith.constant 1 : index
      %get3A_1104 = arith.constant 9 : index
      %get3A_1105 = memref.load %arg2[%get3A_1103, %get3A_1104] : memref<15x16xf32, #tpu.memory_space<smem>>
      %mul3A_1106 = arith.mulf %reduce_min3A_66, %get3A_1105 : f32
      %add3A_1107 = arith.addf %add3A_1102, %mul3A_1106 : f32
      %get3A_1108 = arith.constant 2 : index
      %get3A_1109 = arith.constant 9 : index
      %get3A_1110 = memref.load %arg2[%get3A_1108, %get3A_1109] : memref<15x16xf32, #tpu.memory_space<smem>>
      %mul3A_1111 = arith.mulf %reduce_min3A_86, %get3A_1110 : f32
      %add3A_1112 = arith.addf %add3A_1107, %mul3A_1111 : f32
      %get3A_1113 = arith.constant 3 : index
      %get3A_1114 = arith.constant 9 : index
      %get3A_1115 = memref.load %arg2[%get3A_1113, %get3A_1114] : memref<15x16xf32, #tpu.memory_space<smem>>
      %mul3A_1116 = arith.mulf %reduce_min3A_106, %get3A_1115 : f32
      %add3A_1117 = arith.addf %add3A_1112, %mul3A_1116 : f32
      %get3A_1118 = arith.constant 4 : index
      %get3A_1119 = arith.constant 9 : index
      %get3A_1120 = memref.load %arg2[%get3A_1118, %get3A_1119] : memref<15x16xf32, #tpu.memory_space<smem>>
      %mul3A_1121 = arith.mulf %reduce_min3A_126, %get3A_1120 : f32
      %add3A_1122 = arith.addf %add3A_1117, %mul3A_1121 : f32
      %get3A_1123 = arith.constant 5 : index
      %get3A_1124 = arith.constant 9 : index
      %get3A_1125 = memref.load %arg2[%get3A_1123, %get3A_1124] : memref<15x16xf32, #tpu.memory_space<smem>>
      %mul3A_1126 = arith.mulf %reduce_min3A_146, %get3A_1125 : f32
      %add3A_1127 = arith.addf %add3A_1122, %mul3A_1126 : f32
      %get3A_1128 = arith.constant 6 : index
      %get3A_1129 = arith.constant 9 : index
      %get3A_1130 = memref.load %arg2[%get3A_1128, %get3A_1129] : memref<15x16xf32, #tpu.memory_space<smem>>
      %mul3A_1131 = arith.mulf %reduce_min3A_166, %get3A_1130 : f32
      %add3A_1132 = arith.addf %add3A_1127, %mul3A_1131 : f32
      %get3A_1133 = arith.constant 7 : index
      %get3A_1134 = arith.constant 9 : index
      %get3A_1135 = memref.load %arg2[%get3A_1133, %get3A_1134] : memref<15x16xf32, #tpu.memory_space<smem>>
      %mul3A_1136 = arith.mulf %reduce_min3A_186, %get3A_1135 : f32
      %add3A_1137 = arith.addf %add3A_1132, %mul3A_1136 : f32
      %get3A_1138 = arith.constant 8 : index
      %get3A_1139 = arith.constant 9 : index
      %get3A_1140 = memref.load %arg2[%get3A_1138, %get3A_1139] : memref<15x16xf32, #tpu.memory_space<smem>>
      %mul3A_1141 = arith.mulf %reduce_min3A_206, %get3A_1140 : f32
      %add3A_1142 = arith.addf %add3A_1137, %mul3A_1141 : f32
      %get3A_1143 = arith.constant 9 : index
      %get3A_1144 = arith.constant 9 : index
      %get3A_1145 = memref.load %arg2[%get3A_1143, %get3A_1144] : memref<15x16xf32, #tpu.memory_space<smem>>
      %mul3A_1146 = arith.mulf %reduce_min3A_226, %get3A_1145 : f32
      %add3A_1147 = arith.addf %add3A_1142, %mul3A_1146 : f32
      %get3A_1148 = arith.constant 10 : index
      %get3A_1149 = arith.constant 9 : index
      %get3A_1150 = memref.load %arg2[%get3A_1148, %get3A_1149] : memref<15x16xf32, #tpu.memory_space<smem>>
      %mul3A_1151 = arith.mulf %reduce_min3A_246, %get3A_1150 : f32
      %add3A_1152 = arith.addf %add3A_1147, %mul3A_1151 : f32
      %get3A_1153 = arith.constant 11 : index
      %get3A_1154 = arith.constant 9 : index
      %get3A_1155 = memref.load %arg2[%get3A_1153, %get3A_1154] : memref<15x16xf32, #tpu.memory_space<smem>>
      %mul3A_1156 = arith.mulf %reduce_min3A_266, %get3A_1155 : f32
      %add3A_1157 = arith.addf %add3A_1152, %mul3A_1156 : f32
      %get3A_1158 = arith.constant 12 : index
      %get3A_1159 = arith.constant 9 : index
      %get3A_1160 = memref.load %arg2[%get3A_1158, %get3A_1159] : memref<15x16xf32, #tpu.memory_space<smem>>
      %mul3A_1161 = arith.mulf %reduce_min3A_286, %get3A_1160 : f32
      %add3A_1162 = arith.addf %add3A_1157, %mul3A_1161 : f32
      %get3A_1163 = arith.constant 13 : index
      %get3A_1164 = arith.constant 9 : index
      %get3A_1165 = memref.load %arg2[%get3A_1163, %get3A_1164] : memref<15x16xf32, #tpu.memory_space<smem>>
      %mul3A_1166 = arith.mulf %reduce_min3A_306, %get3A_1165 : f32
      %add3A_1167 = arith.addf %add3A_1162, %mul3A_1166 : f32
      %get3A_1168 = arith.constant 14 : index
      %get3A_1169 = arith.constant 9 : index
      %get3A_1170 = memref.load %arg2[%get3A_1168, %get3A_1169] : memref<15x16xf32, #tpu.memory_space<smem>>
      %mul3A_1171 = arith.mulf %reduce_min3A_326, %get3A_1170 : f32
      %add3A_1172 = arith.addf %add3A_1167, %mul3A_1171 : f32
      %max3A_1173 = arith.constant 0.000000e+00 : f32
      %max3A_1174 = arith.maximumf %add3A_1172, %max3A_1173 : f32
      %get3A_1175 = arith.constant 9 : index
      %get3A_1176 = arith.constant 0 : index
      %get3A_1177 = memref.load %arg4[%get3A_1175, %get3A_1176] : memref<16x1xf32, #tpu.memory_space<smem>>
      %mul3A_1178 = arith.mulf %max3A_1174, %get3A_1177 : f32
      %add3A_1179 = arith.addf %add3A_1094, %mul3A_1178 : f32
      %get3A_1180 = arith.constant 0 : index
      %get3A_1181 = arith.constant 10 : index
      %get3A_1182 = memref.load %arg3[%get3A_1180, %get3A_1181] : memref<1x16xf32, #tpu.memory_space<smem>>
      %get3A_1183 = arith.constant 0 : index
      %get3A_1184 = arith.constant 10 : index
      %get3A_1185 = memref.load %arg2[%get3A_1183, %get3A_1184] : memref<15x16xf32, #tpu.memory_space<smem>>
      %mul3A_1186 = arith.mulf %reduce_min3A_46, %get3A_1185 : f32
      %add3A_1187 = arith.addf %get3A_1182, %mul3A_1186 : f32
      %get3A_1188 = arith.constant 1 : index
      %get3A_1189 = arith.constant 10 : index
      %get3A_1190 = memref.load %arg2[%get3A_1188, %get3A_1189] : memref<15x16xf32, #tpu.memory_space<smem>>
      %mul3A_1191 = arith.mulf %reduce_min3A_66, %get3A_1190 : f32
      %add3A_1192 = arith.addf %add3A_1187, %mul3A_1191 : f32
      %get3A_1193 = arith.constant 2 : index
      %get3A_1194 = arith.constant 10 : index
      %get3A_1195 = memref.load %arg2[%get3A_1193, %get3A_1194] : memref<15x16xf32, #tpu.memory_space<smem>>
      %mul3A_1196 = arith.mulf %reduce_min3A_86, %get3A_1195 : f32
      %add3A_1197 = arith.addf %add3A_1192, %mul3A_1196 : f32
      %get3A_1198 = arith.constant 3 : index
      %get3A_1199 = arith.constant 10 : index
      %get3A_1200 = memref.load %arg2[%get3A_1198, %get3A_1199] : memref<15x16xf32, #tpu.memory_space<smem>>
      %mul3A_1201 = arith.mulf %reduce_min3A_106, %get3A_1200 : f32
      %add3A_1202 = arith.addf %add3A_1197, %mul3A_1201 : f32
      %get3A_1203 = arith.constant 4 : index
      %get3A_1204 = arith.constant 10 : index
      %get3A_1205 = memref.load %arg2[%get3A_1203, %get3A_1204] : memref<15x16xf32, #tpu.memory_space<smem>>
      %mul3A_1206 = arith.mulf %reduce_min3A_126, %get3A_1205 : f32
      %add3A_1207 = arith.addf %add3A_1202, %mul3A_1206 : f32
      %get3A_1208 = arith.constant 5 : index
      %get3A_1209 = arith.constant 10 : index
      %get3A_1210 = memref.load %arg2[%get3A_1208, %get3A_1209] : memref<15x16xf32, #tpu.memory_space<smem>>
      %mul3A_1211 = arith.mulf %reduce_min3A_146, %get3A_1210 : f32
      %add3A_1212 = arith.addf %add3A_1207, %mul3A_1211 : f32
      %get3A_1213 = arith.constant 6 : index
      %get3A_1214 = arith.constant 10 : index
      %get3A_1215 = memref.load %arg2[%get3A_1213, %get3A_1214] : memref<15x16xf32, #tpu.memory_space<smem>>
      %mul3A_1216 = arith.mulf %reduce_min3A_166, %get3A_1215 : f32
      %add3A_1217 = arith.addf %add3A_1212, %mul3A_1216 : f32
      %get3A_1218 = arith.constant 7 : index
      %get3A_1219 = arith.constant 10 : index
      %get3A_1220 = memref.load %arg2[%get3A_1218, %get3A_1219] : memref<15x16xf32, #tpu.memory_space<smem>>
      %mul3A_1221 = arith.mulf %reduce_min3A_186, %get3A_1220 : f32
      %add3A_1222 = arith.addf %add3A_1217, %mul3A_1221 : f32
      %get3A_1223 = arith.constant 8 : index
      %get3A_1224 = arith.constant 10 : index
      %get3A_1225 = memref.load %arg2[%get3A_1223, %get3A_1224] : memref<15x16xf32, #tpu.memory_space<smem>>
      %mul3A_1226 = arith.mulf %reduce_min3A_206, %get3A_1225 : f32
      %add3A_1227 = arith.addf %add3A_1222, %mul3A_1226 : f32
      %get3A_1228 = arith.constant 9 : index
      %get3A_1229 = arith.constant 10 : index
      %get3A_1230 = memref.load %arg2[%get3A_1228, %get3A_1229] : memref<15x16xf32, #tpu.memory_space<smem>>
      %mul3A_1231 = arith.mulf %reduce_min3A_226, %get3A_1230 : f32
      %add3A_1232 = arith.addf %add3A_1227, %mul3A_1231 : f32
      %get3A_1233 = arith.constant 10 : index
      %get3A_1234 = arith.constant 10 : index
      %get3A_1235 = memref.load %arg2[%get3A_1233, %get3A_1234] : memref<15x16xf32, #tpu.memory_space<smem>>
      %mul3A_1236 = arith.mulf %reduce_min3A_246, %get3A_1235 : f32
      %add3A_1237 = arith.addf %add3A_1232, %mul3A_1236 : f32
      %get3A_1238 = arith.constant 11 : index
      %get3A_1239 = arith.constant 10 : index
      %get3A_1240 = memref.load %arg2[%get3A_1238, %get3A_1239] : memref<15x16xf32, #tpu.memory_space<smem>>
      %mul3A_1241 = arith.mulf %reduce_min3A_266, %get3A_1240 : f32
      %add3A_1242 = arith.addf %add3A_1237, %mul3A_1241 : f32
      %get3A_1243 = arith.constant 12 : index
      %get3A_1244 = arith.constant 10 : index
      %get3A_1245 = memref.load %arg2[%get3A_1243, %get3A_1244] : memref<15x16xf32, #tpu.memory_space<smem>>
      %mul3A_1246 = arith.mulf %reduce_min3A_286, %get3A_1245 : f32
      %add3A_1247 = arith.addf %add3A_1242, %mul3A_1246 : f32
      %get3A_1248 = arith.constant 13 : index
      %get3A_1249 = arith.constant 10 : index
      %get3A_1250 = memref.load %arg2[%get3A_1248, %get3A_1249] : memref<15x16xf32, #tpu.memory_space<smem>>
      %mul3A_1251 = arith.mulf %reduce_min3A_306, %get3A_1250 : f32
      %add3A_1252 = arith.addf %add3A_1247, %mul3A_1251 : f32
      %get3A_1253 = arith.constant 14 : index
      %get3A_1254 = arith.constant 10 : index
      %get3A_1255 = memref.load %arg2[%get3A_1253, %get3A_1254] : memref<15x16xf32, #tpu.memory_space<smem>>
      %mul3A_1256 = arith.mulf %reduce_min3A_326, %get3A_1255 : f32
      %add3A_1257 = arith.addf %add3A_1252, %mul3A_1256 : f32
      %max3A_1258 = arith.constant 0.000000e+00 : f32
      %max3A_1259 = arith.maximumf %add3A_1257, %max3A_1258 : f32
      %get3A_1260 = arith.constant 10 : index
      %get3A_1261 = arith.constant 0 : index
      %get3A_1262 = memref.load %arg4[%get3A_1260, %get3A_1261] : memref<16x1xf32, #tpu.memory_space<smem>>
      %mul3A_1263 = arith.mulf %max3A_1259, %get3A_1262 : f32
      %add3A_1264 = arith.addf %add3A_1179, %mul3A_1263 : f32
      %get3A_1265 = arith.constant 0 : index
      %get3A_1266 = arith.constant 11 : index
      %get3A_1267 = memref.load %arg3[%get3A_1265, %get3A_1266] : memref<1x16xf32, #tpu.memory_space<smem>>
      %get3A_1268 = arith.constant 0 : index
      %get3A_1269 = arith.constant 11 : index
      %get3A_1270 = memref.load %arg2[%get3A_1268, %get3A_1269] : memref<15x16xf32, #tpu.memory_space<smem>>
      %mul3A_1271 = arith.mulf %reduce_min3A_46, %get3A_1270 : f32
      %add3A_1272 = arith.addf %get3A_1267, %mul3A_1271 : f32
      %get3A_1273 = arith.constant 1 : index
      %get3A_1274 = arith.constant 11 : index
      %get3A_1275 = memref.load %arg2[%get3A_1273, %get3A_1274] : memref<15x16xf32, #tpu.memory_space<smem>>
      %mul3A_1276 = arith.mulf %reduce_min3A_66, %get3A_1275 : f32
      %add3A_1277 = arith.addf %add3A_1272, %mul3A_1276 : f32
      %get3A_1278 = arith.constant 2 : index
      %get3A_1279 = arith.constant 11 : index
      %get3A_1280 = memref.load %arg2[%get3A_1278, %get3A_1279] : memref<15x16xf32, #tpu.memory_space<smem>>
      %mul3A_1281 = arith.mulf %reduce_min3A_86, %get3A_1280 : f32
      %add3A_1282 = arith.addf %add3A_1277, %mul3A_1281 : f32
      %get3A_1283 = arith.constant 3 : index
      %get3A_1284 = arith.constant 11 : index
      %get3A_1285 = memref.load %arg2[%get3A_1283, %get3A_1284] : memref<15x16xf32, #tpu.memory_space<smem>>
      %mul3A_1286 = arith.mulf %reduce_min3A_106, %get3A_1285 : f32
      %add3A_1287 = arith.addf %add3A_1282, %mul3A_1286 : f32
      %get3A_1288 = arith.constant 4 : index
      %get3A_1289 = arith.constant 11 : index
      %get3A_1290 = memref.load %arg2[%get3A_1288, %get3A_1289] : memref<15x16xf32, #tpu.memory_space<smem>>
      %mul3A_1291 = arith.mulf %reduce_min3A_126, %get3A_1290 : f32
      %add3A_1292 = arith.addf %add3A_1287, %mul3A_1291 : f32
      %get3A_1293 = arith.constant 5 : index
      %get3A_1294 = arith.constant 11 : index
      %get3A_1295 = memref.load %arg2[%get3A_1293, %get3A_1294] : memref<15x16xf32, #tpu.memory_space<smem>>
      %mul3A_1296 = arith.mulf %reduce_min3A_146, %get3A_1295 : f32
      %add3A_1297 = arith.addf %add3A_1292, %mul3A_1296 : f32
      %get3A_1298 = arith.constant 6 : index
      %get3A_1299 = arith.constant 11 : index
      %get3A_1300 = memref.load %arg2[%get3A_1298, %get3A_1299] : memref<15x16xf32, #tpu.memory_space<smem>>
      %mul3A_1301 = arith.mulf %reduce_min3A_166, %get3A_1300 : f32
      %add3A_1302 = arith.addf %add3A_1297, %mul3A_1301 : f32
      %get3A_1303 = arith.constant 7 : index
      %get3A_1304 = arith.constant 11 : index
      %get3A_1305 = memref.load %arg2[%get3A_1303, %get3A_1304] : memref<15x16xf32, #tpu.memory_space<smem>>
      %mul3A_1306 = arith.mulf %reduce_min3A_186, %get3A_1305 : f32
      %add3A_1307 = arith.addf %add3A_1302, %mul3A_1306 : f32
      %get3A_1308 = arith.constant 8 : index
      %get3A_1309 = arith.constant 11 : index
      %get3A_1310 = memref.load %arg2[%get3A_1308, %get3A_1309] : memref<15x16xf32, #tpu.memory_space<smem>>
      %mul3A_1311 = arith.mulf %reduce_min3A_206, %get3A_1310 : f32
      %add3A_1312 = arith.addf %add3A_1307, %mul3A_1311 : f32
      %get3A_1313 = arith.constant 9 : index
      %get3A_1314 = arith.constant 11 : index
      %get3A_1315 = memref.load %arg2[%get3A_1313, %get3A_1314] : memref<15x16xf32, #tpu.memory_space<smem>>
      %mul3A_1316 = arith.mulf %reduce_min3A_226, %get3A_1315 : f32
      %add3A_1317 = arith.addf %add3A_1312, %mul3A_1316 : f32
      %get3A_1318 = arith.constant 10 : index
      %get3A_1319 = arith.constant 11 : index
      %get3A_1320 = memref.load %arg2[%get3A_1318, %get3A_1319] : memref<15x16xf32, #tpu.memory_space<smem>>
      %mul3A_1321 = arith.mulf %reduce_min3A_246, %get3A_1320 : f32
      %add3A_1322 = arith.addf %add3A_1317, %mul3A_1321 : f32
      %get3A_1323 = arith.constant 11 : index
      %get3A_1324 = arith.constant 11 : index
      %get3A_1325 = memref.load %arg2[%get3A_1323, %get3A_1324] : memref<15x16xf32, #tpu.memory_space<smem>>
      %mul3A_1326 = arith.mulf %reduce_min3A_266, %get3A_1325 : f32
      %add3A_1327 = arith.addf %add3A_1322, %mul3A_1326 : f32
      %get3A_1328 = arith.constant 12 : index
      %get3A_1329 = arith.constant 11 : index
      %get3A_1330 = memref.load %arg2[%get3A_1328, %get3A_1329] : memref<15x16xf32, #tpu.memory_space<smem>>
      %mul3A_1331 = arith.mulf %reduce_min3A_286, %get3A_1330 : f32
      %add3A_1332 = arith.addf %add3A_1327, %mul3A_1331 : f32
      %get3A_1333 = arith.constant 13 : index
      %get3A_1334 = arith.constant 11 : index
      %get3A_1335 = memref.load %arg2[%get3A_1333, %get3A_1334] : memref<15x16xf32, #tpu.memory_space<smem>>
      %mul3A_1336 = arith.mulf %reduce_min3A_306, %get3A_1335 : f32
      %add3A_1337 = arith.addf %add3A_1332, %mul3A_1336 : f32
      %get3A_1338 = arith.constant 14 : index
      %get3A_1339 = arith.constant 11 : index
      %get3A_1340 = memref.load %arg2[%get3A_1338, %get3A_1339] : memref<15x16xf32, #tpu.memory_space<smem>>
      %mul3A_1341 = arith.mulf %reduce_min3A_326, %get3A_1340 : f32
      %add3A_1342 = arith.addf %add3A_1337, %mul3A_1341 : f32
      %max3A_1343 = arith.constant 0.000000e+00 : f32
      %max3A_1344 = arith.maximumf %add3A_1342, %max3A_1343 : f32
      %get3A_1345 = arith.constant 11 : index
      %get3A_1346 = arith.constant 0 : index
      %get3A_1347 = memref.load %arg4[%get3A_1345, %get3A_1346] : memref<16x1xf32, #tpu.memory_space<smem>>
      %mul3A_1348 = arith.mulf %max3A_1344, %get3A_1347 : f32
      %add3A_1349 = arith.addf %add3A_1264, %mul3A_1348 : f32
      %get3A_1350 = arith.constant 0 : index
      %get3A_1351 = arith.constant 12 : index
      %get3A_1352 = memref.load %arg3[%get3A_1350, %get3A_1351] : memref<1x16xf32, #tpu.memory_space<smem>>
      %get3A_1353 = arith.constant 0 : index
      %get3A_1354 = arith.constant 12 : index
      %get3A_1355 = memref.load %arg2[%get3A_1353, %get3A_1354] : memref<15x16xf32, #tpu.memory_space<smem>>
      %mul3A_1356 = arith.mulf %reduce_min3A_46, %get3A_1355 : f32
      %add3A_1357 = arith.addf %get3A_1352, %mul3A_1356 : f32
      %get3A_1358 = arith.constant 1 : index
      %get3A_1359 = arith.constant 12 : index
      %get3A_1360 = memref.load %arg2[%get3A_1358, %get3A_1359] : memref<15x16xf32, #tpu.memory_space<smem>>
      %mul3A_1361 = arith.mulf %reduce_min3A_66, %get3A_1360 : f32
      %add3A_1362 = arith.addf %add3A_1357, %mul3A_1361 : f32
      %get3A_1363 = arith.constant 2 : index
      %get3A_1364 = arith.constant 12 : index
      %get3A_1365 = memref.load %arg2[%get3A_1363, %get3A_1364] : memref<15x16xf32, #tpu.memory_space<smem>>
      %mul3A_1366 = arith.mulf %reduce_min3A_86, %get3A_1365 : f32
      %add3A_1367 = arith.addf %add3A_1362, %mul3A_1366 : f32
      %get3A_1368 = arith.constant 3 : index
      %get3A_1369 = arith.constant 12 : index
      %get3A_1370 = memref.load %arg2[%get3A_1368, %get3A_1369] : memref<15x16xf32, #tpu.memory_space<smem>>
      %mul3A_1371 = arith.mulf %reduce_min3A_106, %get3A_1370 : f32
      %add3A_1372 = arith.addf %add3A_1367, %mul3A_1371 : f32
      %get3A_1373 = arith.constant 4 : index
      %get3A_1374 = arith.constant 12 : index
      %get3A_1375 = memref.load %arg2[%get3A_1373, %get3A_1374] : memref<15x16xf32, #tpu.memory_space<smem>>
      %mul3A_1376 = arith.mulf %reduce_min3A_126, %get3A_1375 : f32
      %add3A_1377 = arith.addf %add3A_1372, %mul3A_1376 : f32
      %get3A_1378 = arith.constant 5 : index
      %get3A_1379 = arith.constant 12 : index
      %get3A_1380 = memref.load %arg2[%get3A_1378, %get3A_1379] : memref<15x16xf32, #tpu.memory_space<smem>>
      %mul3A_1381 = arith.mulf %reduce_min3A_146, %get3A_1380 : f32
      %add3A_1382 = arith.addf %add3A_1377, %mul3A_1381 : f32
      %get3A_1383 = arith.constant 6 : index
      %get3A_1384 = arith.constant 12 : index
      %get3A_1385 = memref.load %arg2[%get3A_1383, %get3A_1384] : memref<15x16xf32, #tpu.memory_space<smem>>
      %mul3A_1386 = arith.mulf %reduce_min3A_166, %get3A_1385 : f32
      %add3A_1387 = arith.addf %add3A_1382, %mul3A_1386 : f32
      %get3A_1388 = arith.constant 7 : index
      %get3A_1389 = arith.constant 12 : index
      %get3A_1390 = memref.load %arg2[%get3A_1388, %get3A_1389] : memref<15x16xf32, #tpu.memory_space<smem>>
      %mul3A_1391 = arith.mulf %reduce_min3A_186, %get3A_1390 : f32
      %add3A_1392 = arith.addf %add3A_1387, %mul3A_1391 : f32
      %get3A_1393 = arith.constant 8 : index
      %get3A_1394 = arith.constant 12 : index
      %get3A_1395 = memref.load %arg2[%get3A_1393, %get3A_1394] : memref<15x16xf32, #tpu.memory_space<smem>>
      %mul3A_1396 = arith.mulf %reduce_min3A_206, %get3A_1395 : f32
      %add3A_1397 = arith.addf %add3A_1392, %mul3A_1396 : f32
      %get3A_1398 = arith.constant 9 : index
      %get3A_1399 = arith.constant 12 : index
      %get3A_1400 = memref.load %arg2[%get3A_1398, %get3A_1399] : memref<15x16xf32, #tpu.memory_space<smem>>
      %mul3A_1401 = arith.mulf %reduce_min3A_226, %get3A_1400 : f32
      %add3A_1402 = arith.addf %add3A_1397, %mul3A_1401 : f32
      %get3A_1403 = arith.constant 10 : index
      %get3A_1404 = arith.constant 12 : index
      %get3A_1405 = memref.load %arg2[%get3A_1403, %get3A_1404] : memref<15x16xf32, #tpu.memory_space<smem>>
      %mul3A_1406 = arith.mulf %reduce_min3A_246, %get3A_1405 : f32
      %add3A_1407 = arith.addf %add3A_1402, %mul3A_1406 : f32
      %get3A_1408 = arith.constant 11 : index
      %get3A_1409 = arith.constant 12 : index
      %get3A_1410 = memref.load %arg2[%get3A_1408, %get3A_1409] : memref<15x16xf32, #tpu.memory_space<smem>>
      %mul3A_1411 = arith.mulf %reduce_min3A_266, %get3A_1410 : f32
      %add3A_1412 = arith.addf %add3A_1407, %mul3A_1411 : f32
      %get3A_1413 = arith.constant 12 : index
      %get3A_1414 = arith.constant 12 : index
      %get3A_1415 = memref.load %arg2[%get3A_1413, %get3A_1414] : memref<15x16xf32, #tpu.memory_space<smem>>
      %mul3A_1416 = arith.mulf %reduce_min3A_286, %get3A_1415 : f32
      %add3A_1417 = arith.addf %add3A_1412, %mul3A_1416 : f32
      %get3A_1418 = arith.constant 13 : index
      %get3A_1419 = arith.constant 12 : index
      %get3A_1420 = memref.load %arg2[%get3A_1418, %get3A_1419] : memref<15x16xf32, #tpu.memory_space<smem>>
      %mul3A_1421 = arith.mulf %reduce_min3A_306, %get3A_1420 : f32
      %add3A_1422 = arith.addf %add3A_1417, %mul3A_1421 : f32
      %get3A_1423 = arith.constant 14 : index
      %get3A_1424 = arith.constant 12 : index
      %get3A_1425 = memref.load %arg2[%get3A_1423, %get3A_1424] : memref<15x16xf32, #tpu.memory_space<smem>>
      %mul3A_1426 = arith.mulf %reduce_min3A_326, %get3A_1425 : f32
      %add3A_1427 = arith.addf %add3A_1422, %mul3A_1426 : f32
      %max3A_1428 = arith.constant 0.000000e+00 : f32
      %max3A_1429 = arith.maximumf %add3A_1427, %max3A_1428 : f32
      %get3A_1430 = arith.constant 12 : index
      %get3A_1431 = arith.constant 0 : index
      %get3A_1432 = memref.load %arg4[%get3A_1430, %get3A_1431] : memref<16x1xf32, #tpu.memory_space<smem>>
      %mul3A_1433 = arith.mulf %max3A_1429, %get3A_1432 : f32
      %add3A_1434 = arith.addf %add3A_1349, %mul3A_1433 : f32
      %get3A_1435 = arith.constant 0 : index
      %get3A_1436 = arith.constant 13 : index
      %get3A_1437 = memref.load %arg3[%get3A_1435, %get3A_1436] : memref<1x16xf32, #tpu.memory_space<smem>>
      %get3A_1438 = arith.constant 0 : index
      %get3A_1439 = arith.constant 13 : index
      %get3A_1440 = memref.load %arg2[%get3A_1438, %get3A_1439] : memref<15x16xf32, #tpu.memory_space<smem>>
      %mul3A_1441 = arith.mulf %reduce_min3A_46, %get3A_1440 : f32
      %add3A_1442 = arith.addf %get3A_1437, %mul3A_1441 : f32
      %get3A_1443 = arith.constant 1 : index
      %get3A_1444 = arith.constant 13 : index
      %get3A_1445 = memref.load %arg2[%get3A_1443, %get3A_1444] : memref<15x16xf32, #tpu.memory_space<smem>>
      %mul3A_1446 = arith.mulf %reduce_min3A_66, %get3A_1445 : f32
      %add3A_1447 = arith.addf %add3A_1442, %mul3A_1446 : f32
      %get3A_1448 = arith.constant 2 : index
      %get3A_1449 = arith.constant 13 : index
      %get3A_1450 = memref.load %arg2[%get3A_1448, %get3A_1449] : memref<15x16xf32, #tpu.memory_space<smem>>
      %mul3A_1451 = arith.mulf %reduce_min3A_86, %get3A_1450 : f32
      %add3A_1452 = arith.addf %add3A_1447, %mul3A_1451 : f32
      %get3A_1453 = arith.constant 3 : index
      %get3A_1454 = arith.constant 13 : index
      %get3A_1455 = memref.load %arg2[%get3A_1453, %get3A_1454] : memref<15x16xf32, #tpu.memory_space<smem>>
      %mul3A_1456 = arith.mulf %reduce_min3A_106, %get3A_1455 : f32
      %add3A_1457 = arith.addf %add3A_1452, %mul3A_1456 : f32
      %get3A_1458 = arith.constant 4 : index
      %get3A_1459 = arith.constant 13 : index
      %get3A_1460 = memref.load %arg2[%get3A_1458, %get3A_1459] : memref<15x16xf32, #tpu.memory_space<smem>>
      %mul3A_1461 = arith.mulf %reduce_min3A_126, %get3A_1460 : f32
      %add3A_1462 = arith.addf %add3A_1457, %mul3A_1461 : f32
      %get3A_1463 = arith.constant 5 : index
      %get3A_1464 = arith.constant 13 : index
      %get3A_1465 = memref.load %arg2[%get3A_1463, %get3A_1464] : memref<15x16xf32, #tpu.memory_space<smem>>
      %mul3A_1466 = arith.mulf %reduce_min3A_146, %get3A_1465 : f32
      %add3A_1467 = arith.addf %add3A_1462, %mul3A_1466 : f32
      %get3A_1468 = arith.constant 6 : index
      %get3A_1469 = arith.constant 13 : index
      %get3A_1470 = memref.load %arg2[%get3A_1468, %get3A_1469] : memref<15x16xf32, #tpu.memory_space<smem>>
      %mul3A_1471 = arith.mulf %reduce_min3A_166, %get3A_1470 : f32
      %add3A_1472 = arith.addf %add3A_1467, %mul3A_1471 : f32
      %get3A_1473 = arith.constant 7 : index
      %get3A_1474 = arith.constant 13 : index
      %get3A_1475 = memref.load %arg2[%get3A_1473, %get3A_1474] : memref<15x16xf32, #tpu.memory_space<smem>>
      %mul3A_1476 = arith.mulf %reduce_min3A_186, %get3A_1475 : f32
      %add3A_1477 = arith.addf %add3A_1472, %mul3A_1476 : f32
      %get3A_1478 = arith.constant 8 : index
      %get3A_1479 = arith.constant 13 : index
      %get3A_1480 = memref.load %arg2[%get3A_1478, %get3A_1479] : memref<15x16xf32, #tpu.memory_space<smem>>
      %mul3A_1481 = arith.mulf %reduce_min3A_206, %get3A_1480 : f32
      %add3A_1482 = arith.addf %add3A_1477, %mul3A_1481 : f32
      %get3A_1483 = arith.constant 9 : index
      %get3A_1484 = arith.constant 13 : index
      %get3A_1485 = memref.load %arg2[%get3A_1483, %get3A_1484] : memref<15x16xf32, #tpu.memory_space<smem>>
      %mul3A_1486 = arith.mulf %reduce_min3A_226, %get3A_1485 : f32
      %add3A_1487 = arith.addf %add3A_1482, %mul3A_1486 : f32
      %get3A_1488 = arith.constant 10 : index
      %get3A_1489 = arith.constant 13 : index
      %get3A_1490 = memref.load %arg2[%get3A_1488, %get3A_1489] : memref<15x16xf32, #tpu.memory_space<smem>>
      %mul3A_1491 = arith.mulf %reduce_min3A_246, %get3A_1490 : f32
      %add3A_1492 = arith.addf %add3A_1487, %mul3A_1491 : f32
      %get3A_1493 = arith.constant 11 : index
      %get3A_1494 = arith.constant 13 : index
      %get3A_1495 = memref.load %arg2[%get3A_1493, %get3A_1494] : memref<15x16xf32, #tpu.memory_space<smem>>
      %mul3A_1496 = arith.mulf %reduce_min3A_266, %get3A_1495 : f32
      %add3A_1497 = arith.addf %add3A_1492, %mul3A_1496 : f32
      %get3A_1498 = arith.constant 12 : index
      %get3A_1499 = arith.constant 13 : index
      %get3A_1500 = memref.load %arg2[%get3A_1498, %get3A_1499] : memref<15x16xf32, #tpu.memory_space<smem>>
      %mul3A_1501 = arith.mulf %reduce_min3A_286, %get3A_1500 : f32
      %add3A_1502 = arith.addf %add3A_1497, %mul3A_1501 : f32
      %get3A_1503 = arith.constant 13 : index
      %get3A_1504 = arith.constant 13 : index
      %get3A_1505 = memref.load %arg2[%get3A_1503, %get3A_1504] : memref<15x16xf32, #tpu.memory_space<smem>>
      %mul3A_1506 = arith.mulf %reduce_min3A_306, %get3A_1505 : f32
      %add3A_1507 = arith.addf %add3A_1502, %mul3A_1506 : f32
      %get3A_1508 = arith.constant 14 : index
      %get3A_1509 = arith.constant 13 : index
      %get3A_1510 = memref.load %arg2[%get3A_1508, %get3A_1509] : memref<15x16xf32, #tpu.memory_space<smem>>
      %mul3A_1511 = arith.mulf %reduce_min3A_326, %get3A_1510 : f32
      %add3A_1512 = arith.addf %add3A_1507, %mul3A_1511 : f32
      %max3A_1513 = arith.constant 0.000000e+00 : f32
      %max3A_1514 = arith.maximumf %add3A_1512, %max3A_1513 : f32
      %get3A_1515 = arith.constant 13 : index
      %get3A_1516 = arith.constant 0 : index
      %get3A_1517 = memref.load %arg4[%get3A_1515, %get3A_1516] : memref<16x1xf32, #tpu.memory_space<smem>>
      %mul3A_1518 = arith.mulf %max3A_1514, %get3A_1517 : f32
      %add3A_1519 = arith.addf %add3A_1434, %mul3A_1518 : f32
      %get3A_1520 = arith.constant 0 : index
      %get3A_1521 = arith.constant 14 : index
      %get3A_1522 = memref.load %arg3[%get3A_1520, %get3A_1521] : memref<1x16xf32, #tpu.memory_space<smem>>
      %get3A_1523 = arith.constant 0 : index
      %get3A_1524 = arith.constant 14 : index
      %get3A_1525 = memref.load %arg2[%get3A_1523, %get3A_1524] : memref<15x16xf32, #tpu.memory_space<smem>>
      %mul3A_1526 = arith.mulf %reduce_min3A_46, %get3A_1525 : f32
      %add3A_1527 = arith.addf %get3A_1522, %mul3A_1526 : f32
      %get3A_1528 = arith.constant 1 : index
      %get3A_1529 = arith.constant 14 : index
      %get3A_1530 = memref.load %arg2[%get3A_1528, %get3A_1529] : memref<15x16xf32, #tpu.memory_space<smem>>
      %mul3A_1531 = arith.mulf %reduce_min3A_66, %get3A_1530 : f32
      %add3A_1532 = arith.addf %add3A_1527, %mul3A_1531 : f32
      %get3A_1533 = arith.constant 2 : index
      %get3A_1534 = arith.constant 14 : index
      %get3A_1535 = memref.load %arg2[%get3A_1533, %get3A_1534] : memref<15x16xf32, #tpu.memory_space<smem>>
      %mul3A_1536 = arith.mulf %reduce_min3A_86, %get3A_1535 : f32
      %add3A_1537 = arith.addf %add3A_1532, %mul3A_1536 : f32
      %get3A_1538 = arith.constant 3 : index
      %get3A_1539 = arith.constant 14 : index
      %get3A_1540 = memref.load %arg2[%get3A_1538, %get3A_1539] : memref<15x16xf32, #tpu.memory_space<smem>>
      %mul3A_1541 = arith.mulf %reduce_min3A_106, %get3A_1540 : f32
      %add3A_1542 = arith.addf %add3A_1537, %mul3A_1541 : f32
      %get3A_1543 = arith.constant 4 : index
      %get3A_1544 = arith.constant 14 : index
      %get3A_1545 = memref.load %arg2[%get3A_1543, %get3A_1544] : memref<15x16xf32, #tpu.memory_space<smem>>
      %mul3A_1546 = arith.mulf %reduce_min3A_126, %get3A_1545 : f32
      %add3A_1547 = arith.addf %add3A_1542, %mul3A_1546 : f32
      %get3A_1548 = arith.constant 5 : index
      %get3A_1549 = arith.constant 14 : index
      %get3A_1550 = memref.load %arg2[%get3A_1548, %get3A_1549] : memref<15x16xf32, #tpu.memory_space<smem>>
      %mul3A_1551 = arith.mulf %reduce_min3A_146, %get3A_1550 : f32
      %add3A_1552 = arith.addf %add3A_1547, %mul3A_1551 : f32
      %get3A_1553 = arith.constant 6 : index
      %get3A_1554 = arith.constant 14 : index
      %get3A_1555 = memref.load %arg2[%get3A_1553, %get3A_1554] : memref<15x16xf32, #tpu.memory_space<smem>>
      %mul3A_1556 = arith.mulf %reduce_min3A_166, %get3A_1555 : f32
      %add3A_1557 = arith.addf %add3A_1552, %mul3A_1556 : f32
      %get3A_1558 = arith.constant 7 : index
      %get3A_1559 = arith.constant 14 : index
      %get3A_1560 = memref.load %arg2[%get3A_1558, %get3A_1559] : memref<15x16xf32, #tpu.memory_space<smem>>
      %mul3A_1561 = arith.mulf %reduce_min3A_186, %get3A_1560 : f32
      %add3A_1562 = arith.addf %add3A_1557, %mul3A_1561 : f32
      %get3A_1563 = arith.constant 8 : index
      %get3A_1564 = arith.constant 14 : index
      %get3A_1565 = memref.load %arg2[%get3A_1563, %get3A_1564] : memref<15x16xf32, #tpu.memory_space<smem>>
      %mul3A_1566 = arith.mulf %reduce_min3A_206, %get3A_1565 : f32
      %add3A_1567 = arith.addf %add3A_1562, %mul3A_1566 : f32
      %get3A_1568 = arith.constant 9 : index
      %get3A_1569 = arith.constant 14 : index
      %get3A_1570 = memref.load %arg2[%get3A_1568, %get3A_1569] : memref<15x16xf32, #tpu.memory_space<smem>>
      %mul3A_1571 = arith.mulf %reduce_min3A_226, %get3A_1570 : f32
      %add3A_1572 = arith.addf %add3A_1567, %mul3A_1571 : f32
      %get3A_1573 = arith.constant 10 : index
      %get3A_1574 = arith.constant 14 : index
      %get3A_1575 = memref.load %arg2[%get3A_1573, %get3A_1574] : memref<15x16xf32, #tpu.memory_space<smem>>
      %mul3A_1576 = arith.mulf %reduce_min3A_246, %get3A_1575 : f32
      %add3A_1577 = arith.addf %add3A_1572, %mul3A_1576 : f32
      %get3A_1578 = arith.constant 11 : index
      %get3A_1579 = arith.constant 14 : index
      %get3A_1580 = memref.load %arg2[%get3A_1578, %get3A_1579] : memref<15x16xf32, #tpu.memory_space<smem>>
      %mul3A_1581 = arith.mulf %reduce_min3A_266, %get3A_1580 : f32
      %add3A_1582 = arith.addf %add3A_1577, %mul3A_1581 : f32
      %get3A_1583 = arith.constant 12 : index
      %get3A_1584 = arith.constant 14 : index
      %get3A_1585 = memref.load %arg2[%get3A_1583, %get3A_1584] : memref<15x16xf32, #tpu.memory_space<smem>>
      %mul3A_1586 = arith.mulf %reduce_min3A_286, %get3A_1585 : f32
      %add3A_1587 = arith.addf %add3A_1582, %mul3A_1586 : f32
      %get3A_1588 = arith.constant 13 : index
      %get3A_1589 = arith.constant 14 : index
      %get3A_1590 = memref.load %arg2[%get3A_1588, %get3A_1589] : memref<15x16xf32, #tpu.memory_space<smem>>
      %mul3A_1591 = arith.mulf %reduce_min3A_306, %get3A_1590 : f32
      %add3A_1592 = arith.addf %add3A_1587, %mul3A_1591 : f32
      %get3A_1593 = arith.constant 14 : index
      %get3A_1594 = arith.constant 14 : index
      %get3A_1595 = memref.load %arg2[%get3A_1593, %get3A_1594] : memref<15x16xf32, #tpu.memory_space<smem>>
      %mul3A_1596 = arith.mulf %reduce_min3A_326, %get3A_1595 : f32
      %add3A_1597 = arith.addf %add3A_1592, %mul3A_1596 : f32
      %max3A_1598 = arith.constant 0.000000e+00 : f32
      %max3A_1599 = arith.maximumf %add3A_1597, %max3A_1598 : f32
      %get3A_1600 = arith.constant 14 : index
      %get3A_1601 = arith.constant 0 : index
      %get3A_1602 = memref.load %arg4[%get3A_1600, %get3A_1601] : memref<16x1xf32, #tpu.memory_space<smem>>
      %mul3A_1603 = arith.mulf %max3A_1599, %get3A_1602 : f32
      %add3A_1604 = arith.addf %add3A_1519, %mul3A_1603 : f32
      %get3A_1605 = arith.constant 0 : index
      %get3A_1606 = arith.constant 15 : index
      %get3A_1607 = memref.load %arg3[%get3A_1605, %get3A_1606] : memref<1x16xf32, #tpu.memory_space<smem>>
      %get3A_1608 = arith.constant 0 : index
      %get3A_1609 = arith.constant 15 : index
      %get3A_1610 = memref.load %arg2[%get3A_1608, %get3A_1609] : memref<15x16xf32, #tpu.memory_space<smem>>
      %mul3A_1611 = arith.mulf %reduce_min3A_46, %get3A_1610 : f32
      %add3A_1612 = arith.addf %get3A_1607, %mul3A_1611 : f32
      %get3A_1613 = arith.constant 1 : index
      %get3A_1614 = arith.constant 15 : index
      %get3A_1615 = memref.load %arg2[%get3A_1613, %get3A_1614] : memref<15x16xf32, #tpu.memory_space<smem>>
      %mul3A_1616 = arith.mulf %reduce_min3A_66, %get3A_1615 : f32
      %add3A_1617 = arith.addf %add3A_1612, %mul3A_1616 : f32
      %get3A_1618 = arith.constant 2 : index
      %get3A_1619 = arith.constant 15 : index
      %get3A_1620 = memref.load %arg2[%get3A_1618, %get3A_1619] : memref<15x16xf32, #tpu.memory_space<smem>>
      %mul3A_1621 = arith.mulf %reduce_min3A_86, %get3A_1620 : f32
      %add3A_1622 = arith.addf %add3A_1617, %mul3A_1621 : f32
      %get3A_1623 = arith.constant 3 : index
      %get3A_1624 = arith.constant 15 : index
      %get3A_1625 = memref.load %arg2[%get3A_1623, %get3A_1624] : memref<15x16xf32, #tpu.memory_space<smem>>
      %mul3A_1626 = arith.mulf %reduce_min3A_106, %get3A_1625 : f32
      %add3A_1627 = arith.addf %add3A_1622, %mul3A_1626 : f32
      %get3A_1628 = arith.constant 4 : index
      %get3A_1629 = arith.constant 15 : index
      %get3A_1630 = memref.load %arg2[%get3A_1628, %get3A_1629] : memref<15x16xf32, #tpu.memory_space<smem>>
      %mul3A_1631 = arith.mulf %reduce_min3A_126, %get3A_1630 : f32
      %add3A_1632 = arith.addf %add3A_1627, %mul3A_1631 : f32
      %get3A_1633 = arith.constant 5 : index
      %get3A_1634 = arith.constant 15 : index
      %get3A_1635 = memref.load %arg2[%get3A_1633, %get3A_1634] : memref<15x16xf32, #tpu.memory_space<smem>>
      %mul3A_1636 = arith.mulf %reduce_min3A_146, %get3A_1635 : f32
      %add3A_1637 = arith.addf %add3A_1632, %mul3A_1636 : f32
      %get3A_1638 = arith.constant 6 : index
      %get3A_1639 = arith.constant 15 : index
      %get3A_1640 = memref.load %arg2[%get3A_1638, %get3A_1639] : memref<15x16xf32, #tpu.memory_space<smem>>
      %mul3A_1641 = arith.mulf %reduce_min3A_166, %get3A_1640 : f32
      %add3A_1642 = arith.addf %add3A_1637, %mul3A_1641 : f32
      %get3A_1643 = arith.constant 7 : index
      %get3A_1644 = arith.constant 15 : index
      %get3A_1645 = memref.load %arg2[%get3A_1643, %get3A_1644] : memref<15x16xf32, #tpu.memory_space<smem>>
      %mul3A_1646 = arith.mulf %reduce_min3A_186, %get3A_1645 : f32
      %add3A_1647 = arith.addf %add3A_1642, %mul3A_1646 : f32
      %get3A_1648 = arith.constant 8 : index
      %get3A_1649 = arith.constant 15 : index
      %get3A_1650 = memref.load %arg2[%get3A_1648, %get3A_1649] : memref<15x16xf32, #tpu.memory_space<smem>>
      %mul3A_1651 = arith.mulf %reduce_min3A_206, %get3A_1650 : f32
      %add3A_1652 = arith.addf %add3A_1647, %mul3A_1651 : f32
      %get3A_1653 = arith.constant 9 : index
      %get3A_1654 = arith.constant 15 : index
      %get3A_1655 = memref.load %arg2[%get3A_1653, %get3A_1654] : memref<15x16xf32, #tpu.memory_space<smem>>
      %mul3A_1656 = arith.mulf %reduce_min3A_226, %get3A_1655 : f32
      %add3A_1657 = arith.addf %add3A_1652, %mul3A_1656 : f32
      %get3A_1658 = arith.constant 10 : index
      %get3A_1659 = arith.constant 15 : index
      %get3A_1660 = memref.load %arg2[%get3A_1658, %get3A_1659] : memref<15x16xf32, #tpu.memory_space<smem>>
      %mul3A_1661 = arith.mulf %reduce_min3A_246, %get3A_1660 : f32
      %add3A_1662 = arith.addf %add3A_1657, %mul3A_1661 : f32
      %get3A_1663 = arith.constant 11 : index
      %get3A_1664 = arith.constant 15 : index
      %get3A_1665 = memref.load %arg2[%get3A_1663, %get3A_1664] : memref<15x16xf32, #tpu.memory_space<smem>>
      %mul3A_1666 = arith.mulf %reduce_min3A_266, %get3A_1665 : f32
      %add3A_1667 = arith.addf %add3A_1662, %mul3A_1666 : f32
      %get3A_1668 = arith.constant 12 : index
      %get3A_1669 = arith.constant 15 : index
      %get3A_1670 = memref.load %arg2[%get3A_1668, %get3A_1669] : memref<15x16xf32, #tpu.memory_space<smem>>
      %mul3A_1671 = arith.mulf %reduce_min3A_286, %get3A_1670 : f32
      %add3A_1672 = arith.addf %add3A_1667, %mul3A_1671 : f32
      %get3A_1673 = arith.constant 13 : index
      %get3A_1674 = arith.constant 15 : index
      %get3A_1675 = memref.load %arg2[%get3A_1673, %get3A_1674] : memref<15x16xf32, #tpu.memory_space<smem>>
      %mul3A_1676 = arith.mulf %reduce_min3A_306, %get3A_1675 : f32
      %add3A_1677 = arith.addf %add3A_1672, %mul3A_1676 : f32
      %get3A_1678 = arith.constant 14 : index
      %get3A_1679 = arith.constant 15 : index
      %get3A_1680 = memref.load %arg2[%get3A_1678, %get3A_1679] : memref<15x16xf32, #tpu.memory_space<smem>>
      %mul3A_1681 = arith.mulf %reduce_min3A_326, %get3A_1680 : f32
      %add3A_1682 = arith.addf %add3A_1677, %mul3A_1681 : f32
      %max3A_1683 = arith.constant 0.000000e+00 : f32
      %max3A_1684 = arith.maximumf %add3A_1682, %max3A_1683 : f32
      %get3A_1685 = arith.constant 15 : index
      %get3A_1686 = arith.constant 0 : index
      %get3A_1687 = memref.load %arg4[%get3A_1685, %get3A_1686] : memref<16x1xf32, #tpu.memory_space<smem>>
      %mul3A_1688 = arith.mulf %max3A_1684, %get3A_1687 : f32
      %add3A_1689 = arith.addf %add3A_1604, %mul3A_1688 : f32
      %broadcast_in_dim3A_1690 = vector.broadcast %add3A_1689 : f32 to vector<1x1xf32>
      %swap3A_1691 = arith.constant 0 : index
      %swap3A_1692 = arith.constant 0 : index
      %swap3A_1693 = vector.load %arg6[%swap3A_1691, %swap3A_1692] : memref<1x1xf32, #tpu.memory_space<vmem>>, vector<1x1xf32>
      tpu.vector_store %arg6[%swap3A_1691, %swap3A_1692], %broadcast_in_dim3A_1690 {strides = array<i32>} : memref<1x1xf32, #tpu.memory_space<vmem>>, vector<1x1xf32>,
    } else {
    }
    return
  }
  func.func @transform_0(%arg0: i32) -> (i32, i32, i32) {
    %c0_i32 = arith.constant 0 : i32
    %c0_i32_0 = arith.constant 0 : i32
    %c0_i32_1 = arith.constant 0 : i32
    return %c0_i32, %arg0, %c0_i32_0 : i32, i32, i32
  }
  func.func @transform_1(%arg0: i32) -> (i32, i32) {
    %c0_i32 = arith.constant 0 : i32
    %c0_i32_0 = arith.constant 0 : i32
    %c0_i32_1 = arith.constant 0 : i32
    return %c0_i32, %c0_i32_0 : i32, i32
  }
  func.func @transform_2(%arg0: i32) -> (i32, i32) {
    %c0_i32 = arith.constant 0 : i32
    %c0_i32_0 = arith.constant 0 : i32
    %c0_i32_1 = arith.constant 0 : i32
    return %c0_i32, %c0_i32_0 : i32, i32
  }
  func.func @transform_3(%arg0: i32) -> (i32, i32) {
    %c0_i32 = arith.constant 0 : i32
    %c0_i32_0 = arith.constant 0 : i32
    %c0_i32_1 = arith.constant 0 : i32
    return %c0_i32, %c0_i32_0 : i32, i32
  }
  func.func @transform_4(%arg0: i32) -> (i32, i32) {
    %c0_i32 = arith.constant 0 : i32
    %c0_i32_0 = arith.constant 0 : i32
    %c0_i32_1 = arith.constant 0 : i32
    return %c0_i32, %c0_i32_0 : i32, i32
  }
  func.func @transform_5(%arg0: i32) -> (i32, i32) {
    %c0_i32 = arith.constant 0 : i32
    %c0_i32_0 = arith.constant 0 : i32
    %c0_i32_1 = arith.constant 0 : i32
    return %c0_i32, %c0_i32_0 : i32, i32
  }
}

</mosaic_0001>

<sc_bundles>
// kernel: kernel.5.cloned.1.call-start
scs
__scs_entry_jumppad:
0x0: {  	(pc) =	sbr.rel $0x88, $3  }
0x1: {  	(tag) =	ssettag $0x0;
	lr =	simm.s32 $0x1  }
0x2: {  	[smem:$0x3F97] =	sst lr;
	_ =	strace $0xD0000000  }
0x3: {  	_ = 	snop  }
0x4: {  	_ = 	snop  }
0x5: {  	_ = 	snop  }
0x6: {  	_ = 	snop  }
0x7: {  	_ = 	snop  }
__scs_overlays_trampoline_lowered:
0x8: {  	[smem:$0x3FA6] =	sst s0  }
0x9: {  	[smem:$0x3FA7] =	sst s1  }
0xa: {  	[smem:$0x3FA8] =	sst s2  }
0xb: {  	[smem:$0x3FA9] =	sst s3  }
0xc: {  	[smem:$0x3FAA] =	sst s4  }
0xd: {  	[smem:$0x3FAB] =	sst s5  }
0xe: {  	[smem:$0x3FAC] =	sst s6  }
0xf: {  	[smem:$0x3FAD] =	sst s7  }
0x10: {  	[smem:$0x3FAE] =	sst s8  }
0x11: {  	[smem:$0x3FAF] =	sst s9;
	s0 =	simm.s32 @!p0 $0x0  }
0x12: {  	s1 =	sld [smem:$0x3F95];
	s0 =	simm.s32 @p0 $0x1  }
0x13: {  	[smem:$0x3FB0] =	sst s0;
	s0 =	simm.s32 @!p1 $0x0  }
0x14: {  	s2 =	sld [smem:$0x3F94];
	s0 =	simm.s32 @p1 $0x1  }
0x15: {  	[smem:$0x3FB1] =	sst s0;
	s0 =	simm.s32 @!p2 $0x0  }
0x16: {  	s3 =	sld [smem:$0x3FDB];
	s0 =	simm.s32 @p2 $0x1  }
0x17: {  	s4 =	simm.s32 $0x1BF5;
	[smem:$0x3FB3] =	sst s0  }
0x18: {  	s0 =	sld [smem:$0x3F96];
	_ =	swait.ge [sflag:s4], $0x0  }
0x19: {  	s7 =	sld [smem:$0x3F97]  }
0x1a: {  	s8 =	sadd.s32 $0xFFFFE003, lr  }
0x1b: {  	s9 =	sadd.s32 $0xFFFFFEF7, lr;
	s5 =	simm.s32 $0xFFFFFFFF;
	p2 =	slt.u32 s8, $0xFFFFF086  }
0x1c: {  	p1 =	slt.u32 s9, $0xF7A;
	s5 =	simm.s32 @!p2 $0x0  }
0x1d: {  	s5 =	simm.s32 @p1 $0x1;
	p0 =	seq.s32 s7, s2  }
0x1e: {  	s7 =	smul.u32 @!p0 $0xF7A, s2;
	p2 =	seq.s32 @!p0 s5, $0x0  }
0x1f: {  	s9 =	smul.u32 $0xF7A, s1;
	s8 =	simm.s32 @!p0 $0x1BF5;
	p2 =	por !p2, p0  }
0x20: {  	[sflag:s8] =	ssyncset.s32 @!p0 $0xFFFFF086;
	s6 =	sadd.s32 @!p0 s3, s7;
	s7 =	simm.s32 @!p0 $0x108  }
0x21: {  	s3 =	sadd.s32 s3, s9;
	s6 =	sadd.s32 @!p0 $0x88, s6;
	s7 =	simm.s32 @p2 $0x1082  }
0x22: {  	[simem:s7], [sflag:s8] =	dma.local @!p0 [hbm:s6], $0xF7A  }
0x23: {  	s9 =	sor.u32 $0xD0000000, s2;
	s6 =	simm.s32 $0x108;
	_ =	swait.ge @!p0 [sflag:s8], $0x0  }
0x24: {  	s3 =	sadd.s32 $0x88, s3;
	s6 =	simm.s32 @!p1 $0x1082;
	[sflag:s4] =	ssyncset.s32 $0xFFFFF086  }
0x25: {  	[simem:s6], [sflag:s4] =	dma.local [hbm:s3], $0xF7A  }
0x26: {  	[smem:$0x3F97] =	sst s1;
	(tag) =	ssettag s2;
	_ =	strace s9  }
0x27: {  	s1 =	sld [smem:$0x3FA7]  }
0x28: {  	s2 =	sld [smem:$0x3FA8]  }
0x29: {  	s4 =	sld [smem:$0x3FAA]  }
0x2a: {  	p0 =	seq.s32 s5, $0x0;
	s5 =	sld [smem:$0x3FAB]  }
0x2b: {  	s6 =	sld [smem:$0x3FAC]  }
0x2c: {  	s7 =	sld [smem:$0x3FAD]  }
0x2d: {  	s3 =	simm.s32 $0x108;
	s8 =	sld [smem:$0x3FAE]  }
0x2e: {  	s3 =	simm.s32 @!p0 $0x1082;
	s9 =	sld [smem:$0x3FAF]  }
0x2f: {  	lr =	sadd.s32 s0, s3;
	s0 =	sld [smem:$0x3FA6]  }
0x30: {  	s3 =	sld [smem:$0x3FA9]  }
0x31: {  	[smem:$0x3FB2] =	sst s10  }
0x32: {  	s10 =	sld [smem:$0x3FB0];
	_ =	sdelay $0x3  }
0x33: {  	p0 =	seq.s32 s10, $0x1;
	s10 =	sld [smem:$0x3FB2];
	_ =	sdelay $0x3  }
0x34: {  	[smem:$0x3FB2] =	sst s10  }
0x35: {  	s10 =	sld [smem:$0x3FB1];
	_ =	sdelay $0x3  }
0x36: {  	p1 =	seq.s32 s10, $0x1;
	s10 =	sld [smem:$0x3FB2];
	_ =	sdelay $0x3  }
0x37: {  	[smem:$0x3FB2] =	sst s10  }
0x38: {  	s10 =	sld [smem:$0x3FB3]  }
0x39: {  	_ = 	snop;
	(pc) =	sbr.ind lr, $3  }
0x3a: {  	_ = 	snop  }
0x3b: {  	_ = 	snop  }
0x3c: {  	p2 =	seq.s32 s10, $0x1;
	s10 =	sld [smem:$0x3FB2]  }
0x3d: {  	_ =	shalt  }
0x3e: {  	_ =	shalt  }
0x3f: {  	_ =	shalt  }
0x40: {  	_ =	shalt  }
0x41: {  	_ =	shalt  }
0x42: {  	_ =	shalt  }
0x43: {  	_ =	shalt  }
0x44: {  	_ =	shalt  }
0x45: {  	_ =	shalt  }
0x46: {  	_ =	shalt  }
0x47: {  	_ =	shalt  }
0x48: {  	_ =	shalt  }
0x49: {  	_ =	shalt  }
0x4a: {  	_ =	shalt  }
0x4b: {  	_ =	shalt  }
0x4c: {  	_ =	shalt  }
0x4d: {  	_ =	shalt  }
0x4e: {  	_ =	shalt  }
0x4f: {  	_ =	shalt  }
0x50: {  	_ =	shalt  }
0x51: {  	_ =	shalt  }
0x52: {  	_ =	shalt  }
0x53: {  	_ =	shalt  }
0x54: {  	_ =	shalt  }
0x55: {  	_ =	shalt  }
0x56: {  	_ =	shalt  }
0x57: {  	_ =	shalt  }
0x58: {  	_ =	shalt  }
0x59: {  	_ =	shalt  }
0x5a: {  	_ =	shalt  }
0x5b: {  	_ =	shalt  }
0x5c: {  	_ =	shalt  }
0x5d: {  	_ =	shalt  }
0x5e: {  	_ =	shalt  }
0x5f: {  	_ =	shalt  }
0x60: {  	_ =	shalt  }
0x61: {  	_ =	shalt  }
0x62: {  	_ =	shalt  }
0x63: {  	_ =	shalt  }
0x64: {  	_ =	shalt  }
0x65: {  	_ =	shalt  }
0x66: {  	_ =	shalt  }
0x67: {  	_ =	shalt  }
0x68: {  	_ =	shalt  }
0x69: {  	_ =	shalt  }
0x6a: {  	_ =	shalt  }
0x6b: {  	_ =	shalt  }
0x6c: {  	_ =	shalt  }
0x6d: {  	_ =	shalt  }
0x6e: {  	_ =	shalt  }
0x6f: {  	_ =	shalt  }
0x70: {  	_ =	shalt  }
0x71: {  	_ =	shalt  }
0x72: {  	_ =	shalt  }
0x73: {  	_ =	shalt  }
0x74: {  	_ =	shalt  }
0x75: {  	_ =	shalt  }
0x76: {  	_ =	shalt  }
0x77: {  	_ =	shalt  }
0x78: {  	_ =	shalt  }
0x79: {  	_ =	shalt  }
0x7a: {  	_ =	shalt  }
0x7b: {  	_ =	shalt  }
0x7c: {  	_ =	shalt  }
0x7d: {  	_ =	shalt  }
0x7e: {  	_ =	shalt  }
0x7f: {  	_ =	shalt  }
0x80: {  	_ =	shalt  }
0x81: {  	_ =	shalt  }
0x82: {  	_ =	shalt  }
0x83: {  	_ =	shalt  }
0x84: {  	_ =	shalt  }
0x85: {  	_ =	shalt  }
0x86: {  	_ =	shalt  }
0x87: {  	_ =	shalt  }
.Lfunc_end0:
.L_simem_size_0:
called_computation_lowered:
.L_overlay_start_0:
0x88: {  	s2 =	sld [smem:$0x3FD9]  }
0x89: {  	s3 =	sld [smem:$0x3FFE];
	_ =	sdelay $0x1  }
0x8a: {  	s1 =	srdreg.scid  }
0x8b: {  	s0 =	sand.u32 $0x1, s1  }
0x8c: {  	s16 =	sshll.u32 s0, $0xA;
	s2 =	sadd.s32 s3, s2  }
0x8d: {  	s2 =	sadd.s32 s2, s16  }
0x8e: {  	[smem:$0x3FBE] =	sst s2  }
0x8f: {  	_ = 	snop  }
0x90: {  	(tm) =	ssettm $0x1  }
0x91: {  	s17 =	sld [smem:$0x3FFB];
	_ =	sdelay $0x3  }
0x92: {  	_ =	strace s17  }
0x93: {  	s2 =	sld [smem:$0x3FFC];
	_ =	sdelay $0x3  }
0x94: {  	_ =	strace s2  }
0x95: {  	s2 =	sld [smem:$0x3FFD];
	_ =	sdelay $0x3  }
0x96: {  	_ =	strace s2  }
0x97: {  	_ =	strace $0x8FFFFFFF  }
0x98: {  	s18 =	sld [smem:$0x3FDB];
	_ =	sdelay $0x1  }
0x99: {  	s19 =	simm.s32 $_scs_section_size  }
0x9a: {  	s4 =	simm.s32 $_size__tile_overlayer_lowered;
	s5 =	simm.s32 $_tile_overlayer_lowered  }
0x9b: {  	s22 =	simm.s32 $0x1BFF;
	s21 =	sshll.u32 s5, $0x1;
	s2 =	sadd.s32 s19, s18  }
0x9c: {  	s6 =	simm.s32 $0x0;
	s20 =	sshll.u32 s4, $0x1;
	s4 =	sadd.s32 s21, s2  }
0x9d: {  	[timem:s6], [sflag:s22] =	dma.local [hbm:s4], s20  }
0x9e: {  	_ =	swait.ge [sflag:s22], s20  }
0x9f: {  	s3 =	ssub.s32 $0x0, s20;
	[sflag:s22] =	ssyncset.done $0x0  }
0xa0: {  	[sflag:s22] =	ssyncadd.s32 s3;
	_ =	sdelay $0x1  }
0xa1: {  	s23 =	simm.s32 $0x1B8B  }
0xa2: {  	_ =	swait.ge [sflag:s23], $0x1  }
0xa3: {  	[sflag:s23] =	ssyncset.done $0x0  }
0xa4: {  	s25 =	simm.s32 $0x1B8E;
	s24 =	sld [smem:$0x3FFE];
	[sflag:s23] =	ssyncadd.s32 $0xFFFFFFFF  }
0xa5: {  	s26 =	simm.s32 $execute0_lowered;
	[smem:$0x3FD2] =	sst s25  }
0xa6: {  	s4 =	sshll.u32 s26, $0x1;
	_ =	strace $0x80000046;
	[dreg:$0x1] =	wrdreg $0xFFFFFFFF  }
0xa7: {  	s28 =	simm.s32 $_size_execute0_lowered;
	s2 =	sadd.s32 s2, s4;
	[dreg:$0x0] =	wrdreg $0x0  }
0xa8: {  	s4 =	sshll.u32 s28, $0x1;
	[dreg:$0x2] =	wrdreg s2  }
0xa9: {  	[dreg:$0x3] =	wrdreg s4  }
0xaa: {  	[dreg:$0x4] =	wrdreg $0xC0  }
0xab: {  	_ =	task [dreg:s6], $0x5FFFF  }
0xac: {  	[dreg:$0x1] =	wrdreg $0xFFFFFFFF  }
0xad: {  	[dreg:$0x0] =	wrdreg $0x60  }
0xae: {  	[dreg:$0x2] =	wrdreg s24  }
0xaf: {  	[dreg:$0x3] =	wrdreg $0x120800  }
0xb0: {  	[dreg:$0x4] =	wrdreg $0x9  }
0xb1: {  	_ =	task.clear_ibuf [dreg:s6], $0x5FFFF;
	_ =	strace $0x90000046  }
0xb2: {  	s29 =	simm.s32 $0x9;
	_ =	strace $0x80000048  }
0xb3: {  	_ =	swait.ge [sflag:s29], $0x1  }
0xb4: {  	[sflag:s29] =	ssyncadd.s32 $0xFFFFFFFF  }
0xb5: {  	_ =	strace $0x90000048  }
0xb6: {  	_ =	sfence  }
0xb7: {  	s30 =	sld [smem:$0x0];
	_ =	sdelay $0x2  }
0xb8: {  	s31 =	sshll.u32 s1, $0xD;
	s1 =	sshrl.u32 s1, $0x2  }
0xb9: {  	s3 =	sand.u32 $0x4000, s31;
	s1 =	sadd.s32 s1, s30  }
0xba: {  	s0 =	sor.u32 s3, s0;
	s1 =	sshll.u32 s1, $0x11  }
0xbb: {  	s0 =	sor.u32 s1, s0  }
0xbc: {  	s0 =	sadd.s32 $0x8F2B, s0  }
0xbd: {  	[sflag:s0] =	ssyncadd.remote.s32 $0x1  }
0xbe: {  	_ =	sfence.sel $0xFFFF  }
0xbf: {  	[dreg:$0x0] =	wrdreg $0xFFFFFFFF;
	(pc) =	sbr.abs _section_cstart, $3  }
0xc0: {  	[dreg:$0x1] =	wrdreg $0xFFFFFFFF  }
0xc1: {  	_ =	task.clear_ibuf [dreg:s6], $0x2FFFF;
	_ =	strace $0x9FFFFFFF  }
0xc2: {  	(tm) =	ssettm $0x7FFFFFFF  }
0xc3: {  	_ =	shalt  }
tec
execute0_lowered:
.L_overlay_start_1:
0x0: {  	(tag) =	ssettag $0x1  }
0x1: {  	s5 =	rddreg [dreg:$0x0]  }
0x2: {  	s1 =	rddreg [dreg:$0x1]  }
0x3: {  	s2 =	srdreg.scid;
	s0 =	rddreg [dreg:$0x2];
	s3 =	simm.s32 $0x0  }
0x4: {  	s17 =	simm.s32 $0xA000;
	s18 =	simm.s32 $0x80;
	s19 =	simm.s32 $0x1  }
0x5: {  	s20 =	simm.s32 $0xE000;
	s21 =	simm.s32 $0x12000;
	s6 =	sand.u32 $0x1, s2  }
0x6: {  	s22 =	simm.s32 $0x2;
	s2 =	stileid.u32;
	s12 =	smul.u32 $0x1400, s6  }
0x7: {  	s23 =	simm.s32 $0x0;
	[smem:$0x7FF] =	sst s3;
	s7 =	smul.u32 $0x140, s2  }
0x8: {  	s4 =	sadd.s32 $0x29400, s5;
	s11 =	sadd.s32 $0x15400, s5;
	s8 =	smul.u32 $0x5000, s2  }
0x9: {  	s13 =	sadd.s32 $0x1400, s5;
	s9 =	smul.u32 $0x28000, s2;
	s30 =	ssub.s32 $0x2, s6  }
0xa: {  	_ =	strace $0x80000047;
	s6 =	sshrl.u32 s30, $0x1;
	s7 =	sadd.s32 s7, s12  }
0xb: {  	s10 =	sshrl.u32 s8, $0x3;
	s31 =	sshrl.u32 s9, $0x2;
	s15 =	ssub.s32 s30, s6  }
0xc: {  	s7 =	sshll.u32 s7, $0x4;
	s6 =	sadd.s32 s31, s1;
	s16 =	sadd.s32 $0xA000, s10  }
0xd: {  	v1 =	vlaneseq.u32;
	v2 =	vimm.f32 $0.0e+00;
	s14 =	sadd.s32 s7, s5;
	s5 =	sadd.s32 s11, s10;
	s7 =	sadd.s32 s13, s10  }
0xe: {  	v3 =	vor.u32 $0x1600, v1;
	v4 =	vor.u32 $0x1610, v1;
	v5 =	vor.u32 $0x1620, v1;
	s8 =	sadd.s32 $0x4000, s6;
	s9 =	sadd.s32 $0x8000, s6;
	s11 =	sadd.s32 s11, s16  }
0xf: {  	v6 =	vor.u32 $0x1630, v1;
	v7 =	vor.u32 $0x1640, v1;
	v0 =	vmov s12;
	s12 =	sadd.s32 s13, s16;
	s16 =	simm.s32 $0x5000;
	s10 =	sadd.s32 $0x77600, s14  }
0x10: {  	v8 =	vor.u32 $0x1650, v1;
	v9 =	vor.u32 $0x1660, v1;
	v10 =	vor.u32 $0x1670, v1;
	s13 =	sadd.s32 $0x9F600, s14;
	s14 =	smax.u32 s15, $0x1;
	s15 =	simm.s32 $0x3  }
.LBB2_1:
0x11: {  	[tilespmem:s3], [sflag:$0x3] =	stream.linear.gather [hbm4b:s5+s3], $0x4E80, $0x38;
	[tilespmem:$0x1E080] =	vst v63  }
0x12: {  	_ =	swait.ge [sflag:s15], $0x4E80  }
0x13: {  	[sflag:s15] =	ssyncset.done $0x0  }
0x14: {  	[sflag:s15] =	ssyncadd.s32 $0xFFFFB180  }
0x15: {  	[tilespmem:s16], [sflag:$0x3] =	stream.linear.gather [hbm4b:s7+s3], $0x4E80, $0x38;
	[tilespmem:$0x1E080] =	vst v63  }
0x16: {  	s24 =	sand.u32 $0xFE00, s3;
	s25 =	sand.u32 $0x70, s3;
	_ =	swait.ge [sflag:s15], $0x4E80  }
0x17: {  	s26 =	sshrl.u32 s24, $0x2;
	s24 =	simm.s32 $0x40;
	[sflag:s15] =	ssyncset.done $0x0  }
0x18: {  	s26 =	sor.u32 s25, s26;
	s25 =	simm.s32 $0x0;
	[sflag:s15] =	ssyncadd.s32 $0xFFFFB180  }
.LBB2_2:
0x19: {  	p0 =	sne.s32 s24, $0xFFC0  }
0x1a: {  	[tilespmem:s26+$0xA000] =	vst v2;
	s25 =	sadd.s32 $0x10, s25;
	s26 =	smov.u32 s24;
	s24 =	sadd.s32 $0x40, s24  }
.Ltmp0:
0x1b: {  	(pc) =	sbr.rel @p0 .LBB2_2-.Ltmp0, $4  }
0x1c: {  	_ = 	snop  }
0x1d: {  	s26 =	sand.u32 $0xFE00, s26  }
0x1e: {  	s28 =	sand.u32 $0x70, s25;
	s26 =	sshrl.u32 s26, $0x2  }
0x1f: {  	s26 =	sor.u32 s28, s26  }
0x20: {  	[tilespmem:s26+$0xA000] =	vst v2  }
0x21: {  	[spmem:s6] =	stream.linear.scatter [tilespmem:s17], [sflag:$0x3], $0x4000, $0x38;
	[tilespmem:$0x1E080] =	vst v63  }
0x22: {  	_ =	swait.ge [sflag:s15], $0x4000  }
0x23: {  	[sflag:s15] =	ssyncset.done $0x0  }
0x24: {  	[sflag:s15] =	ssyncadd.s32 $0xFFFFC000  }
0x25: {  	[spmem:s8] =	stream.linear.scatter [tilespmem:s17], [sflag:$0x3], $0x4000, $0x38;
	[tilespmem:$0x1E080] =	vst v63  }
0x26: {  	_ =	swait.ge [sflag:s15], $0x4000  }
0x27: {  	[sflag:s15] =	ssyncset.done $0x0  }
0x28: {  	[sflag:s15] =	ssyncadd.s32 $0xFFFFC000  }
0x29: {  	[spmem:s9] =	stream.linear.scatter [tilespmem:s17], [sflag:$0x3], $0x2000, $0x38;
	[tilespmem:$0x1E080] =	vst v63  }
0x2a: {  	_ =	swait.ge [sflag:s15], $0x2000  }
0x2b: {  	[sflag:s15] =	ssyncset.done $0x0  }
0x2c: {  	[sflag:s15] =	ssyncadd.s32 $0xFFFFE000  }
0x2d: {  	s25 =	simm.s32 $0x0;
	[bflag:$0x0] =	sbarrier.arrive $0xFFFF  }
0x2e: {  	[tilespmem:s17], [sflag:$0x1] =	stream.indirect.gather [hbm4b:s4+s18], $0x80, s25, s18, $0xb8;
	[tilespmem:$0x1E080] =	vst v63  }
0x2f: {  	_ =	swait.ge [sflag:s19], $0x4000  }
0x30: {  	[sflag:s19] =	ssyncset.done $0x0  }
0x31: {  	s24 =	simm.s32 $0x5080;
	s30 =	simm.s32 $0x80;
	[sflag:s19] =	ssyncadd.s32 $0xFFFFC000  }
0x32: {  	[tilespmem:s20], [sflag:$0x2] =	stream.indirect.gather [hbm4b:s4+s18], $0x80, s30, s18, $0xb8;
	[tilespmem:$0x1E080] =	vst v63  }
0x33: {  	v11 =	vld [tilespmem:s24+$0xFFFFFF80];
	_ =	sdelay $0x3  }
0x34: {  	v12 =	vor.u32 s25, v1  }
0x35: {  	v12 =	vand.u32 $0x30F, v12;
	v11 =	vsub.s32 v11, v0  }
0x36: {  	v12 =	vor.u32 $0x1400, v12;
	vm0 =	vlt.u32 v11, $0x1400  }
0x37: {  	v11 =	vsel vm0, v11, v12  }
0x38: {  	[tilespmem:$0x12000] =	vst v11  }
0x39: {  	v11 =	vld [tilespmem:s24+$0xFFFFFF90];
	_ =	sdelay $0x2  }
0x3a: {  	s31 =	simm.s32 $0x10  }
0x3b: {  	v49 =	vor.u32 s31, v1  }
0x3c: {  	v12 =	vand.u32 $0x31F, v49;
	v11 =	vsub.s32 v11, v0  }
0x3d: {  	v12 =	vor.u32 $0x1400, v12;
	vm13 =	vlt.u32 v11, $0x1400  }
0x3e: {  	v11 =	vsel vm13, v11, v12  }
0x3f: {  	[tilespmem:$0x12010] =	vst v11  }
0x40: {  	v11 =	vld [tilespmem:s24+$0xFFFFFFA0];
	_ =	sdelay $0x2  }
0x41: {  	s26 =	simm.s32 $0x20  }
0x42: {  	v50 =	vor.u32 s26, v1  }
0x43: {  	v12 =	vand.u32 $0x32F, v50;
	v11 =	vsub.s32 v11, v0  }
0x44: {  	v12 =	vor.u32 $0x1400, v12;
	vm14 =	vlt.u32 v11, $0x1400  }
0x45: {  	v11 =	vsel vm14, v11, v12  }
0x46: {  	[tilespmem:$0x12020] =	vst v11  }
0x47: {  	v11 =	vld [tilespmem:s24+$0xFFFFFFB0];
	_ =	sdelay $0x2  }
0x48: {  	s28 =	simm.s32 $0x30  }
0x49: {  	v51 =	vor.u32 s28, v1  }
0x4a: {  	v12 =	vand.u32 $0x33F, v51;
	v11 =	vsub.s32 v11, v0  }
0x4b: {  	v12 =	vor.u32 $0x1400, v12;
	vm15 =	vlt.u32 v11, $0x1400  }
0x4c: {  	v11 =	vsel vm15, v11, v12  }
0x4d: {  	[tilespmem:$0x12030] =	vst v11  }
0x4e: {  	v11 =	vld [tilespmem:s24+$0xFFFFFFC0];
	_ =	sdelay $0x2  }
0x4f: {  	s29 =	simm.s32 $0x40  }
0x50: {  	v52 =	vor.u32 s29, v1  }
0x51: {  	v12 =	vand.u32 $0x34F, v52;
	v11 =	vsub.s32 v11, v0  }
0x52: {  	v12 =	vor.u32 $0x1400, v12;
	vm4 =	vlt.u32 v11, $0x1400  }
0x53: {  	v11 =	vsel vm4, v11, v12  }
0x54: {  	[tilespmem:$0x12040] =	vst v11  }
0x55: {  	v11 =	vld [tilespmem:s24+$0xFFFFFFD0];
	_ =	sdelay $0x2  }
0x56: {  	s30 =	simm.s32 $0x50  }
0x57: {  	v53 =	vor.u32 s30, v1  }
0x58: {  	v12 =	vand.u32 $0x35F, v53;
	v11 =	vsub.s32 v11, v0  }
0x59: {  	v12 =	vor.u32 $0x1400, v12;
	vm5 =	vlt.u32 v11, $0x1400  }
0x5a: {  	v11 =	vsel vm5, v11, v12  }
0x5b: {  	[tilespmem:$0x12050] =	vst v11  }
0x5c: {  	v11 =	vld [tilespmem:s24+$0xFFFFFFE0];
	_ =	sdelay $0x2  }
0x5d: {  	s31 =	simm.s32 $0x60  }
0x5e: {  	v54 =	vor.u32 s31, v1  }
0x5f: {  	v12 =	vand.u32 $0x36F, v54;
	v11 =	vsub.s32 v11, v0  }
0x60: {  	v12 =	vor.u32 $0x1400, v12;
	vm6 =	vlt.u32 v11, $0x1400  }
0x61: {  	v11 =	vsel vm6, v11, v12  }
0x62: {  	[tilespmem:$0x12060] =	vst v11  }
0x63: {  	v11 =	vld [tilespmem:s24+$0xFFFFFFF0];
	_ =	sdelay $0x2  }
0x64: {  	s26 =	simm.s32 $0x70  }
0x65: {  	v55 =	vor.u32 s26, v1  }
0x66: {  	v12 =	vand.u32 $0x37F, v55;
	v11 =	vsub.s32 v11, v0  }
0x67: {  	v12 =	vor.u32 $0x1400, v12;
	vm7 =	vlt.u32 v11, $0x1400  }
0x68: {  	v11 =	vsel vm7, v11, v12  }
0x69: {  	[tilespmem:$0x12070] =	vst v11  }
0x6a: {  	[spmem:s1] =	stream.indirect.scatter.add.f32 [tilespmem:s17], [sflag:$0x3], $0x80, s21, s18, $0xb8;
	[tilespmem:$0x1E080] =	vst v63  }
0x6b: {  	_ =	swait.ge [sflag:s15], $0x4000  }
0x6c: {  	[sflag:s15] =	ssyncset.done $0x0  }
0x6d: {  	[sflag:s15] =	ssyncadd.s32 $0xFFFFC000  }
0x6e: {  	_ =	swait.ge [sflag:s22], $0x4000  }
0x6f: {  	[sflag:s22] =	ssyncset.done $0x0  }
0x70: {  	s25 =	simm.s32 $0x100;
	[sflag:s22] =	ssyncadd.s32 $0xFFFFC000  }
0x71: {  	[tilespmem:s17], [sflag:$0x1] =	stream.indirect.gather [hbm4b:s4+s18], $0x80, s25, s18, $0xb8;
	[tilespmem:$0x1E080] =	vst v63  }
0x72: {  	v11 =	vld [tilespmem:s24+$0x0];
	_ =	sdelay $0x2  }
0x73: {  	s28 =	simm.s32 $0x80  }
0x74: {  	v56 =	vor.u32 s28, v1  }
0x75: {  	v12 =	vand.u32 $0x38F, v56;
	v11 =	vsub.s32 v11, v0  }
0x76: {  	v12 =	vor.u32 $0x1400, v12;
	vm8 =	vlt.u32 v11, $0x1400  }
0x77: {  	v11 =	vsel vm8, v11, v12  }
0x78: {  	[tilespmem:$0x12000] =	vst v11  }
0x79: {  	v11 =	vld [tilespmem:s24+$0x10];
	_ =	sdelay $0x2  }
0x7a: {  	s29 =	simm.s32 $0x90  }
0x7b: {  	v57 =	vor.u32 s29, v1  }
0x7c: {  	v12 =	vand.u32 $0x39F, v57;
	v11 =	vsub.s32 v11, v0  }
0x7d: {  	v12 =	vor.u32 $0x1400, v12;
	vm9 =	vlt.u32 v11, $0x1400  }
0x7e: {  	v11 =	vsel vm9, v11, v12  }
0x7f: {  	[tilespmem:$0x12010] =	vst v11  }
0x80: {  	v11 =	vld [tilespmem:s24+$0x20];
	_ =	sdelay $0x2  }
0x81: {  	s30 =	simm.s32 $0xA0  }
0x82: {  	v58 =	vor.u32 s30, v1  }
0x83: {  	v12 =	vand.u32 $0x3AF, v58;
	v11 =	vsub.s32 v11, v0  }
0x84: {  	v12 =	vor.u32 $0x1400, v12;
	vm10 =	vlt.u32 v11, $0x1400  }
0x85: {  	v11 =	vsel vm10, v11, v12  }
0x86: {  	[tilespmem:$0x12020] =	vst v11  }
0x87: {  	v11 =	vld [tilespmem:s24+$0x30];
	_ =	sdelay $0x2  }
0x88: {  	s31 =	simm.s32 $0xB0  }
0x89: {  	v59 =	vor.u32 s31, v1  }
0x8a: {  	v12 =	vand.u32 $0x3BF, v59;
	v11 =	vsub.s32 v11, v0  }
0x8b: {  	v12 =	vor.u32 $0x1400, v12;
	vm11 =	vlt.u32 v11, $0x1400  }
0x8c: {  	v11 =	vsel vm11, v11, v12  }
0x8d: {  	[tilespmem:$0x12030] =	vst v11  }
0x8e: {  	v11 =	vld [tilespmem:s24+$0x40];
	_ =	sdelay $0x2  }
0x8f: {  	s28 =	simm.s32 $0xC0  }
0x90: {  	v60 =	vor.u32 s28, v1  }
0x91: {  	v12 =	vand.u32 $0x3CF, v60;
	v11 =	vsub.s32 v11, v0  }
0x92: {  	v12 =	vor.u32 $0x1400, v12;
	vm12 =	vlt.u32 v11, $0x1400  }
0x93: {  	v11 =	vsel vm12, v11, v12  }
0x94: {  	[tilespmem:$0x12040] =	vst v11  }
0x95: {  	v11 =	vld [tilespmem:s24+$0x50];
	_ =	sdelay $0x2  }
0x96: {  	s29 =	simm.s32 $0xD0  }
0x97: {  	v61 =	vor.u32 s29, v1  }
0x98: {  	v12 =	vand.u32 $0x3DF, v61;
	v11 =	vsub.s32 v11, v0  }
0x99: {  	v12 =	vor.u32 $0x1400, v12;
	vm13 =	vlt.u32 v11, $0x1400  }
0x9a: {  	v11 =	vsel vm13, v11, v12  }
0x9b: {  	[tilespmem:$0x12050] =	vst v11  }
0x9c: {  	v11 =	vld [tilespmem:s24+$0x60];
	_ =	sdelay $0x2  }
0x9d: {  	s30 =	simm.s32 $0xE0  }
0x9e: {  	v62 =	vor.u32 s30, v1  }
0x9f: {  	v12 =	vand.u32 $0x3EF, v62;
	v11 =	vsub.s32 v11, v0  }
0xa0: {  	v12 =	vor.u32 $0x1400, v12;
	vm14 =	vlt.u32 v11, $0x1400  }
0xa1: {  	v11 =	vsel vm14, v11, v12  }
0xa2: {  	[tilespmem:$0x12060] =	vst v11  }
0xa3: {  	v11 =	vld [tilespmem:s24+$0x70];
	_ =	sdelay $0x2  }
0xa4: {  	s31 =	simm.s32 $0xF0  }
0xa5: {  	v63 =	vor.u32 s31, v1  }
0xa6: {  	v12 =	vand.u32 $0x3FF, v63;
	v11 =	vsub.s32 v11, v0  }
0xa7: {  	v12 =	vor.u32 $0x1400, v12;
	vm15 =	vlt.u32 v11, $0x1400  }
0xa8: {  	v11 =	vsel vm15, v11, v12  }
0xa9: {  	[tilespmem:$0x12070] =	vst v11  }
0xaa: {  	[spmem:s1] =	stream.indirect.scatter.add.f32 [tilespmem:s20], [sflag:$0x3], $0x80, s21, s18, $0xb8;
	[tilespmem:$0x1E080] =	vst v63  }
0xab: {  	_ =	swait.ge [sflag:s15], $0x4000  }
0xac: {  	s26 =	simm.s32 $0x100;
	[sflag:s15] =	ssyncset.done $0x0  }
.LBB2_4:
0xad: {  	[sflag:s15] =	ssyncadd.s32 $0xFFFFC000  }
0xae: {  	s25 =	sadd.s32 $0x100, s25;
	s24 =	sadd.s32 $0x100, s24;
	s28 =	smov.u32 s26  }
0xaf: {  	p0 =	sne.s32 s26, $0x4D00;
	s26 =	sadd.s32 $0x100, s26;
	_ =	swait.ge [sflag:s19], $0x4000  }
0xb0: {  	[sflag:s19] =	ssyncset.done $0x0  }
0xb1: {  	s29 =	sadd.s32 $0xFFFFFF80, s25;
	[sflag:s19] =	ssyncadd.s32 $0xFFFFC000  }
0xb2: {  	[tilespmem:s20], [sflag:$0x2] =	stream.indirect.gather [hbm4b:s4+s18], $0x80, s29, s18, $0xb8;
	[tilespmem:$0x1E080] =	vst v63  }
0xb3: {  	v11 =	vld [tilespmem:s24+$0xFFFFFF80];
	_ =	sdelay $0x3  }
0xb4: {  	v12 =	vor.u32 s28, v1  }
0xb5: {  	v12 =	vand.u32 $0x30F, v12;
	v11 =	vsub.s32 v11, v0  }
0xb6: {  	v12 =	vor.u32 $0x1400, v12;
	vm0 =	vlt.u32 v11, $0x1400  }
0xb7: {  	v11 =	vsel vm0, v11, v12  }
0xb8: {  	[tilespmem:$0x12000] =	vst v11  }
0xb9: {  	v11 =	vld [tilespmem:s24+$0xFFFFFF90];
	_ =	sdelay $0x2  }
0xba: {  	s29 =	sadd.s32 $0x10, s28  }
0xbb: {  	v12 =	vor.u32 s29, v1  }
0xbc: {  	v12 =	vand.u32 $0x31F, v12;
	v11 =	vsub.s32 v11, v0  }
0xbd: {  	v12 =	vor.u32 $0x1400, v12;
	vm0 =	vlt.u32 v11, $0x1400  }
0xbe: {  	v11 =	vsel vm0, v11, v12  }
0xbf: {  	[tilespmem:$0x12010] =	vst v11  }
0xc0: {  	v11 =	vld [tilespmem:s24+$0xFFFFFFA0];
	_ =	sdelay $0x2  }
0xc1: {  	s29 =	sadd.s32 $0x20, s28  }
0xc2: {  	v12 =	vor.u32 s29, v1  }
0xc3: {  	v12 =	vand.u32 $0x32F, v12;
	v11 =	vsub.s32 v11, v0  }
0xc4: {  	v12 =	vor.u32 $0x1400, v12;
	vm0 =	vlt.u32 v11, $0x1400  }
0xc5: {  	v11 =	vsel vm0, v11, v12  }
0xc6: {  	[tilespmem:$0x12020] =	vst v11  }
0xc7: {  	v11 =	vld [tilespmem:s24+$0xFFFFFFB0];
	_ =	sdelay $0x2  }
0xc8: {  	s29 =	sadd.s32 $0x30, s28  }
0xc9: {  	v12 =	vor.u32 s29, v1  }
0xca: {  	v12 =	vand.u32 $0x33F, v12;
	v11 =	vsub.s32 v11, v0  }
0xcb: {  	v12 =	vor.u32 $0x1400, v12;
	vm0 =	vlt.u32 v11, $0x1400  }
0xcc: {  	v11 =	vsel vm0, v11, v12  }
0xcd: {  	[tilespmem:$0x12030] =	vst v11  }
0xce: {  	v11 =	vld [tilespmem:s24+$0xFFFFFFC0];
	_ =	sdelay $0x2  }
0xcf: {  	s29 =	sadd.s32 $0x40, s28  }
0xd0: {  	v12 =	vor.u32 s29, v1  }
0xd1: {  	v12 =	vand.u32 $0x34F, v12;
	v11 =	vsub.s32 v11, v0  }
0xd2: {  	v12 =	vor.u32 $0x1400, v12;
	vm0 =	vlt.u32 v11, $0x1400  }
0xd3: {  	v11 =	vsel vm0, v11, v12  }
0xd4: {  	[tilespmem:$0x12040] =	vst v11  }
0xd5: {  	v11 =	vld [tilespmem:s24+$0xFFFFFFD0];
	_ =	sdelay $0x2  }
0xd6: {  	s29 =	sadd.s32 $0x50, s28  }
0xd7: {  	v12 =	vor.u32 s29, v1  }
0xd8: {  	v12 =	vand.u32 $0x35F, v12;
	v11 =	vsub.s32 v11, v0  }
0xd9: {  	v12 =	vor.u32 $0x1400, v12;
	vm0 =	vlt.u32 v11, $0x1400  }
0xda: {  	v11 =	vsel vm0, v11, v12  }
0xdb: {  	[tilespmem:$0x12050] =	vst v11  }
0xdc: {  	v11 =	vld [tilespmem:s24+$0xFFFFFFE0];
	_ =	sdelay $0x2  }
0xdd: {  	s29 =	sadd.s32 $0x60, s28  }
0xde: {  	v12 =	vor.u32 s29, v1  }
0xdf: {  	v12 =	vand.u32 $0x36F, v12;
	v11 =	vsub.s32 v11, v0  }
0xe0: {  	v12 =	vor.u32 $0x1400, v12;
	vm0 =	vlt.u32 v11, $0x1400  }
0xe1: {  	v11 =	vsel vm0, v11, v12  }
0xe2: {  	[tilespmem:$0x12060] =	vst v11  }
0xe3: {  	v11 =	vld [tilespmem:s24+$0xFFFFFFF0];
	_ =	sdelay $0x2  }
0xe4: {  	s29 =	sadd.s32 $0x70, s28  }
0xe5: {  	v12 =	vor.u32 s29, v1  }
0xe6: {  	v12 =	vand.u32 $0x37F, v12;
	v11 =	vsub.s32 v11, v0  }
0xe7: {  	v12 =	vor.u32 $0x1400, v12;
	vm0 =	vlt.u32 v11, $0x1400  }
0xe8: {  	v11 =	vsel vm0, v11, v12  }
0xe9: {  	[tilespmem:$0x12070] =	vst v11  }
0xea: {  	[spmem:s1] =	stream.indirect.scatter.add.f32 [tilespmem:s17], [sflag:$0x3], $0x80, s21, s18, $0xb8;
	[tilespmem:$0x1E080] =	vst v63  }
0xeb: {  	_ =	swait.ge [sflag:s15], $0x4000  }
0xec: {  	[sflag:s15] =	ssyncset.done $0x0  }
0xed: {  	[sflag:s15] =	ssyncadd.s32 $0xFFFFC000  }
0xee: {  	_ =	swait.ge [sflag:s22], $0x4000  }
0xef: {  	[sflag:s22] =	ssyncset.done $0x0  }
0xf0: {  	[sflag:s22] =	ssyncadd.s32 $0xFFFFC000  }
0xf1: {  	[tilespmem:s17], [sflag:$0x1] =	stream.indirect.gather [hbm4b:s4+s18], $0x80, s25, s18, $0xb8;
	[tilespmem:$0x1E080] =	vst v63  }
0xf2: {  	v11 =	vld [tilespmem:s24+$0x0];
	_ =	sdelay $0x2  }
0xf3: {  	s29 =	sadd.s32 $0x80, s28  }
0xf4: {  	v12 =	vor.u32 s29, v1  }
0xf5: {  	v12 =	vand.u32 $0x38F, v12;
	v11 =	vsub.s32 v11, v0  }
0xf6: {  	v12 =	vor.u32 $0x1400, v12;
	vm0 =	vlt.u32 v11, $0x1400  }
0xf7: {  	v11 =	vsel vm0, v11, v12  }
0xf8: {  	[tilespmem:$0x12000] =	vst v11  }
0xf9: {  	v11 =	vld [tilespmem:s24+$0x10];
	_ =	sdelay $0x2  }
0xfa: {  	s29 =	sadd.s32 $0x90, s28  }
0xfb: {  	v12 =	vor.u32 s29, v1  }
0xfc: {  	v12 =	vand.u32 $0x39F, v12;
	v11 =	vsub.s32 v11, v0  }
0xfd: {  	v12 =	vor.u32 $0x1400, v12;
	vm0 =	vlt.u32 v11, $0x1400  }
0xfe: {  	v11 =	vsel vm0, v11, v12  }
0xff: {  	[tilespmem:$0x12010] =	vst v11  }
0x100: {  	v11 =	vld [tilespmem:s24+$0x20];
	_ =	sdelay $0x2  }
0x101: {  	s29 =	sadd.s32 $0xA0, s28  }
0x102: {  	v12 =	vor.u32 s29, v1  }
0x103: {  	v12 =	vand.u32 $0x3AF, v12;
	v11 =	vsub.s32 v11, v0  }
0x104: {  	v12 =	vor.u32 $0x1400, v12;
	vm0 =	vlt.u32 v11, $0x1400  }
0x105: {  	v11 =	vsel vm0, v11, v12  }
0x106: {  	[tilespmem:$0x12020] =	vst v11  }
0x107: {  	v11 =	vld [tilespmem:s24+$0x30];
	_ =	sdelay $0x2  }
0x108: {  	s29 =	sadd.s32 $0xB0, s28  }
0x109: {  	v12 =	vor.u32 s29, v1  }
0x10a: {  	v12 =	vand.u32 $0x3BF, v12;
	v11 =	vsub.s32 v11, v0  }
0x10b: {  	v12 =	vor.u32 $0x1400, v12;
	vm0 =	vlt.u32 v11, $0x1400  }
0x10c: {  	v11 =	vsel vm0, v11, v12  }
0x10d: {  	[tilespmem:$0x12030] =	vst v11  }
0x10e: {  	v11 =	vld [tilespmem:s24+$0x40];
	_ =	sdelay $0x2  }
0x10f: {  	s29 =	sadd.s32 $0xC0, s28  }
0x110: {  	v12 =	vor.u32 s29, v1  }
0x111: {  	v12 =	vand.u32 $0x3CF, v12;
	v11 =	vsub.s32 v11, v0  }
0x112: {  	v12 =	vor.u32 $0x1400, v12;
	vm0 =	vlt.u32 v11, $0x1400  }
0x113: {  	v11 =	vsel vm0, v11, v12  }
0x114: {  	[tilespmem:$0x12040] =	vst v11  }
0x115: {  	v11 =	vld [tilespmem:s24+$0x50];
	_ =	sdelay $0x2  }
0x116: {  	s29 =	sadd.s32 $0xD0, s28  }
0x117: {  	v12 =	vor.u32 s29, v1  }
0x118: {  	v12 =	vand.u32 $0x3DF, v12;
	v11 =	vsub.s32 v11, v0  }
0x119: {  	v12 =	vor.u32 $0x1400, v12;
	vm0 =	vlt.u32 v11, $0x1400  }
0x11a: {  	v11 =	vsel vm0, v11, v12  }
0x11b: {  	[tilespmem:$0x12050] =	vst v11  }
0x11c: {  	v11 =	vld [tilespmem:s24+$0x60];
	_ =	sdelay $0x2  }
0x11d: {  	s29 =	sadd.s32 $0xE0, s28  }
0x11e: {  	v12 =	vor.u32 s29, v1  }
0x11f: {  	v12 =	vand.u32 $0x3EF, v12;
	v11 =	vsub.s32 v11, v0  }
0x120: {  	v12 =	vor.u32 $0x1400, v12;
	vm0 =	vlt.u32 v11, $0x1400  }
0x121: {  	v11 =	vsel vm0, v11, v12  }
0x122: {  	[tilespmem:$0x12060] =	vst v11  }
0x123: {  	v11 =	vld [tilespmem:s24+$0x70];
	_ =	sdelay $0x2  }
0x124: {  	s28 =	sadd.s32 $0xF0, s28  }
0x125: {  	v12 =	vor.u32 s28, v1  }
0x126: {  	v12 =	vand.u32 $0x3FF, v12;
	v11 =	vsub.s32 v11, v0  }
0x127: {  	v12 =	vor.u32 $0x1400, v12;
	vm0 =	vlt.u32 v11, $0x1400  }
.Ltmp1:
0x128: {  	v11 =	vsel vm0, v11, v12;
	(pc) =	sbr.rel @p0 .LBB2_4-.Ltmp1, $4  }
0x129: {  	[tilespmem:$0x12070] =	vst v11  }
0x12a: {  	[spmem:s1] =	stream.indirect.scatter.add.f32 [tilespmem:s20], [sflag:$0x3], $0x80, s21, s18, $0xb8;
	[tilespmem:$0x1E080] =	vst v63  }
0x12b: {  	_ =	swait.ge [sflag:s15], $0x4000  }
0x12c: {  	[sflag:s15] =	ssyncset.done $0x0  }
0x12d: {  	[sflag:s15] =	ssyncadd.s32 $0xFFFFC000  }
0x12e: {  	_ =	swait.ge [sflag:s19], $0x4000  }
0x12f: {  	[sflag:s19] =	ssyncset.done $0x0  }
0x130: {  	[sflag:s19] =	ssyncadd.s32 $0xFFFFC000  }
0x131: {  	v11 =	vld [tilespmem:$0x9E00]  }
0x132: {  	v12 =	vld [tilespmem:$0x9E10]  }
0x133: {  	v13 =	vld [tilespmem:$0x9E20]  }
0x134: {  	v14 =	vld [tilespmem:$0x9E30]  }
0x135: {  	v15 =	vld [tilespmem:$0x9E40]  }
0x136: {  	v16 =	vld [tilespmem:$0x9E50];
	v11 =	vsub.s32 v11, v0  }
0x137: {  	v17 =	vld [tilespmem:$0x9E60];
	v12 =	vsub.s32 v12, v0;
	vm0 =	vlt.u32 v11, $0x1400  }
0x138: {  	v18 =	vld [tilespmem:$0x9E70];
	v13 =	vsub.s32 v13, v0;
	vm9 =	vlt.u32 v12, $0x1400;
	v11 =	vsel vm0, v11, v3  }
0x139: {  	v59 =	vsub.s32 v14, v0;
	vm10 =	vlt.u32 v13, $0x1400;
	[tilespmem:$0x12000] =	vst v11;
	v11 =	vsel vm9, v12, v4  }
0x13a: {  	v60 =	vsub.s32 v15, v0;
	vm11 =	vlt.u32 v59, $0x1400;
	[tilespmem:$0x12010] =	vst v11;
	v11 =	vsel vm10, v13, v5  }
0x13b: {  	v61 =	vsub.s32 v16, v0;
	vm12 =	vlt.u32 v60, $0x1400;
	[tilespmem:$0x12020] =	vst v11;
	v11 =	vsel vm11, v59, v6  }
0x13c: {  	v62 =	vsub.s32 v17, v0;
	vm13 =	vlt.u32 v61, $0x1400;
	[tilespmem:$0x12030] =	vst v11;
	v11 =	vsel vm12, v60, v7  }
0x13d: {  	v63 =	vsub.s32 v18, v0;
	vm14 =	vlt.u32 v62, $0x1400;
	[tilespmem:$0x12040] =	vst v11;
	v11 =	vsel vm13, v61, v8  }
0x13e: {  	vm15 =	vlt.u32 v63, $0x1400;
	[tilespmem:$0x12050] =	vst v11;
	v11 =	vsel vm14, v62, v9  }
0x13f: {  	[tilespmem:$0x12060] =	vst v11;
	v11 =	vsel vm15, v63, v10  }
0x140: {  	[tilespmem:$0x12070] =	vst v11  }
0x141: {  	[spmem:s1] =	stream.indirect.scatter.add.f32 [tilespmem:s17], [sflag:$0x3], $0x80, s21, s18, $0xb8;
	[tilespmem:$0x1E080] =	vst v63  }
0x142: {  	_ =	swait.ge [sflag:s15], $0x4000  }
0x143: {  	[sflag:s15] =	ssyncset.done $0x0  }
0x144: {  	s24 =	sshll.u32 s2, $0x6;
	[sflag:s15] =	ssyncadd.s32 $0xFFFFC000  }
0x145: {  	s25 =	sshrl.u32 s6, $0x3;
	s24 =	sor.u32 $0x1C03, s24;
	[bflag:$0x0] =	sbarrier.arrive $0xFFFF  }
0x146: {  	[hbm:s10], [sflag:s24] =	dma.local [spmem:s25], $0x1400  }
0x147: {  	_ =	swait.ge [sflag:s15], $0x1400  }
0x148: {  	[sflag:s15] =	ssyncset.done $0x0  }
0x149: {  	[sflag:s15] =	ssyncadd.s32 $0xFFFFEC00  }
0x14a: {  	s26 =	simm.s32 $0x0;
	[bflag:$0x0] =	sbarrier.arrive $0xFFFF  }
0x14b: {  	[tilespmem:s26], [sflag:$0x3] =	stream.linear.gather [hbm4b:s11+s26], $0x4E80, $0x38;
	[tilespmem:$0x1E080] =	vst v63  }
0x14c: {  	_ =	swait.ge [sflag:s15], $0x4E80  }
0x14d: {  	[sflag:s15] =	ssyncset.done $0x0  }
0x14e: {  	[sflag:s15] =	ssyncadd.s32 $0xFFFFB180  }
0x14f: {  	[tilespmem:s16], [sflag:$0x3] =	stream.linear.gather [hbm4b:s12+s26], $0x4E80, $0x38;
	[tilespmem:$0x1E080] =	vst v63  }
0x150: {  	s28 =	sand.u32 $0xFE00, s26;
	_ =	swait.ge [sflag:s15], $0x4E80  }
0x151: {  	s29 =	sand.u32 $0x70, s26;
	s30 =	sshrl.u32 s28, $0x2;
	[sflag:s15] =	ssyncset.done $0x0  }
0x152: {  	s28 =	simm.s32 $0x40;
	s29 =	sor.u32 s29, s30;
	[sflag:s15] =	ssyncadd.s32 $0xFFFFB180  }
.LBB2_6:
0x153: {  	p0 =	sne.s32 s28, $0xFFC0  }
0x154: {  	[tilespmem:s29+$0xA000] =	vst v2;
	s26 =	sadd.s32 $0x10, s26;
	s29 =	smov.u32 s28;
	s28 =	sadd.s32 $0x40, s28  }
.Ltmp2:
0x155: {  	(pc) =	sbr.rel @p0 .LBB2_6-.Ltmp2, $4  }
0x156: {  	_ = 	snop  }
0x157: {  	s29 =	sand.u32 $0xFE00, s29  }
0x158: {  	s30 =	sand.u32 $0x70, s26;
	s29 =	sshrl.u32 s29, $0x2  }
0x159: {  	s29 =	sor.u32 s30, s29  }
0x15a: {  	[tilespmem:s29+$0xA000] =	vst v2  }
0x15b: {  	[spmem:s6] =	stream.linear.scatter [tilespmem:s17], [sflag:$0x3], $0x4000, $0x38;
	[tilespmem:$0x1E080] =	vst v63  }
0x15c: {  	_ =	swait.ge [sflag:s15], $0x4000  }
0x15d: {  	[sflag:s15] =	ssyncset.done $0x0  }
0x15e: {  	[sflag:s15] =	ssyncadd.s32 $0xFFFFC000  }
0x15f: {  	[spmem:s8] =	stream.linear.scatter [tilespmem:s17], [sflag:$0x3], $0x4000, $0x38;
	[tilespmem:$0x1E080] =	vst v63  }
0x160: {  	_ =	swait.ge [sflag:s15], $0x4000  }
0x161: {  	[sflag:s15] =	ssyncset.done $0x0  }
0x162: {  	[sflag:s15] =	ssyncadd.s32 $0xFFFFC000  }
0x163: {  	[spmem:s9] =	stream.linear.scatter [tilespmem:s17], [sflag:$0x3], $0x2000, $0x38;
	[tilespmem:$0x1E080] =	vst v63  }
0x164: {  	_ =	swait.ge [sflag:s15], $0x2000  }
0x165: {  	[sflag:s15] =	ssyncset.done $0x0  }
0x166: {  	[sflag:s15] =	ssyncadd.s32 $0xFFFFE000  }
0x167: {  	s28 =	simm.s32 $0x0;
	[bflag:$0x0] =	sbarrier.arrive $0xFFFF  }
0x168: {  	[tilespmem:s17], [sflag:$0x1] =	stream.indirect.gather [hbm4b:s4+s18], $0x80, s28, s18, $0xb8;
	[tilespmem:$0x1E080] =	vst v63  }
0x169: {  	_ =	swait.ge [sflag:s19], $0x4000  }
0x16a: {  	[sflag:s19] =	ssyncset.done $0x0  }
0x16b: {  	s26 =	simm.s32 $0x5080;
	s29 =	simm.s32 $0x80;
	[sflag:s19] =	ssyncadd.s32 $0xFFFFC000  }
0x16c: {  	[tilespmem:s20], [sflag:$0x2] =	stream.indirect.gather [hbm4b:s4+s18], $0x80, s29, s18, $0xb8;
	[tilespmem:$0x1E080] =	vst v63  }
0x16d: {  	v11 =	vld [tilespmem:s26+$0xFFFFFF80];
	_ =	sdelay $0x3  }
0x16e: {  	v12 =	vor.u32 s28, v1  }
0x16f: {  	v12 =	vand.u32 $0x30F, v12;
	v11 =	vsub.s32 v11, v0  }
0x170: {  	v12 =	vor.u32 $0x1400, v12;
	vm0 =	vlt.u32 v11, $0x1400  }
0x171: {  	v11 =	vsel vm0, v11, v12  }
0x172: {  	[tilespmem:$0x12000] =	vst v11  }
0x173: {  	v11 =	vld [tilespmem:s26+$0xFFFFFF90];
	_ =	sdelay $0x2  }
0x174: {  	s28 =	simm.s32 $0x10  }
0x175: {  	v49 =	vor.u32 s28, v1  }
0x176: {  	v12 =	vand.u32 $0x31F, v49;
	v11 =	vsub.s32 v11, v0  }
0x177: {  	v12 =	vor.u32 $0x1400, v12;
	vm13 =	vlt.u32 v11, $0x1400  }
0x178: {  	v11 =	vsel vm13, v11, v12  }
0x179: {  	[tilespmem:$0x12010] =	vst v11  }
0x17a: {  	v11 =	vld [tilespmem:s26+$0xFFFFFFA0];
	_ =	sdelay $0x2  }
0x17b: {  	s28 =	simm.s32 $0x20  }
0x17c: {  	v50 =	vor.u32 s28, v1  }
0x17d: {  	v12 =	vand.u32 $0x32F, v50;
	v11 =	vsub.s32 v11, v0  }
0x17e: {  	v12 =	vor.u32 $0x1400, v12;
	vm14 =	vlt.u32 v11, $0x1400  }
0x17f: {  	v11 =	vsel vm14, v11, v12  }
0x180: {  	[tilespmem:$0x12020] =	vst v11  }
0x181: {  	v11 =	vld [tilespmem:s26+$0xFFFFFFB0];
	_ =	sdelay $0x2  }
0x182: {  	s28 =	simm.s32 $0x30  }
0x183: {  	v51 =	vor.u32 s28, v1  }
0x184: {  	v12 =	vand.u32 $0x33F, v51;
	v11 =	vsub.s32 v11, v0  }
0x185: {  	v12 =	vor.u32 $0x1400, v12;
	vm15 =	vlt.u32 v11, $0x1400  }
0x186: {  	v11 =	vsel vm15, v11, v12  }
0x187: {  	[tilespmem:$0x12030] =	vst v11  }
0x188: {  	v11 =	vld [tilespmem:s26+$0xFFFFFFC0];
	_ =	sdelay $0x2  }
0x189: {  	s28 =	simm.s32 $0x40  }
0x18a: {  	v52 =	vor.u32 s28, v1  }
0x18b: {  	v12 =	vand.u32 $0x34F, v52;
	v11 =	vsub.s32 v11, v0  }
0x18c: {  	v12 =	vor.u32 $0x1400, v12;
	vm4 =	vlt.u32 v11, $0x1400  }
0x18d: {  	v11 =	vsel vm4, v11, v12  }
0x18e: {  	[tilespmem:$0x12040] =	vst v11  }
0x18f: {  	v11 =	vld [tilespmem:s26+$0xFFFFFFD0];
	_ =	sdelay $0x2  }
0x190: {  	s28 =	simm.s32 $0x50  }
0x191: {  	v53 =	vor.u32 s28, v1  }
0x192: {  	v12 =	vand.u32 $0x35F, v53;
	v11 =	vsub.s32 v11, v0  }
0x193: {  	v12 =	vor.u32 $0x1400, v12;
	vm5 =	vlt.u32 v11, $0x1400  }
0x194: {  	v11 =	vsel vm5, v11, v12  }
0x195: {  	[tilespmem:$0x12050] =	vst v11  }
0x196: {  	v11 =	vld [tilespmem:s26+$0xFFFFFFE0];
	_ =	sdelay $0x2  }
0x197: {  	s28 =	simm.s32 $0x60  }
0x198: {  	v54 =	vor.u32 s28, v1  }
0x199: {  	v12 =	vand.u32 $0x36F, v54;
	v11 =	vsub.s32 v11, v0  }
0x19a: {  	v12 =	vor.u32 $0x1400, v12;
	vm6 =	vlt.u32 v11, $0x1400  }
0x19b: {  	v11 =	vsel vm6, v11, v12  }
0x19c: {  	[tilespmem:$0x12060] =	vst v11  }
0x19d: {  	v11 =	vld [tilespmem:s26+$0xFFFFFFF0];
	_ =	sdelay $0x2  }
0x19e: {  	s28 =	simm.s32 $0x70  }
0x19f: {  	v55 =	vor.u32 s28, v1  }
0x1a0: {  	v12 =	vand.u32 $0x37F, v55;
	v11 =	vsub.s32 v11, v0  }
0x1a1: {  	v12 =	vor.u32 $0x1400, v12;
	vm7 =	vlt.u32 v11, $0x1400  }
0x1a2: {  	v11 =	vsel vm7, v11, v12  }
0x1a3: {  	[tilespmem:$0x12070] =	vst v11  }
0x1a4: {  	[spmem:s1] =	stream.indirect.scatter.add.f32 [tilespmem:s17], [sflag:$0x3], $0x80, s21, s18, $0xb8;
	[tilespmem:$0x1E080] =	vst v63  }
0x1a5: {  	_ =	swait.ge [sflag:s15], $0x4000  }
0x1a6: {  	[sflag:s15] =	ssyncset.done $0x0  }
0x1a7: {  	[sflag:s15] =	ssyncadd.s32 $0xFFFFC000  }
0x1a8: {  	_ =	swait.ge [sflag:s22], $0x4000  }
0x1a9: {  	[sflag:s22] =	ssyncset.done $0x0  }
0x1aa: {  	s28 =	simm.s32 $0x100;
	[sflag:s22] =	ssyncadd.s32 $0xFFFFC000  }
0x1ab: {  	[tilespmem:s17], [sflag:$0x1] =	stream.indirect.gather [hbm4b:s4+s18], $0x80, s28, s18, $0xb8;
	[tilespmem:$0x1E080] =	vst v63  }
0x1ac: {  	v11 =	vld [tilespmem:s26+$0x0];
	_ =	sdelay $0x2  }
0x1ad: {  	s29 =	simm.s32 $0x80  }
0x1ae: {  	v56 =	vor.u32 s29, v1  }
0x1af: {  	v12 =	vand.u32 $0x38F, v56;
	v11 =	vsub.s32 v11, v0  }
0x1b0: {  	v12 =	vor.u32 $0x1400, v12;
	vm8 =	vlt.u32 v11, $0x1400  }
0x1b1: {  	v11 =	vsel vm8, v11, v12  }
0x1b2: {  	[tilespmem:$0x12000] =	vst v11  }
0x1b3: {  	v11 =	vld [tilespmem:s26+$0x10];
	_ =	sdelay $0x2  }
0x1b4: {  	s29 =	simm.s32 $0x90  }
0x1b5: {  	v57 =	vor.u32 s29, v1  }
0x1b6: {  	v12 =	vand.u32 $0x39F, v57;
	v11 =	vsub.s32 v11, v0  }
0x1b7: {  	v12 =	vor.u32 $0x1400, v12;
	vm9 =	vlt.u32 v11, $0x1400  }
0x1b8: {  	v11 =	vsel vm9, v11, v12  }
0x1b9: {  	[tilespmem:$0x12010] =	vst v11  }
0x1ba: {  	v11 =	vld [tilespmem:s26+$0x20];
	_ =	sdelay $0x2  }
0x1bb: {  	s29 =	simm.s32 $0xA0  }
0x1bc: {  	v58 =	vor.u32 s29, v1  }
0x1bd: {  	v12 =	vand.u32 $0x3AF, v58;
	v11 =	vsub.s32 v11, v0  }
0x1be: {  	v12 =	vor.u32 $0x1400, v12;
	vm10 =	vlt.u32 v11, $0x1400  }
0x1bf: {  	v11 =	vsel vm10, v11, v12  }
0x1c0: {  	[tilespmem:$0x12020] =	vst v11  }
0x1c1: {  	v11 =	vld [tilespmem:s26+$0x30];
	_ =	sdelay $0x2  }
0x1c2: {  	s29 =	simm.s32 $0xB0  }
0x1c3: {  	v59 =	vor.u32 s29, v1  }
0x1c4: {  	v12 =	vand.u32 $0x3BF, v59;
	v11 =	vsub.s32 v11, v0  }
0x1c5: {  	v12 =	vor.u32 $0x1400, v12;
	vm11 =	vlt.u32 v11, $0x1400  }
0x1c6: {  	v11 =	vsel vm11, v11, v12  }
0x1c7: {  	[tilespmem:$0x12030] =	vst v11  }
0x1c8: {  	v11 =	vld [tilespmem:s26+$0x40];
	_ =	sdelay $0x2  }
0x1c9: {  	s29 =	simm.s32 $0xC0  }
0x1ca: {  	v60 =	vor.u32 s29, v1  }
0x1cb: {  	v12 =	vand.u32 $0x3CF, v60;
	v11 =	vsub.s32 v11, v0  }
0x1cc: {  	v12 =	vor.u32 $0x1400, v12;
	vm12 =	vlt.u32 v11, $0x1400  }
0x1cd: {  	v11 =	vsel vm12, v11, v12  }
0x1ce: {  	[tilespmem:$0x12040] =	vst v11  }
0x1cf: {  	v11 =	vld [tilespmem:s26+$0x50];
	_ =	sdelay $0x2  }
0x1d0: {  	s29 =	simm.s32 $0xD0  }
0x1d1: {  	v61 =	vor.u32 s29, v1  }
0x1d2: {  	v12 =	vand.u32 $0x3DF, v61;
	v11 =	vsub.s32 v11, v0  }
0x1d3: {  	v12 =	vor.u32 $0x1400, v12;
	vm13 =	vlt.u32 v11, $0x1400  }
0x1d4: {  	v11 =	vsel vm13, v11, v12  }
0x1d5: {  	[tilespmem:$0x12050] =	vst v11  }
0x1d6: {  	v11 =	vld [tilespmem:s26+$0x60];
	_ =	sdelay $0x2  }
0x1d7: {  	s29 =	simm.s32 $0xE0  }
0x1d8: {  	v62 =	vor.u32 s29, v1  }
0x1d9: {  	v12 =	vand.u32 $0x3EF, v62;
	v11 =	vsub.s32 v11, v0  }
0x1da: {  	v12 =	vor.u32 $0x1400, v12;
	vm14 =	vlt.u32 v11, $0x1400  }
0x1db: {  	v11 =	vsel vm14, v11, v12  }
0x1dc: {  	[tilespmem:$0x12060] =	vst v11  }
0x1dd: {  	v11 =	vld [tilespmem:s26+$0x70];
	_ =	sdelay $0x2  }
0x1de: {  	s29 =	simm.s32 $0xF0  }
0x1df: {  	v63 =	vor.u32 s29, v1  }
0x1e0: {  	v12 =	vand.u32 $0x3FF, v63;
	v11 =	vsub.s32 v11, v0  }
0x1e1: {  	v12 =	vor.u32 $0x1400, v12;
	vm15 =	vlt.u32 v11, $0x1400  }
0x1e2: {  	v11 =	vsel vm15, v11, v12  }
0x1e3: {  	[tilespmem:$0x12070] =	vst v11  }
0x1e4: {  	[spmem:s1] =	stream.indirect.scatter.add.f32 [tilespmem:s20], [sflag:$0x3], $0x80, s21, s18, $0xb8;
	[tilespmem:$0x1E080] =	vst v63  }
0x1e5: {  	_ =	swait.ge [sflag:s15], $0x4000  }
0x1e6: {  	s29 =	simm.s32 $0x100;
	[sflag:s15] =	ssyncset.done $0x0  }
.LBB2_8:
0x1e7: {  	[sflag:s15] =	ssyncadd.s32 $0xFFFFC000  }
0x1e8: {  	s28 =	sadd.s32 $0x100, s28;
	s26 =	sadd.s32 $0x100, s26;
	s30 =	smov.u32 s29  }
0x1e9: {  	p0 =	sne.s32 s29, $0x4D00;
	s29 =	sadd.s32 $0x100, s29;
	_ =	swait.ge [sflag:s19], $0x4000  }
0x1ea: {  	[sflag:s19] =	ssyncset.done $0x0  }
0x1eb: {  	s31 =	sadd.s32 $0xFFFFFF80, s28;
	[sflag:s19] =	ssyncadd.s32 $0xFFFFC000  }
0x1ec: {  	[tilespmem:s20], [sflag:$0x2] =	stream.indirect.gather [hbm4b:s4+s18], $0x80, s31, s18, $0xb8;
	[tilespmem:$0x1E080] =	vst v63  }
0x1ed: {  	v11 =	vld [tilespmem:s26+$0xFFFFFF80];
	_ =	sdelay $0x3  }
0x1ee: {  	v12 =	vor.u32 s30, v1  }
0x1ef: {  	v12 =	vand.u32 $0x30F, v12;
	v11 =	vsub.s32 v11, v0  }
0x1f0: {  	v12 =	vor.u32 $0x1400, v12;
	vm0 =	vlt.u32 v11, $0x1400  }
0x1f1: {  	v11 =	vsel vm0, v11, v12  }
0x1f2: {  	[tilespmem:$0x12000] =	vst v11  }
0x1f3: {  	v11 =	vld [tilespmem:s26+$0xFFFFFF90];
	_ =	sdelay $0x2  }
0x1f4: {  	s31 =	sadd.s32 $0x10, s30  }
0x1f5: {  	v12 =	vor.u32 s31, v1  }
0x1f6: {  	v12 =	vand.u32 $0x31F, v12;
	v11 =	vsub.s32 v11, v0  }
0x1f7: {  	v12 =	vor.u32 $0x1400, v12;
	vm0 =	vlt.u32 v11, $0x1400  }
0x1f8: {  	v11 =	vsel vm0, v11, v12  }
0x1f9: {  	[tilespmem:$0x12010] =	vst v11  }
0x1fa: {  	v11 =	vld [tilespmem:s26+$0xFFFFFFA0];
	_ =	sdelay $0x2  }
0x1fb: {  	s31 =	sadd.s32 $0x20, s30  }
0x1fc: {  	v12 =	vor.u32 s31, v1  }
0x1fd: {  	v12 =	vand.u32 $0x32F, v12;
	v11 =	vsub.s32 v11, v0  }
0x1fe: {  	v12 =	vor.u32 $0x1400, v12;
	vm0 =	vlt.u32 v11, $0x1400  }
0x1ff: {  	v11 =	vsel vm0, v11, v12  }
0x200: {  	[tilespmem:$0x12020] =	vst v11  }
0x201: {  	v11 =	vld [tilespmem:s26+$0xFFFFFFB0];
	_ =	sdelay $0x2  }
0x202: {  	s31 =	sadd.s32 $0x30, s30  }
0x203: {  	v12 =	vor.u32 s31, v1  }
0x204: {  	v12 =	vand.u32 $0x33F, v12;
	v11 =	vsub.s32 v11, v0  }
0x205: {  	v12 =	vor.u32 $0x1400, v12;
	vm0 =	vlt.u32 v11, $0x1400  }
0x206: {  	v11 =	vsel vm0, v11, v12  }
0x207: {  	[tilespmem:$0x12030] =	vst v11  }
0x208: {  	v11 =	vld [tilespmem:s26+$0xFFFFFFC0];
	_ =	sdelay $0x2  }
0x209: {  	s31 =	sadd.s32 $0x40, s30  }
0x20a: {  	v12 =	vor.u32 s31, v1  }
0x20b: {  	v12 =	vand.u32 $0x34F, v12;
	v11 =	vsub.s32 v11, v0  }
0x20c: {  	v12 =	vor.u32 $0x1400, v12;
	vm0 =	vlt.u32 v11, $0x1400  }
0x20d: {  	v11 =	vsel vm0, v11, v12  }
0x20e: {  	[tilespmem:$0x12040] =	vst v11  }
0x20f: {  	v11 =	vld [tilespmem:s26+$0xFFFFFFD0];
	_ =	sdelay $0x2  }
0x210: {  	s31 =	sadd.s32 $0x50, s30  }
0x211: {  	v12 =	vor.u32 s31, v1  }
0x212: {  	v12 =	vand.u32 $0x35F, v12;
	v11 =	vsub.s32 v11, v0  }
0x213: {  	v12 =	vor.u32 $0x1400, v12;
	vm0 =	vlt.u32 v11, $0x1400  }
0x214: {  	v11 =	vsel vm0, v11, v12  }
0x215: {  	[tilespmem:$0x12050] =	vst v11  }
0x216: {  	v11 =	vld [tilespmem:s26+$0xFFFFFFE0];
	_ =	sdelay $0x2  }
0x217: {  	s31 =	sadd.s32 $0x60, s30  }
0x218: {  	v12 =	vor.u32 s31, v1  }
0x219: {  	v12 =	vand.u32 $0x36F, v12;
	v11 =	vsub.s32 v11, v0  }
0x21a: {  	v12 =	vor.u32 $0x1400, v12;
	vm0 =	vlt.u32 v11, $0x1400  }
0x21b: {  	v11 =	vsel vm0, v11, v12  }
0x21c: {  	[tilespmem:$0x12060] =	vst v11  }
0x21d: {  	v11 =	vld [tilespmem:s26+$0xFFFFFFF0];
	_ =	sdelay $0x2  }
0x21e: {  	s31 =	sadd.s32 $0x70, s30  }
0x21f: {  	v12 =	vor.u32 s31, v1  }
0x220: {  	v12 =	vand.u32 $0x37F, v12;
	v11 =	vsub.s32 v11, v0  }
0x221: {  	v12 =	vor.u32 $0x1400, v12;
	vm0 =	vlt.u32 v11, $0x1400  }
0x222: {  	v11 =	vsel vm0, v11, v12  }
0x223: {  	[tilespmem:$0x12070] =	vst v11  }
0x224: {  	[spmem:s1] =	stream.indirect.scatter.add.f32 [tilespmem:s17], [sflag:$0x3], $0x80, s21, s18, $0xb8;
	[tilespmem:$0x1E080] =	vst v63  }
0x225: {  	_ =	swait.ge [sflag:s15], $0x4000  }
0x226: {  	[sflag:s15] =	ssyncset.done $0x0  }
0x227: {  	[sflag:s15] =	ssyncadd.s32 $0xFFFFC000  }
0x228: {  	_ =	swait.ge [sflag:s22], $0x4000  }
0x229: {  	[sflag:s22] =	ssyncset.done $0x0  }
0x22a: {  	[sflag:s22] =	ssyncadd.s32 $0xFFFFC000  }
0x22b: {  	[tilespmem:s17], [sflag:$0x1] =	stream.indirect.gather [hbm4b:s4+s18], $0x80, s28, s18, $0xb8;
	[tilespmem:$0x1E080] =	vst v63  }
0x22c: {  	v11 =	vld [tilespmem:s26+$0x0];
	_ =	sdelay $0x2  }
0x22d: {  	s31 =	sadd.s32 $0x80, s30  }
0x22e: {  	v12 =	vor.u32 s31, v1  }
0x22f: {  	v12 =	vand.u32 $0x38F, v12;
	v11 =	vsub.s32 v11, v0  }
0x230: {  	v12 =	vor.u32 $0x1400, v12;
	vm0 =	vlt.u32 v11, $0x1400  }
0x231: {  	v11 =	vsel vm0, v11, v12  }
0x232: {  	[tilespmem:$0x12000] =	vst v11  }
0x233: {  	v11 =	vld [tilespmem:s26+$0x10];
	_ =	sdelay $0x2  }
0x234: {  	s31 =	sadd.s32 $0x90, s30  }
0x235: {  	v12 =	vor.u32 s31, v1  }
0x236: {  	v12 =	vand.u32 $0x39F, v12;
	v11 =	vsub.s32 v11, v0  }
0x237: {  	v12 =	vor.u32 $0x1400, v12;
	vm0 =	vlt.u32 v11, $0x1400  }
0x238: {  	v11 =	vsel vm0, v11, v12  }
0x239: {  	[tilespmem:$0x12010] =	vst v11  }
0x23a: {  	v11 =	vld [tilespmem:s26+$0x20];
	_ =	sdelay $0x2  }
0x23b: {  	s31 =	sadd.s32 $0xA0, s30  }
0x23c: {  	v12 =	vor.u32 s31, v1  }
0x23d: {  	v12 =	vand.u32 $0x3AF, v12;
	v11 =	vsub.s32 v11, v0  }
0x23e: {  	v12 =	vor.u32 $0x1400, v12;
	vm0 =	vlt.u32 v11, $0x1400  }
0x23f: {  	v11 =	vsel vm0, v11, v12  }
0x240: {  	[tilespmem:$0x12020] =	vst v11  }
0x241: {  	v11 =	vld [tilespmem:s26+$0x30];
	_ =	sdelay $0x2  }
0x242: {  	s31 =	sadd.s32 $0xB0, s30  }
0x243: {  	v12 =	vor.u32 s31, v1  }
0x244: {  	v12 =	vand.u32 $0x3BF, v12;
	v11 =	vsub.s32 v11, v0  }
0x245: {  	v12 =	vor.u32 $0x1400, v12;
	vm0 =	vlt.u32 v11, $0x1400  }
0x246: {  	v11 =	vsel vm0, v11, v12  }
0x247: {  	[tilespmem:$0x12030] =	vst v11  }
0x248: {  	v11 =	vld [tilespmem:s26+$0x40];
	_ =	sdelay $0x2  }
0x249: {  	s31 =	sadd.s32 $0xC0, s30  }
0x24a: {  	v12 =	vor.u32 s31, v1  }
0x24b: {  	v12 =	vand.u32 $0x3CF, v12;
	v11 =	vsub.s32 v11, v0  }
0x24c: {  	v12 =	vor.u32 $0x1400, v12;
	vm0 =	vlt.u32 v11, $0x1400  }
0x24d: {  	v11 =	vsel vm0, v11, v12  }
0x24e: {  	[tilespmem:$0x12040] =	vst v11  }
0x24f: {  	v11 =	vld [tilespmem:s26+$0x50];
	_ =	sdelay $0x2  }
0x250: {  	s31 =	sadd.s32 $0xD0, s30  }
0x251: {  	v12 =	vor.u32 s31, v1  }
0x252: {  	v12 =	vand.u32 $0x3DF, v12;
	v11 =	vsub.s32 v11, v0  }
0x253: {  	v12 =	vor.u32 $0x1400, v12;
	vm0 =	vlt.u32 v11, $0x1400  }
0x254: {  	v11 =	vsel vm0, v11, v12  }
0x255: {  	[tilespmem:$0x12050] =	vst v11  }
0x256: {  	v11 =	vld [tilespmem:s26+$0x60];
	_ =	sdelay $0x2  }
0x257: {  	s31 =	sadd.s32 $0xE0, s30  }
0x258: {  	v12 =	vor.u32 s31, v1  }
0x259: {  	v12 =	vand.u32 $0x3EF, v12;
	v11 =	vsub.s32 v11, v0  }
0x25a: {  	v12 =	vor.u32 $0x1400, v12;
	vm0 =	vlt.u32 v11, $0x1400  }
0x25b: {  	v11 =	vsel vm0, v11, v12  }
0x25c: {  	[tilespmem:$0x12060] =	vst v11  }
0x25d: {  	v11 =	vld [tilespmem:s26+$0x70];
	_ =	sdelay $0x2  }
0x25e: {  	s30 =	sadd.s32 $0xF0, s30  }
0x25f: {  	v12 =	vor.u32 s30, v1  }
0x260: {  	v12 =	vand.u32 $0x3FF, v12;
	v11 =	vsub.s32 v11, v0  }
0x261: {  	v12 =	vor.u32 $0x1400, v12;
	vm0 =	vlt.u32 v11, $0x1400  }
.Ltmp3:
0x262: {  	v11 =	vsel vm0, v11, v12;
	(pc) =	sbr.rel @p0 .LBB2_8-.Ltmp3, $4  }
0x263: {  	[tilespmem:$0x12070] =	vst v11  }
0x264: {  	[spmem:s1] =	stream.indirect.scatter.add.f32 [tilespmem:s20], [sflag:$0x3], $0x80, s21, s18, $0xb8;
	[tilespmem:$0x1E080] =	vst v63  }
0x265: {  	_ =	swait.ge [sflag:s15], $0x4000  }
0x266: {  	[sflag:s15] =	ssyncset.done $0x0  }
0x267: {  	[sflag:s15] =	ssyncadd.s32 $0xFFFFC000  }
0x268: {  	_ =	swait.ge [sflag:s19], $0x4000  }
0x269: {  	[sflag:s19] =	ssyncset.done $0x0  }
0x26a: {  	[sflag:s19] =	ssyncadd.s32 $0xFFFFC000  }
0x26b: {  	v11 =	vld [tilespmem:$0x9E00]  }
0x26c: {  	v12 =	vld [tilespmem:$0x9E10]  }
0x26d: {  	v13 =	vld [tilespmem:$0x9E20]  }
0x26e: {  	v14 =	vld [tilespmem:$0x9E30]  }
0x26f: {  	v15 =	vld [tilespmem:$0x9E40]  }
0x270: {  	v16 =	vld [tilespmem:$0x9E50];
	v11 =	vsub.s32 v11, v0  }
0x271: {  	v17 =	vld [tilespmem:$0x9E60];
	v12 =	vsub.s32 v12, v0;
	vm0 =	vlt.u32 v11, $0x1400  }
0x272: {  	v18 =	vld [tilespmem:$0x9E70];
	v13 =	vsub.s32 v13, v0;
	vm9 =	vlt.u32 v12, $0x1400;
	v11 =	vsel vm0, v11, v3  }
0x273: {  	v59 =	vsub.s32 v14, v0;
	vm10 =	vlt.u32 v13, $0x1400;
	[tilespmem:$0x12000] =	vst v11;
	v11 =	vsel vm9, v12, v4  }
0x274: {  	v60 =	vsub.s32 v15, v0;
	vm11 =	vlt.u32 v59, $0x1400;
	[tilespmem:$0x12010] =	vst v11;
	v11 =	vsel vm10, v13, v5  }
0x275: {  	v61 =	vsub.s32 v16, v0;
	vm12 =	vlt.u32 v60, $0x1400;
	[tilespmem:$0x12020] =	vst v11;
	v11 =	vsel vm11, v59, v6  }
0x276: {  	v62 =	vsub.s32 v17, v0;
	vm13 =	vlt.u32 v61, $0x1400;
	[tilespmem:$0x12030] =	vst v11;
	v11 =	vsel vm12, v60, v7  }
0x277: {  	v63 =	vsub.s32 v18, v0;
	vm14 =	vlt.u32 v62, $0x1400;
	[tilespmem:$0x12040] =	vst v11;
	v11 =	vsel vm13, v61, v8  }
0x278: {  	vm15 =	vlt.u32 v63, $0x1400;
	[tilespmem:$0x12050] =	vst v11;
	v11 =	vsel vm14, v62, v9  }
0x279: {  	[tilespmem:$0x12060] =	vst v11;
	v11 =	vsel vm15, v63, v10  }
0x27a: {  	[tilespmem:$0x12070] =	vst v11  }
0x27b: {  	[spmem:s1] =	stream.indirect.scatter.add.f32 [tilespmem:s17], [sflag:$0x3], $0x80, s21, s18, $0xb8;
	[tilespmem:$0x1E080] =	vst v63  }
0x27c: {  	_ =	swait.ge [sflag:s15], $0x4000  }
0x27d: {  	[sflag:s15] =	ssyncset.done $0x0  }
0x27e: {  	s23 =	sadd.s32 $0x1, s23;
	[sflag:s15] =	ssyncadd.s32 $0xFFFFC000  }
0x27f: {  	p0 =	sne.s32 s23, s14;
	[bflag:$0x0] =	sbarrier.arrive $0xFFFF  }
0x280: {  	[hbm:s13], [sflag:s24] =	dma.local [spmem:s25], $0x1400  }
.Ltmp4:
0x281: {  	_ =	swait.ge [sflag:s15], $0x1400;
	(pc) =	sbr.rel @p0 .LBB2_1-.Ltmp4, $3  }
0x282: {  	[sflag:s15] =	ssyncset.done $0x0  }
0x283: {  	[sflag:s15] =	ssyncadd.s32 $0xFFFFEC00  }
0x284: {  	[bflag:$0x0] =	sbarrier.arrive $0xFFFF;
	_ =	sdelay $0x1  }
0x285: {  	_ =	sfence.sel $0x180000  }
0x286: {  	[bflag:$0x0] =	sbarrier.arrive $0xFFFF  }
0x287: {  	p0 =	sne.s32 s2, $0x0;
	_ =	strace $0x90000047  }
0x288: {  	s0 =	sadd.s32 @!p0 $0x100000, s0;
	[bflag:$0x2] =	sbarrier.arrive $0xFFFF  }
0x289: {  	[sflag:s0] =	ssyncadd.tile.s32 @!p0 $0x1;
	_ =	shalt  }
.Lfunc_end2:
_tile_overlayer_lowered:
.L_overlay_start_2:
0x28a: {  	(tag) =	ssettag $0x2  }
0x28b: {  	s0 =	rddreg [dreg:$0x0];
	s2 =	stileid.u32  }
0x28c: {  	s1 =	rddreg [dreg:$0x1];
	p0 =	sne.s32 s2, $0x0  }
0x28d: {  	s3 =	rddreg [dreg:$0x2];
	[bflag:$0x3] =	sbarrier.arrive $0xFFFF;
	s2 =	simm.s32 @!p0 $0x1C03  }
0x28e: {  	[timem:s3], [sflag:s2] =	dma.local @!p0 [hbm:s0], s1  }
0x28f: {  	s0 =	simm.s32 @!p0 $0x3  }
0x290: {  	_ =	swait.ge @!p0 [sflag:s0], s1  }
0x291: {  	s1 =	ssub.s32 @!p0 $0x0, s1;
	[sflag:s0] =	ssyncset.done @!p0 $0x0  }
0x292: {  	[sflag:s0] =	ssyncadd.s32 @!p0 s1  }
0x293: {  	[bflag:$0x3] =	sbarrier.arrive $0xFFFF  }
0x294: {  	_ =	shalt  }

</sc_bundles>
